<compile_context>
chip_gen: v7x
topology: tpu7x:2x2x1
jax: 0.10.2.dev20260603
libtpu: 0.0.44.dev20260713+nightly
codegen_flags: <defaults>
</compile_context>

<pallas_src>
import jax
import jax.numpy as jnp
from jax import lax
from jax.experimental import pallas as pl
from jax.experimental.pallas import tpu as pltpu
from jax.experimental.pallas import tpu_sc as plsc

_N = 10000
_E = 320000
_D = 256
_NW = 32
_RPT = 313
_NPAD = _NW * _RPT
_CHUNK = 4000
_NCH = _E // _CHUNK
_G = 16


def _project_kernel(x_ref, wt_ref, att_ref, h_ref, a2_ref, m_ref):
    h = jnp.dot(x_ref[...], wt_ref[...], preferred_element_type=jnp.float32)
    h_ref[...] = h.astype(jnp.bfloat16)
    a2 = jnp.dot(h, att_ref[...], preferred_element_type=jnp.float32)
    a2_ref[...] = a2

    @pl.when(pl.program_id(0) == 0)
    def _():
        m_ref[...] = jnp.full_like(m_ref, -3.0e38)

    colmax = jnp.max(a2, axis=0, keepdims=True)
    m_ref[...] = jnp.maximum(m_ref[...], jnp.broadcast_to(colmax, m_ref.shape))


def _gat_body(h_hbm, asrc_hbm, adst_hbm, src_hbm, dst_hbm, bias_hbm, shift_hbm,
              out_hbm,
              asrc_v, adst_v, bias_v, shift_v, sbuf0, dbuf0,
              wsrc, wldst, walpha, rows0, acc, denom,
              sem_s0, sem_d0, sem_s1, sem_d1, sem_r0, sem_r1):
    cid = lax.axis_index("c")
    sid = lax.axis_index("s")
    wid = sid * 2 + cid
    base = wid * _RPT
    lane = lax.iota(jnp.int32, 16)
    zero16 = jnp.zeros((16,), jnp.float32)

    pltpu.sync_copy(asrc_hbm, asrc_v)
    pltpu.sync_copy(adst_hbm, adst_v)
    pltpu.sync_copy(bias_hbm, bias_v)
    pltpu.sync_copy(shift_hbm, shift_v)
    shift = shift_v[...][0]

    def zb(i, c):
        acc[pl.ds(i * 16, 16)] = zero16
        return c
    lax.fori_loop(0, (_RPT * _D) // 16, zb, 0)

    def zd(i, c):
        denom[pl.ds(i * 16, 16)] = zero16
        return c
    lax.fori_loop(0, 336 // 16, zd, 0)

    def fire_rows(g, rbuf, sem):
        pltpu.async_copy(h_hbm.at[wsrc.at[pl.ds(g * _G, _G)]], rbuf, sem)

    def drain_rows(rbuf, sem):
        pltpu.make_async_copy(h_hbm.at[wsrc.at[pl.ds(0, _G)]], rbuf, sem).wait()

    def acc_group(g, rbuf):
        ob = g * _G

        def e4_body(j, c2):
            eb = ob + 4 * j
            alv = walpha[pl.ds(eb, 16)]
            lvv = wldst[pl.ds(eb, 16)]
            als = [alv[e] for e in range(4)]
            lis = [lvv[e] for e in range(4)]
            for e in range(4):
                plsc.addupdate_scatter(
                    denom, [jnp.full((16,), lis[e], jnp.int32)],
                    jnp.full((16,), als[e], jnp.float32), mask=lane == 0)
            fbs = [lis[e] * _D for e in range(4)]
            prods = None
            pk = 0
            for k in range(_D // 32):
                ws = [rbuf[4 * j + e, pl.ds(k * 16, 16)] for e in range(4)]
                if prods is not None:
                    for e in range(4):
                        plsc.addupdate(acc.at[pl.ds(fbs[e] + pk * 16, 16)],
                                       prods[2 * e])
                        plsc.addupdate(
                            acc.at[pl.ds(fbs[e] + 128 + pk * 16, 16)],
                            prods[2 * e + 1])
                prods = []
                for e in range(4):
                    even = plsc.bitcast(ws[e] << 16, jnp.float32)
                    odd = plsc.bitcast(ws[e] & jnp.int32(-65536), jnp.float32)
                    prods.append(als[e] * even)
                    prods.append(als[e] * odd)
                pk = k
            for e in range(4):
                plsc.addupdate(acc.at[pl.ds(fbs[e] + pk * 16, 16)],
                               prods[2 * e])
                plsc.addupdate(acc.at[pl.ds(fbs[e] + 128 + pk * 16, 16)],
                               prods[2 * e + 1])
            return c2
        lax.fori_loop(0, _G // 4, e4_body, 0)

    def _accumulate_rows(cnt):
        ng = (cnt + _G - 1) // _G

        def h_body(g, c):
            fire_rows(g, rows0, sem_r0)
            drain_rows(rows0, sem_r0)
            acc_group(g, rows0)
            return c
        lax.fori_loop(0, ng, h_body, 0)

    def sl_fill(g, c):
        o = g * 16
        lv = o + lane
        valid = lv < _RPT
        gi = base + lv
        live = valid & (gi < _N)
        gic = jnp.where(live, gi, 0)
        a_s = plsc.load_gather(asrc_v, [gic])
        a_d = plsc.load_gather(adst_v, [gic])
        t = a_s + a_d
        al = jnp.where(t >= 0, t, 0.2 * t)
        al = jnp.exp(al - shift)
        al = jnp.where(live, al, 0.0)
        wsrc[pl.ds(o, 16)] = gic
        wldst[pl.ds(o, 16)] = jnp.where(valid, lv, 0)
        walpha[pl.ds(o, 16)] = al
        return c
    lax.fori_loop(0, 320 // 16, sl_fill, 0)
    _accumulate_rows(_RPT)

    def fire_chunk(ci, sb, db, ss, sd):
        off = ci * _CHUNK
        pltpu.async_copy(src_hbm.at[pl.ds(off, _CHUNK)], sb, ss)
        pltpu.async_copy(dst_hbm.at[pl.ds(off, _CHUNK)], db, sd)

    def drain_chunk(sb, db, ss, sd):
        pltpu.make_async_copy(src_hbm.at[pl.ds(0, _CHUNK)], sb, ss).wait()
        pltpu.make_async_copy(dst_hbm.at[pl.ds(0, _CHUNK)], db, sd).wait()

    def process(sb, db):
        def s_body(v, wcnt):
            d = db[pl.ds(v * 16, 16)]
            s = sb[pl.ds(v * 16, 16)]
            ld = d - base
            m = (ld >= 0) & (ld < _RPT)
            plsc.store_compressed(wsrc.at[pl.ds(wcnt, 16)], s, mask=m)
            plsc.store_compressed(wldst.at[pl.ds(wcnt, 16)], ld, mask=m)
            return wcnt + plsc.all_reduce_population_count(m)[0]
        cnt = lax.fori_loop(0, _CHUNK // 16, s_body, jnp.int32(0), unroll=2)

        ng16 = ((cnt + _G - 1) // _G) * (_G // 16)

        def g_body(g, c2):
            o = g * 16
            valid = (o + lane) < cnt
            sv = jnp.where(valid, wsrc[pl.ds(o, 16)], 0)
            lv = jnp.where(valid, wldst[pl.ds(o, 16)], 0)
            a_s = plsc.load_gather(asrc_v, [sv])
            a_d = plsc.load_gather(adst_v, [lv + base])
            t = a_s + a_d
            al = jnp.where(t >= 0, t, 0.2 * t)
            al = jnp.exp(al - shift)
            al = jnp.where(valid, al, 0.0)
            wsrc[pl.ds(o, 16)] = sv
            wldst[pl.ds(o, 16)] = lv
            walpha[pl.ds(o, 16)] = al
            return c2
        lax.fori_loop(0, ng16, g_body, 0)
        _accumulate_rows(cnt)

    def c_body(ci, c):
        fire_chunk(ci, sbuf0, dbuf0, sem_s0, sem_d0)
        drain_chunk(sbuf0, dbuf0, sem_s0, sem_d0)
        process(sbuf0, dbuf0)
        return c
    lax.fori_loop(0, _NCH, c_body, 0)

    def fin(r, c):
        invv = 1.0 / (denom[pl.ds(r, 16)] + 1e-16)
        inv = jnp.full((16,), invv[0], jnp.float32)
        fb = r * _D
        for k in range(_D // 16):
            v = acc[pl.ds(fb + k * 16, 16)]
            acc[pl.ds(fb + k * 16, 16)] = v * inv + bias_v[pl.ds(k * 16, 16)]
        return c
    lax.fori_loop(0, _RPT, fin, 0)
    pltpu.sync_copy(acc, out_hbm.at[pl.ds(base * _D, _RPT * _D)])


def kernel(x, edge_index, W, att_src, att_dst, bias):
    n, d_in = x.shape
    d_out = W.shape[0]

    wt = W.T
    att_mat = jnp.zeros((d_out, 128), jnp.float32)
    att_mat = att_mat.at[:, 0].set(att_src).at[:, 1].set(att_dst)

    bm = 1000
    h, a2, m2 = pl.pallas_call(
        _project_kernel,
        grid=(n // bm,),
        in_specs=[
            pl.BlockSpec((bm, d_in), lambda i: (i, 0)),
            pl.BlockSpec((d_in, d_out), lambda i: (0, 0)),
            pl.BlockSpec((d_out, 128), lambda i: (0, 0)),
        ],
        out_specs=[
            pl.BlockSpec((bm, d_out), lambda i: (i, 0)),
            pl.BlockSpec((bm, 128), lambda i: (i, 0)),
            pl.BlockSpec((8, 128), lambda i: (0, 0)),
        ],
        out_shape=[
            jax.ShapeDtypeStruct((n, d_out), jnp.bfloat16),
            jax.ShapeDtypeStruct((n, 128), jnp.float32),
            jax.ShapeDtypeStruct((8, 128), jnp.float32),
        ],
    )(x, wt, att_mat)

    pad = _NPAD - n
    asrc_p = jnp.concatenate([a2[:, 0], jnp.zeros((pad,), jnp.float32)])
    adst_p = jnp.concatenate([a2[:, 1], jnp.zeros((pad,), jnp.float32)])
    shift = jnp.maximum(m2[0, 0] + m2[0, 1], 0.0)
    shift_arr = jnp.full((16,), shift, jnp.float32)
    bias_split = jnp.concatenate([bias[0::2], bias[1::2]])
    h32 = jax.lax.bitcast_convert_type(
        h.reshape(n, d_out // 2, 2), jnp.int32)

    mesh = plsc.VectorSubcoreMesh(core_axis_name="c", subcore_axis_name="s")
    out_flat = pl.kernel(
        _gat_body,
        out_type=jax.ShapeDtypeStruct((_NPAD * _D,), jnp.float32),
        mesh=mesh,
        compiler_params=pltpu.CompilerParams(needs_layout_passes=False),
        scratch_types=[
            pltpu.VMEM((_NPAD,), jnp.float32),
            pltpu.VMEM((_NPAD,), jnp.float32),
            pltpu.VMEM((_D,), jnp.float32),
            pltpu.VMEM((16,), jnp.float32),
            pltpu.VMEM((_CHUNK,), jnp.int32),
            pltpu.VMEM((_CHUNK,), jnp.int32),
            pltpu.VMEM((_CHUNK + 32,), jnp.int32),
            pltpu.VMEM((_CHUNK + 32,), jnp.int32),
            pltpu.VMEM((_CHUNK + 32,), jnp.float32),
            pltpu.VMEM((_G, _D // 2), jnp.int32),
            pltpu.VMEM((_RPT * _D,), jnp.float32),
            pltpu.VMEM((336,), jnp.float32),
            pltpu.SemaphoreType.DMA,
            pltpu.SemaphoreType.DMA,
            pltpu.SemaphoreType.DMA,
            pltpu.SemaphoreType.DMA,
            pltpu.SemaphoreType.DMA,
            pltpu.SemaphoreType.DMA,
        ],
    )(h32, asrc_p, adst_p, edge_index[0], edge_index[1], bias_split, shift_arr)

    o3 = out_flat.reshape(_NPAD, 2, _D // 2)
    return jnp.transpose(o3, (0, 2, 1)).reshape(_NPAD, _D)[:n]

# --- scband reference (transcript-rebuilt; emitter-appended) ---
"""Pipeline reference for scband-graph2-vec-36490042147675 (READ-ONLY COPY).

The authoritative reference and input builder live on the scoring server;
editing this copy changes nothing except your own understanding.
"""

import jax, jax.numpy as jnp
import numpy as np

N = 10000
E = 320000
D_IN = 256
D_OUT = 256


def setup_inputs(seed: int = 0) -> dict:
    key = jax.random.key(seed)
    ks = jax.random.split(key, 6)
    x = jax.random.normal(ks[0], (N, D_IN), dtype=jnp.float32)
    edge_index = jax.random.randint(ks[1], (2, E), 0, N, dtype=jnp.int32)
    # GATConv parameters (heads=1, concat=True defaults)
    W = jax.random.normal(ks[2], (D_OUT, D_IN), dtype=jnp.float32) * (1.0 / np.sqrt(D_IN))
    att_src = jax.random.normal(ks[3], (D_OUT,), dtype=jnp.float32) * (1.0 / np.sqrt(D_OUT))
    att_dst = jax.random.normal(ks[4], (D_OUT,), dtype=jnp.float32) * (1.0 / np.sqrt(D_OUT))
    bias = jnp.zeros((D_OUT,), dtype=jnp.float32)
    return {"x": x, "edge_index": edge_index, "W": W, "att_src": att_src, "att_dst": att_dst, "bias": bias}


def reference(x, edge_index, W, att_src, att_dst, bias):
    # Faithful GATConv (heads=1, negative_slope=0.2, add_self_loops=True)
    n = x.shape[0]
    loops = jnp.arange(n, dtype=edge_index.dtype)
    src = jnp.concatenate([edge_index[0], loops])
    dst = jnp.concatenate([edge_index[1], loops])
    h = x @ W.T                                   # [N, D_OUT] linear projection
    a_src = (h * att_src).sum(axis=-1)            # [N]
    a_dst = (h * att_dst).sum(axis=-1)            # [N]
    alpha = a_src[src] + a_dst[dst]               # gather per edge
    alpha = jax.nn.leaky_relu(alpha, 0.2)
    amax = jax.ops.segment_max(alpha, dst, num_segments=n)
    alpha = jnp.exp(alpha - jax.lax.stop_gradient(amax)[dst])
    denom = jax.ops.segment_sum(alpha, dst, num_segments=n)
    alpha = alpha / (denom[dst] + 1e-16)          # softmax over incoming edges
    msgs = alpha[:, None] * h[src]                # gather + weight
    out = jax.ops.segment_sum(msgs, dst, num_segments=n)  # scatter-add
    return out + bias

if __name__ == "__main__":
    import jax
    _d = setup_inputs()
    print(jax.jit(kernel)(*tuple(_d.values())))

</pallas_src>

<mosaic_0001>
#map = affine_map<(d0, d1) -> (0, 0)>
#map1 = affine_map<(d0, d1) -> (0)>
module attributes {stable_mosaic.version = 14 : i64} {
  func.func @_gat_body(%arg0: i32, %arg1: i32, %arg2: memref<10000x128xi32, #tpu.memory_space<hbm>>, %arg3: memref<10016xf32, #tpu.memory_space<hbm>>, %arg4: memref<10016xf32, #tpu.memory_space<hbm>>, %arg5: memref<320000xi32, #tpu.memory_space<hbm>>, %arg6: memref<320000xi32, #tpu.memory_space<hbm>>, %arg7: memref<256xf32, #tpu.memory_space<hbm>>, %arg8: memref<16xf32, #tpu.memory_space<hbm>>, %arg9: memref<2564096xf32, #tpu.memory_space<hbm>>, %arg10: memref<10016xf32, #tpu.memory_space<vmem>>, %arg11: memref<10016xf32, #tpu.memory_space<vmem>>, %arg12: memref<256xf32, #tpu.memory_space<vmem>>, %arg13: memref<16xf32, #tpu.memory_space<vmem>>, %arg14: memref<4000xi32, #tpu.memory_space<vmem>>, %arg15: memref<4000xi32, #tpu.memory_space<vmem>>, %arg16: memref<4032xi32, #tpu.memory_space<vmem>>, %arg17: memref<4032xi32, #tpu.memory_space<vmem>>, %arg18: memref<4032xf32, #tpu.memory_space<vmem>>, %arg19: memref<16x128xi32, #tpu.memory_space<vmem>>, %arg20: memref<80128xf32, #tpu.memory_space<vmem>>, %arg21: memref<336xf32, #tpu.memory_space<vmem>>, %arg22: memref<!tpu.dma_semaphore, #tpu.memory_space<semaphore_mem>>, %arg23: memref<!tpu.dma_semaphore, #tpu.memory_space<semaphore_mem>>, %arg24: memref<!tpu.dma_semaphore, #tpu.memory_space<semaphore_mem>>, %arg25: memref<!tpu.dma_semaphore, #tpu.memory_space<semaphore_mem>>, %arg26: memref<!tpu.dma_semaphore, #tpu.memory_space<semaphore_mem>>, %arg27: memref<!tpu.dma_semaphore, #tpu.memory_space<semaphore_mem>>) attributes {dimension_semantics = [#tpu.dimension_semantics<core_parallel>, #tpu.dimension_semantics<subcore_parallel>], iteration_bounds = array<i64: 2, 16>, scalar_prefetch = 0 : i64, scratch_operands = 18 : i64, tpu.core_type = #tpu.core_type<sc_vector_subcore>, window_params = [{transform_indices = #map}, {transform_indices = #map1}, {transform_indices = #map1}, {transform_indices = #map1}, {transform_indices = #map1}, {transform_indices = #map1}, {transform_indices = #map1}, {transform_indices = #map1}]} {
    %mul3A = arith.constant 2 : i32
    %mul3A_0 = arith.muli %arg1, %mul3A : i32
    %add3A = arith.addi %mul3A_0, %arg0 : i32
    %mul3A_1 = arith.constant 313 : i32
    %mul3A_2 = arith.muli %add3A, %mul3A_1 : i32
    %iota3A = tpu.iota {dimensions = array<i32: 0>} : vector<16xi32>
    %broadcast_in_dim3A = arith.constant 0.000000e+00 : f32
    %broadcast_in_dim3A_3 = vector.broadcast %broadcast_in_dim3A : f32 to vector<16xf32>
    "tpu.region"() ({
      %run_scoped3A = tpu.sem_alloc : memref<!tpu.dma_semaphore, #tpu.memory_space<semaphore_mem>>
      tpu.enqueue_dma source(%arg3 : memref<10016xf32, #tpu.memory_space<hbm>>) target(%arg10 : memref<10016xf32, #tpu.memory_space<vmem>>) target_semaphore(%run_scoped3A : memref<!tpu.dma_semaphore, #tpu.memory_space<semaphore_mem>>)
      tpu.wait_dma2 semaphore(%run_scoped3A : memref<!tpu.dma_semaphore, #tpu.memory_space<semaphore_mem>>) src(%arg3 : memref<10016xf32, #tpu.memory_space<hbm>>) dst(%arg10 : memref<10016xf32, #tpu.memory_space<vmem>>)
      tpu.yield
    }) : () -> ()
    "tpu.region"() ({
      %run_scoped3A = tpu.sem_alloc : memref<!tpu.dma_semaphore, #tpu.memory_space<semaphore_mem>>
      tpu.enqueue_dma source(%arg4 : memref<10016xf32, #tpu.memory_space<hbm>>) target(%arg11 : memref<10016xf32, #tpu.memory_space<vmem>>) target_semaphore(%run_scoped3A : memref<!tpu.dma_semaphore, #tpu.memory_space<semaphore_mem>>)
      tpu.wait_dma2 semaphore(%run_scoped3A : memref<!tpu.dma_semaphore, #tpu.memory_space<semaphore_mem>>) src(%arg4 : memref<10016xf32, #tpu.memory_space<hbm>>) dst(%arg11 : memref<10016xf32, #tpu.memory_space<vmem>>)
      tpu.yield
    }) : () -> ()
    "tpu.region"() ({
      %run_scoped3A = tpu.sem_alloc : memref<!tpu.dma_semaphore, #tpu.memory_space<semaphore_mem>>
      tpu.enqueue_dma source(%arg7 : memref<256xf32, #tpu.memory_space<hbm>>) target(%arg12 : memref<256xf32, #tpu.memory_space<vmem>>) target_semaphore(%run_scoped3A : memref<!tpu.dma_semaphore, #tpu.memory_space<semaphore_mem>>)
      tpu.wait_dma2 semaphore(%run_scoped3A : memref<!tpu.dma_semaphore, #tpu.memory_space<semaphore_mem>>) src(%arg7 : memref<256xf32, #tpu.memory_space<hbm>>) dst(%arg12 : memref<256xf32, #tpu.memory_space<vmem>>)
      tpu.yield
    }) : () -> ()
    "tpu.region"() ({
      %run_scoped3A = tpu.sem_alloc : memref<!tpu.dma_semaphore, #tpu.memory_space<semaphore_mem>>
      tpu.enqueue_dma source(%arg8 : memref<16xf32, #tpu.memory_space<hbm>>) target(%arg13 : memref<16xf32, #tpu.memory_space<vmem>>) target_semaphore(%run_scoped3A : memref<!tpu.dma_semaphore, #tpu.memory_space<semaphore_mem>>)
      tpu.wait_dma2 semaphore(%run_scoped3A : memref<!tpu.dma_semaphore, #tpu.memory_space<semaphore_mem>>) src(%arg8 : memref<16xf32, #tpu.memory_space<hbm>>) dst(%arg13 : memref<16xf32, #tpu.memory_space<vmem>>)
      tpu.yield
    }) : () -> ()
    %get3A = arith.constant 0 : index
    %get3A_4 = tpu.vector_load %arg13[%get3A] {strides = array<i32>} : memref<16xf32, #tpu.memory_space<vmem>>, vector<16xf32>,
    %slice3A = vector.extract_strided_slice %get3A_4 {offsets = [0], sizes = [1], strides = [1]} : vector<16xf32> to vector<1xf32>
    %squeeze3A = vector.extract %slice3A[0] : f32 from vector<1xf32>
    %scan3A = arith.constant 0 : i32
    %scan3A_5 = arith.constant 0 : i32
    %scan3A_6 = arith.constant 5008 : i32
    %scan3A_7 = arith.addi %scan3A_5, %scan3A_6 : i32
    %scan3A_8 = arith.constant 1 : i32
    scf.for %scan3A_42 = %scan3A_5 to %scan3A_7 step %scan3A_8  : i32 {
      %mul3A_43 = arith.constant 16 : i32
      %mul3A_44 = arith.muli %scan3A_42, %mul3A_43 : i32
      %swap3A = arith.index_cast %mul3A_44 : i32 to index
      %swap3A_45 = tpu.vector_load %arg20[%swap3A] {strides = array<i32>} : memref<80128xf32, #tpu.memory_space<vmem>>, vector<16xf32>,
      tpu.vector_store %arg20[%swap3A], %broadcast_in_dim3A_3 {strides = array<i32>} : memref<80128xf32, #tpu.memory_space<vmem>>, vector<16xf32>,
    }
    %scan3A_9 = arith.constant 5008 : i32
    %scan3A_10 = arith.constant 0 : i32
    %scan3A_11 = arith.constant 0 : i32
    %scan3A_12 = arith.constant 21 : i32
    %scan3A_13 = arith.addi %scan3A_11, %scan3A_12 : i32
    %scan3A_14 = arith.constant 1 : i32
    scf.for %scan3A_42 = %scan3A_11 to %scan3A_13 step %scan3A_14  : i32 {
      %mul3A_43 = arith.constant 16 : i32
      %mul3A_44 = arith.muli %scan3A_42, %mul3A_43 : i32
      %swap3A = arith.index_cast %mul3A_44 : i32 to index
      %swap3A_45 = tpu.vector_load %arg21[%swap3A] {strides = array<i32>} : memref<336xf32, #tpu.memory_space<vmem>>, vector<16xf32>,
      tpu.vector_store %arg21[%swap3A], %broadcast_in_dim3A_3 {strides = array<i32>} : memref<336xf32, #tpu.memory_space<vmem>>, vector<16xf32>,
    }
    %scan3A_15 = arith.constant 21 : i32
    %scan3A_16 = arith.constant 0 : i32
    %scan3A_17 = arith.constant 0 : i32
    %scan3A_18 = arith.constant 20 : i32
    %scan3A_19 = arith.addi %scan3A_17, %scan3A_18 : i32
    %scan3A_20 = arith.constant 1 : i32
    scf.for %scan3A_42 = %scan3A_17 to %scan3A_19 step %scan3A_20  : i32 {
      %mul3A_43 = arith.constant 16 : i32
      %mul3A_44 = arith.muli %scan3A_42, %mul3A_43 : i32
      %add3A_45 = vector.broadcast %mul3A_44 : i32 to vector<16xi32>
      %add3A_46 = arith.addi %add3A_45, %iota3A : vector<16xi32>
      %lt3A = arith.constant 313 : i32
      %lt3A_47 = vector.broadcast %lt3A : i32 to vector<16xi32>
      %lt3A_48 = arith.cmpi slt, %add3A_46, %lt3A_47 : vector<16xi32>
      %add3A_49 = vector.broadcast %mul3A_2 : i32 to vector<16xi32>
      %add3A_50 = arith.addi %add3A_49, %add3A_46 : vector<16xi32>
      %lt3A_51 = arith.constant 10000 : i32
      %lt3A_52 = vector.broadcast %lt3A_51 : i32 to vector<16xi32>
      %lt3A_53 = arith.cmpi slt, %add3A_50, %lt3A_52 : vector<16xi32>
      %and3A = arith.andi %lt3A_48, %lt3A_53 : vector<16xi1>
      %jit3A = arith.constant 0 : i32
      %broadcast_in_dim3A_54 = vector.broadcast %jit3A : i32 to vector<16xi32>
      %select_n3A = arith.select %and3A, %add3A_50, %broadcast_in_dim3A_54 : vector<16xi1>, vector<16xi32>
      %gather3A = tpu.vector_load_idx %arg10[%select_n3A] : memref<10016xf32, #tpu.memory_space<vmem>>[vector<16xi32>], vector<16xf32>,
      %gather3A_55 = tpu.vector_load_idx %arg11[%select_n3A] : memref<10016xf32, #tpu.memory_space<vmem>>[vector<16xi32>], vector<16xf32>,
      %add3A_56 = arith.addf %gather3A, %gather3A_55 : vector<16xf32>
      %ge3A = arith.constant 0.000000e+00 : f32
      %ge3A_57 = vector.broadcast %ge3A : f32 to vector<16xf32>
      %ge3A_58 = arith.cmpf oge, %add3A_56, %ge3A_57 : vector<16xf32>
      %mul3A_59 = arith.constant 2.000000e-01 : f32
      %mul3A_60 = vector.broadcast %mul3A_59 : f32 to vector<16xf32>
      %mul3A_61 = arith.mulf %mul3A_60, %add3A_56 : vector<16xf32>
      %select_n3A_62 = arith.select %ge3A_58, %add3A_56, %mul3A_61 : vector<16xi1>, vector<16xf32>
      %sub3A = vector.broadcast %squeeze3A : f32 to vector<16xf32>
      %sub3A_63 = arith.subf %select_n3A_62, %sub3A : vector<16xf32>
      %exp3A = math.exp %sub3A_63 : vector<16xf32>
      %jit3A_64 = arith.constant 0.000000e+00 : f32
      %broadcast_in_dim3A_65 = vector.broadcast %jit3A_64 : f32 to vector<16xf32>
      %select_n3A_66 = arith.select %and3A, %exp3A, %broadcast_in_dim3A_65 : vector<16xi1>, vector<16xf32>
      %swap3A = arith.index_cast %mul3A_44 : i32 to index
      %swap3A_67 = tpu.vector_load %arg16[%swap3A] {strides = array<i32>} : memref<4032xi32, #tpu.memory_space<vmem>>, vector<16xi32>,
      tpu.vector_store %arg16[%swap3A], %select_n3A {strides = array<i32>} : memref<4032xi32, #tpu.memory_space<vmem>>, vector<16xi32>,
      %jit3A_68 = arith.constant 0 : i32
      %broadcast_in_dim3A_69 = vector.broadcast %jit3A_68 : i32 to vector<16xi32>
      %select_n3A_70 = arith.select %lt3A_48, %add3A_46, %broadcast_in_dim3A_69 : vector<16xi1>, vector<16xi32>
      %swap3A_71 = arith.index_cast %mul3A_44 : i32 to index
      %swap3A_72 = tpu.vector_load %arg17[%swap3A_71] {strides = array<i32>} : memref<4032xi32, #tpu.memory_space<vmem>>, vector<16xi32>,
      tpu.vector_store %arg17[%swap3A_71], %select_n3A_70 {strides = array<i32>} : memref<4032xi32, #tpu.memory_space<vmem>>, vector<16xi32>,
      %swap3A_73 = arith.index_cast %mul3A_44 : i32 to index
      %swap3A_74 = tpu.vector_load %arg18[%swap3A_73] {strides = array<i32>} : memref<4032xf32, #tpu.memory_space<vmem>>, vector<16xf32>,
      tpu.vector_store %arg18[%swap3A_73], %select_n3A_66 {strides = array<i32>} : memref<4032xf32, #tpu.memory_space<vmem>>, vector<16xf32>,
    }
    %scan3A_21 = arith.constant 20 : i32
    %scan3A_22 = arith.constant 0 : i32
    %scan3A_23 = arith.constant 0 : i32
    %scan3A_24 = arith.constant 20 : i32
    %scan3A_25 = arith.addi %scan3A_23, %scan3A_24 : i32
    %scan3A_26 = arith.constant 1 : i32
    scf.for %scan3A_42 = %scan3A_23 to %scan3A_25 step %scan3A_26  : i32 {
      %mul3A_43 = arith.constant 16 : i32
      %mul3A_44 = arith.muli %scan3A_42, %mul3A_43 : i32
      %dma_start3A = tpu.memref_slice %arg16[%mul3A_44] : memref<4032xi32, #tpu.memory_space<vmem>> -> memref<16xi32, #tpu.memory_space<vmem>>
      %dma_start3A_45 = arith.constant 0 : i32
      %dma_start3A_46 = arith.constant 0 : i32
      %dma_start3A_47 = tpu.memref_slice %arg2[%dma_start3A_45, %dma_start3A_46] : memref<10000x128xi32, #tpu.memory_space<hbm>> -> memref<10000x128xi32, #tpu.memory_space<hbm>>
      tpu.enqueue_indirect_dma source(%dma_start3A_47 : memref<10000x128xi32, #tpu.memory_space<hbm>>) target(%arg19 : memref<16x128xi32, #tpu.memory_space<vmem>>) offsets(%dma_start3A : memref<16xi32, #tpu.memory_space<vmem>>) semaphore(%arg26 : memref<!tpu.dma_semaphore, #tpu.memory_space<semaphore_mem>>)
      %dma_wait3A = arith.constant 0 : i32
      %dma_wait3A_48 = tpu.memref_slice %arg16[%dma_wait3A] : memref<4032xi32, #tpu.memory_space<vmem>> -> memref<16xi32, #tpu.memory_space<vmem>>
      %dma_wait3A_49 = arith.constant 0 : i32
      %dma_wait3A_50 = arith.constant 0 : i32
      %dma_wait3A_51 = tpu.memref_slice %arg2[%dma_wait3A_49, %dma_wait3A_50] : memref<10000x128xi32, #tpu.memory_space<hbm>> -> memref<10000x128xi32, #tpu.memory_space<hbm>>
      tpu.wait_indirect_dma semaphore(%arg26 : memref<!tpu.dma_semaphore, #tpu.memory_space<semaphore_mem>>) src(%dma_wait3A_51 : memref<10000x128xi32, #tpu.memory_space<hbm>>) dst(%arg19 : memref<16x128xi32, #tpu.memory_space<vmem>>)
      %mul3A_52 = arith.constant 16 : i32
      %mul3A_53 = arith.muli %scan3A_42, %mul3A_52 : i32
      %scan3A_54 = arith.constant 0 : i32
      %scan3A_55 = arith.constant 0 : i32
      %scan3A_56 = arith.constant 4 : i32
      %scan3A_57 = arith.addi %scan3A_55, %scan3A_56 : i32
      %scan3A_58 = arith.constant 1 : i32
      scf.for %scan3A_60 = %scan3A_55 to %scan3A_57 step %scan3A_58  : i32 {
        %mul3A_61 = arith.constant 4 : i32
        %mul3A_62 = arith.muli %mul3A_61, %scan3A_60 : i32
        %add3A_63 = arith.addi %mul3A_53, %mul3A_62 : i32
        %get3A_64 = arith.index_cast %add3A_63 : i32 to index
        %get3A_65 = tpu.vector_load %arg18[%get3A_64] {strides = array<i32>} : memref<4032xf32, #tpu.memory_space<vmem>>, vector<16xf32>,
        %get3A_66 = arith.index_cast %add3A_63 : i32 to index
        %get3A_67 = tpu.vector_load %arg17[%get3A_66] {strides = array<i32>} : memref<4032xi32, #tpu.memory_space<vmem>>, vector<16xi32>,
        %slice3A_68 = vector.extract_strided_slice %get3A_65 {offsets = [0], sizes = [1], strides = [1]} : vector<16xf32> to vector<1xf32>
        %squeeze3A_69 = vector.extract %slice3A_68[0] : f32 from vector<1xf32>
        %slice3A_70 = vector.extract_strided_slice %get3A_65 {offsets = [1], sizes = [1], strides = [1]} : vector<16xf32> to vector<1xf32>
        %squeeze3A_71 = vector.extract %slice3A_70[0] : f32 from vector<1xf32>
        %slice3A_72 = vector.extract_strided_slice %get3A_65 {offsets = [2], sizes = [1], strides = [1]} : vector<16xf32> to vector<1xf32>
        %squeeze3A_73 = vector.extract %slice3A_72[0] : f32 from vector<1xf32>
        %slice3A_74 = vector.extract_strided_slice %get3A_65 {offsets = [3], sizes = [1], strides = [1]} : vector<16xf32> to vector<1xf32>
        %squeeze3A_75 = vector.extract %slice3A_74[0] : f32 from vector<1xf32>
        %slice3A_76 = vector.extract_strided_slice %get3A_67 {offsets = [0], sizes = [1], strides = [1]} : vector<16xi32> to vector<1xi32>
        %squeeze3A_77 = vector.extract %slice3A_76[0] : i32 from vector<1xi32>
        %slice3A_78 = vector.extract_strided_slice %get3A_67 {offsets = [1], sizes = [1], strides = [1]} : vector<16xi32> to vector<1xi32>
        %squeeze3A_79 = vector.extract %slice3A_78[0] : i32 from vector<1xi32>
        %slice3A_80 = vector.extract_strided_slice %get3A_67 {offsets = [2], sizes = [1], strides = [1]} : vector<16xi32> to vector<1xi32>
        %squeeze3A_81 = vector.extract %slice3A_80[0] : i32 from vector<1xi32>
        %slice3A_82 = vector.extract_strided_slice %get3A_67 {offsets = [3], sizes = [1], strides = [1]} : vector<16xi32> to vector<1xi32>
        %squeeze3A_83 = vector.extract %slice3A_82[0] : i32 from vector<1xi32>
        %broadcast_in_dim3A_84 = vector.broadcast %squeeze3A_77 : i32 to vector<16xi32>
        %broadcast_in_dim3A_85 = vector.broadcast %squeeze3A_69 : f32 to vector<16xf32>
        %eq3A = arith.constant 0 : i32
        %eq3A_86 = vector.broadcast %eq3A : i32 to vector<16xi32>
        %eq3A_87 = arith.cmpi eq, %iota3A, %eq3A_86 : vector<16xi32>
        tpu.vector_store_idx %arg21[%broadcast_in_dim3A_84], %broadcast_in_dim3A_85 masked %eq3A_87 {add = true} : memref<336xf32, #tpu.memory_space<vmem>>[vector<16xi32>], vector<16xf32>, vector<16xi1>
        %broadcast_in_dim3A_88 = vector.broadcast %squeeze3A_79 : i32 to vector<16xi32>
        %broadcast_in_dim3A_89 = vector.broadcast %squeeze3A_71 : f32 to vector<16xf32>
        %eq3A_90 = arith.constant 0 : i32
        %eq3A_91 = vector.broadcast %eq3A_90 : i32 to vector<16xi32>
        %eq3A_92 = arith.cmpi eq, %iota3A, %eq3A_91 : vector<16xi32>
        tpu.vector_store_idx %arg21[%broadcast_in_dim3A_88], %broadcast_in_dim3A_89 masked %eq3A_92 {add = true} : memref<336xf32, #tpu.memory_space<vmem>>[vector<16xi32>], vector<16xf32>, vector<16xi1>
        %broadcast_in_dim3A_93 = vector.broadcast %squeeze3A_81 : i32 to vector<16xi32>
        %broadcast_in_dim3A_94 = vector.broadcast %squeeze3A_73 : f32 to vector<16xf32>
        %eq3A_95 = arith.constant 0 : i32
        %eq3A_96 = vector.broadcast %eq3A_95 : i32 to vector<16xi32>
        %eq3A_97 = arith.cmpi eq, %iota3A, %eq3A_96 : vector<16xi32>
        tpu.vector_store_idx %arg21[%broadcast_in_dim3A_93], %broadcast_in_dim3A_94 masked %eq3A_97 {add = true} : memref<336xf32, #tpu.memory_space<vmem>>[vector<16xi32>], vector<16xf32>, vector<16xi1>
        %broadcast_in_dim3A_98 = vector.broadcast %squeeze3A_83 : i32 to vector<16xi32>
        %broadcast_in_dim3A_99 = vector.broadcast %squeeze3A_75 : f32 to vector<16xf32>
        %eq3A_100 = arith.constant 0 : i32
        %eq3A_101 = vector.broadcast %eq3A_100 : i32 to vector<16xi32>
        %eq3A_102 = arith.cmpi eq, %iota3A, %eq3A_101 : vector<16xi32>
        tpu.vector_store_idx %arg21[%broadcast_in_dim3A_98], %broadcast_in_dim3A_99 masked %eq3A_102 {add = true} : memref<336xf32, #tpu.memory_space<vmem>>[vector<16xi32>], vector<16xf32>, vector<16xi1>
        %mul3A_103 = arith.constant 256 : i32
        %mul3A_104 = arith.muli %squeeze3A_77, %mul3A_103 : i32
        %mul3A_105 = arith.constant 256 : i32
        %mul3A_106 = arith.muli %squeeze3A_79, %mul3A_105 : i32
        %mul3A_107 = arith.constant 256 : i32
        %mul3A_108 = arith.muli %squeeze3A_81, %mul3A_107 : i32
        %mul3A_109 = arith.constant 256 : i32
        %mul3A_110 = arith.muli %squeeze3A_83, %mul3A_109 : i32
        %mul3A_111 = arith.constant 4 : i32
        %mul3A_112 = arith.muli %mul3A_111, %scan3A_60 : i32
        %add3A_113 = arith.constant 0 : i32
        %add3A_114 = arith.addi %mul3A_112, %add3A_113 : i32
        %get3A_115 = arith.index_cast %add3A_114 : i32 to index
        %get3A_116 = arith.constant 0 : index
        %get3A_117 = tpu.vector_load %arg19[%get3A_115, %get3A_116] {strides = array<i32>} : memref<16x128xi32, #tpu.memory_space<vmem>>, vector<16xi32>,
        %mul3A_118 = arith.constant 4 : i32
        %mul3A_119 = arith.muli %mul3A_118, %scan3A_60 : i32
        %add3A_120 = arith.constant 1 : i32
        %add3A_121 = arith.addi %mul3A_119, %add3A_120 : i32
        %get3A_122 = arith.index_cast %add3A_121 : i32 to index
        %get3A_123 = arith.constant 0 : index
        %get3A_124 = tpu.vector_load %arg19[%get3A_122, %get3A_123] {strides = array<i32>} : memref<16x128xi32, #tpu.memory_space<vmem>>, vector<16xi32>,
        %mul3A_125 = arith.constant 4 : i32
        %mul3A_126 = arith.muli %mul3A_125, %scan3A_60 : i32
        %add3A_127 = arith.constant 2 : i32
        %add3A_128 = arith.addi %mul3A_126, %add3A_127 : i32
        %get3A_129 = arith.index_cast %add3A_128 : i32 to index
        %get3A_130 = arith.constant 0 : index
        %get3A_131 = tpu.vector_load %arg19[%get3A_129, %get3A_130] {strides = array<i32>} : memref<16x128xi32, #tpu.memory_space<vmem>>, vector<16xi32>,
        %mul3A_132 = arith.constant 4 : i32
        %mul3A_133 = arith.muli %mul3A_132, %scan3A_60 : i32
        %add3A_134 = arith.constant 3 : i32
        %add3A_135 = arith.addi %mul3A_133, %add3A_134 : i32
        %get3A_136 = arith.index_cast %add3A_135 : i32 to index
        %get3A_137 = arith.constant 0 : index
        %get3A_138 = tpu.vector_load %arg19[%get3A_136, %get3A_137] {strides = array<i32>} : memref<16x128xi32, #tpu.memory_space<vmem>>, vector<16xi32>,
        %shift_left3A = arith.constant 16 : i32
        %shift_left3A_139 = vector.broadcast %shift_left3A : i32 to vector<16xi32>
        %shift_left3A_140 = arith.shli %get3A_117, %shift_left3A_139 : vector<16xi32>
        %bitcast3A = vector.bitcast %shift_left3A_140 : vector<16xi32> to vector<16xf32>
        %and3A = arith.constant -65536 : i32
        %and3A_141 = vector.broadcast %and3A : i32 to vector<16xi32>
        %and3A_142 = arith.andi %get3A_117, %and3A_141 : vector<16xi32>
        %bitcast3A_143 = vector.bitcast %and3A_142 : vector<16xi32> to vector<16xf32>
        %mul3A_144 = vector.broadcast %squeeze3A_69 : f32 to vector<16xf32>
        %mul3A_145 = arith.mulf %mul3A_144, %bitcast3A : vector<16xf32>
        %mul3A_146 = vector.broadcast %squeeze3A_69 : f32 to vector<16xf32>
        %mul3A_147 = arith.mulf %mul3A_146, %bitcast3A_143 : vector<16xf32>
        %shift_left3A_148 = arith.constant 16 : i32
        %shift_left3A_149 = vector.broadcast %shift_left3A_148 : i32 to vector<16xi32>
        %shift_left3A_150 = arith.shli %get3A_124, %shift_left3A_149 : vector<16xi32>
        %bitcast3A_151 = vector.bitcast %shift_left3A_150 : vector<16xi32> to vector<16xf32>
        %and3A_152 = arith.constant -65536 : i32
        %and3A_153 = vector.broadcast %and3A_152 : i32 to vector<16xi32>
        %and3A_154 = arith.andi %get3A_124, %and3A_153 : vector<16xi32>
        %bitcast3A_155 = vector.bitcast %and3A_154 : vector<16xi32> to vector<16xf32>
        %mul3A_156 = vector.broadcast %squeeze3A_71 : f32 to vector<16xf32>
        %mul3A_157 = arith.mulf %mul3A_156, %bitcast3A_151 : vector<16xf32>
        %mul3A_158 = vector.broadcast %squeeze3A_71 : f32 to vector<16xf32>
        %mul3A_159 = arith.mulf %mul3A_158, %bitcast3A_155 : vector<16xf32>
        %shift_left3A_160 = arith.constant 16 : i32
        %shift_left3A_161 = vector.broadcast %shift_left3A_160 : i32 to vector<16xi32>
        %shift_left3A_162 = arith.shli %get3A_131, %shift_left3A_161 : vector<16xi32>
        %bitcast3A_163 = vector.bitcast %shift_left3A_162 : vector<16xi32> to vector<16xf32>
        %and3A_164 = arith.constant -65536 : i32
        %and3A_165 = vector.broadcast %and3A_164 : i32 to vector<16xi32>
        %and3A_166 = arith.andi %get3A_131, %and3A_165 : vector<16xi32>
        %bitcast3A_167 = vector.bitcast %and3A_166 : vector<16xi32> to vector<16xf32>
        %mul3A_168 = vector.broadcast %squeeze3A_73 : f32 to vector<16xf32>
        %mul3A_169 = arith.mulf %mul3A_168, %bitcast3A_163 : vector<16xf32>
        %mul3A_170 = vector.broadcast %squeeze3A_73 : f32 to vector<16xf32>
        %mul3A_171 = arith.mulf %mul3A_170, %bitcast3A_167 : vector<16xf32>
        %shift_left3A_172 = arith.constant 16 : i32
        %shift_left3A_173 = vector.broadcast %shift_left3A_172 : i32 to vector<16xi32>
        %shift_left3A_174 = arith.shli %get3A_138, %shift_left3A_173 : vector<16xi32>
        %bitcast3A_175 = vector.bitcast %shift_left3A_174 : vector<16xi32> to vector<16xf32>
        %and3A_176 = arith.constant -65536 : i32
        %and3A_177 = vector.broadcast %and3A_176 : i32 to vector<16xi32>
        %and3A_178 = arith.andi %get3A_138, %and3A_177 : vector<16xi32>
        %bitcast3A_179 = vector.bitcast %and3A_178 : vector<16xi32> to vector<16xf32>
        %mul3A_180 = vector.broadcast %squeeze3A_75 : f32 to vector<16xf32>
        %mul3A_181 = arith.mulf %mul3A_180, %bitcast3A_175 : vector<16xf32>
        %mul3A_182 = vector.broadcast %squeeze3A_75 : f32 to vector<16xf32>
        %mul3A_183 = arith.mulf %mul3A_182, %bitcast3A_179 : vector<16xf32>
        %mul3A_184 = arith.constant 4 : i32
        %mul3A_185 = arith.muli %mul3A_184, %scan3A_60 : i32
        %add3A_186 = arith.constant 0 : i32
        %add3A_187 = arith.addi %mul3A_185, %add3A_186 : i32
        %get3A_188 = arith.index_cast %add3A_187 : i32 to index
        %get3A_189 = arith.constant 16 : index
        %get3A_190 = tpu.vector_load %arg19[%get3A_188, %get3A_189] {strides = array<i32>} : memref<16x128xi32, #tpu.memory_space<vmem>>, vector<16xi32>,
        %mul3A_191 = arith.constant 4 : i32
        %mul3A_192 = arith.muli %mul3A_191, %scan3A_60 : i32
        %add3A_193 = arith.constant 1 : i32
        %add3A_194 = arith.addi %mul3A_192, %add3A_193 : i32
        %get3A_195 = arith.index_cast %add3A_194 : i32 to index
        %get3A_196 = arith.constant 16 : index
        %get3A_197 = tpu.vector_load %arg19[%get3A_195, %get3A_196] {strides = array<i32>} : memref<16x128xi32, #tpu.memory_space<vmem>>, vector<16xi32>,
        %mul3A_198 = arith.constant 4 : i32
        %mul3A_199 = arith.muli %mul3A_198, %scan3A_60 : i32
        %add3A_200 = arith.constant 2 : i32
        %add3A_201 = arith.addi %mul3A_199, %add3A_200 : i32
        %get3A_202 = arith.index_cast %add3A_201 : i32 to index
        %get3A_203 = arith.constant 16 : index
        %get3A_204 = tpu.vector_load %arg19[%get3A_202, %get3A_203] {strides = array<i32>} : memref<16x128xi32, #tpu.memory_space<vmem>>, vector<16xi32>,
        %mul3A_205 = arith.constant 4 : i32
        %mul3A_206 = arith.muli %mul3A_205, %scan3A_60 : i32
        %add3A_207 = arith.constant 3 : i32
        %add3A_208 = arith.addi %mul3A_206, %add3A_207 : i32
        %get3A_209 = arith.index_cast %add3A_208 : i32 to index
        %get3A_210 = arith.constant 16 : index
        %get3A_211 = tpu.vector_load %arg19[%get3A_209, %get3A_210] {strides = array<i32>} : memref<16x128xi32, #tpu.memory_space<vmem>>, vector<16xi32>,
        %add3A_212 = arith.constant 0 : i32
        %add3A_213 = arith.addi %mul3A_104, %add3A_212 : i32
        %swap3A = arith.index_cast %add3A_213 : i32 to index
        %swap3A_214 = tpu.vector_load %arg20[%swap3A] {strides = array<i32>} : memref<80128xf32, #tpu.memory_space<vmem>>, vector<16xf32>,
        tpu.vector_store %arg20[%swap3A], %mul3A_145 {add = true, strides = array<i32>} : memref<80128xf32, #tpu.memory_space<vmem>>, vector<16xf32>,
        %add3A_215 = arith.constant 128 : i32
        %add3A_216 = arith.addi %mul3A_104, %add3A_215 : i32
        %add3A_217 = arith.constant 0 : i32
        %add3A_218 = arith.addi %add3A_216, %add3A_217 : i32
        %swap3A_219 = arith.index_cast %add3A_218 : i32 to index
        %swap3A_220 = tpu.vector_load %arg20[%swap3A_219] {strides = array<i32>} : memref<80128xf32, #tpu.memory_space<vmem>>, vector<16xf32>,
        tpu.vector_store %arg20[%swap3A_219], %mul3A_147 {add = true, strides = array<i32>} : memref<80128xf32, #tpu.memory_space<vmem>>, vector<16xf32>,
        %add3A_221 = arith.constant 0 : i32
        %add3A_222 = arith.addi %mul3A_106, %add3A_221 : i32
        %swap3A_223 = arith.index_cast %add3A_222 : i32 to index
        %swap3A_224 = tpu.vector_load %arg20[%swap3A_223] {strides = array<i32>} : memref<80128xf32, #tpu.memory_space<vmem>>, vector<16xf32>,
        tpu.vector_store %arg20[%swap3A_223], %mul3A_157 {add = true, strides = array<i32>} : memref<80128xf32, #tpu.memory_space<vmem>>, vector<16xf32>,
        %add3A_225 = arith.constant 128 : i32
        %add3A_226 = arith.addi %mul3A_106, %add3A_225 : i32
        %add3A_227 = arith.constant 0 : i32
        %add3A_228 = arith.addi %add3A_226, %add3A_227 : i32
        %swap3A_229 = arith.index_cast %add3A_228 : i32 to index
        %swap3A_230 = tpu.vector_load %arg20[%swap3A_229] {strides = array<i32>} : memref<80128xf32, #tpu.memory_space<vmem>>, vector<16xf32>,
        tpu.vector_store %arg20[%swap3A_229], %mul3A_159 {add = true, strides = array<i32>} : memref<80128xf32, #tpu.memory_space<vmem>>, vector<16xf32>,
        %add3A_231 = arith.constant 0 : i32
        %add3A_232 = arith.addi %mul3A_108, %add3A_231 : i32
        %swap3A_233 = arith.index_cast %add3A_232 : i32 to index
        %swap3A_234 = tpu.vector_load %arg20[%swap3A_233] {strides = array<i32>} : memref<80128xf32, #tpu.memory_space<vmem>>, vector<16xf32>,
        tpu.vector_store %arg20[%swap3A_233], %mul3A_169 {add = true, strides = array<i32>} : memref<80128xf32, #tpu.memory_space<vmem>>, vector<16xf32>,
        %add3A_235 = arith.constant 128 : i32
        %add3A_236 = arith.addi %mul3A_108, %add3A_235 : i32
        %add3A_237 = arith.constant 0 : i32
        %add3A_238 = arith.addi %add3A_236, %add3A_237 : i32
        %swap3A_239 = arith.index_cast %add3A_238 : i32 to index
        %swap3A_240 = tpu.vector_load %arg20[%swap3A_239] {strides = array<i32>} : memref<80128xf32, #tpu.memory_space<vmem>>, vector<16xf32>,
        tpu.vector_store %arg20[%swap3A_239], %mul3A_171 {add = true, strides = array<i32>} : memref<80128xf32, #tpu.memory_space<vmem>>, vector<16xf32>,
        %add3A_241 = arith.constant 0 : i32
        %add3A_242 = arith.addi %mul3A_110, %add3A_241 : i32
        %swap3A_243 = arith.index_cast %add3A_242 : i32 to index
        %swap3A_244 = tpu.vector_load %arg20[%swap3A_243] {strides = array<i32>} : memref<80128xf32, #tpu.memory_space<vmem>>, vector<16xf32>,
        tpu.vector_store %arg20[%swap3A_243], %mul3A_181 {add = true, strides = array<i32>} : memref<80128xf32, #tpu.memory_space<vmem>>, vector<16xf32>,
        %add3A_245 = arith.constant 128 : i32
        %add3A_246 = arith.addi %mul3A_110, %add3A_245 : i32
        %add3A_247 = arith.constant 0 : i32
        %add3A_248 = arith.addi %add3A_246, %add3A_247 : i32
        %swap3A_249 = arith.index_cast %add3A_248 : i32 to index
        %swap3A_250 = tpu.vector_load %arg20[%swap3A_249] {strides = array<i32>} : memref<80128xf32, #tpu.memory_space<vmem>>, vector<16xf32>,
        tpu.vector_store %arg20[%swap3A_249], %mul3A_183 {add = true, strides = array<i32>} : memref<80128xf32, #tpu.memory_space<vmem>>, vector<16xf32>,
        %shift_left3A_251 = arith.constant 16 : i32
        %shift_left3A_252 = vector.broadcast %shift_left3A_251 : i32 to vector<16xi32>
        %shift_left3A_253 = arith.shli %get3A_190, %shift_left3A_252 : vector<16xi32>
        %bitcast3A_254 = vector.bitcast %shift_left3A_253 : vector<16xi32> to vector<16xf32>
        %and3A_255 = arith.constant -65536 : i32
        %and3A_256 = vector.broadcast %and3A_255 : i32 to vector<16xi32>
        %and3A_257 = arith.andi %get3A_190, %and3A_256 : vector<16xi32>
        %bitcast3A_258 = vector.bitcast %and3A_257 : vector<16xi32> to vector<16xf32>
        %mul3A_259 = vector.broadcast %squeeze3A_69 : f32 to vector<16xf32>
        %mul3A_260 = arith.mulf %mul3A_259, %bitcast3A_254 : vector<16xf32>
        %mul3A_261 = vector.broadcast %squeeze3A_69 : f32 to vector<16xf32>
        %mul3A_262 = arith.mulf %mul3A_261, %bitcast3A_258 : vector<16xf32>
        %shift_left3A_263 = arith.constant 16 : i32
        %shift_left3A_264 = vector.broadcast %shift_left3A_263 : i32 to vector<16xi32>
        %shift_left3A_265 = arith.shli %get3A_197, %shift_left3A_264 : vector<16xi32>
        %bitcast3A_266 = vector.bitcast %shift_left3A_265 : vector<16xi32> to vector<16xf32>
        %and3A_267 = arith.constant -65536 : i32
        %and3A_268 = vector.broadcast %and3A_267 : i32 to vector<16xi32>
        %and3A_269 = arith.andi %get3A_197, %and3A_268 : vector<16xi32>
        %bitcast3A_270 = vector.bitcast %and3A_269 : vector<16xi32> to vector<16xf32>
        %mul3A_271 = vector.broadcast %squeeze3A_71 : f32 to vector<16xf32>
        %mul3A_272 = arith.mulf %mul3A_271, %bitcast3A_266 : vector<16xf32>
        %mul3A_273 = vector.broadcast %squeeze3A_71 : f32 to vector<16xf32>
        %mul3A_274 = arith.mulf %mul3A_273, %bitcast3A_270 : vector<16xf32>
        %shift_left3A_275 = arith.constant 16 : i32
        %shift_left3A_276 = vector.broadcast %shift_left3A_275 : i32 to vector<16xi32>
        %shift_left3A_277 = arith.shli %get3A_204, %shift_left3A_276 : vector<16xi32>
        %bitcast3A_278 = vector.bitcast %shift_left3A_277 : vector<16xi32> to vector<16xf32>
        %and3A_279 = arith.constant -65536 : i32
        %and3A_280 = vector.broadcast %and3A_279 : i32 to vector<16xi32>
        %and3A_281 = arith.andi %get3A_204, %and3A_280 : vector<16xi32>
        %bitcast3A_282 = vector.bitcast %and3A_281 : vector<16xi32> to vector<16xf32>
        %mul3A_283 = vector.broadcast %squeeze3A_73 : f32 to vector<16xf32>
        %mul3A_284 = arith.mulf %mul3A_283, %bitcast3A_278 : vector<16xf32>
        %mul3A_285 = vector.broadcast %squeeze3A_73 : f32 to vector<16xf32>
        %mul3A_286 = arith.mulf %mul3A_285, %bitcast3A_282 : vector<16xf32>
        %shift_left3A_287 = arith.constant 16 : i32
        %shift_left3A_288 = vector.broadcast %shift_left3A_287 : i32 to vector<16xi32>
        %shift_left3A_289 = arith.shli %get3A_211, %shift_left3A_288 : vector<16xi32>
        %bitcast3A_290 = vector.bitcast %shift_left3A_289 : vector<16xi32> to vector<16xf32>
        %and3A_291 = arith.constant -65536 : i32
        %and3A_292 = vector.broadcast %and3A_291 : i32 to vector<16xi32>
        %and3A_293 = arith.andi %get3A_211, %and3A_292 : vector<16xi32>
        %bitcast3A_294 = vector.bitcast %and3A_293 : vector<16xi32> to vector<16xf32>
        %mul3A_295 = vector.broadcast %squeeze3A_75 : f32 to vector<16xf32>
        %mul3A_296 = arith.mulf %mul3A_295, %bitcast3A_290 : vector<16xf32>
        %mul3A_297 = vector.broadcast %squeeze3A_75 : f32 to vector<16xf32>
        %mul3A_298 = arith.mulf %mul3A_297, %bitcast3A_294 : vector<16xf32>
        %mul3A_299 = arith.constant 4 : i32
        %mul3A_300 = arith.muli %mul3A_299, %scan3A_60 : i32
        %add3A_301 = arith.constant 0 : i32
        %add3A_302 = arith.addi %mul3A_300, %add3A_301 : i32
        %get3A_303 = arith.index_cast %add3A_302 : i32 to index
        %get3A_304 = arith.constant 32 : index
        %get3A_305 = tpu.vector_load %arg19[%get3A_303, %get3A_304] {strides = array<i32>} : memref<16x128xi32, #tpu.memory_space<vmem>>, vector<16xi32>,
        %mul3A_306 = arith.constant 4 : i32
        %mul3A_307 = arith.muli %mul3A_306, %scan3A_60 : i32
        %add3A_308 = arith.constant 1 : i32
        %add3A_309 = arith.addi %mul3A_307, %add3A_308 : i32
        %get3A_310 = arith.index_cast %add3A_309 : i32 to index
        %get3A_311 = arith.constant 32 : index
        %get3A_312 = tpu.vector_load %arg19[%get3A_310, %get3A_311] {strides = array<i32>} : memref<16x128xi32, #tpu.memory_space<vmem>>, vector<16xi32>,
        %mul3A_313 = arith.constant 4 : i32
        %mul3A_314 = arith.muli %mul3A_313, %scan3A_60 : i32
        %add3A_315 = arith.constant 2 : i32
        %add3A_316 = arith.addi %mul3A_314, %add3A_315 : i32
        %get3A_317 = arith.index_cast %add3A_316 : i32 to index
        %get3A_318 = arith.constant 32 : index
        %get3A_319 = tpu.vector_load %arg19[%get3A_317, %get3A_318] {strides = array<i32>} : memref<16x128xi32, #tpu.memory_space<vmem>>, vector<16xi32>,
        %mul3A_320 = arith.constant 4 : i32
        %mul3A_321 = arith.muli %mul3A_320, %scan3A_60 : i32
        %add3A_322 = arith.constant 3 : i32
        %add3A_323 = arith.addi %mul3A_321, %add3A_322 : i32
        %get3A_324 = arith.index_cast %add3A_323 : i32 to index
        %get3A_325 = arith.constant 32 : index
        %get3A_326 = tpu.vector_load %arg19[%get3A_324, %get3A_325] {strides = array<i32>} : memref<16x128xi32, #tpu.memory_space<vmem>>, vector<16xi32>,
        %add3A_327 = arith.constant 16 : i32
        %add3A_328 = arith.addi %mul3A_104, %add3A_327 : i32
        %swap3A_329 = arith.index_cast %add3A_328 : i32 to index
        %swap3A_330 = tpu.vector_load %arg20[%swap3A_329] {strides = array<i32>} : memref<80128xf32, #tpu.memory_space<vmem>>, vector<16xf32>,
        tpu.vector_store %arg20[%swap3A_329], %mul3A_260 {add = true, strides = array<i32>} : memref<80128xf32, #tpu.memory_space<vmem>>, vector<16xf32>,
        %add3A_331 = arith.constant 128 : i32
        %add3A_332 = arith.addi %mul3A_104, %add3A_331 : i32
        %add3A_333 = arith.constant 16 : i32
        %add3A_334 = arith.addi %add3A_332, %add3A_333 : i32
        %swap3A_335 = arith.index_cast %add3A_334 : i32 to index
        %swap3A_336 = tpu.vector_load %arg20[%swap3A_335] {strides = array<i32>} : memref<80128xf32, #tpu.memory_space<vmem>>, vector<16xf32>,
        tpu.vector_store %arg20[%swap3A_335], %mul3A_262 {add = true, strides = array<i32>} : memref<80128xf32, #tpu.memory_space<vmem>>, vector<16xf32>,
        %add3A_337 = arith.constant 16 : i32
        %add3A_338 = arith.addi %mul3A_106, %add3A_337 : i32
        %swap3A_339 = arith.index_cast %add3A_338 : i32 to index
        %swap3A_340 = tpu.vector_load %arg20[%swap3A_339] {strides = array<i32>} : memref<80128xf32, #tpu.memory_space<vmem>>, vector<16xf32>,
        tpu.vector_store %arg20[%swap3A_339], %mul3A_272 {add = true, strides = array<i32>} : memref<80128xf32, #tpu.memory_space<vmem>>, vector<16xf32>,
        %add3A_341 = arith.constant 128 : i32
        %add3A_342 = arith.addi %mul3A_106, %add3A_341 : i32
        %add3A_343 = arith.constant 16 : i32
        %add3A_344 = arith.addi %add3A_342, %add3A_343 : i32
        %swap3A_345 = arith.index_cast %add3A_344 : i32 to index
        %swap3A_346 = tpu.vector_load %arg20[%swap3A_345] {strides = array<i32>} : memref<80128xf32, #tpu.memory_space<vmem>>, vector<16xf32>,
        tpu.vector_store %arg20[%swap3A_345], %mul3A_274 {add = true, strides = array<i32>} : memref<80128xf32, #tpu.memory_space<vmem>>, vector<16xf32>,
        %add3A_347 = arith.constant 16 : i32
        %add3A_348 = arith.addi %mul3A_108, %add3A_347 : i32
        %swap3A_349 = arith.index_cast %add3A_348 : i32 to index
        %swap3A_350 = tpu.vector_load %arg20[%swap3A_349] {strides = array<i32>} : memref<80128xf32, #tpu.memory_space<vmem>>, vector<16xf32>,
        tpu.vector_store %arg20[%swap3A_349], %mul3A_284 {add = true, strides = array<i32>} : memref<80128xf32, #tpu.memory_space<vmem>>, vector<16xf32>,
        %add3A_351 = arith.constant 128 : i32
        %add3A_352 = arith.addi %mul3A_108, %add3A_351 : i32
        %add3A_353 = arith.constant 16 : i32
        %add3A_354 = arith.addi %add3A_352, %add3A_353 : i32
        %swap3A_355 = arith.index_cast %add3A_354 : i32 to index
        %swap3A_356 = tpu.vector_load %arg20[%swap3A_355] {strides = array<i32>} : memref<80128xf32, #tpu.memory_space<vmem>>, vector<16xf32>,
        tpu.vector_store %arg20[%swap3A_355], %mul3A_286 {add = true, strides = array<i32>} : memref<80128xf32, #tpu.memory_space<vmem>>, vector<16xf32>,
        %add3A_357 = arith.constant 16 : i32
        %add3A_358 = arith.addi %mul3A_110, %add3A_357 : i32
        %swap3A_359 = arith.index_cast %add3A_358 : i32 to index
        %swap3A_360 = tpu.vector_load %arg20[%swap3A_359] {strides = array<i32>} : memref<80128xf32, #tpu.memory_space<vmem>>, vector<16xf32>,
        tpu.vector_store %arg20[%swap3A_359], %mul3A_296 {add = true, strides = array<i32>} : memref<80128xf32, #tpu.memory_space<vmem>>, vector<16xf32>,
        %add3A_361 = arith.constant 128 : i32
        %add3A_362 = arith.addi %mul3A_110, %add3A_361 : i32
        %add3A_363 = arith.constant 16 : i32
        %add3A_364 = arith.addi %add3A_362, %add3A_363 : i32
        %swap3A_365 = arith.index_cast %add3A_364 : i32 to index
        %swap3A_366 = tpu.vector_load %arg20[%swap3A_365] {strides = array<i32>} : memref<80128xf32, #tpu.memory_space<vmem>>, vector<16xf32>,
        tpu.vector_store %arg20[%swap3A_365], %mul3A_298 {add = true, strides = array<i32>} : memref<80128xf32, #tpu.memory_space<vmem>>, vector<16xf32>,
        %shift_left3A_367 = arith.constant 16 : i32
        %shift_left3A_368 = vector.broadcast %shift_left3A_367 : i32 to vector<16xi32>
        %shift_left3A_369 = arith.shli %get3A_305, %shift_left3A_368 : vector<16xi32>
        %bitcast3A_370 = vector.bitcast %shift_left3A_369 : vector<16xi32> to vector<16xf32>
        %and3A_371 = arith.constant -65536 : i32
        %and3A_372 = vector.broadcast %and3A_371 : i32 to vector<16xi32>
        %and3A_373 = arith.andi %get3A_305, %and3A_372 : vector<16xi32>
        %bitcast3A_374 = vector.bitcast %and3A_373 : vector<16xi32> to vector<16xf32>
        %mul3A_375 = vector.broadcast %squeeze3A_69 : f32 to vector<16xf32>
        %mul3A_376 = arith.mulf %mul3A_375, %bitcast3A_370 : vector<16xf32>
        %mul3A_377 = vector.broadcast %squeeze3A_69 : f32 to vector<16xf32>
        %mul3A_378 = arith.mulf %mul3A_377, %bitcast3A_374 : vector<16xf32>
        %shift_left3A_379 = arith.constant 16 : i32
        %shift_left3A_380 = vector.broadcast %shift_left3A_379 : i32 to vector<16xi32>
        %shift_left3A_381 = arith.shli %get3A_312, %shift_left3A_380 : vector<16xi32>
        %bitcast3A_382 = vector.bitcast %shift_left3A_381 : vector<16xi32> to vector<16xf32>
        %and3A_383 = arith.constant -65536 : i32
        %and3A_384 = vector.broadcast %and3A_383 : i32 to vector<16xi32>
        %and3A_385 = arith.andi %get3A_312, %and3A_384 : vector<16xi32>
        %bitcast3A_386 = vector.bitcast %and3A_385 : vector<16xi32> to vector<16xf32>
        %mul3A_387 = vector.broadcast %squeeze3A_71 : f32 to vector<16xf32>
        %mul3A_388 = arith.mulf %mul3A_387, %bitcast3A_382 : vector<16xf32>
        %mul3A_389 = vector.broadcast %squeeze3A_71 : f32 to vector<16xf32>
        %mul3A_390 = arith.mulf %mul3A_389, %bitcast3A_386 : vector<16xf32>
        %shift_left3A_391 = arith.constant 16 : i32
        %shift_left3A_392 = vector.broadcast %shift_left3A_391 : i32 to vector<16xi32>
        %shift_left3A_393 = arith.shli %get3A_319, %shift_left3A_392 : vector<16xi32>
        %bitcast3A_394 = vector.bitcast %shift_left3A_393 : vector<16xi32> to vector<16xf32>
        %and3A_395 = arith.constant -65536 : i32
        %and3A_396 = vector.broadcast %and3A_395 : i32 to vector<16xi32>
        %and3A_397 = arith.andi %get3A_319, %and3A_396 : vector<16xi32>
        %bitcast3A_398 = vector.bitcast %and3A_397 : vector<16xi32> to vector<16xf32>
        %mul3A_399 = vector.broadcast %squeeze3A_73 : f32 to vector<16xf32>
        %mul3A_400 = arith.mulf %mul3A_399, %bitcast3A_394 : vector<16xf32>
        %mul3A_401 = vector.broadcast %squeeze3A_73 : f32 to vector<16xf32>
        %mul3A_402 = arith.mulf %mul3A_401, %bitcast3A_398 : vector<16xf32>
        %shift_left3A_403 = arith.constant 16 : i32
        %shift_left3A_404 = vector.broadcast %shift_left3A_403 : i32 to vector<16xi32>
        %shift_left3A_405 = arith.shli %get3A_326, %shift_left3A_404 : vector<16xi32>
        %bitcast3A_406 = vector.bitcast %shift_left3A_405 : vector<16xi32> to vector<16xf32>
        %and3A_407 = arith.constant -65536 : i32
        %and3A_408 = vector.broadcast %and3A_407 : i32 to vector<16xi32>
        %and3A_409 = arith.andi %get3A_326, %and3A_408 : vector<16xi32>
        %bitcast3A_410 = vector.bitcast %and3A_409 : vector<16xi32> to vector<16xf32>
        %mul3A_411 = vector.broadcast %squeeze3A_75 : f32 to vector<16xf32>
        %mul3A_412 = arith.mulf %mul3A_411, %bitcast3A_406 : vector<16xf32>
        %mul3A_413 = vector.broadcast %squeeze3A_75 : f32 to vector<16xf32>
        %mul3A_414 = arith.mulf %mul3A_413, %bitcast3A_410 : vector<16xf32>
        %mul3A_415 = arith.constant 4 : i32
        %mul3A_416 = arith.muli %mul3A_415, %scan3A_60 : i32
        %add3A_417 = arith.constant 0 : i32
        %add3A_418 = arith.addi %mul3A_416, %add3A_417 : i32
        %get3A_419 = arith.index_cast %add3A_418 : i32 to index
        %get3A_420 = arith.constant 48 : index
        %get3A_421 = tpu.vector_load %arg19[%get3A_419, %get3A_420] {strides = array<i32>} : memref<16x128xi32, #tpu.memory_space<vmem>>, vector<16xi32>,
        %mul3A_422 = arith.constant 4 : i32
        %mul3A_423 = arith.muli %mul3A_422, %scan3A_60 : i32
        %add3A_424 = arith.constant 1 : i32
        %add3A_425 = arith.addi %mul3A_423, %add3A_424 : i32
        %get3A_426 = arith.index_cast %add3A_425 : i32 to index
        %get3A_427 = arith.constant 48 : index
        %get3A_428 = tpu.vector_load %arg19[%get3A_426, %get3A_427] {strides = array<i32>} : memref<16x128xi32, #tpu.memory_space<vmem>>, vector<16xi32>,
        %mul3A_429 = arith.constant 4 : i32
        %mul3A_430 = arith.muli %mul3A_429, %scan3A_60 : i32
        %add3A_431 = arith.constant 2 : i32
        %add3A_432 = arith.addi %mul3A_430, %add3A_431 : i32
        %get3A_433 = arith.index_cast %add3A_432 : i32 to index
        %get3A_434 = arith.constant 48 : index
        %get3A_435 = tpu.vector_load %arg19[%get3A_433, %get3A_434] {strides = array<i32>} : memref<16x128xi32, #tpu.memory_space<vmem>>, vector<16xi32>,
        %mul3A_436 = arith.constant 4 : i32
        %mul3A_437 = arith.muli %mul3A_436, %scan3A_60 : i32
        %add3A_438 = arith.constant 3 : i32
        %add3A_439 = arith.addi %mul3A_437, %add3A_438 : i32
        %get3A_440 = arith.index_cast %add3A_439 : i32 to index
        %get3A_441 = arith.constant 48 : index
        %get3A_442 = tpu.vector_load %arg19[%get3A_440, %get3A_441] {strides = array<i32>} : memref<16x128xi32, #tpu.memory_space<vmem>>, vector<16xi32>,
        %add3A_443 = arith.constant 32 : i32
        %add3A_444 = arith.addi %mul3A_104, %add3A_443 : i32
        %swap3A_445 = arith.index_cast %add3A_444 : i32 to index
        %swap3A_446 = tpu.vector_load %arg20[%swap3A_445] {strides = array<i32>} : memref<80128xf32, #tpu.memory_space<vmem>>, vector<16xf32>,
        tpu.vector_store %arg20[%swap3A_445], %mul3A_376 {add = true, strides = array<i32>} : memref<80128xf32, #tpu.memory_space<vmem>>, vector<16xf32>,
        %add3A_447 = arith.constant 128 : i32
        %add3A_448 = arith.addi %mul3A_104, %add3A_447 : i32
        %add3A_449 = arith.constant 32 : i32
        %add3A_450 = arith.addi %add3A_448, %add3A_449 : i32
        %swap3A_451 = arith.index_cast %add3A_450 : i32 to index
        %swap3A_452 = tpu.vector_load %arg20[%swap3A_451] {strides = array<i32>} : memref<80128xf32, #tpu.memory_space<vmem>>, vector<16xf32>,
        tpu.vector_store %arg20[%swap3A_451], %mul3A_378 {add = true, strides = array<i32>} : memref<80128xf32, #tpu.memory_space<vmem>>, vector<16xf32>,
        %add3A_453 = arith.constant 32 : i32
        %add3A_454 = arith.addi %mul3A_106, %add3A_453 : i32
        %swap3A_455 = arith.index_cast %add3A_454 : i32 to index
        %swap3A_456 = tpu.vector_load %arg20[%swap3A_455] {strides = array<i32>} : memref<80128xf32, #tpu.memory_space<vmem>>, vector<16xf32>,
        tpu.vector_store %arg20[%swap3A_455], %mul3A_388 {add = true, strides = array<i32>} : memref<80128xf32, #tpu.memory_space<vmem>>, vector<16xf32>,
        %add3A_457 = arith.constant 128 : i32
        %add3A_458 = arith.addi %mul3A_106, %add3A_457 : i32
        %add3A_459 = arith.constant 32 : i32
        %add3A_460 = arith.addi %add3A_458, %add3A_459 : i32
        %swap3A_461 = arith.index_cast %add3A_460 : i32 to index
        %swap3A_462 = tpu.vector_load %arg20[%swap3A_461] {strides = array<i32>} : memref<80128xf32, #tpu.memory_space<vmem>>, vector<16xf32>,
        tpu.vector_store %arg20[%swap3A_461], %mul3A_390 {add = true, strides = array<i32>} : memref<80128xf32, #tpu.memory_space<vmem>>, vector<16xf32>,
        %add3A_463 = arith.constant 32 : i32
        %add3A_464 = arith.addi %mul3A_108, %add3A_463 : i32
        %swap3A_465 = arith.index_cast %add3A_464 : i32 to index
        %swap3A_466 = tpu.vector_load %arg20[%swap3A_465] {strides = array<i32>} : memref<80128xf32, #tpu.memory_space<vmem>>, vector<16xf32>,
        tpu.vector_store %arg20[%swap3A_465], %mul3A_400 {add = true, strides = array<i32>} : memref<80128xf32, #tpu.memory_space<vmem>>, vector<16xf32>,
        %add3A_467 = arith.constant 128 : i32
        %add3A_468 = arith.addi %mul3A_108, %add3A_467 : i32
        %add3A_469 = arith.constant 32 : i32
        %add3A_470 = arith.addi %add3A_468, %add3A_469 : i32
        %swap3A_471 = arith.index_cast %add3A_470 : i32 to index
        %swap3A_472 = tpu.vector_load %arg20[%swap3A_471] {strides = array<i32>} : memref<80128xf32, #tpu.memory_space<vmem>>, vector<16xf32>,
        tpu.vector_store %arg20[%swap3A_471], %mul3A_402 {add = true, strides = array<i32>} : memref<80128xf32, #tpu.memory_space<vmem>>, vector<16xf32>,
        %add3A_473 = arith.constant 32 : i32
        %add3A_474 = arith.addi %mul3A_110, %add3A_473 : i32
        %swap3A_475 = arith.index_cast %add3A_474 : i32 to index
        %swap3A_476 = tpu.vector_load %arg20[%swap3A_475] {strides = array<i32>} : memref<80128xf32, #tpu.memory_space<vmem>>, vector<16xf32>,
        tpu.vector_store %arg20[%swap3A_475], %mul3A_412 {add = true, strides = array<i32>} : memref<80128xf32, #tpu.memory_space<vmem>>, vector<16xf32>,
        %add3A_477 = arith.constant 128 : i32
        %add3A_478 = arith.addi %mul3A_110, %add3A_477 : i32
        %add3A_479 = arith.constant 32 : i32
        %add3A_480 = arith.addi %add3A_478, %add3A_479 : i32
        %swap3A_481 = arith.index_cast %add3A_480 : i32 to index
        %swap3A_482 = tpu.vector_load %arg20[%swap3A_481] {strides = array<i32>} : memref<80128xf32, #tpu.memory_space<vmem>>, vector<16xf32>,
        tpu.vector_store %arg20[%swap3A_481], %mul3A_414 {add = true, strides = array<i32>} : memref<80128xf32, #tpu.memory_space<vmem>>, vector<16xf32>,
        %shift_left3A_483 = arith.constant 16 : i32
        %shift_left3A_484 = vector.broadcast %shift_left3A_483 : i32 to vector<16xi32>
        %shift_left3A_485 = arith.shli %get3A_421, %shift_left3A_484 : vector<16xi32>
        %bitcast3A_486 = vector.bitcast %shift_left3A_485 : vector<16xi32> to vector<16xf32>
        %and3A_487 = arith.constant -65536 : i32
        %and3A_488 = vector.broadcast %and3A_487 : i32 to vector<16xi32>
        %and3A_489 = arith.andi %get3A_421, %and3A_488 : vector<16xi32>
        %bitcast3A_490 = vector.bitcast %and3A_489 : vector<16xi32> to vector<16xf32>
        %mul3A_491 = vector.broadcast %squeeze3A_69 : f32 to vector<16xf32>
        %mul3A_492 = arith.mulf %mul3A_491, %bitcast3A_486 : vector<16xf32>
        %mul3A_493 = vector.broadcast %squeeze3A_69 : f32 to vector<16xf32>
        %mul3A_494 = arith.mulf %mul3A_493, %bitcast3A_490 : vector<16xf32>
        %shift_left3A_495 = arith.constant 16 : i32
        %shift_left3A_496 = vector.broadcast %shift_left3A_495 : i32 to vector<16xi32>
        %shift_left3A_497 = arith.shli %get3A_428, %shift_left3A_496 : vector<16xi32>
        %bitcast3A_498 = vector.bitcast %shift_left3A_497 : vector<16xi32> to vector<16xf32>
        %and3A_499 = arith.constant -65536 : i32
        %and3A_500 = vector.broadcast %and3A_499 : i32 to vector<16xi32>
        %and3A_501 = arith.andi %get3A_428, %and3A_500 : vector<16xi32>
        %bitcast3A_502 = vector.bitcast %and3A_501 : vector<16xi32> to vector<16xf32>
        %mul3A_503 = vector.broadcast %squeeze3A_71 : f32 to vector<16xf32>
        %mul3A_504 = arith.mulf %mul3A_503, %bitcast3A_498 : vector<16xf32>
        %mul3A_505 = vector.broadcast %squeeze3A_71 : f32 to vector<16xf32>
        %mul3A_506 = arith.mulf %mul3A_505, %bitcast3A_502 : vector<16xf32>
        %shift_left3A_507 = arith.constant 16 : i32
        %shift_left3A_508 = vector.broadcast %shift_left3A_507 : i32 to vector<16xi32>
        %shift_left3A_509 = arith.shli %get3A_435, %shift_left3A_508 : vector<16xi32>
        %bitcast3A_510 = vector.bitcast %shift_left3A_509 : vector<16xi32> to vector<16xf32>
        %and3A_511 = arith.constant -65536 : i32
        %and3A_512 = vector.broadcast %and3A_511 : i32 to vector<16xi32>
        %and3A_513 = arith.andi %get3A_435, %and3A_512 : vector<16xi32>
        %bitcast3A_514 = vector.bitcast %and3A_513 : vector<16xi32> to vector<16xf32>
        %mul3A_515 = vector.broadcast %squeeze3A_73 : f32 to vector<16xf32>
        %mul3A_516 = arith.mulf %mul3A_515, %bitcast3A_510 : vector<16xf32>
        %mul3A_517 = vector.broadcast %squeeze3A_73 : f32 to vector<16xf32>
        %mul3A_518 = arith.mulf %mul3A_517, %bitcast3A_514 : vector<16xf32>
        %shift_left3A_519 = arith.constant 16 : i32
        %shift_left3A_520 = vector.broadcast %shift_left3A_519 : i32 to vector<16xi32>
        %shift_left3A_521 = arith.shli %get3A_442, %shift_left3A_520 : vector<16xi32>
        %bitcast3A_522 = vector.bitcast %shift_left3A_521 : vector<16xi32> to vector<16xf32>
        %and3A_523 = arith.constant -65536 : i32
        %and3A_524 = vector.broadcast %and3A_523 : i32 to vector<16xi32>
        %and3A_525 = arith.andi %get3A_442, %and3A_524 : vector<16xi32>
        %bitcast3A_526 = vector.bitcast %and3A_525 : vector<16xi32> to vector<16xf32>
        %mul3A_527 = vector.broadcast %squeeze3A_75 : f32 to vector<16xf32>
        %mul3A_528 = arith.mulf %mul3A_527, %bitcast3A_522 : vector<16xf32>
        %mul3A_529 = vector.broadcast %squeeze3A_75 : f32 to vector<16xf32>
        %mul3A_530 = arith.mulf %mul3A_529, %bitcast3A_526 : vector<16xf32>
        %mul3A_531 = arith.constant 4 : i32
        %mul3A_532 = arith.muli %mul3A_531, %scan3A_60 : i32
        %add3A_533 = arith.constant 0 : i32
        %add3A_534 = arith.addi %mul3A_532, %add3A_533 : i32
        %get3A_535 = arith.index_cast %add3A_534 : i32 to index
        %get3A_536 = arith.constant 64 : index
        %get3A_537 = tpu.vector_load %arg19[%get3A_535, %get3A_536] {strides = array<i32>} : memref<16x128xi32, #tpu.memory_space<vmem>>, vector<16xi32>,
        %mul3A_538 = arith.constant 4 : i32
        %mul3A_539 = arith.muli %mul3A_538, %scan3A_60 : i32
        %add3A_540 = arith.constant 1 : i32
        %add3A_541 = arith.addi %mul3A_539, %add3A_540 : i32
        %get3A_542 = arith.index_cast %add3A_541 : i32 to index
        %get3A_543 = arith.constant 64 : index
        %get3A_544 = tpu.vector_load %arg19[%get3A_542, %get3A_543] {strides = array<i32>} : memref<16x128xi32, #tpu.memory_space<vmem>>, vector<16xi32>,
        %mul3A_545 = arith.constant 4 : i32
        %mul3A_546 = arith.muli %mul3A_545, %scan3A_60 : i32
        %add3A_547 = arith.constant 2 : i32
        %add3A_548 = arith.addi %mul3A_546, %add3A_547 : i32
        %get3A_549 = arith.index_cast %add3A_548 : i32 to index
        %get3A_550 = arith.constant 64 : index
        %get3A_551 = tpu.vector_load %arg19[%get3A_549, %get3A_550] {strides = array<i32>} : memref<16x128xi32, #tpu.memory_space<vmem>>, vector<16xi32>,
        %mul3A_552 = arith.constant 4 : i32
        %mul3A_553 = arith.muli %mul3A_552, %scan3A_60 : i32
        %add3A_554 = arith.constant 3 : i32
        %add3A_555 = arith.addi %mul3A_553, %add3A_554 : i32
        %get3A_556 = arith.index_cast %add3A_555 : i32 to index
        %get3A_557 = arith.constant 64 : index
        %get3A_558 = tpu.vector_load %arg19[%get3A_556, %get3A_557] {strides = array<i32>} : memref<16x128xi32, #tpu.memory_space<vmem>>, vector<16xi32>,
        %add3A_559 = arith.constant 48 : i32
        %add3A_560 = arith.addi %mul3A_104, %add3A_559 : i32
        %swap3A_561 = arith.index_cast %add3A_560 : i32 to index
        %swap3A_562 = tpu.vector_load %arg20[%swap3A_561] {strides = array<i32>} : memref<80128xf32, #tpu.memory_space<vmem>>, vector<16xf32>,
        tpu.vector_store %arg20[%swap3A_561], %mul3A_492 {add = true, strides = array<i32>} : memref<80128xf32, #tpu.memory_space<vmem>>, vector<16xf32>,
        %add3A_563 = arith.constant 128 : i32
        %add3A_564 = arith.addi %mul3A_104, %add3A_563 : i32
        %add3A_565 = arith.constant 48 : i32
        %add3A_566 = arith.addi %add3A_564, %add3A_565 : i32
        %swap3A_567 = arith.index_cast %add3A_566 : i32 to index
        %swap3A_568 = tpu.vector_load %arg20[%swap3A_567] {strides = array<i32>} : memref<80128xf32, #tpu.memory_space<vmem>>, vector<16xf32>,
        tpu.vector_store %arg20[%swap3A_567], %mul3A_494 {add = true, strides = array<i32>} : memref<80128xf32, #tpu.memory_space<vmem>>, vector<16xf32>,
        %add3A_569 = arith.constant 48 : i32
        %add3A_570 = arith.addi %mul3A_106, %add3A_569 : i32
        %swap3A_571 = arith.index_cast %add3A_570 : i32 to index
        %swap3A_572 = tpu.vector_load %arg20[%swap3A_571] {strides = array<i32>} : memref<80128xf32, #tpu.memory_space<vmem>>, vector<16xf32>,
        tpu.vector_store %arg20[%swap3A_571], %mul3A_504 {add = true, strides = array<i32>} : memref<80128xf32, #tpu.memory_space<vmem>>, vector<16xf32>,
        %add3A_573 = arith.constant 128 : i32
        %add3A_574 = arith.addi %mul3A_106, %add3A_573 : i32
        %add3A_575 = arith.constant 48 : i32
        %add3A_576 = arith.addi %add3A_574, %add3A_575 : i32
        %swap3A_577 = arith.index_cast %add3A_576 : i32 to index
        %swap3A_578 = tpu.vector_load %arg20[%swap3A_577] {strides = array<i32>} : memref<80128xf32, #tpu.memory_space<vmem>>, vector<16xf32>,
        tpu.vector_store %arg20[%swap3A_577], %mul3A_506 {add = true, strides = array<i32>} : memref<80128xf32, #tpu.memory_space<vmem>>, vector<16xf32>,
        %add3A_579 = arith.constant 48 : i32
        %add3A_580 = arith.addi %mul3A_108, %add3A_579 : i32
        %swap3A_581 = arith.index_cast %add3A_580 : i32 to index
        %swap3A_582 = tpu.vector_load %arg20[%swap3A_581] {strides = array<i32>} : memref<80128xf32, #tpu.memory_space<vmem>>, vector<16xf32>,
        tpu.vector_store %arg20[%swap3A_581], %mul3A_516 {add = true, strides = array<i32>} : memref<80128xf32, #tpu.memory_space<vmem>>, vector<16xf32>,
        %add3A_583 = arith.constant 128 : i32
        %add3A_584 = arith.addi %mul3A_108, %add3A_583 : i32
        %add3A_585 = arith.constant 48 : i32
        %add3A_586 = arith.addi %add3A_584, %add3A_585 : i32
        %swap3A_587 = arith.index_cast %add3A_586 : i32 to index
        %swap3A_588 = tpu.vector_load %arg20[%swap3A_587] {strides = array<i32>} : memref<80128xf32, #tpu.memory_space<vmem>>, vector<16xf32>,
        tpu.vector_store %arg20[%swap3A_587], %mul3A_518 {add = true, strides = array<i32>} : memref<80128xf32, #tpu.memory_space<vmem>>, vector<16xf32>,
        %add3A_589 = arith.constant 48 : i32
        %add3A_590 = arith.addi %mul3A_110, %add3A_589 : i32
        %swap3A_591 = arith.index_cast %add3A_590 : i32 to index
        %swap3A_592 = tpu.vector_load %arg20[%swap3A_591] {strides = array<i32>} : memref<80128xf32, #tpu.memory_space<vmem>>, vector<16xf32>,
        tpu.vector_store %arg20[%swap3A_591], %mul3A_528 {add = true, strides = array<i32>} : memref<80128xf32, #tpu.memory_space<vmem>>, vector<16xf32>,
        %add3A_593 = arith.constant 128 : i32
        %add3A_594 = arith.addi %mul3A_110, %add3A_593 : i32
        %add3A_595 = arith.constant 48 : i32
        %add3A_596 = arith.addi %add3A_594, %add3A_595 : i32
        %swap3A_597 = arith.index_cast %add3A_596 : i32 to index
        %swap3A_598 = tpu.vector_load %arg20[%swap3A_597] {strides = array<i32>} : memref<80128xf32, #tpu.memory_space<vmem>>, vector<16xf32>,
        tpu.vector_store %arg20[%swap3A_597], %mul3A_530 {add = true, strides = array<i32>} : memref<80128xf32, #tpu.memory_space<vmem>>, vector<16xf32>,
        %shift_left3A_599 = arith.constant 16 : i32
        %shift_left3A_600 = vector.broadcast %shift_left3A_599 : i32 to vector<16xi32>
        %shift_left3A_601 = arith.shli %get3A_537, %shift_left3A_600 : vector<16xi32>
        %bitcast3A_602 = vector.bitcast %shift_left3A_601 : vector<16xi32> to vector<16xf32>
        %and3A_603 = arith.constant -65536 : i32
        %and3A_604 = vector.broadcast %and3A_603 : i32 to vector<16xi32>
        %and3A_605 = arith.andi %get3A_537, %and3A_604 : vector<16xi32>
        %bitcast3A_606 = vector.bitcast %and3A_605 : vector<16xi32> to vector<16xf32>
        %mul3A_607 = vector.broadcast %squeeze3A_69 : f32 to vector<16xf32>
        %mul3A_608 = arith.mulf %mul3A_607, %bitcast3A_602 : vector<16xf32>
        %mul3A_609 = vector.broadcast %squeeze3A_69 : f32 to vector<16xf32>
        %mul3A_610 = arith.mulf %mul3A_609, %bitcast3A_606 : vector<16xf32>
        %shift_left3A_611 = arith.constant 16 : i32
        %shift_left3A_612 = vector.broadcast %shift_left3A_611 : i32 to vector<16xi32>
        %shift_left3A_613 = arith.shli %get3A_544, %shift_left3A_612 : vector<16xi32>
        %bitcast3A_614 = vector.bitcast %shift_left3A_613 : vector<16xi32> to vector<16xf32>
        %and3A_615 = arith.constant -65536 : i32
        %and3A_616 = vector.broadcast %and3A_615 : i32 to vector<16xi32>
        %and3A_617 = arith.andi %get3A_544, %and3A_616 : vector<16xi32>
        %bitcast3A_618 = vector.bitcast %and3A_617 : vector<16xi32> to vector<16xf32>
        %mul3A_619 = vector.broadcast %squeeze3A_71 : f32 to vector<16xf32>
        %mul3A_620 = arith.mulf %mul3A_619, %bitcast3A_614 : vector<16xf32>
        %mul3A_621 = vector.broadcast %squeeze3A_71 : f32 to vector<16xf32>
        %mul3A_622 = arith.mulf %mul3A_621, %bitcast3A_618 : vector<16xf32>
        %shift_left3A_623 = arith.constant 16 : i32
        %shift_left3A_624 = vector.broadcast %shift_left3A_623 : i32 to vector<16xi32>
        %shift_left3A_625 = arith.shli %get3A_551, %shift_left3A_624 : vector<16xi32>
        %bitcast3A_626 = vector.bitcast %shift_left3A_625 : vector<16xi32> to vector<16xf32>
        %and3A_627 = arith.constant -65536 : i32
        %and3A_628 = vector.broadcast %and3A_627 : i32 to vector<16xi32>
        %and3A_629 = arith.andi %get3A_551, %and3A_628 : vector<16xi32>
        %bitcast3A_630 = vector.bitcast %and3A_629 : vector<16xi32> to vector<16xf32>
        %mul3A_631 = vector.broadcast %squeeze3A_73 : f32 to vector<16xf32>
        %mul3A_632 = arith.mulf %mul3A_631, %bitcast3A_626 : vector<16xf32>
        %mul3A_633 = vector.broadcast %squeeze3A_73 : f32 to vector<16xf32>
        %mul3A_634 = arith.mulf %mul3A_633, %bitcast3A_630 : vector<16xf32>
        %shift_left3A_635 = arith.constant 16 : i32
        %shift_left3A_636 = vector.broadcast %shift_left3A_635 : i32 to vector<16xi32>
        %shift_left3A_637 = arith.shli %get3A_558, %shift_left3A_636 : vector<16xi32>
        %bitcast3A_638 = vector.bitcast %shift_left3A_637 : vector<16xi32> to vector<16xf32>
        %and3A_639 = arith.constant -65536 : i32
        %and3A_640 = vector.broadcast %and3A_639 : i32 to vector<16xi32>
        %and3A_641 = arith.andi %get3A_558, %and3A_640 : vector<16xi32>
        %bitcast3A_642 = vector.bitcast %and3A_641 : vector<16xi32> to vector<16xf32>
        %mul3A_643 = vector.broadcast %squeeze3A_75 : f32 to vector<16xf32>
        %mul3A_644 = arith.mulf %mul3A_643, %bitcast3A_638 : vector<16xf32>
        %mul3A_645 = vector.broadcast %squeeze3A_75 : f32 to vector<16xf32>
        %mul3A_646 = arith.mulf %mul3A_645, %bitcast3A_642 : vector<16xf32>
        %mul3A_647 = arith.constant 4 : i32
        %mul3A_648 = arith.muli %mul3A_647, %scan3A_60 : i32
        %add3A_649 = arith.constant 0 : i32
        %add3A_650 = arith.addi %mul3A_648, %add3A_649 : i32
        %get3A_651 = arith.index_cast %add3A_650 : i32 to index
        %get3A_652 = arith.constant 80 : index
        %get3A_653 = tpu.vector_load %arg19[%get3A_651, %get3A_652] {strides = array<i32>} : memref<16x128xi32, #tpu.memory_space<vmem>>, vector<16xi32>,
        %mul3A_654 = arith.constant 4 : i32
        %mul3A_655 = arith.muli %mul3A_654, %scan3A_60 : i32
        %add3A_656 = arith.constant 1 : i32
        %add3A_657 = arith.addi %mul3A_655, %add3A_656 : i32
        %get3A_658 = arith.index_cast %add3A_657 : i32 to index
        %get3A_659 = arith.constant 80 : index
        %get3A_660 = tpu.vector_load %arg19[%get3A_658, %get3A_659] {strides = array<i32>} : memref<16x128xi32, #tpu.memory_space<vmem>>, vector<16xi32>,
        %mul3A_661 = arith.constant 4 : i32
        %mul3A_662 = arith.muli %mul3A_661, %scan3A_60 : i32
        %add3A_663 = arith.constant 2 : i32
        %add3A_664 = arith.addi %mul3A_662, %add3A_663 : i32
        %get3A_665 = arith.index_cast %add3A_664 : i32 to index
        %get3A_666 = arith.constant 80 : index
        %get3A_667 = tpu.vector_load %arg19[%get3A_665, %get3A_666] {strides = array<i32>} : memref<16x128xi32, #tpu.memory_space<vmem>>, vector<16xi32>,
        %mul3A_668 = arith.constant 4 : i32
        %mul3A_669 = arith.muli %mul3A_668, %scan3A_60 : i32
        %add3A_670 = arith.constant 3 : i32
        %add3A_671 = arith.addi %mul3A_669, %add3A_670 : i32
        %get3A_672 = arith.index_cast %add3A_671 : i32 to index
        %get3A_673 = arith.constant 80 : index
        %get3A_674 = tpu.vector_load %arg19[%get3A_672, %get3A_673] {strides = array<i32>} : memref<16x128xi32, #tpu.memory_space<vmem>>, vector<16xi32>,
        %add3A_675 = arith.constant 64 : i32
        %add3A_676 = arith.addi %mul3A_104, %add3A_675 : i32
        %swap3A_677 = arith.index_cast %add3A_676 : i32 to index
        %swap3A_678 = tpu.vector_load %arg20[%swap3A_677] {strides = array<i32>} : memref<80128xf32, #tpu.memory_space<vmem>>, vector<16xf32>,
        tpu.vector_store %arg20[%swap3A_677], %mul3A_608 {add = true, strides = array<i32>} : memref<80128xf32, #tpu.memory_space<vmem>>, vector<16xf32>,
        %add3A_679 = arith.constant 128 : i32
        %add3A_680 = arith.addi %mul3A_104, %add3A_679 : i32
        %add3A_681 = arith.constant 64 : i32
        %add3A_682 = arith.addi %add3A_680, %add3A_681 : i32
        %swap3A_683 = arith.index_cast %add3A_682 : i32 to index
        %swap3A_684 = tpu.vector_load %arg20[%swap3A_683] {strides = array<i32>} : memref<80128xf32, #tpu.memory_space<vmem>>, vector<16xf32>,
        tpu.vector_store %arg20[%swap3A_683], %mul3A_610 {add = true, strides = array<i32>} : memref<80128xf32, #tpu.memory_space<vmem>>, vector<16xf32>,
        %add3A_685 = arith.constant 64 : i32
        %add3A_686 = arith.addi %mul3A_106, %add3A_685 : i32
        %swap3A_687 = arith.index_cast %add3A_686 : i32 to index
        %swap3A_688 = tpu.vector_load %arg20[%swap3A_687] {strides = array<i32>} : memref<80128xf32, #tpu.memory_space<vmem>>, vector<16xf32>,
        tpu.vector_store %arg20[%swap3A_687], %mul3A_620 {add = true, strides = array<i32>} : memref<80128xf32, #tpu.memory_space<vmem>>, vector<16xf32>,
        %add3A_689 = arith.constant 128 : i32
        %add3A_690 = arith.addi %mul3A_106, %add3A_689 : i32
        %add3A_691 = arith.constant 64 : i32
        %add3A_692 = arith.addi %add3A_690, %add3A_691 : i32
        %swap3A_693 = arith.index_cast %add3A_692 : i32 to index
        %swap3A_694 = tpu.vector_load %arg20[%swap3A_693] {strides = array<i32>} : memref<80128xf32, #tpu.memory_space<vmem>>, vector<16xf32>,
        tpu.vector_store %arg20[%swap3A_693], %mul3A_622 {add = true, strides = array<i32>} : memref<80128xf32, #tpu.memory_space<vmem>>, vector<16xf32>,
        %add3A_695 = arith.constant 64 : i32
        %add3A_696 = arith.addi %mul3A_108, %add3A_695 : i32
        %swap3A_697 = arith.index_cast %add3A_696 : i32 to index
        %swap3A_698 = tpu.vector_load %arg20[%swap3A_697] {strides = array<i32>} : memref<80128xf32, #tpu.memory_space<vmem>>, vector<16xf32>,
        tpu.vector_store %arg20[%swap3A_697], %mul3A_632 {add = true, strides = array<i32>} : memref<80128xf32, #tpu.memory_space<vmem>>, vector<16xf32>,
        %add3A_699 = arith.constant 128 : i32
        %add3A_700 = arith.addi %mul3A_108, %add3A_699 : i32
        %add3A_701 = arith.constant 64 : i32
        %add3A_702 = arith.addi %add3A_700, %add3A_701 : i32
        %swap3A_703 = arith.index_cast %add3A_702 : i32 to index
        %swap3A_704 = tpu.vector_load %arg20[%swap3A_703] {strides = array<i32>} : memref<80128xf32, #tpu.memory_space<vmem>>, vector<16xf32>,
        tpu.vector_store %arg20[%swap3A_703], %mul3A_634 {add = true, strides = array<i32>} : memref<80128xf32, #tpu.memory_space<vmem>>, vector<16xf32>,
        %add3A_705 = arith.constant 64 : i32
        %add3A_706 = arith.addi %mul3A_110, %add3A_705 : i32
        %swap3A_707 = arith.index_cast %add3A_706 : i32 to index
        %swap3A_708 = tpu.vector_load %arg20[%swap3A_707] {strides = array<i32>} : memref<80128xf32, #tpu.memory_space<vmem>>, vector<16xf32>,
        tpu.vector_store %arg20[%swap3A_707], %mul3A_644 {add = true, strides = array<i32>} : memref<80128xf32, #tpu.memory_space<vmem>>, vector<16xf32>,
        %add3A_709 = arith.constant 128 : i32
        %add3A_710 = arith.addi %mul3A_110, %add3A_709 : i32
        %add3A_711 = arith.constant 64 : i32
        %add3A_712 = arith.addi %add3A_710, %add3A_711 : i32
        %swap3A_713 = arith.index_cast %add3A_712 : i32 to index
        %swap3A_714 = tpu.vector_load %arg20[%swap3A_713] {strides = array<i32>} : memref<80128xf32, #tpu.memory_space<vmem>>, vector<16xf32>,
        tpu.vector_store %arg20[%swap3A_713], %mul3A_646 {add = true, strides = array<i32>} : memref<80128xf32, #tpu.memory_space<vmem>>, vector<16xf32>,
        %shift_left3A_715 = arith.constant 16 : i32
        %shift_left3A_716 = vector.broadcast %shift_left3A_715 : i32 to vector<16xi32>
        %shift_left3A_717 = arith.shli %get3A_653, %shift_left3A_716 : vector<16xi32>
        %bitcast3A_718 = vector.bitcast %shift_left3A_717 : vector<16xi32> to vector<16xf32>
        %and3A_719 = arith.constant -65536 : i32
        %and3A_720 = vector.broadcast %and3A_719 : i32 to vector<16xi32>
        %and3A_721 = arith.andi %get3A_653, %and3A_720 : vector<16xi32>
        %bitcast3A_722 = vector.bitcast %and3A_721 : vector<16xi32> to vector<16xf32>
        %mul3A_723 = vector.broadcast %squeeze3A_69 : f32 to vector<16xf32>
        %mul3A_724 = arith.mulf %mul3A_723, %bitcast3A_718 : vector<16xf32>
        %mul3A_725 = vector.broadcast %squeeze3A_69 : f32 to vector<16xf32>
        %mul3A_726 = arith.mulf %mul3A_725, %bitcast3A_722 : vector<16xf32>
        %shift_left3A_727 = arith.constant 16 : i32
        %shift_left3A_728 = vector.broadcast %shift_left3A_727 : i32 to vector<16xi32>
        %shift_left3A_729 = arith.shli %get3A_660, %shift_left3A_728 : vector<16xi32>
        %bitcast3A_730 = vector.bitcast %shift_left3A_729 : vector<16xi32> to vector<16xf32>
        %and3A_731 = arith.constant -65536 : i32
        %and3A_732 = vector.broadcast %and3A_731 : i32 to vector<16xi32>
        %and3A_733 = arith.andi %get3A_660, %and3A_732 : vector<16xi32>
        %bitcast3A_734 = vector.bitcast %and3A_733 : vector<16xi32> to vector<16xf32>
        %mul3A_735 = vector.broadcast %squeeze3A_71 : f32 to vector<16xf32>
        %mul3A_736 = arith.mulf %mul3A_735, %bitcast3A_730 : vector<16xf32>
        %mul3A_737 = vector.broadcast %squeeze3A_71 : f32 to vector<16xf32>
        %mul3A_738 = arith.mulf %mul3A_737, %bitcast3A_734 : vector<16xf32>
        %shift_left3A_739 = arith.constant 16 : i32
        %shift_left3A_740 = vector.broadcast %shift_left3A_739 : i32 to vector<16xi32>
        %shift_left3A_741 = arith.shli %get3A_667, %shift_left3A_740 : vector<16xi32>
        %bitcast3A_742 = vector.bitcast %shift_left3A_741 : vector<16xi32> to vector<16xf32>
        %and3A_743 = arith.constant -65536 : i32
        %and3A_744 = vector.broadcast %and3A_743 : i32 to vector<16xi32>
        %and3A_745 = arith.andi %get3A_667, %and3A_744 : vector<16xi32>
        %bitcast3A_746 = vector.bitcast %and3A_745 : vector<16xi32> to vector<16xf32>
        %mul3A_747 = vector.broadcast %squeeze3A_73 : f32 to vector<16xf32>
        %mul3A_748 = arith.mulf %mul3A_747, %bitcast3A_742 : vector<16xf32>
        %mul3A_749 = vector.broadcast %squeeze3A_73 : f32 to vector<16xf32>
        %mul3A_750 = arith.mulf %mul3A_749, %bitcast3A_746 : vector<16xf32>
        %shift_left3A_751 = arith.constant 16 : i32
        %shift_left3A_752 = vector.broadcast %shift_left3A_751 : i32 to vector<16xi32>
        %shift_left3A_753 = arith.shli %get3A_674, %shift_left3A_752 : vector<16xi32>
        %bitcast3A_754 = vector.bitcast %shift_left3A_753 : vector<16xi32> to vector<16xf32>
        %and3A_755 = arith.constant -65536 : i32
        %and3A_756 = vector.broadcast %and3A_755 : i32 to vector<16xi32>
        %and3A_757 = arith.andi %get3A_674, %and3A_756 : vector<16xi32>
        %bitcast3A_758 = vector.bitcast %and3A_757 : vector<16xi32> to vector<16xf32>
        %mul3A_759 = vector.broadcast %squeeze3A_75 : f32 to vector<16xf32>
        %mul3A_760 = arith.mulf %mul3A_759, %bitcast3A_754 : vector<16xf32>
        %mul3A_761 = vector.broadcast %squeeze3A_75 : f32 to vector<16xf32>
        %mul3A_762 = arith.mulf %mul3A_761, %bitcast3A_758 : vector<16xf32>
        %mul3A_763 = arith.constant 4 : i32
        %mul3A_764 = arith.muli %mul3A_763, %scan3A_60 : i32
        %add3A_765 = arith.constant 0 : i32
        %add3A_766 = arith.addi %mul3A_764, %add3A_765 : i32
        %get3A_767 = arith.index_cast %add3A_766 : i32 to index
        %get3A_768 = arith.constant 96 : index
        %get3A_769 = tpu.vector_load %arg19[%get3A_767, %get3A_768] {strides = array<i32>} : memref<16x128xi32, #tpu.memory_space<vmem>>, vector<16xi32>,
        %mul3A_770 = arith.constant 4 : i32
        %mul3A_771 = arith.muli %mul3A_770, %scan3A_60 : i32
        %add3A_772 = arith.constant 1 : i32
        %add3A_773 = arith.addi %mul3A_771, %add3A_772 : i32
        %get3A_774 = arith.index_cast %add3A_773 : i32 to index
        %get3A_775 = arith.constant 96 : index
        %get3A_776 = tpu.vector_load %arg19[%get3A_774, %get3A_775] {strides = array<i32>} : memref<16x128xi32, #tpu.memory_space<vmem>>, vector<16xi32>,
        %mul3A_777 = arith.constant 4 : i32
        %mul3A_778 = arith.muli %mul3A_777, %scan3A_60 : i32
        %add3A_779 = arith.constant 2 : i32
        %add3A_780 = arith.addi %mul3A_778, %add3A_779 : i32
        %get3A_781 = arith.index_cast %add3A_780 : i32 to index
        %get3A_782 = arith.constant 96 : index
        %get3A_783 = tpu.vector_load %arg19[%get3A_781, %get3A_782] {strides = array<i32>} : memref<16x128xi32, #tpu.memory_space<vmem>>, vector<16xi32>,
        %mul3A_784 = arith.constant 4 : i32
        %mul3A_785 = arith.muli %mul3A_784, %scan3A_60 : i32
        %add3A_786 = arith.constant 3 : i32
        %add3A_787 = arith.addi %mul3A_785, %add3A_786 : i32
        %get3A_788 = arith.index_cast %add3A_787 : i32 to index
        %get3A_789 = arith.constant 96 : index
        %get3A_790 = tpu.vector_load %arg19[%get3A_788, %get3A_789] {strides = array<i32>} : memref<16x128xi32, #tpu.memory_space<vmem>>, vector<16xi32>,
        %add3A_791 = arith.constant 80 : i32
        %add3A_792 = arith.addi %mul3A_104, %add3A_791 : i32
        %swap3A_793 = arith.index_cast %add3A_792 : i32 to index
        %swap3A_794 = tpu.vector_load %arg20[%swap3A_793] {strides = array<i32>} : memref<80128xf32, #tpu.memory_space<vmem>>, vector<16xf32>,
        tpu.vector_store %arg20[%swap3A_793], %mul3A_724 {add = true, strides = array<i32>} : memref<80128xf32, #tpu.memory_space<vmem>>, vector<16xf32>,
        %add3A_795 = arith.constant 128 : i32
        %add3A_796 = arith.addi %mul3A_104, %add3A_795 : i32
        %add3A_797 = arith.constant 80 : i32
        %add3A_798 = arith.addi %add3A_796, %add3A_797 : i32
        %swap3A_799 = arith.index_cast %add3A_798 : i32 to index
        %swap3A_800 = tpu.vector_load %arg20[%swap3A_799] {strides = array<i32>} : memref<80128xf32, #tpu.memory_space<vmem>>, vector<16xf32>,
        tpu.vector_store %arg20[%swap3A_799], %mul3A_726 {add = true, strides = array<i32>} : memref<80128xf32, #tpu.memory_space<vmem>>, vector<16xf32>,
        %add3A_801 = arith.constant 80 : i32
        %add3A_802 = arith.addi %mul3A_106, %add3A_801 : i32
        %swap3A_803 = arith.index_cast %add3A_802 : i32 to index
        %swap3A_804 = tpu.vector_load %arg20[%swap3A_803] {strides = array<i32>} : memref<80128xf32, #tpu.memory_space<vmem>>, vector<16xf32>,
        tpu.vector_store %arg20[%swap3A_803], %mul3A_736 {add = true, strides = array<i32>} : memref<80128xf32, #tpu.memory_space<vmem>>, vector<16xf32>,
        %add3A_805 = arith.constant 128 : i32
        %add3A_806 = arith.addi %mul3A_106, %add3A_805 : i32
        %add3A_807 = arith.constant 80 : i32
        %add3A_808 = arith.addi %add3A_806, %add3A_807 : i32
        %swap3A_809 = arith.index_cast %add3A_808 : i32 to index
        %swap3A_810 = tpu.vector_load %arg20[%swap3A_809] {strides = array<i32>} : memref<80128xf32, #tpu.memory_space<vmem>>, vector<16xf32>,
        tpu.vector_store %arg20[%swap3A_809], %mul3A_738 {add = true, strides = array<i32>} : memref<80128xf32, #tpu.memory_space<vmem>>, vector<16xf32>,
        %add3A_811 = arith.constant 80 : i32
        %add3A_812 = arith.addi %mul3A_108, %add3A_811 : i32
        %swap3A_813 = arith.index_cast %add3A_812 : i32 to index
        %swap3A_814 = tpu.vector_load %arg20[%swap3A_813] {strides = array<i32>} : memref<80128xf32, #tpu.memory_space<vmem>>, vector<16xf32>,
        tpu.vector_store %arg20[%swap3A_813], %mul3A_748 {add = true, strides = array<i32>} : memref<80128xf32, #tpu.memory_space<vmem>>, vector<16xf32>,
        %add3A_815 = arith.constant 128 : i32
        %add3A_816 = arith.addi %mul3A_108, %add3A_815 : i32
        %add3A_817 = arith.constant 80 : i32
        %add3A_818 = arith.addi %add3A_816, %add3A_817 : i32
        %swap3A_819 = arith.index_cast %add3A_818 : i32 to index
        %swap3A_820 = tpu.vector_load %arg20[%swap3A_819] {strides = array<i32>} : memref<80128xf32, #tpu.memory_space<vmem>>, vector<16xf32>,
        tpu.vector_store %arg20[%swap3A_819], %mul3A_750 {add = true, strides = array<i32>} : memref<80128xf32, #tpu.memory_space<vmem>>, vector<16xf32>,
        %add3A_821 = arith.constant 80 : i32
        %add3A_822 = arith.addi %mul3A_110, %add3A_821 : i32
        %swap3A_823 = arith.index_cast %add3A_822 : i32 to index
        %swap3A_824 = tpu.vector_load %arg20[%swap3A_823] {strides = array<i32>} : memref<80128xf32, #tpu.memory_space<vmem>>, vector<16xf32>,
        tpu.vector_store %arg20[%swap3A_823], %mul3A_760 {add = true, strides = array<i32>} : memref<80128xf32, #tpu.memory_space<vmem>>, vector<16xf32>,
        %add3A_825 = arith.constant 128 : i32
        %add3A_826 = arith.addi %mul3A_110, %add3A_825 : i32
        %add3A_827 = arith.constant 80 : i32
        %add3A_828 = arith.addi %add3A_826, %add3A_827 : i32
        %swap3A_829 = arith.index_cast %add3A_828 : i32 to index
        %swap3A_830 = tpu.vector_load %arg20[%swap3A_829] {strides = array<i32>} : memref<80128xf32, #tpu.memory_space<vmem>>, vector<16xf32>,
        tpu.vector_store %arg20[%swap3A_829], %mul3A_762 {add = true, strides = array<i32>} : memref<80128xf32, #tpu.memory_space<vmem>>, vector<16xf32>,
        %shift_left3A_831 = arith.constant 16 : i32
        %shift_left3A_832 = vector.broadcast %shift_left3A_831 : i32 to vector<16xi32>
        %shift_left3A_833 = arith.shli %get3A_769, %shift_left3A_832 : vector<16xi32>
        %bitcast3A_834 = vector.bitcast %shift_left3A_833 : vector<16xi32> to vector<16xf32>
        %and3A_835 = arith.constant -65536 : i32
        %and3A_836 = vector.broadcast %and3A_835 : i32 to vector<16xi32>
        %and3A_837 = arith.andi %get3A_769, %and3A_836 : vector<16xi32>
        %bitcast3A_838 = vector.bitcast %and3A_837 : vector<16xi32> to vector<16xf32>
        %mul3A_839 = vector.broadcast %squeeze3A_69 : f32 to vector<16xf32>
        %mul3A_840 = arith.mulf %mul3A_839, %bitcast3A_834 : vector<16xf32>
        %mul3A_841 = vector.broadcast %squeeze3A_69 : f32 to vector<16xf32>
        %mul3A_842 = arith.mulf %mul3A_841, %bitcast3A_838 : vector<16xf32>
        %shift_left3A_843 = arith.constant 16 : i32
        %shift_left3A_844 = vector.broadcast %shift_left3A_843 : i32 to vector<16xi32>
        %shift_left3A_845 = arith.shli %get3A_776, %shift_left3A_844 : vector<16xi32>
        %bitcast3A_846 = vector.bitcast %shift_left3A_845 : vector<16xi32> to vector<16xf32>
        %and3A_847 = arith.constant -65536 : i32
        %and3A_848 = vector.broadcast %and3A_847 : i32 to vector<16xi32>
        %and3A_849 = arith.andi %get3A_776, %and3A_848 : vector<16xi32>
        %bitcast3A_850 = vector.bitcast %and3A_849 : vector<16xi32> to vector<16xf32>
        %mul3A_851 = vector.broadcast %squeeze3A_71 : f32 to vector<16xf32>
        %mul3A_852 = arith.mulf %mul3A_851, %bitcast3A_846 : vector<16xf32>
        %mul3A_853 = vector.broadcast %squeeze3A_71 : f32 to vector<16xf32>
        %mul3A_854 = arith.mulf %mul3A_853, %bitcast3A_850 : vector<16xf32>
        %shift_left3A_855 = arith.constant 16 : i32
        %shift_left3A_856 = vector.broadcast %shift_left3A_855 : i32 to vector<16xi32>
        %shift_left3A_857 = arith.shli %get3A_783, %shift_left3A_856 : vector<16xi32>
        %bitcast3A_858 = vector.bitcast %shift_left3A_857 : vector<16xi32> to vector<16xf32>
        %and3A_859 = arith.constant -65536 : i32
        %and3A_860 = vector.broadcast %and3A_859 : i32 to vector<16xi32>
        %and3A_861 = arith.andi %get3A_783, %and3A_860 : vector<16xi32>
        %bitcast3A_862 = vector.bitcast %and3A_861 : vector<16xi32> to vector<16xf32>
        %mul3A_863 = vector.broadcast %squeeze3A_73 : f32 to vector<16xf32>
        %mul3A_864 = arith.mulf %mul3A_863, %bitcast3A_858 : vector<16xf32>
        %mul3A_865 = vector.broadcast %squeeze3A_73 : f32 to vector<16xf32>
        %mul3A_866 = arith.mulf %mul3A_865, %bitcast3A_862 : vector<16xf32>
        %shift_left3A_867 = arith.constant 16 : i32
        %shift_left3A_868 = vector.broadcast %shift_left3A_867 : i32 to vector<16xi32>
        %shift_left3A_869 = arith.shli %get3A_790, %shift_left3A_868 : vector<16xi32>
        %bitcast3A_870 = vector.bitcast %shift_left3A_869 : vector<16xi32> to vector<16xf32>
        %and3A_871 = arith.constant -65536 : i32
        %and3A_872 = vector.broadcast %and3A_871 : i32 to vector<16xi32>
        %and3A_873 = arith.andi %get3A_790, %and3A_872 : vector<16xi32>
        %bitcast3A_874 = vector.bitcast %and3A_873 : vector<16xi32> to vector<16xf32>
        %mul3A_875 = vector.broadcast %squeeze3A_75 : f32 to vector<16xf32>
        %mul3A_876 = arith.mulf %mul3A_875, %bitcast3A_870 : vector<16xf32>
        %mul3A_877 = vector.broadcast %squeeze3A_75 : f32 to vector<16xf32>
        %mul3A_878 = arith.mulf %mul3A_877, %bitcast3A_874 : vector<16xf32>
        %mul3A_879 = arith.constant 4 : i32
        %mul3A_880 = arith.muli %mul3A_879, %scan3A_60 : i32
        %add3A_881 = arith.constant 0 : i32
        %add3A_882 = arith.addi %mul3A_880, %add3A_881 : i32
        %get3A_883 = arith.index_cast %add3A_882 : i32 to index
        %get3A_884 = arith.constant 112 : index
        %get3A_885 = tpu.vector_load %arg19[%get3A_883, %get3A_884] {strides = array<i32>} : memref<16x128xi32, #tpu.memory_space<vmem>>, vector<16xi32>,
        %mul3A_886 = arith.constant 4 : i32
        %mul3A_887 = arith.muli %mul3A_886, %scan3A_60 : i32
        %add3A_888 = arith.constant 1 : i32
        %add3A_889 = arith.addi %mul3A_887, %add3A_888 : i32
        %get3A_890 = arith.index_cast %add3A_889 : i32 to index
        %get3A_891 = arith.constant 112 : index
        %get3A_892 = tpu.vector_load %arg19[%get3A_890, %get3A_891] {strides = array<i32>} : memref<16x128xi32, #tpu.memory_space<vmem>>, vector<16xi32>,
        %mul3A_893 = arith.constant 4 : i32
        %mul3A_894 = arith.muli %mul3A_893, %scan3A_60 : i32
        %add3A_895 = arith.constant 2 : i32
        %add3A_896 = arith.addi %mul3A_894, %add3A_895 : i32
        %get3A_897 = arith.index_cast %add3A_896 : i32 to index
        %get3A_898 = arith.constant 112 : index
        %get3A_899 = tpu.vector_load %arg19[%get3A_897, %get3A_898] {strides = array<i32>} : memref<16x128xi32, #tpu.memory_space<vmem>>, vector<16xi32>,
        %mul3A_900 = arith.constant 4 : i32
        %mul3A_901 = arith.muli %mul3A_900, %scan3A_60 : i32
        %add3A_902 = arith.constant 3 : i32
        %add3A_903 = arith.addi %mul3A_901, %add3A_902 : i32
        %get3A_904 = arith.index_cast %add3A_903 : i32 to index
        %get3A_905 = arith.constant 112 : index
        %get3A_906 = tpu.vector_load %arg19[%get3A_904, %get3A_905] {strides = array<i32>} : memref<16x128xi32, #tpu.memory_space<vmem>>, vector<16xi32>,
        %add3A_907 = arith.constant 96 : i32
        %add3A_908 = arith.addi %mul3A_104, %add3A_907 : i32
        %swap3A_909 = arith.index_cast %add3A_908 : i32 to index
        %swap3A_910 = tpu.vector_load %arg20[%swap3A_909] {strides = array<i32>} : memref<80128xf32, #tpu.memory_space<vmem>>, vector<16xf32>,
        tpu.vector_store %arg20[%swap3A_909], %mul3A_840 {add = true, strides = array<i32>} : memref<80128xf32, #tpu.memory_space<vmem>>, vector<16xf32>,
        %add3A_911 = arith.constant 128 : i32
        %add3A_912 = arith.addi %mul3A_104, %add3A_911 : i32
        %add3A_913 = arith.constant 96 : i32
        %add3A_914 = arith.addi %add3A_912, %add3A_913 : i32
        %swap3A_915 = arith.index_cast %add3A_914 : i32 to index
        %swap3A_916 = tpu.vector_load %arg20[%swap3A_915] {strides = array<i32>} : memref<80128xf32, #tpu.memory_space<vmem>>, vector<16xf32>,
        tpu.vector_store %arg20[%swap3A_915], %mul3A_842 {add = true, strides = array<i32>} : memref<80128xf32, #tpu.memory_space<vmem>>, vector<16xf32>,
        %add3A_917 = arith.constant 96 : i32
        %add3A_918 = arith.addi %mul3A_106, %add3A_917 : i32
        %swap3A_919 = arith.index_cast %add3A_918 : i32 to index
        %swap3A_920 = tpu.vector_load %arg20[%swap3A_919] {strides = array<i32>} : memref<80128xf32, #tpu.memory_space<vmem>>, vector<16xf32>,
        tpu.vector_store %arg20[%swap3A_919], %mul3A_852 {add = true, strides = array<i32>} : memref<80128xf32, #tpu.memory_space<vmem>>, vector<16xf32>,
        %add3A_921 = arith.constant 128 : i32
        %add3A_922 = arith.addi %mul3A_106, %add3A_921 : i32
        %add3A_923 = arith.constant 96 : i32
        %add3A_924 = arith.addi %add3A_922, %add3A_923 : i32
        %swap3A_925 = arith.index_cast %add3A_924 : i32 to index
        %swap3A_926 = tpu.vector_load %arg20[%swap3A_925] {strides = array<i32>} : memref<80128xf32, #tpu.memory_space<vmem>>, vector<16xf32>,
        tpu.vector_store %arg20[%swap3A_925], %mul3A_854 {add = true, strides = array<i32>} : memref<80128xf32, #tpu.memory_space<vmem>>, vector<16xf32>,
        %add3A_927 = arith.constant 96 : i32
        %add3A_928 = arith.addi %mul3A_108, %add3A_927 : i32
        %swap3A_929 = arith.index_cast %add3A_928 : i32 to index
        %swap3A_930 = tpu.vector_load %arg20[%swap3A_929] {strides = array<i32>} : memref<80128xf32, #tpu.memory_space<vmem>>, vector<16xf32>,
        tpu.vector_store %arg20[%swap3A_929], %mul3A_864 {add = true, strides = array<i32>} : memref<80128xf32, #tpu.memory_space<vmem>>, vector<16xf32>,
        %add3A_931 = arith.constant 128 : i32
        %add3A_932 = arith.addi %mul3A_108, %add3A_931 : i32
        %add3A_933 = arith.constant 96 : i32
        %add3A_934 = arith.addi %add3A_932, %add3A_933 : i32
        %swap3A_935 = arith.index_cast %add3A_934 : i32 to index
        %swap3A_936 = tpu.vector_load %arg20[%swap3A_935] {strides = array<i32>} : memref<80128xf32, #tpu.memory_space<vmem>>, vector<16xf32>,
        tpu.vector_store %arg20[%swap3A_935], %mul3A_866 {add = true, strides = array<i32>} : memref<80128xf32, #tpu.memory_space<vmem>>, vector<16xf32>,
        %add3A_937 = arith.constant 96 : i32
        %add3A_938 = arith.addi %mul3A_110, %add3A_937 : i32
        %swap3A_939 = arith.index_cast %add3A_938 : i32 to index
        %swap3A_940 = tpu.vector_load %arg20[%swap3A_939] {strides = array<i32>} : memref<80128xf32, #tpu.memory_space<vmem>>, vector<16xf32>,
        tpu.vector_store %arg20[%swap3A_939], %mul3A_876 {add = true, strides = array<i32>} : memref<80128xf32, #tpu.memory_space<vmem>>, vector<16xf32>,
        %add3A_941 = arith.constant 128 : i32
        %add3A_942 = arith.addi %mul3A_110, %add3A_941 : i32
        %add3A_943 = arith.constant 96 : i32
        %add3A_944 = arith.addi %add3A_942, %add3A_943 : i32
        %swap3A_945 = arith.index_cast %add3A_944 : i32 to index
        %swap3A_946 = tpu.vector_load %arg20[%swap3A_945] {strides = array<i32>} : memref<80128xf32, #tpu.memory_space<vmem>>, vector<16xf32>,
        tpu.vector_store %arg20[%swap3A_945], %mul3A_878 {add = true, strides = array<i32>} : memref<80128xf32, #tpu.memory_space<vmem>>, vector<16xf32>,
        %shift_left3A_947 = arith.constant 16 : i32
        %shift_left3A_948 = vector.broadcast %shift_left3A_947 : i32 to vector<16xi32>
        %shift_left3A_949 = arith.shli %get3A_885, %shift_left3A_948 : vector<16xi32>
        %bitcast3A_950 = vector.bitcast %shift_left3A_949 : vector<16xi32> to vector<16xf32>
        %and3A_951 = arith.constant -65536 : i32
        %and3A_952 = vector.broadcast %and3A_951 : i32 to vector<16xi32>
        %and3A_953 = arith.andi %get3A_885, %and3A_952 : vector<16xi32>
        %bitcast3A_954 = vector.bitcast %and3A_953 : vector<16xi32> to vector<16xf32>
        %mul3A_955 = vector.broadcast %squeeze3A_69 : f32 to vector<16xf32>
        %mul3A_956 = arith.mulf %mul3A_955, %bitcast3A_950 : vector<16xf32>
        %mul3A_957 = vector.broadcast %squeeze3A_69 : f32 to vector<16xf32>
        %mul3A_958 = arith.mulf %mul3A_957, %bitcast3A_954 : vector<16xf32>
        %shift_left3A_959 = arith.constant 16 : i32
        %shift_left3A_960 = vector.broadcast %shift_left3A_959 : i32 to vector<16xi32>
        %shift_left3A_961 = arith.shli %get3A_892, %shift_left3A_960 : vector<16xi32>
        %bitcast3A_962 = vector.bitcast %shift_left3A_961 : vector<16xi32> to vector<16xf32>
        %and3A_963 = arith.constant -65536 : i32
        %and3A_964 = vector.broadcast %and3A_963 : i32 to vector<16xi32>
        %and3A_965 = arith.andi %get3A_892, %and3A_964 : vector<16xi32>
        %bitcast3A_966 = vector.bitcast %and3A_965 : vector<16xi32> to vector<16xf32>
        %mul3A_967 = vector.broadcast %squeeze3A_71 : f32 to vector<16xf32>
        %mul3A_968 = arith.mulf %mul3A_967, %bitcast3A_962 : vector<16xf32>
        %mul3A_969 = vector.broadcast %squeeze3A_71 : f32 to vector<16xf32>
        %mul3A_970 = arith.mulf %mul3A_969, %bitcast3A_966 : vector<16xf32>
        %shift_left3A_971 = arith.constant 16 : i32
        %shift_left3A_972 = vector.broadcast %shift_left3A_971 : i32 to vector<16xi32>
        %shift_left3A_973 = arith.shli %get3A_899, %shift_left3A_972 : vector<16xi32>
        %bitcast3A_974 = vector.bitcast %shift_left3A_973 : vector<16xi32> to vector<16xf32>
        %and3A_975 = arith.constant -65536 : i32
        %and3A_976 = vector.broadcast %and3A_975 : i32 to vector<16xi32>
        %and3A_977 = arith.andi %get3A_899, %and3A_976 : vector<16xi32>
        %bitcast3A_978 = vector.bitcast %and3A_977 : vector<16xi32> to vector<16xf32>
        %mul3A_979 = vector.broadcast %squeeze3A_73 : f32 to vector<16xf32>
        %mul3A_980 = arith.mulf %mul3A_979, %bitcast3A_974 : vector<16xf32>
        %mul3A_981 = vector.broadcast %squeeze3A_73 : f32 to vector<16xf32>
        %mul3A_982 = arith.mulf %mul3A_981, %bitcast3A_978 : vector<16xf32>
        %shift_left3A_983 = arith.constant 16 : i32
        %shift_left3A_984 = vector.broadcast %shift_left3A_983 : i32 to vector<16xi32>
        %shift_left3A_985 = arith.shli %get3A_906, %shift_left3A_984 : vector<16xi32>
        %bitcast3A_986 = vector.bitcast %shift_left3A_985 : vector<16xi32> to vector<16xf32>
        %and3A_987 = arith.constant -65536 : i32
        %and3A_988 = vector.broadcast %and3A_987 : i32 to vector<16xi32>
        %and3A_989 = arith.andi %get3A_906, %and3A_988 : vector<16xi32>
        %bitcast3A_990 = vector.bitcast %and3A_989 : vector<16xi32> to vector<16xf32>
        %mul3A_991 = vector.broadcast %squeeze3A_75 : f32 to vector<16xf32>
        %mul3A_992 = arith.mulf %mul3A_991, %bitcast3A_986 : vector<16xf32>
        %mul3A_993 = vector.broadcast %squeeze3A_75 : f32 to vector<16xf32>
        %mul3A_994 = arith.mulf %mul3A_993, %bitcast3A_990 : vector<16xf32>
        %add3A_995 = arith.constant 112 : i32
        %add3A_996 = arith.addi %mul3A_104, %add3A_995 : i32
        %swap3A_997 = arith.index_cast %add3A_996 : i32 to index
        %swap3A_998 = tpu.vector_load %arg20[%swap3A_997] {strides = array<i32>} : memref<80128xf32, #tpu.memory_space<vmem>>, vector<16xf32>,
        tpu.vector_store %arg20[%swap3A_997], %mul3A_956 {add = true, strides = array<i32>} : memref<80128xf32, #tpu.memory_space<vmem>>, vector<16xf32>,
        %add3A_999 = arith.constant 128 : i32
        %add3A_1000 = arith.addi %mul3A_104, %add3A_999 : i32
        %add3A_1001 = arith.constant 112 : i32
        %add3A_1002 = arith.addi %add3A_1000, %add3A_1001 : i32
        %swap3A_1003 = arith.index_cast %add3A_1002 : i32 to index
        %swap3A_1004 = tpu.vector_load %arg20[%swap3A_1003] {strides = array<i32>} : memref<80128xf32, #tpu.memory_space<vmem>>, vector<16xf32>,
        tpu.vector_store %arg20[%swap3A_1003], %mul3A_958 {add = true, strides = array<i32>} : memref<80128xf32, #tpu.memory_space<vmem>>, vector<16xf32>,
        %add3A_1005 = arith.constant 112 : i32
        %add3A_1006 = arith.addi %mul3A_106, %add3A_1005 : i32
        %swap3A_1007 = arith.index_cast %add3A_1006 : i32 to index
        %swap3A_1008 = tpu.vector_load %arg20[%swap3A_1007] {strides = array<i32>} : memref<80128xf32, #tpu.memory_space<vmem>>, vector<16xf32>,
        tpu.vector_store %arg20[%swap3A_1007], %mul3A_968 {add = true, strides = array<i32>} : memref<80128xf32, #tpu.memory_space<vmem>>, vector<16xf32>,
        %add3A_1009 = arith.constant 128 : i32
        %add3A_1010 = arith.addi %mul3A_106, %add3A_1009 : i32
        %add3A_1011 = arith.constant 112 : i32
        %add3A_1012 = arith.addi %add3A_1010, %add3A_1011 : i32
        %swap3A_1013 = arith.index_cast %add3A_1012 : i32 to index
        %swap3A_1014 = tpu.vector_load %arg20[%swap3A_1013] {strides = array<i32>} : memref<80128xf32, #tpu.memory_space<vmem>>, vector<16xf32>,
        tpu.vector_store %arg20[%swap3A_1013], %mul3A_970 {add = true, strides = array<i32>} : memref<80128xf32, #tpu.memory_space<vmem>>, vector<16xf32>,
        %add3A_1015 = arith.constant 112 : i32
        %add3A_1016 = arith.addi %mul3A_108, %add3A_1015 : i32
        %swap3A_1017 = arith.index_cast %add3A_1016 : i32 to index
        %swap3A_1018 = tpu.vector_load %arg20[%swap3A_1017] {strides = array<i32>} : memref<80128xf32, #tpu.memory_space<vmem>>, vector<16xf32>,
        tpu.vector_store %arg20[%swap3A_1017], %mul3A_980 {add = true, strides = array<i32>} : memref<80128xf32, #tpu.memory_space<vmem>>, vector<16xf32>,
        %add3A_1019 = arith.constant 128 : i32
        %add3A_1020 = arith.addi %mul3A_108, %add3A_1019 : i32
        %add3A_1021 = arith.constant 112 : i32
        %add3A_1022 = arith.addi %add3A_1020, %add3A_1021 : i32
        %swap3A_1023 = arith.index_cast %add3A_1022 : i32 to index
        %swap3A_1024 = tpu.vector_load %arg20[%swap3A_1023] {strides = array<i32>} : memref<80128xf32, #tpu.memory_space<vmem>>, vector<16xf32>,
        tpu.vector_store %arg20[%swap3A_1023], %mul3A_982 {add = true, strides = array<i32>} : memref<80128xf32, #tpu.memory_space<vmem>>, vector<16xf32>,
        %add3A_1025 = arith.constant 112 : i32
        %add3A_1026 = arith.addi %mul3A_110, %add3A_1025 : i32
        %swap3A_1027 = arith.index_cast %add3A_1026 : i32 to index
        %swap3A_1028 = tpu.vector_load %arg20[%swap3A_1027] {strides = array<i32>} : memref<80128xf32, #tpu.memory_space<vmem>>, vector<16xf32>,
        tpu.vector_store %arg20[%swap3A_1027], %mul3A_992 {add = true, strides = array<i32>} : memref<80128xf32, #tpu.memory_space<vmem>>, vector<16xf32>,
        %add3A_1029 = arith.constant 128 : i32
        %add3A_1030 = arith.addi %mul3A_110, %add3A_1029 : i32
        %add3A_1031 = arith.constant 112 : i32
        %add3A_1032 = arith.addi %add3A_1030, %add3A_1031 : i32
        %swap3A_1033 = arith.index_cast %add3A_1032 : i32 to index
        %swap3A_1034 = tpu.vector_load %arg20[%swap3A_1033] {strides = array<i32>} : memref<80128xf32, #tpu.memory_space<vmem>>, vector<16xf32>,
        tpu.vector_store %arg20[%swap3A_1033], %mul3A_994 {add = true, strides = array<i32>} : memref<80128xf32, #tpu.memory_space<vmem>>, vector<16xf32>,
      }
      %scan3A_59 = arith.constant 4 : i32
    }
    %scan3A_27 = arith.constant 20 : i32
    %scan3A_28 = arith.constant 0 : i32
    %scan3A_29 = arith.constant 0 : i32
    %scan3A_30 = arith.constant 80 : i32
    %scan3A_31 = arith.addi %scan3A_29, %scan3A_30 : i32
    %scan3A_32 = arith.constant 1 : i32
    scf.for %scan3A_42 = %scan3A_29 to %scan3A_31 step %scan3A_32  : i32 {
      %mul3A_43 = arith.constant 4000 : i32
      %mul3A_44 = arith.muli %scan3A_42, %mul3A_43 : i32
      %dma_start3A = tpu.memref_slice %arg5[%mul3A_44] : memref<320000xi32, #tpu.memory_space<hbm>> -> memref<4000xi32, #tpu.memory_space<hbm>>
      %dma_start3A_45 = tpu.memref_slice %arg5[%mul3A_44] : memref<320000xi32, #tpu.memory_space<hbm>> -> memref<4000xi32, #tpu.memory_space<hbm>>
      tpu.enqueue_dma source(%dma_start3A_45 : memref<4000xi32, #tpu.memory_space<hbm>>) target(%arg14 : memref<4000xi32, #tpu.memory_space<vmem>>) target_semaphore(%arg22 : memref<!tpu.dma_semaphore, #tpu.memory_space<semaphore_mem>>)
      %dma_start3A_46 = tpu.memref_slice %arg6[%mul3A_44] : memref<320000xi32, #tpu.memory_space<hbm>> -> memref<4000xi32, #tpu.memory_space<hbm>>
      %dma_start3A_47 = tpu.memref_slice %arg6[%mul3A_44] : memref<320000xi32, #tpu.memory_space<hbm>> -> memref<4000xi32, #tpu.memory_space<hbm>>
      tpu.enqueue_dma source(%dma_start3A_47 : memref<4000xi32, #tpu.memory_space<hbm>>) target(%arg15 : memref<4000xi32, #tpu.memory_space<vmem>>) target_semaphore(%arg23 : memref<!tpu.dma_semaphore, #tpu.memory_space<semaphore_mem>>)
      %dma_wait3A = arith.constant 0 : i32
      %dma_wait3A_48 = tpu.memref_slice %arg5[%dma_wait3A] : memref<320000xi32, #tpu.memory_space<hbm>> -> memref<4000xi32, #tpu.memory_space<hbm>>
      %dma_wait3A_49 = arith.constant 0 : i32
      %dma_wait3A_50 = tpu.memref_slice %arg5[%dma_wait3A_49] : memref<320000xi32, #tpu.memory_space<hbm>> -> memref<4000xi32, #tpu.memory_space<hbm>>
      tpu.wait_dma2 semaphore(%arg22 : memref<!tpu.dma_semaphore, #tpu.memory_space<semaphore_mem>>) src(%dma_wait3A_50 : memref<4000xi32, #tpu.memory_space<hbm>>) dst(%arg14 : memref<4000xi32, #tpu.memory_space<vmem>>)
      %dma_wait3A_51 = arith.constant 0 : i32
      %dma_wait3A_52 = tpu.memref_slice %arg6[%dma_wait3A_51] : memref<320000xi32, #tpu.memory_space<hbm>> -> memref<4000xi32, #tpu.memory_space<hbm>>
      %dma_wait3A_53 = arith.constant 0 : i32
      %dma_wait3A_54 = tpu.memref_slice %arg6[%dma_wait3A_53] : memref<320000xi32, #tpu.memory_space<hbm>> -> memref<4000xi32, #tpu.memory_space<hbm>>
      tpu.wait_dma2 semaphore(%arg23 : memref<!tpu.dma_semaphore, #tpu.memory_space<semaphore_mem>>) src(%dma_wait3A_54 : memref<4000xi32, #tpu.memory_space<hbm>>) dst(%arg15 : memref<4000xi32, #tpu.memory_space<vmem>>)
      %scan3A_55 = arith.constant 0 : i32
      %scan3A_56 = arith.constant 0 : i32
      %scan3A_57 = arith.constant 250 : i32
      %scan3A_58 = arith.addi %scan3A_56, %scan3A_57 : i32
      %scan3A_59 = arith.constant 2 : i32
      %scan3A_60 = scf.for %scan3A_131 = %scan3A_56 to %scan3A_58 step %scan3A_59 iter_args(%scan3A_132 = %scan3A_55) -> (i32)  : i32 {
        %mul3A_133 = arith.constant 16 : i32
        %mul3A_134 = arith.muli %scan3A_131, %mul3A_133 : i32
        %get3A_135 = arith.index_cast %mul3A_134 : i32 to index
        %get3A_136 = tpu.vector_load %arg15[%get3A_135] {strides = array<i32>} : memref<4000xi32, #tpu.memory_space<vmem>>, vector<16xi32>,
        %mul3A_137 = arith.constant 16 : i32
        %mul3A_138 = arith.muli %scan3A_131, %mul3A_137 : i32
        %get3A_139 = arith.index_cast %mul3A_138 : i32 to index
        %get3A_140 = tpu.vector_load %arg14[%get3A_139] {strides = array<i32>} : memref<4000xi32, #tpu.memory_space<vmem>>, vector<16xi32>,
        %sub3A_141 = vector.broadcast %mul3A_2 : i32 to vector<16xi32>
        %sub3A_142 = arith.subi %get3A_136, %sub3A_141 : vector<16xi32>
        %ge3A = arith.constant 0 : i32
        %ge3A_143 = vector.broadcast %ge3A : i32 to vector<16xi32>
        %ge3A_144 = arith.cmpi sge, %sub3A_142, %ge3A_143 : vector<16xi32>
        %lt3A = arith.constant 313 : i32
        %lt3A_145 = vector.broadcast %lt3A : i32 to vector<16xi32>
        %lt3A_146 = arith.cmpi slt, %sub3A_142, %lt3A_145 : vector<16xi32>
        %and3A_147 = arith.andi %ge3A_144, %lt3A_146 : vector<16xi1>
        %swap3A = arith.index_cast %scan3A_132 : i32 to index
        %swap3A_148 = tpu.vector_load %arg16[%swap3A] masked %and3A_147 {strides = array<i32>} : memref<4032xi32, #tpu.memory_space<vmem>>, vector<16xi32>, vector<16xi1>
        tpu.vector_store %arg16[%swap3A], %get3A_140 masked %and3A_147 {strides = array<i32>} : memref<4032xi32, #tpu.memory_space<vmem>>, vector<16xi32>, vector<16xi1>
        %swap3A_149 = arith.index_cast %scan3A_132 : i32 to index
        %swap3A_150 = tpu.vector_load %arg17[%swap3A_149] masked %and3A_147 {strides = array<i32>} : memref<4032xi32, #tpu.memory_space<vmem>>, vector<16xi32>, vector<16xi1>
        tpu.vector_store %arg17[%swap3A_149], %sub3A_142 masked %and3A_147 {strides = array<i32>} : memref<4032xi32, #tpu.memory_space<vmem>>, vector<16xi32>, vector<16xi1>
        %all_reduce_population_count3A = tpu.all_reduce %and3A_147 {dim = 0 : i64, kind = #tpu.reduction_kind<sum>} : vector<16xi1> -> vector<16xi32>
        %slice3A_151 = vector.extract_strided_slice %all_reduce_population_count3A {offsets = [0], sizes = [1], strides = [1]} : vector<16xi32> to vector<1xi32>
        %squeeze3A_152 = vector.extract %slice3A_151[0] : i32 from vector<1xi32>
        %add3A_153 = arith.addi %scan3A_132, %squeeze3A_152 : i32
        %scan3A_154 = arith.constant 1 : i32
        %scan3A_155 = arith.addi %scan3A_131, %scan3A_154 : i32
        %mul3A_156 = arith.constant 16 : i32
        %mul3A_157 = arith.muli %scan3A_155, %mul3A_156 : i32
        %get3A_158 = arith.index_cast %mul3A_157 : i32 to index
        %get3A_159 = tpu.vector_load %arg15[%get3A_158] {strides = array<i32>} : memref<4000xi32, #tpu.memory_space<vmem>>, vector<16xi32>,
        %mul3A_160 = arith.constant 16 : i32
        %mul3A_161 = arith.muli %scan3A_155, %mul3A_160 : i32
        %get3A_162 = arith.index_cast %mul3A_161 : i32 to index
        %get3A_163 = tpu.vector_load %arg14[%get3A_162] {strides = array<i32>} : memref<4000xi32, #tpu.memory_space<vmem>>, vector<16xi32>,
        %sub3A_164 = vector.broadcast %mul3A_2 : i32 to vector<16xi32>
        %sub3A_165 = arith.subi %get3A_159, %sub3A_164 : vector<16xi32>
        %ge3A_166 = arith.constant 0 : i32
        %ge3A_167 = vector.broadcast %ge3A_166 : i32 to vector<16xi32>
        %ge3A_168 = arith.cmpi sge, %sub3A_165, %ge3A_167 : vector<16xi32>
        %lt3A_169 = arith.constant 313 : i32
        %lt3A_170 = vector.broadcast %lt3A_169 : i32 to vector<16xi32>
        %lt3A_171 = arith.cmpi slt, %sub3A_165, %lt3A_170 : vector<16xi32>
        %and3A_172 = arith.andi %ge3A_168, %lt3A_171 : vector<16xi1>
        %swap3A_173 = arith.index_cast %add3A_153 : i32 to index
        %swap3A_174 = tpu.vector_load %arg16[%swap3A_173] masked %and3A_172 {strides = array<i32>} : memref<4032xi32, #tpu.memory_space<vmem>>, vector<16xi32>, vector<16xi1>
        tpu.vector_store %arg16[%swap3A_173], %get3A_163 masked %and3A_172 {strides = array<i32>} : memref<4032xi32, #tpu.memory_space<vmem>>, vector<16xi32>, vector<16xi1>
        %swap3A_175 = arith.index_cast %add3A_153 : i32 to index
        %swap3A_176 = tpu.vector_load %arg17[%swap3A_175] masked %and3A_172 {strides = array<i32>} : memref<4032xi32, #tpu.memory_space<vmem>>, vector<16xi32>, vector<16xi1>
        tpu.vector_store %arg17[%swap3A_175], %sub3A_165 masked %and3A_172 {strides = array<i32>} : memref<4032xi32, #tpu.memory_space<vmem>>, vector<16xi32>, vector<16xi1>
        %all_reduce_population_count3A_177 = tpu.all_reduce %and3A_172 {dim = 0 : i64, kind = #tpu.reduction_kind<sum>} : vector<16xi1> -> vector<16xi32>
        %slice3A_178 = vector.extract_strided_slice %all_reduce_population_count3A_177 {offsets = [0], sizes = [1], strides = [1]} : vector<16xi32> to vector<1xi32>
        %squeeze3A_179 = vector.extract %slice3A_178[0] : i32 from vector<1xi32>
        %add3A_180 = arith.addi %add3A_153, %squeeze3A_179 : i32
        scf.yield %add3A_180 : i32
      }
      %scan3A_61 = arith.constant 250 : i32
      %add3A_62 = arith.constant 16 : i32
      %add3A_63 = arith.addi %scan3A_60, %add3A_62 : i32
      %sub3A = arith.constant 1 : i32
      %sub3A_64 = arith.subi %add3A_63, %sub3A : i32
      %jit3A = arith.constant 16 : i32
      %div3A = arith.divsi %sub3A_64, %jit3A : i32
      %sign3A = arith.constant 0 : i32
      %sign3A_65 = arith.cmpi sgt, %sub3A_64, %sign3A : i32
      %sign3A_66 = arith.extui %sign3A_65 : i1 to i32
      %sign3A_67 = arith.constant 0 : i32
      %sign3A_68 = arith.cmpi slt, %sub3A_64, %sign3A_67 : i32
      %sign3A_69 = arith.extui %sign3A_68 : i1 to i32
      %sign3A_70 = arith.subi %sign3A_66, %sign3A_69 : i32
      %sign3A_71 = arith.constant 0 : i32
      %sign3A_72 = arith.cmpi sgt, %jit3A, %sign3A_71 : i32
      %sign3A_73 = arith.extui %sign3A_72 : i1 to i32
      %sign3A_74 = arith.constant 0 : i32
      %sign3A_75 = arith.cmpi slt, %jit3A, %sign3A_74 : i32
      %sign3A_76 = arith.extui %sign3A_75 : i1 to i32
      %sign3A_77 = arith.subi %sign3A_73, %sign3A_76 : i32
      %ne3A = arith.cmpi ne, %sign3A_70, %sign3A_77 : i32
      %rem3A = arith.remsi %sub3A_64, %jit3A : i32
      %ne3A_78 = arith.constant 0 : i32
      %ne3A_79 = arith.cmpi ne, %rem3A, %ne3A_78 : i32
      %and3A = arith.andi %ne3A, %ne3A_79 : i1
      %sub3A_80 = arith.constant 1 : i32
      %sub3A_81 = arith.subi %div3A, %sub3A_80 : i32
      %select_n3A = arith.select %and3A, %sub3A_81, %div3A : i32
      %mul3A_82 = arith.constant 1 : i32
      %mul3A_83 = arith.muli %select_n3A, %mul3A_82 : i32
      %while3A = arith.constant 0 : i32
      %while3A_84 = arith.constant 0 : i32
      %while3A_85 = arith.subi %mul3A_83, %while3A_84 : i32
      %while3A_86 = arith.addi %while3A_84, %while3A_85 : i32
      %while3A_87 = arith.constant 1 : i32
      %while3A_88 = arith.divsi %while3A_85, %while3A_87 : i32
      %while3A_89 = arith.muli %while3A_88, %while3A_87 : i32
      %while3A_90 = arith.addi %while3A_84, %while3A_89 : i32
      %while3A_91 = arith.constant 1 : i32
      scf.for %while3A_131 = %while3A_84 to %while3A_90 step %while3A_91  : i32 {
        %mul3A_132 = arith.constant 16 : i32
        %mul3A_133 = arith.muli %while3A_131, %mul3A_132 : i32
        %add3A_134 = vector.broadcast %mul3A_133 : i32 to vector<16xi32>
        %add3A_135 = arith.addi %add3A_134, %iota3A : vector<16xi32>
        %lt3A = vector.broadcast %scan3A_60 : i32 to vector<16xi32>
        %lt3A_136 = arith.cmpi slt, %add3A_135, %lt3A : vector<16xi32>
        %get3A_137 = arith.index_cast %mul3A_133 : i32 to index
        %get3A_138 = tpu.vector_load %arg16[%get3A_137] {strides = array<i32>} : memref<4032xi32, #tpu.memory_space<vmem>>, vector<16xi32>,
        %jit3A_139 = arith.constant 0 : i32
        %broadcast_in_dim3A_140 = vector.broadcast %jit3A_139 : i32 to vector<16xi32>
        %select_n3A_141 = arith.select %lt3A_136, %get3A_138, %broadcast_in_dim3A_140 : vector<16xi1>, vector<16xi32>
        %get3A_142 = arith.index_cast %mul3A_133 : i32 to index
        %get3A_143 = tpu.vector_load %arg17[%get3A_142] {strides = array<i32>} : memref<4032xi32, #tpu.memory_space<vmem>>, vector<16xi32>,
        %jit3A_144 = arith.constant 0 : i32
        %broadcast_in_dim3A_145 = vector.broadcast %jit3A_144 : i32 to vector<16xi32>
        %select_n3A_146 = arith.select %lt3A_136, %get3A_143, %broadcast_in_dim3A_145 : vector<16xi1>, vector<16xi32>
        %gather3A = tpu.vector_load_idx %arg10[%select_n3A_141] : memref<10016xf32, #tpu.memory_space<vmem>>[vector<16xi32>], vector<16xf32>,
        %add3A_147 = vector.broadcast %mul3A_2 : i32 to vector<16xi32>
        %add3A_148 = arith.addi %select_n3A_146, %add3A_147 : vector<16xi32>
        %gather3A_149 = tpu.vector_load_idx %arg11[%add3A_148] : memref<10016xf32, #tpu.memory_space<vmem>>[vector<16xi32>], vector<16xf32>,
        %add3A_150 = arith.addf %gather3A, %gather3A_149 : vector<16xf32>
        %ge3A = arith.constant 0.000000e+00 : f32
        %ge3A_151 = vector.broadcast %ge3A : f32 to vector<16xf32>
        %ge3A_152 = arith.cmpf oge, %add3A_150, %ge3A_151 : vector<16xf32>
        %mul3A_153 = arith.constant 2.000000e-01 : f32
        %mul3A_154 = vector.broadcast %mul3A_153 : f32 to vector<16xf32>
        %mul3A_155 = arith.mulf %mul3A_154, %add3A_150 : vector<16xf32>
        %select_n3A_156 = arith.select %ge3A_152, %add3A_150, %mul3A_155 : vector<16xi1>, vector<16xf32>
        %sub3A_157 = vector.broadcast %squeeze3A : f32 to vector<16xf32>
        %sub3A_158 = arith.subf %select_n3A_156, %sub3A_157 : vector<16xf32>
        %exp3A = math.exp %sub3A_158 : vector<16xf32>
        %jit3A_159 = arith.constant 0.000000e+00 : f32
        %broadcast_in_dim3A_160 = vector.broadcast %jit3A_159 : f32 to vector<16xf32>
        %select_n3A_161 = arith.select %lt3A_136, %exp3A, %broadcast_in_dim3A_160 : vector<16xi1>, vector<16xf32>
        %swap3A = arith.index_cast %mul3A_133 : i32 to index
        %swap3A_162 = tpu.vector_load %arg16[%swap3A] {strides = array<i32>} : memref<4032xi32, #tpu.memory_space<vmem>>, vector<16xi32>,
        tpu.vector_store %arg16[%swap3A], %select_n3A_141 {strides = array<i32>} : memref<4032xi32, #tpu.memory_space<vmem>>, vector<16xi32>,
        %swap3A_163 = arith.index_cast %mul3A_133 : i32 to index
        %swap3A_164 = tpu.vector_load %arg17[%swap3A_163] {strides = array<i32>} : memref<4032xi32, #tpu.memory_space<vmem>>, vector<16xi32>,
        tpu.vector_store %arg17[%swap3A_163], %select_n3A_146 {strides = array<i32>} : memref<4032xi32, #tpu.memory_space<vmem>>, vector<16xi32>,
        %swap3A_165 = arith.index_cast %mul3A_133 : i32 to index
        %swap3A_166 = tpu.vector_load %arg18[%swap3A_165] {strides = array<i32>} : memref<4032xf32, #tpu.memory_space<vmem>>, vector<16xf32>,
        tpu.vector_store %arg18[%swap3A_165], %select_n3A_161 {strides = array<i32>} : memref<4032xf32, #tpu.memory_space<vmem>>, vector<16xf32>,
      }
      %while3A_92 = arith.constant 1 : i32
      scf.for %while3A_131 = %while3A_90 to %while3A_86 step %while3A_92  : i32 {
        %mul3A_132 = arith.constant 16 : i32
        %mul3A_133 = arith.muli %while3A_131, %mul3A_132 : i32
        %add3A_134 = vector.broadcast %mul3A_133 : i32 to vector<16xi32>
        %add3A_135 = arith.addi %add3A_134, %iota3A : vector<16xi32>
        %lt3A = vector.broadcast %scan3A_60 : i32 to vector<16xi32>
        %lt3A_136 = arith.cmpi slt, %add3A_135, %lt3A : vector<16xi32>
        %get3A_137 = arith.index_cast %mul3A_133 : i32 to index
        %get3A_138 = tpu.vector_load %arg16[%get3A_137] {strides = array<i32>} : memref<4032xi32, #tpu.memory_space<vmem>>, vector<16xi32>,
        %jit3A_139 = arith.constant 0 : i32
        %broadcast_in_dim3A_140 = vector.broadcast %jit3A_139 : i32 to vector<16xi32>
        %select_n3A_141 = arith.select %lt3A_136, %get3A_138, %broadcast_in_dim3A_140 : vector<16xi1>, vector<16xi32>
        %get3A_142 = arith.index_cast %mul3A_133 : i32 to index
        %get3A_143 = tpu.vector_load %arg17[%get3A_142] {strides = array<i32>} : memref<4032xi32, #tpu.memory_space<vmem>>, vector<16xi32>,
        %jit3A_144 = arith.constant 0 : i32
        %broadcast_in_dim3A_145 = vector.broadcast %jit3A_144 : i32 to vector<16xi32>
        %select_n3A_146 = arith.select %lt3A_136, %get3A_143, %broadcast_in_dim3A_145 : vector<16xi1>, vector<16xi32>
        %gather3A = tpu.vector_load_idx %arg10[%select_n3A_141] : memref<10016xf32, #tpu.memory_space<vmem>>[vector<16xi32>], vector<16xf32>,
        %add3A_147 = vector.broadcast %mul3A_2 : i32 to vector<16xi32>
        %add3A_148 = arith.addi %select_n3A_146, %add3A_147 : vector<16xi32>
        %gather3A_149 = tpu.vector_load_idx %arg11[%add3A_148] : memref<10016xf32, #tpu.memory_space<vmem>>[vector<16xi32>], vector<16xf32>,
        %add3A_150 = arith.addf %gather3A, %gather3A_149 : vector<16xf32>
        %ge3A = arith.constant 0.000000e+00 : f32
        %ge3A_151 = vector.broadcast %ge3A : f32 to vector<16xf32>
        %ge3A_152 = arith.cmpf oge, %add3A_150, %ge3A_151 : vector<16xf32>
        %mul3A_153 = arith.constant 2.000000e-01 : f32
        %mul3A_154 = vector.broadcast %mul3A_153 : f32 to vector<16xf32>
        %mul3A_155 = arith.mulf %mul3A_154, %add3A_150 : vector<16xf32>
        %select_n3A_156 = arith.select %ge3A_152, %add3A_150, %mul3A_155 : vector<16xi1>, vector<16xf32>
        %sub3A_157 = vector.broadcast %squeeze3A : f32 to vector<16xf32>
        %sub3A_158 = arith.subf %select_n3A_156, %sub3A_157 : vector<16xf32>
        %exp3A = math.exp %sub3A_158 : vector<16xf32>
        %jit3A_159 = arith.constant 0.000000e+00 : f32
        %broadcast_in_dim3A_160 = vector.broadcast %jit3A_159 : f32 to vector<16xf32>
        %select_n3A_161 = arith.select %lt3A_136, %exp3A, %broadcast_in_dim3A_160 : vector<16xi1>, vector<16xf32>
        %swap3A = arith.index_cast %mul3A_133 : i32 to index
        %swap3A_162 = tpu.vector_load %arg16[%swap3A] {strides = array<i32>} : memref<4032xi32, #tpu.memory_space<vmem>>, vector<16xi32>,
        tpu.vector_store %arg16[%swap3A], %select_n3A_141 {strides = array<i32>} : memref<4032xi32, #tpu.memory_space<vmem>>, vector<16xi32>,
        %swap3A_163 = arith.index_cast %mul3A_133 : i32 to index
        %swap3A_164 = tpu.vector_load %arg17[%swap3A_163] {strides = array<i32>} : memref<4032xi32, #tpu.memory_space<vmem>>, vector<16xi32>,
        tpu.vector_store %arg17[%swap3A_163], %select_n3A_146 {strides = array<i32>} : memref<4032xi32, #tpu.memory_space<vmem>>, vector<16xi32>,
        %swap3A_165 = arith.index_cast %mul3A_133 : i32 to index
        %swap3A_166 = tpu.vector_load %arg18[%swap3A_165] {strides = array<i32>} : memref<4032xf32, #tpu.memory_space<vmem>>, vector<16xf32>,
        tpu.vector_store %arg18[%swap3A_165], %select_n3A_161 {strides = array<i32>} : memref<4032xf32, #tpu.memory_space<vmem>>, vector<16xf32>,
      }
      %add3A_93 = arith.constant 16 : i32
      %add3A_94 = arith.addi %scan3A_60, %add3A_93 : i32
      %sub3A_95 = arith.constant 1 : i32
      %sub3A_96 = arith.subi %add3A_94, %sub3A_95 : i32
      %jit3A_97 = arith.constant 16 : i32
      %div3A_98 = arith.divsi %sub3A_96, %jit3A_97 : i32
      %sign3A_99 = arith.constant 0 : i32
      %sign3A_100 = arith.cmpi sgt, %sub3A_96, %sign3A_99 : i32
      %sign3A_101 = arith.extui %sign3A_100 : i1 to i32
      %sign3A_102 = arith.constant 0 : i32
      %sign3A_103 = arith.cmpi slt, %sub3A_96, %sign3A_102 : i32
      %sign3A_104 = arith.extui %sign3A_103 : i1 to i32
      %sign3A_105 = arith.subi %sign3A_101, %sign3A_104 : i32
      %sign3A_106 = arith.constant 0 : i32
      %sign3A_107 = arith.cmpi sgt, %jit3A_97, %sign3A_106 : i32
      %sign3A_108 = arith.extui %sign3A_107 : i1 to i32
      %sign3A_109 = arith.constant 0 : i32
      %sign3A_110 = arith.cmpi slt, %jit3A_97, %sign3A_109 : i32
      %sign3A_111 = arith.extui %sign3A_110 : i1 to i32
      %sign3A_112 = arith.subi %sign3A_108, %sign3A_111 : i32
      %ne3A_113 = arith.cmpi ne, %sign3A_105, %sign3A_112 : i32
      %rem3A_114 = arith.remsi %sub3A_96, %jit3A_97 : i32
      %ne3A_115 = arith.constant 0 : i32
      %ne3A_116 = arith.cmpi ne, %rem3A_114, %ne3A_115 : i32
      %and3A_117 = arith.andi %ne3A_113, %ne3A_116 : i1
      %sub3A_118 = arith.constant 1 : i32
      %sub3A_119 = arith.subi %div3A_98, %sub3A_118 : i32
      %select_n3A_120 = arith.select %and3A_117, %sub3A_119, %div3A_98 : i32
      %while3A_121 = arith.constant 0 : i32
      %while3A_122 = arith.constant 0 : i32
      %while3A_123 = arith.subi %select_n3A_120, %while3A_122 : i32
      %while3A_124 = arith.addi %while3A_122, %while3A_123 : i32
      %while3A_125 = arith.constant 1 : i32
      %while3A_126 = arith.divsi %while3A_123, %while3A_125 : i32
      %while3A_127 = arith.muli %while3A_126, %while3A_125 : i32
      %while3A_128 = arith.addi %while3A_122, %while3A_127 : i32
      %while3A_129 = arith.constant 1 : i32
      scf.for %while3A_131 = %while3A_122 to %while3A_128 step %while3A_129  : i32 {
        %mul3A_132 = arith.constant 16 : i32
        %mul3A_133 = arith.muli %while3A_131, %mul3A_132 : i32
        %dma_start3A_134 = tpu.memref_slice %arg16[%mul3A_133] : memref<4032xi32, #tpu.memory_space<vmem>> -> memref<16xi32, #tpu.memory_space<vmem>>
        %dma_start3A_135 = arith.constant 0 : i32
        %dma_start3A_136 = arith.constant 0 : i32
        %dma_start3A_137 = tpu.memref_slice %arg2[%dma_start3A_135, %dma_start3A_136] : memref<10000x128xi32, #tpu.memory_space<hbm>> -> memref<10000x128xi32, #tpu.memory_space<hbm>>
        tpu.enqueue_indirect_dma source(%dma_start3A_137 : memref<10000x128xi32, #tpu.memory_space<hbm>>) target(%arg19 : memref<16x128xi32, #tpu.memory_space<vmem>>) offsets(%dma_start3A_134 : memref<16xi32, #tpu.memory_space<vmem>>) semaphore(%arg26 : memref<!tpu.dma_semaphore, #tpu.memory_space<semaphore_mem>>)
        %dma_wait3A_138 = arith.constant 0 : i32
        %dma_wait3A_139 = tpu.memref_slice %arg16[%dma_wait3A_138] : memref<4032xi32, #tpu.memory_space<vmem>> -> memref<16xi32, #tpu.memory_space<vmem>>
        %dma_wait3A_140 = arith.constant 0 : i32
        %dma_wait3A_141 = arith.constant 0 : i32
        %dma_wait3A_142 = tpu.memref_slice %arg2[%dma_wait3A_140, %dma_wait3A_141] : memref<10000x128xi32, #tpu.memory_space<hbm>> -> memref<10000x128xi32, #tpu.memory_space<hbm>>
        tpu.wait_indirect_dma semaphore(%arg26 : memref<!tpu.dma_semaphore, #tpu.memory_space<semaphore_mem>>) src(%dma_wait3A_142 : memref<10000x128xi32, #tpu.memory_space<hbm>>) dst(%arg19 : memref<16x128xi32, #tpu.memory_space<vmem>>)
        %mul3A_143 = arith.constant 16 : i32
        %mul3A_144 = arith.muli %while3A_131, %mul3A_143 : i32
        %scan3A_145 = arith.constant 0 : i32
        %scan3A_146 = arith.constant 0 : i32
        %scan3A_147 = arith.constant 4 : i32
        %scan3A_148 = arith.addi %scan3A_146, %scan3A_147 : i32
        %scan3A_149 = arith.constant 1 : i32
        scf.for %scan3A_151 = %scan3A_146 to %scan3A_148 step %scan3A_149  : i32 {
          %mul3A_152 = arith.constant 4 : i32
          %mul3A_153 = arith.muli %mul3A_152, %scan3A_151 : i32
          %add3A_154 = arith.addi %mul3A_144, %mul3A_153 : i32
          %get3A_155 = arith.index_cast %add3A_154 : i32 to index
          %get3A_156 = tpu.vector_load %arg18[%get3A_155] {strides = array<i32>} : memref<4032xf32, #tpu.memory_space<vmem>>, vector<16xf32>,
          %get3A_157 = arith.index_cast %add3A_154 : i32 to index
          %get3A_158 = tpu.vector_load %arg17[%get3A_157] {strides = array<i32>} : memref<4032xi32, #tpu.memory_space<vmem>>, vector<16xi32>,
          %slice3A_159 = vector.extract_strided_slice %get3A_156 {offsets = [0], sizes = [1], strides = [1]} : vector<16xf32> to vector<1xf32>
          %squeeze3A_160 = vector.extract %slice3A_159[0] : f32 from vector<1xf32>
          %slice3A_161 = vector.extract_strided_slice %get3A_156 {offsets = [1], sizes = [1], strides = [1]} : vector<16xf32> to vector<1xf32>
          %squeeze3A_162 = vector.extract %slice3A_161[0] : f32 from vector<1xf32>
          %slice3A_163 = vector.extract_strided_slice %get3A_156 {offsets = [2], sizes = [1], strides = [1]} : vector<16xf32> to vector<1xf32>
          %squeeze3A_164 = vector.extract %slice3A_163[0] : f32 from vector<1xf32>
          %slice3A_165 = vector.extract_strided_slice %get3A_156 {offsets = [3], sizes = [1], strides = [1]} : vector<16xf32> to vector<1xf32>
          %squeeze3A_166 = vector.extract %slice3A_165[0] : f32 from vector<1xf32>
          %slice3A_167 = vector.extract_strided_slice %get3A_158 {offsets = [0], sizes = [1], strides = [1]} : vector<16xi32> to vector<1xi32>
          %squeeze3A_168 = vector.extract %slice3A_167[0] : i32 from vector<1xi32>
          %slice3A_169 = vector.extract_strided_slice %get3A_158 {offsets = [1], sizes = [1], strides = [1]} : vector<16xi32> to vector<1xi32>
          %squeeze3A_170 = vector.extract %slice3A_169[0] : i32 from vector<1xi32>
          %slice3A_171 = vector.extract_strided_slice %get3A_158 {offsets = [2], sizes = [1], strides = [1]} : vector<16xi32> to vector<1xi32>
          %squeeze3A_172 = vector.extract %slice3A_171[0] : i32 from vector<1xi32>
          %slice3A_173 = vector.extract_strided_slice %get3A_158 {offsets = [3], sizes = [1], strides = [1]} : vector<16xi32> to vector<1xi32>
          %squeeze3A_174 = vector.extract %slice3A_173[0] : i32 from vector<1xi32>
          %broadcast_in_dim3A_175 = vector.broadcast %squeeze3A_168 : i32 to vector<16xi32>
          %broadcast_in_dim3A_176 = vector.broadcast %squeeze3A_160 : f32 to vector<16xf32>
          %eq3A = arith.constant 0 : i32
          %eq3A_177 = vector.broadcast %eq3A : i32 to vector<16xi32>
          %eq3A_178 = arith.cmpi eq, %iota3A, %eq3A_177 : vector<16xi32>
          tpu.vector_store_idx %arg21[%broadcast_in_dim3A_175], %broadcast_in_dim3A_176 masked %eq3A_178 {add = true} : memref<336xf32, #tpu.memory_space<vmem>>[vector<16xi32>], vector<16xf32>, vector<16xi1>
          %broadcast_in_dim3A_179 = vector.broadcast %squeeze3A_170 : i32 to vector<16xi32>
          %broadcast_in_dim3A_180 = vector.broadcast %squeeze3A_162 : f32 to vector<16xf32>
          %eq3A_181 = arith.constant 0 : i32
          %eq3A_182 = vector.broadcast %eq3A_181 : i32 to vector<16xi32>
          %eq3A_183 = arith.cmpi eq, %iota3A, %eq3A_182 : vector<16xi32>
          tpu.vector_store_idx %arg21[%broadcast_in_dim3A_179], %broadcast_in_dim3A_180 masked %eq3A_183 {add = true} : memref<336xf32, #tpu.memory_space<vmem>>[vector<16xi32>], vector<16xf32>, vector<16xi1>
          %broadcast_in_dim3A_184 = vector.broadcast %squeeze3A_172 : i32 to vector<16xi32>
          %broadcast_in_dim3A_185 = vector.broadcast %squeeze3A_164 : f32 to vector<16xf32>
          %eq3A_186 = arith.constant 0 : i32
          %eq3A_187 = vector.broadcast %eq3A_186 : i32 to vector<16xi32>
          %eq3A_188 = arith.cmpi eq, %iota3A, %eq3A_187 : vector<16xi32>
          tpu.vector_store_idx %arg21[%broadcast_in_dim3A_184], %broadcast_in_dim3A_185 masked %eq3A_188 {add = true} : memref<336xf32, #tpu.memory_space<vmem>>[vector<16xi32>], vector<16xf32>, vector<16xi1>
          %broadcast_in_dim3A_189 = vector.broadcast %squeeze3A_174 : i32 to vector<16xi32>
          %broadcast_in_dim3A_190 = vector.broadcast %squeeze3A_166 : f32 to vector<16xf32>
          %eq3A_191 = arith.constant 0 : i32
          %eq3A_192 = vector.broadcast %eq3A_191 : i32 to vector<16xi32>
          %eq3A_193 = arith.cmpi eq, %iota3A, %eq3A_192 : vector<16xi32>
          tpu.vector_store_idx %arg21[%broadcast_in_dim3A_189], %broadcast_in_dim3A_190 masked %eq3A_193 {add = true} : memref<336xf32, #tpu.memory_space<vmem>>[vector<16xi32>], vector<16xf32>, vector<16xi1>
          %mul3A_194 = arith.constant 256 : i32
          %mul3A_195 = arith.muli %squeeze3A_168, %mul3A_194 : i32
          %mul3A_196 = arith.constant 256 : i32
          %mul3A_197 = arith.muli %squeeze3A_170, %mul3A_196 : i32
          %mul3A_198 = arith.constant 256 : i32
          %mul3A_199 = arith.muli %squeeze3A_172, %mul3A_198 : i32
          %mul3A_200 = arith.constant 256 : i32
          %mul3A_201 = arith.muli %squeeze3A_174, %mul3A_200 : i32
          %mul3A_202 = arith.constant 4 : i32
          %mul3A_203 = arith.muli %mul3A_202, %scan3A_151 : i32
          %add3A_204 = arith.constant 0 : i32
          %add3A_205 = arith.addi %mul3A_203, %add3A_204 : i32
          %get3A_206 = arith.index_cast %add3A_205 : i32 to index
          %get3A_207 = arith.constant 0 : index
          %get3A_208 = tpu.vector_load %arg19[%get3A_206, %get3A_207] {strides = array<i32>} : memref<16x128xi32, #tpu.memory_space<vmem>>, vector<16xi32>,
          %mul3A_209 = arith.constant 4 : i32
          %mul3A_210 = arith.muli %mul3A_209, %scan3A_151 : i32
          %add3A_211 = arith.constant 1 : i32
          %add3A_212 = arith.addi %mul3A_210, %add3A_211 : i32
          %get3A_213 = arith.index_cast %add3A_212 : i32 to index
          %get3A_214 = arith.constant 0 : index
          %get3A_215 = tpu.vector_load %arg19[%get3A_213, %get3A_214] {strides = array<i32>} : memref<16x128xi32, #tpu.memory_space<vmem>>, vector<16xi32>,
          %mul3A_216 = arith.constant 4 : i32
          %mul3A_217 = arith.muli %mul3A_216, %scan3A_151 : i32
          %add3A_218 = arith.constant 2 : i32
          %add3A_219 = arith.addi %mul3A_217, %add3A_218 : i32
          %get3A_220 = arith.index_cast %add3A_219 : i32 to index
          %get3A_221 = arith.constant 0 : index
          %get3A_222 = tpu.vector_load %arg19[%get3A_220, %get3A_221] {strides = array<i32>} : memref<16x128xi32, #tpu.memory_space<vmem>>, vector<16xi32>,
          %mul3A_223 = arith.constant 4 : i32
          %mul3A_224 = arith.muli %mul3A_223, %scan3A_151 : i32
          %add3A_225 = arith.constant 3 : i32
          %add3A_226 = arith.addi %mul3A_224, %add3A_225 : i32
          %get3A_227 = arith.index_cast %add3A_226 : i32 to index
          %get3A_228 = arith.constant 0 : index
          %get3A_229 = tpu.vector_load %arg19[%get3A_227, %get3A_228] {strides = array<i32>} : memref<16x128xi32, #tpu.memory_space<vmem>>, vector<16xi32>,
          %shift_left3A = arith.constant 16 : i32
          %shift_left3A_230 = vector.broadcast %shift_left3A : i32 to vector<16xi32>
          %shift_left3A_231 = arith.shli %get3A_208, %shift_left3A_230 : vector<16xi32>
          %bitcast3A = vector.bitcast %shift_left3A_231 : vector<16xi32> to vector<16xf32>
          %and3A_232 = arith.constant -65536 : i32
          %and3A_233 = vector.broadcast %and3A_232 : i32 to vector<16xi32>
          %and3A_234 = arith.andi %get3A_208, %and3A_233 : vector<16xi32>
          %bitcast3A_235 = vector.bitcast %and3A_234 : vector<16xi32> to vector<16xf32>
          %mul3A_236 = vector.broadcast %squeeze3A_160 : f32 to vector<16xf32>
          %mul3A_237 = arith.mulf %mul3A_236, %bitcast3A : vector<16xf32>
          %mul3A_238 = vector.broadcast %squeeze3A_160 : f32 to vector<16xf32>
          %mul3A_239 = arith.mulf %mul3A_238, %bitcast3A_235 : vector<16xf32>
          %shift_left3A_240 = arith.constant 16 : i32
          %shift_left3A_241 = vector.broadcast %shift_left3A_240 : i32 to vector<16xi32>
          %shift_left3A_242 = arith.shli %get3A_215, %shift_left3A_241 : vector<16xi32>
          %bitcast3A_243 = vector.bitcast %shift_left3A_242 : vector<16xi32> to vector<16xf32>
          %and3A_244 = arith.constant -65536 : i32
          %and3A_245 = vector.broadcast %and3A_244 : i32 to vector<16xi32>
          %and3A_246 = arith.andi %get3A_215, %and3A_245 : vector<16xi32>
          %bitcast3A_247 = vector.bitcast %and3A_246 : vector<16xi32> to vector<16xf32>
          %mul3A_248 = vector.broadcast %squeeze3A_162 : f32 to vector<16xf32>
          %mul3A_249 = arith.mulf %mul3A_248, %bitcast3A_243 : vector<16xf32>
          %mul3A_250 = vector.broadcast %squeeze3A_162 : f32 to vector<16xf32>
          %mul3A_251 = arith.mulf %mul3A_250, %bitcast3A_247 : vector<16xf32>
          %shift_left3A_252 = arith.constant 16 : i32
          %shift_left3A_253 = vector.broadcast %shift_left3A_252 : i32 to vector<16xi32>
          %shift_left3A_254 = arith.shli %get3A_222, %shift_left3A_253 : vector<16xi32>
          %bitcast3A_255 = vector.bitcast %shift_left3A_254 : vector<16xi32> to vector<16xf32>
          %and3A_256 = arith.constant -65536 : i32
          %and3A_257 = vector.broadcast %and3A_256 : i32 to vector<16xi32>
          %and3A_258 = arith.andi %get3A_222, %and3A_257 : vector<16xi32>
          %bitcast3A_259 = vector.bitcast %and3A_258 : vector<16xi32> to vector<16xf32>
          %mul3A_260 = vector.broadcast %squeeze3A_164 : f32 to vector<16xf32>
          %mul3A_261 = arith.mulf %mul3A_260, %bitcast3A_255 : vector<16xf32>
          %mul3A_262 = vector.broadcast %squeeze3A_164 : f32 to vector<16xf32>
          %mul3A_263 = arith.mulf %mul3A_262, %bitcast3A_259 : vector<16xf32>
          %shift_left3A_264 = arith.constant 16 : i32
          %shift_left3A_265 = vector.broadcast %shift_left3A_264 : i32 to vector<16xi32>
          %shift_left3A_266 = arith.shli %get3A_229, %shift_left3A_265 : vector<16xi32>
          %bitcast3A_267 = vector.bitcast %shift_left3A_266 : vector<16xi32> to vector<16xf32>
          %and3A_268 = arith.constant -65536 : i32
          %and3A_269 = vector.broadcast %and3A_268 : i32 to vector<16xi32>
          %and3A_270 = arith.andi %get3A_229, %and3A_269 : vector<16xi32>
          %bitcast3A_271 = vector.bitcast %and3A_270 : vector<16xi32> to vector<16xf32>
          %mul3A_272 = vector.broadcast %squeeze3A_166 : f32 to vector<16xf32>
          %mul3A_273 = arith.mulf %mul3A_272, %bitcast3A_267 : vector<16xf32>
          %mul3A_274 = vector.broadcast %squeeze3A_166 : f32 to vector<16xf32>
          %mul3A_275 = arith.mulf %mul3A_274, %bitcast3A_271 : vector<16xf32>
          %mul3A_276 = arith.constant 4 : i32
          %mul3A_277 = arith.muli %mul3A_276, %scan3A_151 : i32
          %add3A_278 = arith.constant 0 : i32
          %add3A_279 = arith.addi %mul3A_277, %add3A_278 : i32
          %get3A_280 = arith.index_cast %add3A_279 : i32 to index
          %get3A_281 = arith.constant 16 : index
          %get3A_282 = tpu.vector_load %arg19[%get3A_280, %get3A_281] {strides = array<i32>} : memref<16x128xi32, #tpu.memory_space<vmem>>, vector<16xi32>,
          %mul3A_283 = arith.constant 4 : i32
          %mul3A_284 = arith.muli %mul3A_283, %scan3A_151 : i32
          %add3A_285 = arith.constant 1 : i32
          %add3A_286 = arith.addi %mul3A_284, %add3A_285 : i32
          %get3A_287 = arith.index_cast %add3A_286 : i32 to index
          %get3A_288 = arith.constant 16 : index
          %get3A_289 = tpu.vector_load %arg19[%get3A_287, %get3A_288] {strides = array<i32>} : memref<16x128xi32, #tpu.memory_space<vmem>>, vector<16xi32>,
          %mul3A_290 = arith.constant 4 : i32
          %mul3A_291 = arith.muli %mul3A_290, %scan3A_151 : i32
          %add3A_292 = arith.constant 2 : i32
          %add3A_293 = arith.addi %mul3A_291, %add3A_292 : i32
          %get3A_294 = arith.index_cast %add3A_293 : i32 to index
          %get3A_295 = arith.constant 16 : index
          %get3A_296 = tpu.vector_load %arg19[%get3A_294, %get3A_295] {strides = array<i32>} : memref<16x128xi32, #tpu.memory_space<vmem>>, vector<16xi32>,
          %mul3A_297 = arith.constant 4 : i32
          %mul3A_298 = arith.muli %mul3A_297, %scan3A_151 : i32
          %add3A_299 = arith.constant 3 : i32
          %add3A_300 = arith.addi %mul3A_298, %add3A_299 : i32
          %get3A_301 = arith.index_cast %add3A_300 : i32 to index
          %get3A_302 = arith.constant 16 : index
          %get3A_303 = tpu.vector_load %arg19[%get3A_301, %get3A_302] {strides = array<i32>} : memref<16x128xi32, #tpu.memory_space<vmem>>, vector<16xi32>,
          %add3A_304 = arith.constant 0 : i32
          %add3A_305 = arith.addi %mul3A_195, %add3A_304 : i32
          %swap3A = arith.index_cast %add3A_305 : i32 to index
          %swap3A_306 = tpu.vector_load %arg20[%swap3A] {strides = array<i32>} : memref<80128xf32, #tpu.memory_space<vmem>>, vector<16xf32>,
          tpu.vector_store %arg20[%swap3A], %mul3A_237 {add = true, strides = array<i32>} : memref<80128xf32, #tpu.memory_space<vmem>>, vector<16xf32>,
          %add3A_307 = arith.constant 128 : i32
          %add3A_308 = arith.addi %mul3A_195, %add3A_307 : i32
          %add3A_309 = arith.constant 0 : i32
          %add3A_310 = arith.addi %add3A_308, %add3A_309 : i32
          %swap3A_311 = arith.index_cast %add3A_310 : i32 to index
          %swap3A_312 = tpu.vector_load %arg20[%swap3A_311] {strides = array<i32>} : memref<80128xf32, #tpu.memory_space<vmem>>, vector<16xf32>,
          tpu.vector_store %arg20[%swap3A_311], %mul3A_239 {add = true, strides = array<i32>} : memref<80128xf32, #tpu.memory_space<vmem>>, vector<16xf32>,
          %add3A_313 = arith.constant 0 : i32
          %add3A_314 = arith.addi %mul3A_197, %add3A_313 : i32
          %swap3A_315 = arith.index_cast %add3A_314 : i32 to index
          %swap3A_316 = tpu.vector_load %arg20[%swap3A_315] {strides = array<i32>} : memref<80128xf32, #tpu.memory_space<vmem>>, vector<16xf32>,
          tpu.vector_store %arg20[%swap3A_315], %mul3A_249 {add = true, strides = array<i32>} : memref<80128xf32, #tpu.memory_space<vmem>>, vector<16xf32>,
          %add3A_317 = arith.constant 128 : i32
          %add3A_318 = arith.addi %mul3A_197, %add3A_317 : i32
          %add3A_319 = arith.constant 0 : i32
          %add3A_320 = arith.addi %add3A_318, %add3A_319 : i32
          %swap3A_321 = arith.index_cast %add3A_320 : i32 to index
          %swap3A_322 = tpu.vector_load %arg20[%swap3A_321] {strides = array<i32>} : memref<80128xf32, #tpu.memory_space<vmem>>, vector<16xf32>,
          tpu.vector_store %arg20[%swap3A_321], %mul3A_251 {add = true, strides = array<i32>} : memref<80128xf32, #tpu.memory_space<vmem>>, vector<16xf32>,
          %add3A_323 = arith.constant 0 : i32
          %add3A_324 = arith.addi %mul3A_199, %add3A_323 : i32
          %swap3A_325 = arith.index_cast %add3A_324 : i32 to index
          %swap3A_326 = tpu.vector_load %arg20[%swap3A_325] {strides = array<i32>} : memref<80128xf32, #tpu.memory_space<vmem>>, vector<16xf32>,
          tpu.vector_store %arg20[%swap3A_325], %mul3A_261 {add = true, strides = array<i32>} : memref<80128xf32, #tpu.memory_space<vmem>>, vector<16xf32>,
          %add3A_327 = arith.constant 128 : i32
          %add3A_328 = arith.addi %mul3A_199, %add3A_327 : i32
          %add3A_329 = arith.constant 0 : i32
          %add3A_330 = arith.addi %add3A_328, %add3A_329 : i32
          %swap3A_331 = arith.index_cast %add3A_330 : i32 to index
          %swap3A_332 = tpu.vector_load %arg20[%swap3A_331] {strides = array<i32>} : memref<80128xf32, #tpu.memory_space<vmem>>, vector<16xf32>,
          tpu.vector_store %arg20[%swap3A_331], %mul3A_263 {add = true, strides = array<i32>} : memref<80128xf32, #tpu.memory_space<vmem>>, vector<16xf32>,
          %add3A_333 = arith.constant 0 : i32
          %add3A_334 = arith.addi %mul3A_201, %add3A_333 : i32
          %swap3A_335 = arith.index_cast %add3A_334 : i32 to index
          %swap3A_336 = tpu.vector_load %arg20[%swap3A_335] {strides = array<i32>} : memref<80128xf32, #tpu.memory_space<vmem>>, vector<16xf32>,
          tpu.vector_store %arg20[%swap3A_335], %mul3A_273 {add = true, strides = array<i32>} : memref<80128xf32, #tpu.memory_space<vmem>>, vector<16xf32>,
          %add3A_337 = arith.constant 128 : i32
          %add3A_338 = arith.addi %mul3A_201, %add3A_337 : i32
          %add3A_339 = arith.constant 0 : i32
          %add3A_340 = arith.addi %add3A_338, %add3A_339 : i32
          %swap3A_341 = arith.index_cast %add3A_340 : i32 to index
          %swap3A_342 = tpu.vector_load %arg20[%swap3A_341] {strides = array<i32>} : memref<80128xf32, #tpu.memory_space<vmem>>, vector<16xf32>,
          tpu.vector_store %arg20[%swap3A_341], %mul3A_275 {add = true, strides = array<i32>} : memref<80128xf32, #tpu.memory_space<vmem>>, vector<16xf32>,
          %shift_left3A_343 = arith.constant 16 : i32
          %shift_left3A_344 = vector.broadcast %shift_left3A_343 : i32 to vector<16xi32>
          %shift_left3A_345 = arith.shli %get3A_282, %shift_left3A_344 : vector<16xi32>
          %bitcast3A_346 = vector.bitcast %shift_left3A_345 : vector<16xi32> to vector<16xf32>
          %and3A_347 = arith.constant -65536 : i32
          %and3A_348 = vector.broadcast %and3A_347 : i32 to vector<16xi32>
          %and3A_349 = arith.andi %get3A_282, %and3A_348 : vector<16xi32>
          %bitcast3A_350 = vector.bitcast %and3A_349 : vector<16xi32> to vector<16xf32>
          %mul3A_351 = vector.broadcast %squeeze3A_160 : f32 to vector<16xf32>
          %mul3A_352 = arith.mulf %mul3A_351, %bitcast3A_346 : vector<16xf32>
          %mul3A_353 = vector.broadcast %squeeze3A_160 : f32 to vector<16xf32>
          %mul3A_354 = arith.mulf %mul3A_353, %bitcast3A_350 : vector<16xf32>
          %shift_left3A_355 = arith.constant 16 : i32
          %shift_left3A_356 = vector.broadcast %shift_left3A_355 : i32 to vector<16xi32>
          %shift_left3A_357 = arith.shli %get3A_289, %shift_left3A_356 : vector<16xi32>
          %bitcast3A_358 = vector.bitcast %shift_left3A_357 : vector<16xi32> to vector<16xf32>
          %and3A_359 = arith.constant -65536 : i32
          %and3A_360 = vector.broadcast %and3A_359 : i32 to vector<16xi32>
          %and3A_361 = arith.andi %get3A_289, %and3A_360 : vector<16xi32>
          %bitcast3A_362 = vector.bitcast %and3A_361 : vector<16xi32> to vector<16xf32>
          %mul3A_363 = vector.broadcast %squeeze3A_162 : f32 to vector<16xf32>
          %mul3A_364 = arith.mulf %mul3A_363, %bitcast3A_358 : vector<16xf32>
          %mul3A_365 = vector.broadcast %squeeze3A_162 : f32 to vector<16xf32>
          %mul3A_366 = arith.mulf %mul3A_365, %bitcast3A_362 : vector<16xf32>
          %shift_left3A_367 = arith.constant 16 : i32
          %shift_left3A_368 = vector.broadcast %shift_left3A_367 : i32 to vector<16xi32>
          %shift_left3A_369 = arith.shli %get3A_296, %shift_left3A_368 : vector<16xi32>
          %bitcast3A_370 = vector.bitcast %shift_left3A_369 : vector<16xi32> to vector<16xf32>
          %and3A_371 = arith.constant -65536 : i32
          %and3A_372 = vector.broadcast %and3A_371 : i32 to vector<16xi32>
          %and3A_373 = arith.andi %get3A_296, %and3A_372 : vector<16xi32>
          %bitcast3A_374 = vector.bitcast %and3A_373 : vector<16xi32> to vector<16xf32>
          %mul3A_375 = vector.broadcast %squeeze3A_164 : f32 to vector<16xf32>
          %mul3A_376 = arith.mulf %mul3A_375, %bitcast3A_370 : vector<16xf32>
          %mul3A_377 = vector.broadcast %squeeze3A_164 : f32 to vector<16xf32>
          %mul3A_378 = arith.mulf %mul3A_377, %bitcast3A_374 : vector<16xf32>
          %shift_left3A_379 = arith.constant 16 : i32
          %shift_left3A_380 = vector.broadcast %shift_left3A_379 : i32 to vector<16xi32>
          %shift_left3A_381 = arith.shli %get3A_303, %shift_left3A_380 : vector<16xi32>
          %bitcast3A_382 = vector.bitcast %shift_left3A_381 : vector<16xi32> to vector<16xf32>
          %and3A_383 = arith.constant -65536 : i32
          %and3A_384 = vector.broadcast %and3A_383 : i32 to vector<16xi32>
          %and3A_385 = arith.andi %get3A_303, %and3A_384 : vector<16xi32>
          %bitcast3A_386 = vector.bitcast %and3A_385 : vector<16xi32> to vector<16xf32>
          %mul3A_387 = vector.broadcast %squeeze3A_166 : f32 to vector<16xf32>
          %mul3A_388 = arith.mulf %mul3A_387, %bitcast3A_382 : vector<16xf32>
          %mul3A_389 = vector.broadcast %squeeze3A_166 : f32 to vector<16xf32>
          %mul3A_390 = arith.mulf %mul3A_389, %bitcast3A_386 : vector<16xf32>
          %mul3A_391 = arith.constant 4 : i32
          %mul3A_392 = arith.muli %mul3A_391, %scan3A_151 : i32
          %add3A_393 = arith.constant 0 : i32
          %add3A_394 = arith.addi %mul3A_392, %add3A_393 : i32
          %get3A_395 = arith.index_cast %add3A_394 : i32 to index
          %get3A_396 = arith.constant 32 : index
          %get3A_397 = tpu.vector_load %arg19[%get3A_395, %get3A_396] {strides = array<i32>} : memref<16x128xi32, #tpu.memory_space<vmem>>, vector<16xi32>,
          %mul3A_398 = arith.constant 4 : i32
          %mul3A_399 = arith.muli %mul3A_398, %scan3A_151 : i32
          %add3A_400 = arith.constant 1 : i32
          %add3A_401 = arith.addi %mul3A_399, %add3A_400 : i32
          %get3A_402 = arith.index_cast %add3A_401 : i32 to index
          %get3A_403 = arith.constant 32 : index
          %get3A_404 = tpu.vector_load %arg19[%get3A_402, %get3A_403] {strides = array<i32>} : memref<16x128xi32, #tpu.memory_space<vmem>>, vector<16xi32>,
          %mul3A_405 = arith.constant 4 : i32
          %mul3A_406 = arith.muli %mul3A_405, %scan3A_151 : i32
          %add3A_407 = arith.constant 2 : i32
          %add3A_408 = arith.addi %mul3A_406, %add3A_407 : i32
          %get3A_409 = arith.index_cast %add3A_408 : i32 to index
          %get3A_410 = arith.constant 32 : index
          %get3A_411 = tpu.vector_load %arg19[%get3A_409, %get3A_410] {strides = array<i32>} : memref<16x128xi32, #tpu.memory_space<vmem>>, vector<16xi32>,
          %mul3A_412 = arith.constant 4 : i32
          %mul3A_413 = arith.muli %mul3A_412, %scan3A_151 : i32
          %add3A_414 = arith.constant 3 : i32
          %add3A_415 = arith.addi %mul3A_413, %add3A_414 : i32
          %get3A_416 = arith.index_cast %add3A_415 : i32 to index
          %get3A_417 = arith.constant 32 : index
          %get3A_418 = tpu.vector_load %arg19[%get3A_416, %get3A_417] {strides = array<i32>} : memref<16x128xi32, #tpu.memory_space<vmem>>, vector<16xi32>,
          %add3A_419 = arith.constant 16 : i32
          %add3A_420 = arith.addi %mul3A_195, %add3A_419 : i32
          %swap3A_421 = arith.index_cast %add3A_420 : i32 to index
          %swap3A_422 = tpu.vector_load %arg20[%swap3A_421] {strides = array<i32>} : memref<80128xf32, #tpu.memory_space<vmem>>, vector<16xf32>,
          tpu.vector_store %arg20[%swap3A_421], %mul3A_352 {add = true, strides = array<i32>} : memref<80128xf32, #tpu.memory_space<vmem>>, vector<16xf32>,
          %add3A_423 = arith.constant 128 : i32
          %add3A_424 = arith.addi %mul3A_195, %add3A_423 : i32
          %add3A_425 = arith.constant 16 : i32
          %add3A_426 = arith.addi %add3A_424, %add3A_425 : i32
          %swap3A_427 = arith.index_cast %add3A_426 : i32 to index
          %swap3A_428 = tpu.vector_load %arg20[%swap3A_427] {strides = array<i32>} : memref<80128xf32, #tpu.memory_space<vmem>>, vector<16xf32>,
          tpu.vector_store %arg20[%swap3A_427], %mul3A_354 {add = true, strides = array<i32>} : memref<80128xf32, #tpu.memory_space<vmem>>, vector<16xf32>,
          %add3A_429 = arith.constant 16 : i32
          %add3A_430 = arith.addi %mul3A_197, %add3A_429 : i32
          %swap3A_431 = arith.index_cast %add3A_430 : i32 to index
          %swap3A_432 = tpu.vector_load %arg20[%swap3A_431] {strides = array<i32>} : memref<80128xf32, #tpu.memory_space<vmem>>, vector<16xf32>,
          tpu.vector_store %arg20[%swap3A_431], %mul3A_364 {add = true, strides = array<i32>} : memref<80128xf32, #tpu.memory_space<vmem>>, vector<16xf32>,
          %add3A_433 = arith.constant 128 : i32
          %add3A_434 = arith.addi %mul3A_197, %add3A_433 : i32
          %add3A_435 = arith.constant 16 : i32
          %add3A_436 = arith.addi %add3A_434, %add3A_435 : i32
          %swap3A_437 = arith.index_cast %add3A_436 : i32 to index
          %swap3A_438 = tpu.vector_load %arg20[%swap3A_437] {strides = array<i32>} : memref<80128xf32, #tpu.memory_space<vmem>>, vector<16xf32>,
          tpu.vector_store %arg20[%swap3A_437], %mul3A_366 {add = true, strides = array<i32>} : memref<80128xf32, #tpu.memory_space<vmem>>, vector<16xf32>,
          %add3A_439 = arith.constant 16 : i32
          %add3A_440 = arith.addi %mul3A_199, %add3A_439 : i32
          %swap3A_441 = arith.index_cast %add3A_440 : i32 to index
          %swap3A_442 = tpu.vector_load %arg20[%swap3A_441] {strides = array<i32>} : memref<80128xf32, #tpu.memory_space<vmem>>, vector<16xf32>,
          tpu.vector_store %arg20[%swap3A_441], %mul3A_376 {add = true, strides = array<i32>} : memref<80128xf32, #tpu.memory_space<vmem>>, vector<16xf32>,
          %add3A_443 = arith.constant 128 : i32
          %add3A_444 = arith.addi %mul3A_199, %add3A_443 : i32
          %add3A_445 = arith.constant 16 : i32
          %add3A_446 = arith.addi %add3A_444, %add3A_445 : i32
          %swap3A_447 = arith.index_cast %add3A_446 : i32 to index
          %swap3A_448 = tpu.vector_load %arg20[%swap3A_447] {strides = array<i32>} : memref<80128xf32, #tpu.memory_space<vmem>>, vector<16xf32>,
          tpu.vector_store %arg20[%swap3A_447], %mul3A_378 {add = true, strides = array<i32>} : memref<80128xf32, #tpu.memory_space<vmem>>, vector<16xf32>,
          %add3A_449 = arith.constant 16 : i32
          %add3A_450 = arith.addi %mul3A_201, %add3A_449 : i32
          %swap3A_451 = arith.index_cast %add3A_450 : i32 to index
          %swap3A_452 = tpu.vector_load %arg20[%swap3A_451] {strides = array<i32>} : memref<80128xf32, #tpu.memory_space<vmem>>, vector<16xf32>,
          tpu.vector_store %arg20[%swap3A_451], %mul3A_388 {add = true, strides = array<i32>} : memref<80128xf32, #tpu.memory_space<vmem>>, vector<16xf32>,
          %add3A_453 = arith.constant 128 : i32
          %add3A_454 = arith.addi %mul3A_201, %add3A_453 : i32
          %add3A_455 = arith.constant 16 : i32
          %add3A_456 = arith.addi %add3A_454, %add3A_455 : i32
          %swap3A_457 = arith.index_cast %add3A_456 : i32 to index
          %swap3A_458 = tpu.vector_load %arg20[%swap3A_457] {strides = array<i32>} : memref<80128xf32, #tpu.memory_space<vmem>>, vector<16xf32>,
          tpu.vector_store %arg20[%swap3A_457], %mul3A_390 {add = true, strides = array<i32>} : memref<80128xf32, #tpu.memory_space<vmem>>, vector<16xf32>,
          %shift_left3A_459 = arith.constant 16 : i32
          %shift_left3A_460 = vector.broadcast %shift_left3A_459 : i32 to vector<16xi32>
          %shift_left3A_461 = arith.shli %get3A_397, %shift_left3A_460 : vector<16xi32>
          %bitcast3A_462 = vector.bitcast %shift_left3A_461 : vector<16xi32> to vector<16xf32>
          %and3A_463 = arith.constant -65536 : i32
          %and3A_464 = vector.broadcast %and3A_463 : i32 to vector<16xi32>
          %and3A_465 = arith.andi %get3A_397, %and3A_464 : vector<16xi32>
          %bitcast3A_466 = vector.bitcast %and3A_465 : vector<16xi32> to vector<16xf32>
          %mul3A_467 = vector.broadcast %squeeze3A_160 : f32 to vector<16xf32>
          %mul3A_468 = arith.mulf %mul3A_467, %bitcast3A_462 : vector<16xf32>
          %mul3A_469 = vector.broadcast %squeeze3A_160 : f32 to vector<16xf32>
          %mul3A_470 = arith.mulf %mul3A_469, %bitcast3A_466 : vector<16xf32>
          %shift_left3A_471 = arith.constant 16 : i32
          %shift_left3A_472 = vector.broadcast %shift_left3A_471 : i32 to vector<16xi32>
          %shift_left3A_473 = arith.shli %get3A_404, %shift_left3A_472 : vector<16xi32>
          %bitcast3A_474 = vector.bitcast %shift_left3A_473 : vector<16xi32> to vector<16xf32>
          %and3A_475 = arith.constant -65536 : i32
          %and3A_476 = vector.broadcast %and3A_475 : i32 to vector<16xi32>
          %and3A_477 = arith.andi %get3A_404, %and3A_476 : vector<16xi32>
          %bitcast3A_478 = vector.bitcast %and3A_477 : vector<16xi32> to vector<16xf32>
          %mul3A_479 = vector.broadcast %squeeze3A_162 : f32 to vector<16xf32>
          %mul3A_480 = arith.mulf %mul3A_479, %bitcast3A_474 : vector<16xf32>
          %mul3A_481 = vector.broadcast %squeeze3A_162 : f32 to vector<16xf32>
          %mul3A_482 = arith.mulf %mul3A_481, %bitcast3A_478 : vector<16xf32>
          %shift_left3A_483 = arith.constant 16 : i32
          %shift_left3A_484 = vector.broadcast %shift_left3A_483 : i32 to vector<16xi32>
          %shift_left3A_485 = arith.shli %get3A_411, %shift_left3A_484 : vector<16xi32>
          %bitcast3A_486 = vector.bitcast %shift_left3A_485 : vector<16xi32> to vector<16xf32>
          %and3A_487 = arith.constant -65536 : i32
          %and3A_488 = vector.broadcast %and3A_487 : i32 to vector<16xi32>
          %and3A_489 = arith.andi %get3A_411, %and3A_488 : vector<16xi32>
          %bitcast3A_490 = vector.bitcast %and3A_489 : vector<16xi32> to vector<16xf32>
          %mul3A_491 = vector.broadcast %squeeze3A_164 : f32 to vector<16xf32>
          %mul3A_492 = arith.mulf %mul3A_491, %bitcast3A_486 : vector<16xf32>
          %mul3A_493 = vector.broadcast %squeeze3A_164 : f32 to vector<16xf32>
          %mul3A_494 = arith.mulf %mul3A_493, %bitcast3A_490 : vector<16xf32>
          %shift_left3A_495 = arith.constant 16 : i32
          %shift_left3A_496 = vector.broadcast %shift_left3A_495 : i32 to vector<16xi32>
          %shift_left3A_497 = arith.shli %get3A_418, %shift_left3A_496 : vector<16xi32>
          %bitcast3A_498 = vector.bitcast %shift_left3A_497 : vector<16xi32> to vector<16xf32>
          %and3A_499 = arith.constant -65536 : i32
          %and3A_500 = vector.broadcast %and3A_499 : i32 to vector<16xi32>
          %and3A_501 = arith.andi %get3A_418, %and3A_500 : vector<16xi32>
          %bitcast3A_502 = vector.bitcast %and3A_501 : vector<16xi32> to vector<16xf32>
          %mul3A_503 = vector.broadcast %squeeze3A_166 : f32 to vector<16xf32>
          %mul3A_504 = arith.mulf %mul3A_503, %bitcast3A_498 : vector<16xf32>
          %mul3A_505 = vector.broadcast %squeeze3A_166 : f32 to vector<16xf32>
          %mul3A_506 = arith.mulf %mul3A_505, %bitcast3A_502 : vector<16xf32>
          %mul3A_507 = arith.constant 4 : i32
          %mul3A_508 = arith.muli %mul3A_507, %scan3A_151 : i32
          %add3A_509 = arith.constant 0 : i32
          %add3A_510 = arith.addi %mul3A_508, %add3A_509 : i32
          %get3A_511 = arith.index_cast %add3A_510 : i32 to index
          %get3A_512 = arith.constant 48 : index
          %get3A_513 = tpu.vector_load %arg19[%get3A_511, %get3A_512] {strides = array<i32>} : memref<16x128xi32, #tpu.memory_space<vmem>>, vector<16xi32>,
          %mul3A_514 = arith.constant 4 : i32
          %mul3A_515 = arith.muli %mul3A_514, %scan3A_151 : i32
          %add3A_516 = arith.constant 1 : i32
          %add3A_517 = arith.addi %mul3A_515, %add3A_516 : i32
          %get3A_518 = arith.index_cast %add3A_517 : i32 to index
          %get3A_519 = arith.constant 48 : index
          %get3A_520 = tpu.vector_load %arg19[%get3A_518, %get3A_519] {strides = array<i32>} : memref<16x128xi32, #tpu.memory_space<vmem>>, vector<16xi32>,
          %mul3A_521 = arith.constant 4 : i32
          %mul3A_522 = arith.muli %mul3A_521, %scan3A_151 : i32
          %add3A_523 = arith.constant 2 : i32
          %add3A_524 = arith.addi %mul3A_522, %add3A_523 : i32
          %get3A_525 = arith.index_cast %add3A_524 : i32 to index
          %get3A_526 = arith.constant 48 : index
          %get3A_527 = tpu.vector_load %arg19[%get3A_525, %get3A_526] {strides = array<i32>} : memref<16x128xi32, #tpu.memory_space<vmem>>, vector<16xi32>,
          %mul3A_528 = arith.constant 4 : i32
          %mul3A_529 = arith.muli %mul3A_528, %scan3A_151 : i32
          %add3A_530 = arith.constant 3 : i32
          %add3A_531 = arith.addi %mul3A_529, %add3A_530 : i32
          %get3A_532 = arith.index_cast %add3A_531 : i32 to index
          %get3A_533 = arith.constant 48 : index
          %get3A_534 = tpu.vector_load %arg19[%get3A_532, %get3A_533] {strides = array<i32>} : memref<16x128xi32, #tpu.memory_space<vmem>>, vector<16xi32>,
          %add3A_535 = arith.constant 32 : i32
          %add3A_536 = arith.addi %mul3A_195, %add3A_535 : i32
          %swap3A_537 = arith.index_cast %add3A_536 : i32 to index
          %swap3A_538 = tpu.vector_load %arg20[%swap3A_537] {strides = array<i32>} : memref<80128xf32, #tpu.memory_space<vmem>>, vector<16xf32>,
          tpu.vector_store %arg20[%swap3A_537], %mul3A_468 {add = true, strides = array<i32>} : memref<80128xf32, #tpu.memory_space<vmem>>, vector<16xf32>,
          %add3A_539 = arith.constant 128 : i32
          %add3A_540 = arith.addi %mul3A_195, %add3A_539 : i32
          %add3A_541 = arith.constant 32 : i32
          %add3A_542 = arith.addi %add3A_540, %add3A_541 : i32
          %swap3A_543 = arith.index_cast %add3A_542 : i32 to index
          %swap3A_544 = tpu.vector_load %arg20[%swap3A_543] {strides = array<i32>} : memref<80128xf32, #tpu.memory_space<vmem>>, vector<16xf32>,
          tpu.vector_store %arg20[%swap3A_543], %mul3A_470 {add = true, strides = array<i32>} : memref<80128xf32, #tpu.memory_space<vmem>>, vector<16xf32>,
          %add3A_545 = arith.constant 32 : i32
          %add3A_546 = arith.addi %mul3A_197, %add3A_545 : i32
          %swap3A_547 = arith.index_cast %add3A_546 : i32 to index
          %swap3A_548 = tpu.vector_load %arg20[%swap3A_547] {strides = array<i32>} : memref<80128xf32, #tpu.memory_space<vmem>>, vector<16xf32>,
          tpu.vector_store %arg20[%swap3A_547], %mul3A_480 {add = true, strides = array<i32>} : memref<80128xf32, #tpu.memory_space<vmem>>, vector<16xf32>,
          %add3A_549 = arith.constant 128 : i32
          %add3A_550 = arith.addi %mul3A_197, %add3A_549 : i32
          %add3A_551 = arith.constant 32 : i32
          %add3A_552 = arith.addi %add3A_550, %add3A_551 : i32
          %swap3A_553 = arith.index_cast %add3A_552 : i32 to index
          %swap3A_554 = tpu.vector_load %arg20[%swap3A_553] {strides = array<i32>} : memref<80128xf32, #tpu.memory_space<vmem>>, vector<16xf32>,
          tpu.vector_store %arg20[%swap3A_553], %mul3A_482 {add = true, strides = array<i32>} : memref<80128xf32, #tpu.memory_space<vmem>>, vector<16xf32>,
          %add3A_555 = arith.constant 32 : i32
          %add3A_556 = arith.addi %mul3A_199, %add3A_555 : i32
          %swap3A_557 = arith.index_cast %add3A_556 : i32 to index
          %swap3A_558 = tpu.vector_load %arg20[%swap3A_557] {strides = array<i32>} : memref<80128xf32, #tpu.memory_space<vmem>>, vector<16xf32>,
          tpu.vector_store %arg20[%swap3A_557], %mul3A_492 {add = true, strides = array<i32>} : memref<80128xf32, #tpu.memory_space<vmem>>, vector<16xf32>,
          %add3A_559 = arith.constant 128 : i32
          %add3A_560 = arith.addi %mul3A_199, %add3A_559 : i32
          %add3A_561 = arith.constant 32 : i32
          %add3A_562 = arith.addi %add3A_560, %add3A_561 : i32
          %swap3A_563 = arith.index_cast %add3A_562 : i32 to index
          %swap3A_564 = tpu.vector_load %arg20[%swap3A_563] {strides = array<i32>} : memref<80128xf32, #tpu.memory_space<vmem>>, vector<16xf32>,
          tpu.vector_store %arg20[%swap3A_563], %mul3A_494 {add = true, strides = array<i32>} : memref<80128xf32, #tpu.memory_space<vmem>>, vector<16xf32>,
          %add3A_565 = arith.constant 32 : i32
          %add3A_566 = arith.addi %mul3A_201, %add3A_565 : i32
          %swap3A_567 = arith.index_cast %add3A_566 : i32 to index
          %swap3A_568 = tpu.vector_load %arg20[%swap3A_567] {strides = array<i32>} : memref<80128xf32, #tpu.memory_space<vmem>>, vector<16xf32>,
          tpu.vector_store %arg20[%swap3A_567], %mul3A_504 {add = true, strides = array<i32>} : memref<80128xf32, #tpu.memory_space<vmem>>, vector<16xf32>,
          %add3A_569 = arith.constant 128 : i32
          %add3A_570 = arith.addi %mul3A_201, %add3A_569 : i32
          %add3A_571 = arith.constant 32 : i32
          %add3A_572 = arith.addi %add3A_570, %add3A_571 : i32
          %swap3A_573 = arith.index_cast %add3A_572 : i32 to index
          %swap3A_574 = tpu.vector_load %arg20[%swap3A_573] {strides = array<i32>} : memref<80128xf32, #tpu.memory_space<vmem>>, vector<16xf32>,
          tpu.vector_store %arg20[%swap3A_573], %mul3A_506 {add = true, strides = array<i32>} : memref<80128xf32, #tpu.memory_space<vmem>>, vector<16xf32>,
          %shift_left3A_575 = arith.constant 16 : i32
          %shift_left3A_576 = vector.broadcast %shift_left3A_575 : i32 to vector<16xi32>
          %shift_left3A_577 = arith.shli %get3A_513, %shift_left3A_576 : vector<16xi32>
          %bitcast3A_578 = vector.bitcast %shift_left3A_577 : vector<16xi32> to vector<16xf32>
          %and3A_579 = arith.constant -65536 : i32
          %and3A_580 = vector.broadcast %and3A_579 : i32 to vector<16xi32>
          %and3A_581 = arith.andi %get3A_513, %and3A_580 : vector<16xi32>
          %bitcast3A_582 = vector.bitcast %and3A_581 : vector<16xi32> to vector<16xf32>
          %mul3A_583 = vector.broadcast %squeeze3A_160 : f32 to vector<16xf32>
          %mul3A_584 = arith.mulf %mul3A_583, %bitcast3A_578 : vector<16xf32>
          %mul3A_585 = vector.broadcast %squeeze3A_160 : f32 to vector<16xf32>
          %mul3A_586 = arith.mulf %mul3A_585, %bitcast3A_582 : vector<16xf32>
          %shift_left3A_587 = arith.constant 16 : i32
          %shift_left3A_588 = vector.broadcast %shift_left3A_587 : i32 to vector<16xi32>
          %shift_left3A_589 = arith.shli %get3A_520, %shift_left3A_588 : vector<16xi32>
          %bitcast3A_590 = vector.bitcast %shift_left3A_589 : vector<16xi32> to vector<16xf32>
          %and3A_591 = arith.constant -65536 : i32
          %and3A_592 = vector.broadcast %and3A_591 : i32 to vector<16xi32>
          %and3A_593 = arith.andi %get3A_520, %and3A_592 : vector<16xi32>
          %bitcast3A_594 = vector.bitcast %and3A_593 : vector<16xi32> to vector<16xf32>
          %mul3A_595 = vector.broadcast %squeeze3A_162 : f32 to vector<16xf32>
          %mul3A_596 = arith.mulf %mul3A_595, %bitcast3A_590 : vector<16xf32>
          %mul3A_597 = vector.broadcast %squeeze3A_162 : f32 to vector<16xf32>
          %mul3A_598 = arith.mulf %mul3A_597, %bitcast3A_594 : vector<16xf32>
          %shift_left3A_599 = arith.constant 16 : i32
          %shift_left3A_600 = vector.broadcast %shift_left3A_599 : i32 to vector<16xi32>
          %shift_left3A_601 = arith.shli %get3A_527, %shift_left3A_600 : vector<16xi32>
          %bitcast3A_602 = vector.bitcast %shift_left3A_601 : vector<16xi32> to vector<16xf32>
          %and3A_603 = arith.constant -65536 : i32
          %and3A_604 = vector.broadcast %and3A_603 : i32 to vector<16xi32>
          %and3A_605 = arith.andi %get3A_527, %and3A_604 : vector<16xi32>
          %bitcast3A_606 = vector.bitcast %and3A_605 : vector<16xi32> to vector<16xf32>
          %mul3A_607 = vector.broadcast %squeeze3A_164 : f32 to vector<16xf32>
          %mul3A_608 = arith.mulf %mul3A_607, %bitcast3A_602 : vector<16xf32>
          %mul3A_609 = vector.broadcast %squeeze3A_164 : f32 to vector<16xf32>
          %mul3A_610 = arith.mulf %mul3A_609, %bitcast3A_606 : vector<16xf32>
          %shift_left3A_611 = arith.constant 16 : i32
          %shift_left3A_612 = vector.broadcast %shift_left3A_611 : i32 to vector<16xi32>
          %shift_left3A_613 = arith.shli %get3A_534, %shift_left3A_612 : vector<16xi32>
          %bitcast3A_614 = vector.bitcast %shift_left3A_613 : vector<16xi32> to vector<16xf32>
          %and3A_615 = arith.constant -65536 : i32
          %and3A_616 = vector.broadcast %and3A_615 : i32 to vector<16xi32>
          %and3A_617 = arith.andi %get3A_534, %and3A_616 : vector<16xi32>
          %bitcast3A_618 = vector.bitcast %and3A_617 : vector<16xi32> to vector<16xf32>
          %mul3A_619 = vector.broadcast %squeeze3A_166 : f32 to vector<16xf32>
          %mul3A_620 = arith.mulf %mul3A_619, %bitcast3A_614 : vector<16xf32>
          %mul3A_621 = vector.broadcast %squeeze3A_166 : f32 to vector<16xf32>
          %mul3A_622 = arith.mulf %mul3A_621, %bitcast3A_618 : vector<16xf32>
          %mul3A_623 = arith.constant 4 : i32
          %mul3A_624 = arith.muli %mul3A_623, %scan3A_151 : i32
          %add3A_625 = arith.constant 0 : i32
          %add3A_626 = arith.addi %mul3A_624, %add3A_625 : i32
          %get3A_627 = arith.index_cast %add3A_626 : i32 to index
          %get3A_628 = arith.constant 64 : index
          %get3A_629 = tpu.vector_load %arg19[%get3A_627, %get3A_628] {strides = array<i32>} : memref<16x128xi32, #tpu.memory_space<vmem>>, vector<16xi32>,
          %mul3A_630 = arith.constant 4 : i32
          %mul3A_631 = arith.muli %mul3A_630, %scan3A_151 : i32
          %add3A_632 = arith.constant 1 : i32
          %add3A_633 = arith.addi %mul3A_631, %add3A_632 : i32
          %get3A_634 = arith.index_cast %add3A_633 : i32 to index
          %get3A_635 = arith.constant 64 : index
          %get3A_636 = tpu.vector_load %arg19[%get3A_634, %get3A_635] {strides = array<i32>} : memref<16x128xi32, #tpu.memory_space<vmem>>, vector<16xi32>,
          %mul3A_637 = arith.constant 4 : i32
          %mul3A_638 = arith.muli %mul3A_637, %scan3A_151 : i32
          %add3A_639 = arith.constant 2 : i32
          %add3A_640 = arith.addi %mul3A_638, %add3A_639 : i32
          %get3A_641 = arith.index_cast %add3A_640 : i32 to index
          %get3A_642 = arith.constant 64 : index
          %get3A_643 = tpu.vector_load %arg19[%get3A_641, %get3A_642] {strides = array<i32>} : memref<16x128xi32, #tpu.memory_space<vmem>>, vector<16xi32>,
          %mul3A_644 = arith.constant 4 : i32
          %mul3A_645 = arith.muli %mul3A_644, %scan3A_151 : i32
          %add3A_646 = arith.constant 3 : i32
          %add3A_647 = arith.addi %mul3A_645, %add3A_646 : i32
          %get3A_648 = arith.index_cast %add3A_647 : i32 to index
          %get3A_649 = arith.constant 64 : index
          %get3A_650 = tpu.vector_load %arg19[%get3A_648, %get3A_649] {strides = array<i32>} : memref<16x128xi32, #tpu.memory_space<vmem>>, vector<16xi32>,
          %add3A_651 = arith.constant 48 : i32
          %add3A_652 = arith.addi %mul3A_195, %add3A_651 : i32
          %swap3A_653 = arith.index_cast %add3A_652 : i32 to index
          %swap3A_654 = tpu.vector_load %arg20[%swap3A_653] {strides = array<i32>} : memref<80128xf32, #tpu.memory_space<vmem>>, vector<16xf32>,
          tpu.vector_store %arg20[%swap3A_653], %mul3A_584 {add = true, strides = array<i32>} : memref<80128xf32, #tpu.memory_space<vmem>>, vector<16xf32>,
          %add3A_655 = arith.constant 128 : i32
          %add3A_656 = arith.addi %mul3A_195, %add3A_655 : i32
          %add3A_657 = arith.constant 48 : i32
          %add3A_658 = arith.addi %add3A_656, %add3A_657 : i32
          %swap3A_659 = arith.index_cast %add3A_658 : i32 to index
          %swap3A_660 = tpu.vector_load %arg20[%swap3A_659] {strides = array<i32>} : memref<80128xf32, #tpu.memory_space<vmem>>, vector<16xf32>,
          tpu.vector_store %arg20[%swap3A_659], %mul3A_586 {add = true, strides = array<i32>} : memref<80128xf32, #tpu.memory_space<vmem>>, vector<16xf32>,
          %add3A_661 = arith.constant 48 : i32
          %add3A_662 = arith.addi %mul3A_197, %add3A_661 : i32
          %swap3A_663 = arith.index_cast %add3A_662 : i32 to index
          %swap3A_664 = tpu.vector_load %arg20[%swap3A_663] {strides = array<i32>} : memref<80128xf32, #tpu.memory_space<vmem>>, vector<16xf32>,
          tpu.vector_store %arg20[%swap3A_663], %mul3A_596 {add = true, strides = array<i32>} : memref<80128xf32, #tpu.memory_space<vmem>>, vector<16xf32>,
          %add3A_665 = arith.constant 128 : i32
          %add3A_666 = arith.addi %mul3A_197, %add3A_665 : i32
          %add3A_667 = arith.constant 48 : i32
          %add3A_668 = arith.addi %add3A_666, %add3A_667 : i32
          %swap3A_669 = arith.index_cast %add3A_668 : i32 to index
          %swap3A_670 = tpu.vector_load %arg20[%swap3A_669] {strides = array<i32>} : memref<80128xf32, #tpu.memory_space<vmem>>, vector<16xf32>,
          tpu.vector_store %arg20[%swap3A_669], %mul3A_598 {add = true, strides = array<i32>} : memref<80128xf32, #tpu.memory_space<vmem>>, vector<16xf32>,
          %add3A_671 = arith.constant 48 : i32
          %add3A_672 = arith.addi %mul3A_199, %add3A_671 : i32
          %swap3A_673 = arith.index_cast %add3A_672 : i32 to index
          %swap3A_674 = tpu.vector_load %arg20[%swap3A_673] {strides = array<i32>} : memref<80128xf32, #tpu.memory_space<vmem>>, vector<16xf32>,
          tpu.vector_store %arg20[%swap3A_673], %mul3A_608 {add = true, strides = array<i32>} : memref<80128xf32, #tpu.memory_space<vmem>>, vector<16xf32>,
          %add3A_675 = arith.constant 128 : i32
          %add3A_676 = arith.addi %mul3A_199, %add3A_675 : i32
          %add3A_677 = arith.constant 48 : i32
          %add3A_678 = arith.addi %add3A_676, %add3A_677 : i32
          %swap3A_679 = arith.index_cast %add3A_678 : i32 to index
          %swap3A_680 = tpu.vector_load %arg20[%swap3A_679] {strides = array<i32>} : memref<80128xf32, #tpu.memory_space<vmem>>, vector<16xf32>,
          tpu.vector_store %arg20[%swap3A_679], %mul3A_610 {add = true, strides = array<i32>} : memref<80128xf32, #tpu.memory_space<vmem>>, vector<16xf32>,
          %add3A_681 = arith.constant 48 : i32
          %add3A_682 = arith.addi %mul3A_201, %add3A_681 : i32
          %swap3A_683 = arith.index_cast %add3A_682 : i32 to index
          %swap3A_684 = tpu.vector_load %arg20[%swap3A_683] {strides = array<i32>} : memref<80128xf32, #tpu.memory_space<vmem>>, vector<16xf32>,
          tpu.vector_store %arg20[%swap3A_683], %mul3A_620 {add = true, strides = array<i32>} : memref<80128xf32, #tpu.memory_space<vmem>>, vector<16xf32>,
          %add3A_685 = arith.constant 128 : i32
          %add3A_686 = arith.addi %mul3A_201, %add3A_685 : i32
          %add3A_687 = arith.constant 48 : i32
          %add3A_688 = arith.addi %add3A_686, %add3A_687 : i32
          %swap3A_689 = arith.index_cast %add3A_688 : i32 to index
          %swap3A_690 = tpu.vector_load %arg20[%swap3A_689] {strides = array<i32>} : memref<80128xf32, #tpu.memory_space<vmem>>, vector<16xf32>,
          tpu.vector_store %arg20[%swap3A_689], %mul3A_622 {add = true, strides = array<i32>} : memref<80128xf32, #tpu.memory_space<vmem>>, vector<16xf32>,
          %shift_left3A_691 = arith.constant 16 : i32
          %shift_left3A_692 = vector.broadcast %shift_left3A_691 : i32 to vector<16xi32>
          %shift_left3A_693 = arith.shli %get3A_629, %shift_left3A_692 : vector<16xi32>
          %bitcast3A_694 = vector.bitcast %shift_left3A_693 : vector<16xi32> to vector<16xf32>
          %and3A_695 = arith.constant -65536 : i32
          %and3A_696 = vector.broadcast %and3A_695 : i32 to vector<16xi32>
          %and3A_697 = arith.andi %get3A_629, %and3A_696 : vector<16xi32>
          %bitcast3A_698 = vector.bitcast %and3A_697 : vector<16xi32> to vector<16xf32>
          %mul3A_699 = vector.broadcast %squeeze3A_160 : f32 to vector<16xf32>
          %mul3A_700 = arith.mulf %mul3A_699, %bitcast3A_694 : vector<16xf32>
          %mul3A_701 = vector.broadcast %squeeze3A_160 : f32 to vector<16xf32>
          %mul3A_702 = arith.mulf %mul3A_701, %bitcast3A_698 : vector<16xf32>
          %shift_left3A_703 = arith.constant 16 : i32
          %shift_left3A_704 = vector.broadcast %shift_left3A_703 : i32 to vector<16xi32>
          %shift_left3A_705 = arith.shli %get3A_636, %shift_left3A_704 : vector<16xi32>
          %bitcast3A_706 = vector.bitcast %shift_left3A_705 : vector<16xi32> to vector<16xf32>
          %and3A_707 = arith.constant -65536 : i32
          %and3A_708 = vector.broadcast %and3A_707 : i32 to vector<16xi32>
          %and3A_709 = arith.andi %get3A_636, %and3A_708 : vector<16xi32>
          %bitcast3A_710 = vector.bitcast %and3A_709 : vector<16xi32> to vector<16xf32>
          %mul3A_711 = vector.broadcast %squeeze3A_162 : f32 to vector<16xf32>
          %mul3A_712 = arith.mulf %mul3A_711, %bitcast3A_706 : vector<16xf32>
          %mul3A_713 = vector.broadcast %squeeze3A_162 : f32 to vector<16xf32>
          %mul3A_714 = arith.mulf %mul3A_713, %bitcast3A_710 : vector<16xf32>
          %shift_left3A_715 = arith.constant 16 : i32
          %shift_left3A_716 = vector.broadcast %shift_left3A_715 : i32 to vector<16xi32>
          %shift_left3A_717 = arith.shli %get3A_643, %shift_left3A_716 : vector<16xi32>
          %bitcast3A_718 = vector.bitcast %shift_left3A_717 : vector<16xi32> to vector<16xf32>
          %and3A_719 = arith.constant -65536 : i32
          %and3A_720 = vector.broadcast %and3A_719 : i32 to vector<16xi32>
          %and3A_721 = arith.andi %get3A_643, %and3A_720 : vector<16xi32>
          %bitcast3A_722 = vector.bitcast %and3A_721 : vector<16xi32> to vector<16xf32>
          %mul3A_723 = vector.broadcast %squeeze3A_164 : f32 to vector<16xf32>
          %mul3A_724 = arith.mulf %mul3A_723, %bitcast3A_718 : vector<16xf32>
          %mul3A_725 = vector.broadcast %squeeze3A_164 : f32 to vector<16xf32>
          %mul3A_726 = arith.mulf %mul3A_725, %bitcast3A_722 : vector<16xf32>
          %shift_left3A_727 = arith.constant 16 : i32
          %shift_left3A_728 = vector.broadcast %shift_left3A_727 : i32 to vector<16xi32>
          %shift_left3A_729 = arith.shli %get3A_650, %shift_left3A_728 : vector<16xi32>
          %bitcast3A_730 = vector.bitcast %shift_left3A_729 : vector<16xi32> to vector<16xf32>
          %and3A_731 = arith.constant -65536 : i32
          %and3A_732 = vector.broadcast %and3A_731 : i32 to vector<16xi32>
          %and3A_733 = arith.andi %get3A_650, %and3A_732 : vector<16xi32>
          %bitcast3A_734 = vector.bitcast %and3A_733 : vector<16xi32> to vector<16xf32>
          %mul3A_735 = vector.broadcast %squeeze3A_166 : f32 to vector<16xf32>
          %mul3A_736 = arith.mulf %mul3A_735, %bitcast3A_730 : vector<16xf32>
          %mul3A_737 = vector.broadcast %squeeze3A_166 : f32 to vector<16xf32>
          %mul3A_738 = arith.mulf %mul3A_737, %bitcast3A_734 : vector<16xf32>
          %mul3A_739 = arith.constant 4 : i32
          %mul3A_740 = arith.muli %mul3A_739, %scan3A_151 : i32
          %add3A_741 = arith.constant 0 : i32
          %add3A_742 = arith.addi %mul3A_740, %add3A_741 : i32
          %get3A_743 = arith.index_cast %add3A_742 : i32 to index
          %get3A_744 = arith.constant 80 : index
          %get3A_745 = tpu.vector_load %arg19[%get3A_743, %get3A_744] {strides = array<i32>} : memref<16x128xi32, #tpu.memory_space<vmem>>, vector<16xi32>,
          %mul3A_746 = arith.constant 4 : i32
          %mul3A_747 = arith.muli %mul3A_746, %scan3A_151 : i32
          %add3A_748 = arith.constant 1 : i32
          %add3A_749 = arith.addi %mul3A_747, %add3A_748 : i32
          %get3A_750 = arith.index_cast %add3A_749 : i32 to index
          %get3A_751 = arith.constant 80 : index
          %get3A_752 = tpu.vector_load %arg19[%get3A_750, %get3A_751] {strides = array<i32>} : memref<16x128xi32, #tpu.memory_space<vmem>>, vector<16xi32>,
          %mul3A_753 = arith.constant 4 : i32
          %mul3A_754 = arith.muli %mul3A_753, %scan3A_151 : i32
          %add3A_755 = arith.constant 2 : i32
          %add3A_756 = arith.addi %mul3A_754, %add3A_755 : i32
          %get3A_757 = arith.index_cast %add3A_756 : i32 to index
          %get3A_758 = arith.constant 80 : index
          %get3A_759 = tpu.vector_load %arg19[%get3A_757, %get3A_758] {strides = array<i32>} : memref<16x128xi32, #tpu.memory_space<vmem>>, vector<16xi32>,
          %mul3A_760 = arith.constant 4 : i32
          %mul3A_761 = arith.muli %mul3A_760, %scan3A_151 : i32
          %add3A_762 = arith.constant 3 : i32
          %add3A_763 = arith.addi %mul3A_761, %add3A_762 : i32
          %get3A_764 = arith.index_cast %add3A_763 : i32 to index
          %get3A_765 = arith.constant 80 : index
          %get3A_766 = tpu.vector_load %arg19[%get3A_764, %get3A_765] {strides = array<i32>} : memref<16x128xi32, #tpu.memory_space<vmem>>, vector<16xi32>,
          %add3A_767 = arith.constant 64 : i32
          %add3A_768 = arith.addi %mul3A_195, %add3A_767 : i32
          %swap3A_769 = arith.index_cast %add3A_768 : i32 to index
          %swap3A_770 = tpu.vector_load %arg20[%swap3A_769] {strides = array<i32>} : memref<80128xf32, #tpu.memory_space<vmem>>, vector<16xf32>,
          tpu.vector_store %arg20[%swap3A_769], %mul3A_700 {add = true, strides = array<i32>} : memref<80128xf32, #tpu.memory_space<vmem>>, vector<16xf32>,
          %add3A_771 = arith.constant 128 : i32
          %add3A_772 = arith.addi %mul3A_195, %add3A_771 : i32
          %add3A_773 = arith.constant 64 : i32
          %add3A_774 = arith.addi %add3A_772, %add3A_773 : i32
          %swap3A_775 = arith.index_cast %add3A_774 : i32 to index
          %swap3A_776 = tpu.vector_load %arg20[%swap3A_775] {strides = array<i32>} : memref<80128xf32, #tpu.memory_space<vmem>>, vector<16xf32>,
          tpu.vector_store %arg20[%swap3A_775], %mul3A_702 {add = true, strides = array<i32>} : memref<80128xf32, #tpu.memory_space<vmem>>, vector<16xf32>,
          %add3A_777 = arith.constant 64 : i32
          %add3A_778 = arith.addi %mul3A_197, %add3A_777 : i32
          %swap3A_779 = arith.index_cast %add3A_778 : i32 to index
          %swap3A_780 = tpu.vector_load %arg20[%swap3A_779] {strides = array<i32>} : memref<80128xf32, #tpu.memory_space<vmem>>, vector<16xf32>,
          tpu.vector_store %arg20[%swap3A_779], %mul3A_712 {add = true, strides = array<i32>} : memref<80128xf32, #tpu.memory_space<vmem>>, vector<16xf32>,
          %add3A_781 = arith.constant 128 : i32
          %add3A_782 = arith.addi %mul3A_197, %add3A_781 : i32
          %add3A_783 = arith.constant 64 : i32
          %add3A_784 = arith.addi %add3A_782, %add3A_783 : i32
          %swap3A_785 = arith.index_cast %add3A_784 : i32 to index
          %swap3A_786 = tpu.vector_load %arg20[%swap3A_785] {strides = array<i32>} : memref<80128xf32, #tpu.memory_space<vmem>>, vector<16xf32>,
          tpu.vector_store %arg20[%swap3A_785], %mul3A_714 {add = true, strides = array<i32>} : memref<80128xf32, #tpu.memory_space<vmem>>, vector<16xf32>,
          %add3A_787 = arith.constant 64 : i32
          %add3A_788 = arith.addi %mul3A_199, %add3A_787 : i32
          %swap3A_789 = arith.index_cast %add3A_788 : i32 to index
          %swap3A_790 = tpu.vector_load %arg20[%swap3A_789] {strides = array<i32>} : memref<80128xf32, #tpu.memory_space<vmem>>, vector<16xf32>,
          tpu.vector_store %arg20[%swap3A_789], %mul3A_724 {add = true, strides = array<i32>} : memref<80128xf32, #tpu.memory_space<vmem>>, vector<16xf32>,
          %add3A_791 = arith.constant 128 : i32
          %add3A_792 = arith.addi %mul3A_199, %add3A_791 : i32
          %add3A_793 = arith.constant 64 : i32
          %add3A_794 = arith.addi %add3A_792, %add3A_793 : i32
          %swap3A_795 = arith.index_cast %add3A_794 : i32 to index
          %swap3A_796 = tpu.vector_load %arg20[%swap3A_795] {strides = array<i32>} : memref<80128xf32, #tpu.memory_space<vmem>>, vector<16xf32>,
          tpu.vector_store %arg20[%swap3A_795], %mul3A_726 {add = true, strides = array<i32>} : memref<80128xf32, #tpu.memory_space<vmem>>, vector<16xf32>,
          %add3A_797 = arith.constant 64 : i32
          %add3A_798 = arith.addi %mul3A_201, %add3A_797 : i32
          %swap3A_799 = arith.index_cast %add3A_798 : i32 to index
          %swap3A_800 = tpu.vector_load %arg20[%swap3A_799] {strides = array<i32>} : memref<80128xf32, #tpu.memory_space<vmem>>, vector<16xf32>,
          tpu.vector_store %arg20[%swap3A_799], %mul3A_736 {add = true, strides = array<i32>} : memref<80128xf32, #tpu.memory_space<vmem>>, vector<16xf32>,
          %add3A_801 = arith.constant 128 : i32
          %add3A_802 = arith.addi %mul3A_201, %add3A_801 : i32
          %add3A_803 = arith.constant 64 : i32
          %add3A_804 = arith.addi %add3A_802, %add3A_803 : i32
          %swap3A_805 = arith.index_cast %add3A_804 : i32 to index
          %swap3A_806 = tpu.vector_load %arg20[%swap3A_805] {strides = array<i32>} : memref<80128xf32, #tpu.memory_space<vmem>>, vector<16xf32>,
          tpu.vector_store %arg20[%swap3A_805], %mul3A_738 {add = true, strides = array<i32>} : memref<80128xf32, #tpu.memory_space<vmem>>, vector<16xf32>,
          %shift_left3A_807 = arith.constant 16 : i32
          %shift_left3A_808 = vector.broadcast %shift_left3A_807 : i32 to vector<16xi32>
          %shift_left3A_809 = arith.shli %get3A_745, %shift_left3A_808 : vector<16xi32>
          %bitcast3A_810 = vector.bitcast %shift_left3A_809 : vector<16xi32> to vector<16xf32>
          %and3A_811 = arith.constant -65536 : i32
          %and3A_812 = vector.broadcast %and3A_811 : i32 to vector<16xi32>
          %and3A_813 = arith.andi %get3A_745, %and3A_812 : vector<16xi32>
          %bitcast3A_814 = vector.bitcast %and3A_813 : vector<16xi32> to vector<16xf32>
          %mul3A_815 = vector.broadcast %squeeze3A_160 : f32 to vector<16xf32>
          %mul3A_816 = arith.mulf %mul3A_815, %bitcast3A_810 : vector<16xf32>
          %mul3A_817 = vector.broadcast %squeeze3A_160 : f32 to vector<16xf32>
          %mul3A_818 = arith.mulf %mul3A_817, %bitcast3A_814 : vector<16xf32>
          %shift_left3A_819 = arith.constant 16 : i32
          %shift_left3A_820 = vector.broadcast %shift_left3A_819 : i32 to vector<16xi32>
          %shift_left3A_821 = arith.shli %get3A_752, %shift_left3A_820 : vector<16xi32>
          %bitcast3A_822 = vector.bitcast %shift_left3A_821 : vector<16xi32> to vector<16xf32>
          %and3A_823 = arith.constant -65536 : i32
          %and3A_824 = vector.broadcast %and3A_823 : i32 to vector<16xi32>
          %and3A_825 = arith.andi %get3A_752, %and3A_824 : vector<16xi32>
          %bitcast3A_826 = vector.bitcast %and3A_825 : vector<16xi32> to vector<16xf32>
          %mul3A_827 = vector.broadcast %squeeze3A_162 : f32 to vector<16xf32>
          %mul3A_828 = arith.mulf %mul3A_827, %bitcast3A_822 : vector<16xf32>
          %mul3A_829 = vector.broadcast %squeeze3A_162 : f32 to vector<16xf32>
          %mul3A_830 = arith.mulf %mul3A_829, %bitcast3A_826 : vector<16xf32>
          %shift_left3A_831 = arith.constant 16 : i32
          %shift_left3A_832 = vector.broadcast %shift_left3A_831 : i32 to vector<16xi32>
          %shift_left3A_833 = arith.shli %get3A_759, %shift_left3A_832 : vector<16xi32>
          %bitcast3A_834 = vector.bitcast %shift_left3A_833 : vector<16xi32> to vector<16xf32>
          %and3A_835 = arith.constant -65536 : i32
          %and3A_836 = vector.broadcast %and3A_835 : i32 to vector<16xi32>
          %and3A_837 = arith.andi %get3A_759, %and3A_836 : vector<16xi32>
          %bitcast3A_838 = vector.bitcast %and3A_837 : vector<16xi32> to vector<16xf32>
          %mul3A_839 = vector.broadcast %squeeze3A_164 : f32 to vector<16xf32>
          %mul3A_840 = arith.mulf %mul3A_839, %bitcast3A_834 : vector<16xf32>
          %mul3A_841 = vector.broadcast %squeeze3A_164 : f32 to vector<16xf32>
          %mul3A_842 = arith.mulf %mul3A_841, %bitcast3A_838 : vector<16xf32>
          %shift_left3A_843 = arith.constant 16 : i32
          %shift_left3A_844 = vector.broadcast %shift_left3A_843 : i32 to vector<16xi32>
          %shift_left3A_845 = arith.shli %get3A_766, %shift_left3A_844 : vector<16xi32>
          %bitcast3A_846 = vector.bitcast %shift_left3A_845 : vector<16xi32> to vector<16xf32>
          %and3A_847 = arith.constant -65536 : i32
          %and3A_848 = vector.broadcast %and3A_847 : i32 to vector<16xi32>
          %and3A_849 = arith.andi %get3A_766, %and3A_848 : vector<16xi32>
          %bitcast3A_850 = vector.bitcast %and3A_849 : vector<16xi32> to vector<16xf32>
          %mul3A_851 = vector.broadcast %squeeze3A_166 : f32 to vector<16xf32>
          %mul3A_852 = arith.mulf %mul3A_851, %bitcast3A_846 : vector<16xf32>
          %mul3A_853 = vector.broadcast %squeeze3A_166 : f32 to vector<16xf32>
          %mul3A_854 = arith.mulf %mul3A_853, %bitcast3A_850 : vector<16xf32>
          %mul3A_855 = arith.constant 4 : i32
          %mul3A_856 = arith.muli %mul3A_855, %scan3A_151 : i32
          %add3A_857 = arith.constant 0 : i32
          %add3A_858 = arith.addi %mul3A_856, %add3A_857 : i32
          %get3A_859 = arith.index_cast %add3A_858 : i32 to index
          %get3A_860 = arith.constant 96 : index
          %get3A_861 = tpu.vector_load %arg19[%get3A_859, %get3A_860] {strides = array<i32>} : memref<16x128xi32, #tpu.memory_space<vmem>>, vector<16xi32>,
          %mul3A_862 = arith.constant 4 : i32
          %mul3A_863 = arith.muli %mul3A_862, %scan3A_151 : i32
          %add3A_864 = arith.constant 1 : i32
          %add3A_865 = arith.addi %mul3A_863, %add3A_864 : i32
          %get3A_866 = arith.index_cast %add3A_865 : i32 to index
          %get3A_867 = arith.constant 96 : index
          %get3A_868 = tpu.vector_load %arg19[%get3A_866, %get3A_867] {strides = array<i32>} : memref<16x128xi32, #tpu.memory_space<vmem>>, vector<16xi32>,
          %mul3A_869 = arith.constant 4 : i32
          %mul3A_870 = arith.muli %mul3A_869, %scan3A_151 : i32
          %add3A_871 = arith.constant 2 : i32
          %add3A_872 = arith.addi %mul3A_870, %add3A_871 : i32
          %get3A_873 = arith.index_cast %add3A_872 : i32 to index
          %get3A_874 = arith.constant 96 : index
          %get3A_875 = tpu.vector_load %arg19[%get3A_873, %get3A_874] {strides = array<i32>} : memref<16x128xi32, #tpu.memory_space<vmem>>, vector<16xi32>,
          %mul3A_876 = arith.constant 4 : i32
          %mul3A_877 = arith.muli %mul3A_876, %scan3A_151 : i32
          %add3A_878 = arith.constant 3 : i32
          %add3A_879 = arith.addi %mul3A_877, %add3A_878 : i32
          %get3A_880 = arith.index_cast %add3A_879 : i32 to index
          %get3A_881 = arith.constant 96 : index
          %get3A_882 = tpu.vector_load %arg19[%get3A_880, %get3A_881] {strides = array<i32>} : memref<16x128xi32, #tpu.memory_space<vmem>>, vector<16xi32>,
          %add3A_883 = arith.constant 80 : i32
          %add3A_884 = arith.addi %mul3A_195, %add3A_883 : i32
          %swap3A_885 = arith.index_cast %add3A_884 : i32 to index
          %swap3A_886 = tpu.vector_load %arg20[%swap3A_885] {strides = array<i32>} : memref<80128xf32, #tpu.memory_space<vmem>>, vector<16xf32>,
          tpu.vector_store %arg20[%swap3A_885], %mul3A_816 {add = true, strides = array<i32>} : memref<80128xf32, #tpu.memory_space<vmem>>, vector<16xf32>,
          %add3A_887 = arith.constant 128 : i32
          %add3A_888 = arith.addi %mul3A_195, %add3A_887 : i32
          %add3A_889 = arith.constant 80 : i32
          %add3A_890 = arith.addi %add3A_888, %add3A_889 : i32
          %swap3A_891 = arith.index_cast %add3A_890 : i32 to index
          %swap3A_892 = tpu.vector_load %arg20[%swap3A_891] {strides = array<i32>} : memref<80128xf32, #tpu.memory_space<vmem>>, vector<16xf32>,
          tpu.vector_store %arg20[%swap3A_891], %mul3A_818 {add = true, strides = array<i32>} : memref<80128xf32, #tpu.memory_space<vmem>>, vector<16xf32>,
          %add3A_893 = arith.constant 80 : i32
          %add3A_894 = arith.addi %mul3A_197, %add3A_893 : i32
          %swap3A_895 = arith.index_cast %add3A_894 : i32 to index
          %swap3A_896 = tpu.vector_load %arg20[%swap3A_895] {strides = array<i32>} : memref<80128xf32, #tpu.memory_space<vmem>>, vector<16xf32>,
          tpu.vector_store %arg20[%swap3A_895], %mul3A_828 {add = true, strides = array<i32>} : memref<80128xf32, #tpu.memory_space<vmem>>, vector<16xf32>,
          %add3A_897 = arith.constant 128 : i32
          %add3A_898 = arith.addi %mul3A_197, %add3A_897 : i32
          %add3A_899 = arith.constant 80 : i32
          %add3A_900 = arith.addi %add3A_898, %add3A_899 : i32
          %swap3A_901 = arith.index_cast %add3A_900 : i32 to index
          %swap3A_902 = tpu.vector_load %arg20[%swap3A_901] {strides = array<i32>} : memref<80128xf32, #tpu.memory_space<vmem>>, vector<16xf32>,
          tpu.vector_store %arg20[%swap3A_901], %mul3A_830 {add = true, strides = array<i32>} : memref<80128xf32, #tpu.memory_space<vmem>>, vector<16xf32>,
          %add3A_903 = arith.constant 80 : i32
          %add3A_904 = arith.addi %mul3A_199, %add3A_903 : i32
          %swap3A_905 = arith.index_cast %add3A_904 : i32 to index
          %swap3A_906 = tpu.vector_load %arg20[%swap3A_905] {strides = array<i32>} : memref<80128xf32, #tpu.memory_space<vmem>>, vector<16xf32>,
          tpu.vector_store %arg20[%swap3A_905], %mul3A_840 {add = true, strides = array<i32>} : memref<80128xf32, #tpu.memory_space<vmem>>, vector<16xf32>,
          %add3A_907 = arith.constant 128 : i32
          %add3A_908 = arith.addi %mul3A_199, %add3A_907 : i32
          %add3A_909 = arith.constant 80 : i32
          %add3A_910 = arith.addi %add3A_908, %add3A_909 : i32
          %swap3A_911 = arith.index_cast %add3A_910 : i32 to index
          %swap3A_912 = tpu.vector_load %arg20[%swap3A_911] {strides = array<i32>} : memref<80128xf32, #tpu.memory_space<vmem>>, vector<16xf32>,
          tpu.vector_store %arg20[%swap3A_911], %mul3A_842 {add = true, strides = array<i32>} : memref<80128xf32, #tpu.memory_space<vmem>>, vector<16xf32>,
          %add3A_913 = arith.constant 80 : i32
          %add3A_914 = arith.addi %mul3A_201, %add3A_913 : i32
          %swap3A_915 = arith.index_cast %add3A_914 : i32 to index
          %swap3A_916 = tpu.vector_load %arg20[%swap3A_915] {strides = array<i32>} : memref<80128xf32, #tpu.memory_space<vmem>>, vector<16xf32>,
          tpu.vector_store %arg20[%swap3A_915], %mul3A_852 {add = true, strides = array<i32>} : memref<80128xf32, #tpu.memory_space<vmem>>, vector<16xf32>,
          %add3A_917 = arith.constant 128 : i32
          %add3A_918 = arith.addi %mul3A_201, %add3A_917 : i32
          %add3A_919 = arith.constant 80 : i32
          %add3A_920 = arith.addi %add3A_918, %add3A_919 : i32
          %swap3A_921 = arith.index_cast %add3A_920 : i32 to index
          %swap3A_922 = tpu.vector_load %arg20[%swap3A_921] {strides = array<i32>} : memref<80128xf32, #tpu.memory_space<vmem>>, vector<16xf32>,
          tpu.vector_store %arg20[%swap3A_921], %mul3A_854 {add = true, strides = array<i32>} : memref<80128xf32, #tpu.memory_space<vmem>>, vector<16xf32>,
          %shift_left3A_923 = arith.constant 16 : i32
          %shift_left3A_924 = vector.broadcast %shift_left3A_923 : i32 to vector<16xi32>
          %shift_left3A_925 = arith.shli %get3A_861, %shift_left3A_924 : vector<16xi32>
          %bitcast3A_926 = vector.bitcast %shift_left3A_925 : vector<16xi32> to vector<16xf32>
          %and3A_927 = arith.constant -65536 : i32
          %and3A_928 = vector.broadcast %and3A_927 : i32 to vector<16xi32>
          %and3A_929 = arith.andi %get3A_861, %and3A_928 : vector<16xi32>
          %bitcast3A_930 = vector.bitcast %and3A_929 : vector<16xi32> to vector<16xf32>
          %mul3A_931 = vector.broadcast %squeeze3A_160 : f32 to vector<16xf32>
          %mul3A_932 = arith.mulf %mul3A_931, %bitcast3A_926 : vector<16xf32>
          %mul3A_933 = vector.broadcast %squeeze3A_160 : f32 to vector<16xf32>
          %mul3A_934 = arith.mulf %mul3A_933, %bitcast3A_930 : vector<16xf32>
          %shift_left3A_935 = arith.constant 16 : i32
          %shift_left3A_936 = vector.broadcast %shift_left3A_935 : i32 to vector<16xi32>
          %shift_left3A_937 = arith.shli %get3A_868, %shift_left3A_936 : vector<16xi32>
          %bitcast3A_938 = vector.bitcast %shift_left3A_937 : vector<16xi32> to vector<16xf32>
          %and3A_939 = arith.constant -65536 : i32
          %and3A_940 = vector.broadcast %and3A_939 : i32 to vector<16xi32>
          %and3A_941 = arith.andi %get3A_868, %and3A_940 : vector<16xi32>
          %bitcast3A_942 = vector.bitcast %and3A_941 : vector<16xi32> to vector<16xf32>
          %mul3A_943 = vector.broadcast %squeeze3A_162 : f32 to vector<16xf32>
          %mul3A_944 = arith.mulf %mul3A_943, %bitcast3A_938 : vector<16xf32>
          %mul3A_945 = vector.broadcast %squeeze3A_162 : f32 to vector<16xf32>
          %mul3A_946 = arith.mulf %mul3A_945, %bitcast3A_942 : vector<16xf32>
          %shift_left3A_947 = arith.constant 16 : i32
          %shift_left3A_948 = vector.broadcast %shift_left3A_947 : i32 to vector<16xi32>
          %shift_left3A_949 = arith.shli %get3A_875, %shift_left3A_948 : vector<16xi32>
          %bitcast3A_950 = vector.bitcast %shift_left3A_949 : vector<16xi32> to vector<16xf32>
          %and3A_951 = arith.constant -65536 : i32
          %and3A_952 = vector.broadcast %and3A_951 : i32 to vector<16xi32>
          %and3A_953 = arith.andi %get3A_875, %and3A_952 : vector<16xi32>
          %bitcast3A_954 = vector.bitcast %and3A_953 : vector<16xi32> to vector<16xf32>
          %mul3A_955 = vector.broadcast %squeeze3A_164 : f32 to vector<16xf32>
          %mul3A_956 = arith.mulf %mul3A_955, %bitcast3A_950 : vector<16xf32>
          %mul3A_957 = vector.broadcast %squeeze3A_164 : f32 to vector<16xf32>
          %mul3A_958 = arith.mulf %mul3A_957, %bitcast3A_954 : vector<16xf32>
          %shift_left3A_959 = arith.constant 16 : i32
          %shift_left3A_960 = vector.broadcast %shift_left3A_959 : i32 to vector<16xi32>
          %shift_left3A_961 = arith.shli %get3A_882, %shift_left3A_960 : vector<16xi32>
          %bitcast3A_962 = vector.bitcast %shift_left3A_961 : vector<16xi32> to vector<16xf32>
          %and3A_963 = arith.constant -65536 : i32
          %and3A_964 = vector.broadcast %and3A_963 : i32 to vector<16xi32>
          %and3A_965 = arith.andi %get3A_882, %and3A_964 : vector<16xi32>
          %bitcast3A_966 = vector.bitcast %and3A_965 : vector<16xi32> to vector<16xf32>
          %mul3A_967 = vector.broadcast %squeeze3A_166 : f32 to vector<16xf32>
          %mul3A_968 = arith.mulf %mul3A_967, %bitcast3A_962 : vector<16xf32>
          %mul3A_969 = vector.broadcast %squeeze3A_166 : f32 to vector<16xf32>
          %mul3A_970 = arith.mulf %mul3A_969, %bitcast3A_966 : vector<16xf32>
          %mul3A_971 = arith.constant 4 : i32
          %mul3A_972 = arith.muli %mul3A_971, %scan3A_151 : i32
          %add3A_973 = arith.constant 0 : i32
          %add3A_974 = arith.addi %mul3A_972, %add3A_973 : i32
          %get3A_975 = arith.index_cast %add3A_974 : i32 to index
          %get3A_976 = arith.constant 112 : index
          %get3A_977 = tpu.vector_load %arg19[%get3A_975, %get3A_976] {strides = array<i32>} : memref<16x128xi32, #tpu.memory_space<vmem>>, vector<16xi32>,
          %mul3A_978 = arith.constant 4 : i32
          %mul3A_979 = arith.muli %mul3A_978, %scan3A_151 : i32
          %add3A_980 = arith.constant 1 : i32
          %add3A_981 = arith.addi %mul3A_979, %add3A_980 : i32
          %get3A_982 = arith.index_cast %add3A_981 : i32 to index
          %get3A_983 = arith.constant 112 : index
          %get3A_984 = tpu.vector_load %arg19[%get3A_982, %get3A_983] {strides = array<i32>} : memref<16x128xi32, #tpu.memory_space<vmem>>, vector<16xi32>,
          %mul3A_985 = arith.constant 4 : i32
          %mul3A_986 = arith.muli %mul3A_985, %scan3A_151 : i32
          %add3A_987 = arith.constant 2 : i32
          %add3A_988 = arith.addi %mul3A_986, %add3A_987 : i32
          %get3A_989 = arith.index_cast %add3A_988 : i32 to index
          %get3A_990 = arith.constant 112 : index
          %get3A_991 = tpu.vector_load %arg19[%get3A_989, %get3A_990] {strides = array<i32>} : memref<16x128xi32, #tpu.memory_space<vmem>>, vector<16xi32>,
          %mul3A_992 = arith.constant 4 : i32
          %mul3A_993 = arith.muli %mul3A_992, %scan3A_151 : i32
          %add3A_994 = arith.constant 3 : i32
          %add3A_995 = arith.addi %mul3A_993, %add3A_994 : i32
          %get3A_996 = arith.index_cast %add3A_995 : i32 to index
          %get3A_997 = arith.constant 112 : index
          %get3A_998 = tpu.vector_load %arg19[%get3A_996, %get3A_997] {strides = array<i32>} : memref<16x128xi32, #tpu.memory_space<vmem>>, vector<16xi32>,
          %add3A_999 = arith.constant 96 : i32
          %add3A_1000 = arith.addi %mul3A_195, %add3A_999 : i32
          %swap3A_1001 = arith.index_cast %add3A_1000 : i32 to index
          %swap3A_1002 = tpu.vector_load %arg20[%swap3A_1001] {strides = array<i32>} : memref<80128xf32, #tpu.memory_space<vmem>>, vector<16xf32>,
          tpu.vector_store %arg20[%swap3A_1001], %mul3A_932 {add = true, strides = array<i32>} : memref<80128xf32, #tpu.memory_space<vmem>>, vector<16xf32>,
          %add3A_1003 = arith.constant 128 : i32
          %add3A_1004 = arith.addi %mul3A_195, %add3A_1003 : i32
          %add3A_1005 = arith.constant 96 : i32
          %add3A_1006 = arith.addi %add3A_1004, %add3A_1005 : i32
          %swap3A_1007 = arith.index_cast %add3A_1006 : i32 to index
          %swap3A_1008 = tpu.vector_load %arg20[%swap3A_1007] {strides = array<i32>} : memref<80128xf32, #tpu.memory_space<vmem>>, vector<16xf32>,
          tpu.vector_store %arg20[%swap3A_1007], %mul3A_934 {add = true, strides = array<i32>} : memref<80128xf32, #tpu.memory_space<vmem>>, vector<16xf32>,
          %add3A_1009 = arith.constant 96 : i32
          %add3A_1010 = arith.addi %mul3A_197, %add3A_1009 : i32
          %swap3A_1011 = arith.index_cast %add3A_1010 : i32 to index
          %swap3A_1012 = tpu.vector_load %arg20[%swap3A_1011] {strides = array<i32>} : memref<80128xf32, #tpu.memory_space<vmem>>, vector<16xf32>,
          tpu.vector_store %arg20[%swap3A_1011], %mul3A_944 {add = true, strides = array<i32>} : memref<80128xf32, #tpu.memory_space<vmem>>, vector<16xf32>,
          %add3A_1013 = arith.constant 128 : i32
          %add3A_1014 = arith.addi %mul3A_197, %add3A_1013 : i32
          %add3A_1015 = arith.constant 96 : i32
          %add3A_1016 = arith.addi %add3A_1014, %add3A_1015 : i32
          %swap3A_1017 = arith.index_cast %add3A_1016 : i32 to index
          %swap3A_1018 = tpu.vector_load %arg20[%swap3A_1017] {strides = array<i32>} : memref<80128xf32, #tpu.memory_space<vmem>>, vector<16xf32>,
          tpu.vector_store %arg20[%swap3A_1017], %mul3A_946 {add = true, strides = array<i32>} : memref<80128xf32, #tpu.memory_space<vmem>>, vector<16xf32>,
          %add3A_1019 = arith.constant 96 : i32
          %add3A_1020 = arith.addi %mul3A_199, %add3A_1019 : i32
          %swap3A_1021 = arith.index_cast %add3A_1020 : i32 to index
          %swap3A_1022 = tpu.vector_load %arg20[%swap3A_1021] {strides = array<i32>} : memref<80128xf32, #tpu.memory_space<vmem>>, vector<16xf32>,
          tpu.vector_store %arg20[%swap3A_1021], %mul3A_956 {add = true, strides = array<i32>} : memref<80128xf32, #tpu.memory_space<vmem>>, vector<16xf32>,
          %add3A_1023 = arith.constant 128 : i32
          %add3A_1024 = arith.addi %mul3A_199, %add3A_1023 : i32
          %add3A_1025 = arith.constant 96 : i32
          %add3A_1026 = arith.addi %add3A_1024, %add3A_1025 : i32
          %swap3A_1027 = arith.index_cast %add3A_1026 : i32 to index
          %swap3A_1028 = tpu.vector_load %arg20[%swap3A_1027] {strides = array<i32>} : memref<80128xf32, #tpu.memory_space<vmem>>, vector<16xf32>,
          tpu.vector_store %arg20[%swap3A_1027], %mul3A_958 {add = true, strides = array<i32>} : memref<80128xf32, #tpu.memory_space<vmem>>, vector<16xf32>,
          %add3A_1029 = arith.constant 96 : i32
          %add3A_1030 = arith.addi %mul3A_201, %add3A_1029 : i32
          %swap3A_1031 = arith.index_cast %add3A_1030 : i32 to index
          %swap3A_1032 = tpu.vector_load %arg20[%swap3A_1031] {strides = array<i32>} : memref<80128xf32, #tpu.memory_space<vmem>>, vector<16xf32>,
          tpu.vector_store %arg20[%swap3A_1031], %mul3A_968 {add = true, strides = array<i32>} : memref<80128xf32, #tpu.memory_space<vmem>>, vector<16xf32>,
          %add3A_1033 = arith.constant 128 : i32
          %add3A_1034 = arith.addi %mul3A_201, %add3A_1033 : i32
          %add3A_1035 = arith.constant 96 : i32
          %add3A_1036 = arith.addi %add3A_1034, %add3A_1035 : i32
          %swap3A_1037 = arith.index_cast %add3A_1036 : i32 to index
          %swap3A_1038 = tpu.vector_load %arg20[%swap3A_1037] {strides = array<i32>} : memref<80128xf32, #tpu.memory_space<vmem>>, vector<16xf32>,
          tpu.vector_store %arg20[%swap3A_1037], %mul3A_970 {add = true, strides = array<i32>} : memref<80128xf32, #tpu.memory_space<vmem>>, vector<16xf32>,
          %shift_left3A_1039 = arith.constant 16 : i32
          %shift_left3A_1040 = vector.broadcast %shift_left3A_1039 : i32 to vector<16xi32>
          %shift_left3A_1041 = arith.shli %get3A_977, %shift_left3A_1040 : vector<16xi32>
          %bitcast3A_1042 = vector.bitcast %shift_left3A_1041 : vector<16xi32> to vector<16xf32>
          %and3A_1043 = arith.constant -65536 : i32
          %and3A_1044 = vector.broadcast %and3A_1043 : i32 to vector<16xi32>
          %and3A_1045 = arith.andi %get3A_977, %and3A_1044 : vector<16xi32>
          %bitcast3A_1046 = vector.bitcast %and3A_1045 : vector<16xi32> to vector<16xf32>
          %mul3A_1047 = vector.broadcast %squeeze3A_160 : f32 to vector<16xf32>
          %mul3A_1048 = arith.mulf %mul3A_1047, %bitcast3A_1042 : vector<16xf32>
          %mul3A_1049 = vector.broadcast %squeeze3A_160 : f32 to vector<16xf32>
          %mul3A_1050 = arith.mulf %mul3A_1049, %bitcast3A_1046 : vector<16xf32>
          %shift_left3A_1051 = arith.constant 16 : i32
          %shift_left3A_1052 = vector.broadcast %shift_left3A_1051 : i32 to vector<16xi32>
          %shift_left3A_1053 = arith.shli %get3A_984, %shift_left3A_1052 : vector<16xi32>
          %bitcast3A_1054 = vector.bitcast %shift_left3A_1053 : vector<16xi32> to vector<16xf32>
          %and3A_1055 = arith.constant -65536 : i32
          %and3A_1056 = vector.broadcast %and3A_1055 : i32 to vector<16xi32>
          %and3A_1057 = arith.andi %get3A_984, %and3A_1056 : vector<16xi32>
          %bitcast3A_1058 = vector.bitcast %and3A_1057 : vector<16xi32> to vector<16xf32>
          %mul3A_1059 = vector.broadcast %squeeze3A_162 : f32 to vector<16xf32>
          %mul3A_1060 = arith.mulf %mul3A_1059, %bitcast3A_1054 : vector<16xf32>
          %mul3A_1061 = vector.broadcast %squeeze3A_162 : f32 to vector<16xf32>
          %mul3A_1062 = arith.mulf %mul3A_1061, %bitcast3A_1058 : vector<16xf32>
          %shift_left3A_1063 = arith.constant 16 : i32
          %shift_left3A_1064 = vector.broadcast %shift_left3A_1063 : i32 to vector<16xi32>
          %shift_left3A_1065 = arith.shli %get3A_991, %shift_left3A_1064 : vector<16xi32>
          %bitcast3A_1066 = vector.bitcast %shift_left3A_1065 : vector<16xi32> to vector<16xf32>
          %and3A_1067 = arith.constant -65536 : i32
          %and3A_1068 = vector.broadcast %and3A_1067 : i32 to vector<16xi32>
          %and3A_1069 = arith.andi %get3A_991, %and3A_1068 : vector<16xi32>
          %bitcast3A_1070 = vector.bitcast %and3A_1069 : vector<16xi32> to vector<16xf32>
          %mul3A_1071 = vector.broadcast %squeeze3A_164 : f32 to vector<16xf32>
          %mul3A_1072 = arith.mulf %mul3A_1071, %bitcast3A_1066 : vector<16xf32>
          %mul3A_1073 = vector.broadcast %squeeze3A_164 : f32 to vector<16xf32>
          %mul3A_1074 = arith.mulf %mul3A_1073, %bitcast3A_1070 : vector<16xf32>
          %shift_left3A_1075 = arith.constant 16 : i32
          %shift_left3A_1076 = vector.broadcast %shift_left3A_1075 : i32 to vector<16xi32>
          %shift_left3A_1077 = arith.shli %get3A_998, %shift_left3A_1076 : vector<16xi32>
          %bitcast3A_1078 = vector.bitcast %shift_left3A_1077 : vector<16xi32> to vector<16xf32>
          %and3A_1079 = arith.constant -65536 : i32
          %and3A_1080 = vector.broadcast %and3A_1079 : i32 to vector<16xi32>
          %and3A_1081 = arith.andi %get3A_998, %and3A_1080 : vector<16xi32>
          %bitcast3A_1082 = vector.bitcast %and3A_1081 : vector<16xi32> to vector<16xf32>
          %mul3A_1083 = vector.broadcast %squeeze3A_166 : f32 to vector<16xf32>
          %mul3A_1084 = arith.mulf %mul3A_1083, %bitcast3A_1078 : vector<16xf32>
          %mul3A_1085 = vector.broadcast %squeeze3A_166 : f32 to vector<16xf32>
          %mul3A_1086 = arith.mulf %mul3A_1085, %bitcast3A_1082 : vector<16xf32>
          %add3A_1087 = arith.constant 112 : i32
          %add3A_1088 = arith.addi %mul3A_195, %add3A_1087 : i32
          %swap3A_1089 = arith.index_cast %add3A_1088 : i32 to index
          %swap3A_1090 = tpu.vector_load %arg20[%swap3A_1089] {strides = array<i32>} : memref<80128xf32, #tpu.memory_space<vmem>>, vector<16xf32>,
          tpu.vector_store %arg20[%swap3A_1089], %mul3A_1048 {add = true, strides = array<i32>} : memref<80128xf32, #tpu.memory_space<vmem>>, vector<16xf32>,
          %add3A_1091 = arith.constant 128 : i32
          %add3A_1092 = arith.addi %mul3A_195, %add3A_1091 : i32
          %add3A_1093 = arith.constant 112 : i32
          %add3A_1094 = arith.addi %add3A_1092, %add3A_1093 : i32
          %swap3A_1095 = arith.index_cast %add3A_1094 : i32 to index
          %swap3A_1096 = tpu.vector_load %arg20[%swap3A_1095] {strides = array<i32>} : memref<80128xf32, #tpu.memory_space<vmem>>, vector<16xf32>,
          tpu.vector_store %arg20[%swap3A_1095], %mul3A_1050 {add = true, strides = array<i32>} : memref<80128xf32, #tpu.memory_space<vmem>>, vector<16xf32>,
          %add3A_1097 = arith.constant 112 : i32
          %add3A_1098 = arith.addi %mul3A_197, %add3A_1097 : i32
          %swap3A_1099 = arith.index_cast %add3A_1098 : i32 to index
          %swap3A_1100 = tpu.vector_load %arg20[%swap3A_1099] {strides = array<i32>} : memref<80128xf32, #tpu.memory_space<vmem>>, vector<16xf32>,
          tpu.vector_store %arg20[%swap3A_1099], %mul3A_1060 {add = true, strides = array<i32>} : memref<80128xf32, #tpu.memory_space<vmem>>, vector<16xf32>,
          %add3A_1101 = arith.constant 128 : i32
          %add3A_1102 = arith.addi %mul3A_197, %add3A_1101 : i32
          %add3A_1103 = arith.constant 112 : i32
          %add3A_1104 = arith.addi %add3A_1102, %add3A_1103 : i32
          %swap3A_1105 = arith.index_cast %add3A_1104 : i32 to index
          %swap3A_1106 = tpu.vector_load %arg20[%swap3A_1105] {strides = array<i32>} : memref<80128xf32, #tpu.memory_space<vmem>>, vector<16xf32>,
          tpu.vector_store %arg20[%swap3A_1105], %mul3A_1062 {add = true, strides = array<i32>} : memref<80128xf32, #tpu.memory_space<vmem>>, vector<16xf32>,
          %add3A_1107 = arith.constant 112 : i32
          %add3A_1108 = arith.addi %mul3A_199, %add3A_1107 : i32
          %swap3A_1109 = arith.index_cast %add3A_1108 : i32 to index
          %swap3A_1110 = tpu.vector_load %arg20[%swap3A_1109] {strides = array<i32>} : memref<80128xf32, #tpu.memory_space<vmem>>, vector<16xf32>,
          tpu.vector_store %arg20[%swap3A_1109], %mul3A_1072 {add = true, strides = array<i32>} : memref<80128xf32, #tpu.memory_space<vmem>>, vector<16xf32>,
          %add3A_1111 = arith.constant 128 : i32
          %add3A_1112 = arith.addi %mul3A_199, %add3A_1111 : i32
          %add3A_1113 = arith.constant 112 : i32
          %add3A_1114 = arith.addi %add3A_1112, %add3A_1113 : i32
          %swap3A_1115 = arith.index_cast %add3A_1114 : i32 to index
          %swap3A_1116 = tpu.vector_load %arg20[%swap3A_1115] {strides = array<i32>} : memref<80128xf32, #tpu.memory_space<vmem>>, vector<16xf32>,
          tpu.vector_store %arg20[%swap3A_1115], %mul3A_1074 {add = true, strides = array<i32>} : memref<80128xf32, #tpu.memory_space<vmem>>, vector<16xf32>,
          %add3A_1117 = arith.constant 112 : i32
          %add3A_1118 = arith.addi %mul3A_201, %add3A_1117 : i32
          %swap3A_1119 = arith.index_cast %add3A_1118 : i32 to index
          %swap3A_1120 = tpu.vector_load %arg20[%swap3A_1119] {strides = array<i32>} : memref<80128xf32, #tpu.memory_space<vmem>>, vector<16xf32>,
          tpu.vector_store %arg20[%swap3A_1119], %mul3A_1084 {add = true, strides = array<i32>} : memref<80128xf32, #tpu.memory_space<vmem>>, vector<16xf32>,
          %add3A_1121 = arith.constant 128 : i32
          %add3A_1122 = arith.addi %mul3A_201, %add3A_1121 : i32
          %add3A_1123 = arith.constant 112 : i32
          %add3A_1124 = arith.addi %add3A_1122, %add3A_1123 : i32
          %swap3A_1125 = arith.index_cast %add3A_1124 : i32 to index
          %swap3A_1126 = tpu.vector_load %arg20[%swap3A_1125] {strides = array<i32>} : memref<80128xf32, #tpu.memory_space<vmem>>, vector<16xf32>,
          tpu.vector_store %arg20[%swap3A_1125], %mul3A_1086 {add = true, strides = array<i32>} : memref<80128xf32, #tpu.memory_space<vmem>>, vector<16xf32>,
        }
        %scan3A_150 = arith.constant 4 : i32
      }
      %while3A_130 = arith.constant 1 : i32
      scf.for %while3A_131 = %while3A_128 to %while3A_124 step %while3A_130  : i32 {
        %mul3A_132 = arith.constant 16 : i32
        %mul3A_133 = arith.muli %while3A_131, %mul3A_132 : i32
        %dma_start3A_134 = tpu.memref_slice %arg16[%mul3A_133] : memref<4032xi32, #tpu.memory_space<vmem>> -> memref<16xi32, #tpu.memory_space<vmem>>
        %dma_start3A_135 = arith.constant 0 : i32
        %dma_start3A_136 = arith.constant 0 : i32
        %dma_start3A_137 = tpu.memref_slice %arg2[%dma_start3A_135, %dma_start3A_136] : memref<10000x128xi32, #tpu.memory_space<hbm>> -> memref<10000x128xi32, #tpu.memory_space<hbm>>
        tpu.enqueue_indirect_dma source(%dma_start3A_137 : memref<10000x128xi32, #tpu.memory_space<hbm>>) target(%arg19 : memref<16x128xi32, #tpu.memory_space<vmem>>) offsets(%dma_start3A_134 : memref<16xi32, #tpu.memory_space<vmem>>) semaphore(%arg26 : memref<!tpu.dma_semaphore, #tpu.memory_space<semaphore_mem>>)
        %dma_wait3A_138 = arith.constant 0 : i32
        %dma_wait3A_139 = tpu.memref_slice %arg16[%dma_wait3A_138] : memref<4032xi32, #tpu.memory_space<vmem>> -> memref<16xi32, #tpu.memory_space<vmem>>
        %dma_wait3A_140 = arith.constant 0 : i32
        %dma_wait3A_141 = arith.constant 0 : i32
        %dma_wait3A_142 = tpu.memref_slice %arg2[%dma_wait3A_140, %dma_wait3A_141] : memref<10000x128xi32, #tpu.memory_space<hbm>> -> memref<10000x128xi32, #tpu.memory_space<hbm>>
        tpu.wait_indirect_dma semaphore(%arg26 : memref<!tpu.dma_semaphore, #tpu.memory_space<semaphore_mem>>) src(%dma_wait3A_142 : memref<10000x128xi32, #tpu.memory_space<hbm>>) dst(%arg19 : memref<16x128xi32, #tpu.memory_space<vmem>>)
        %mul3A_143 = arith.constant 16 : i32
        %mul3A_144 = arith.muli %while3A_131, %mul3A_143 : i32
        %scan3A_145 = arith.constant 0 : i32
        %scan3A_146 = arith.constant 0 : i32
        %scan3A_147 = arith.constant 4 : i32
        %scan3A_148 = arith.addi %scan3A_146, %scan3A_147 : i32
        %scan3A_149 = arith.constant 1 : i32
        scf.for %scan3A_151 = %scan3A_146 to %scan3A_148 step %scan3A_149  : i32 {
          %mul3A_152 = arith.constant 4 : i32
          %mul3A_153 = arith.muli %mul3A_152, %scan3A_151 : i32
          %add3A_154 = arith.addi %mul3A_144, %mul3A_153 : i32
          %get3A_155 = arith.index_cast %add3A_154 : i32 to index
          %get3A_156 = tpu.vector_load %arg18[%get3A_155] {strides = array<i32>} : memref<4032xf32, #tpu.memory_space<vmem>>, vector<16xf32>,
          %get3A_157 = arith.index_cast %add3A_154 : i32 to index
          %get3A_158 = tpu.vector_load %arg17[%get3A_157] {strides = array<i32>} : memref<4032xi32, #tpu.memory_space<vmem>>, vector<16xi32>,
          %slice3A_159 = vector.extract_strided_slice %get3A_156 {offsets = [0], sizes = [1], strides = [1]} : vector<16xf32> to vector<1xf32>
          %squeeze3A_160 = vector.extract %slice3A_159[0] : f32 from vector<1xf32>
          %slice3A_161 = vector.extract_strided_slice %get3A_156 {offsets = [1], sizes = [1], strides = [1]} : vector<16xf32> to vector<1xf32>
          %squeeze3A_162 = vector.extract %slice3A_161[0] : f32 from vector<1xf32>
          %slice3A_163 = vector.extract_strided_slice %get3A_156 {offsets = [2], sizes = [1], strides = [1]} : vector<16xf32> to vector<1xf32>
          %squeeze3A_164 = vector.extract %slice3A_163[0] : f32 from vector<1xf32>
          %slice3A_165 = vector.extract_strided_slice %get3A_156 {offsets = [3], sizes = [1], strides = [1]} : vector<16xf32> to vector<1xf32>
          %squeeze3A_166 = vector.extract %slice3A_165[0] : f32 from vector<1xf32>
          %slice3A_167 = vector.extract_strided_slice %get3A_158 {offsets = [0], sizes = [1], strides = [1]} : vector<16xi32> to vector<1xi32>
          %squeeze3A_168 = vector.extract %slice3A_167[0] : i32 from vector<1xi32>
          %slice3A_169 = vector.extract_strided_slice %get3A_158 {offsets = [1], sizes = [1], strides = [1]} : vector<16xi32> to vector<1xi32>
          %squeeze3A_170 = vector.extract %slice3A_169[0] : i32 from vector<1xi32>
          %slice3A_171 = vector.extract_strided_slice %get3A_158 {offsets = [2], sizes = [1], strides = [1]} : vector<16xi32> to vector<1xi32>
          %squeeze3A_172 = vector.extract %slice3A_171[0] : i32 from vector<1xi32>
          %slice3A_173 = vector.extract_strided_slice %get3A_158 {offsets = [3], sizes = [1], strides = [1]} : vector<16xi32> to vector<1xi32>
          %squeeze3A_174 = vector.extract %slice3A_173[0] : i32 from vector<1xi32>
          %broadcast_in_dim3A_175 = vector.broadcast %squeeze3A_168 : i32 to vector<16xi32>
          %broadcast_in_dim3A_176 = vector.broadcast %squeeze3A_160 : f32 to vector<16xf32>
          %eq3A = arith.constant 0 : i32
          %eq3A_177 = vector.broadcast %eq3A : i32 to vector<16xi32>
          %eq3A_178 = arith.cmpi eq, %iota3A, %eq3A_177 : vector<16xi32>
          tpu.vector_store_idx %arg21[%broadcast_in_dim3A_175], %broadcast_in_dim3A_176 masked %eq3A_178 {add = true} : memref<336xf32, #tpu.memory_space<vmem>>[vector<16xi32>], vector<16xf32>, vector<16xi1>
          %broadcast_in_dim3A_179 = vector.broadcast %squeeze3A_170 : i32 to vector<16xi32>
          %broadcast_in_dim3A_180 = vector.broadcast %squeeze3A_162 : f32 to vector<16xf32>
          %eq3A_181 = arith.constant 0 : i32
          %eq3A_182 = vector.broadcast %eq3A_181 : i32 to vector<16xi32>
          %eq3A_183 = arith.cmpi eq, %iota3A, %eq3A_182 : vector<16xi32>
          tpu.vector_store_idx %arg21[%broadcast_in_dim3A_179], %broadcast_in_dim3A_180 masked %eq3A_183 {add = true} : memref<336xf32, #tpu.memory_space<vmem>>[vector<16xi32>], vector<16xf32>, vector<16xi1>
          %broadcast_in_dim3A_184 = vector.broadcast %squeeze3A_172 : i32 to vector<16xi32>
          %broadcast_in_dim3A_185 = vector.broadcast %squeeze3A_164 : f32 to vector<16xf32>
          %eq3A_186 = arith.constant 0 : i32
          %eq3A_187 = vector.broadcast %eq3A_186 : i32 to vector<16xi32>
          %eq3A_188 = arith.cmpi eq, %iota3A, %eq3A_187 : vector<16xi32>
          tpu.vector_store_idx %arg21[%broadcast_in_dim3A_184], %broadcast_in_dim3A_185 masked %eq3A_188 {add = true} : memref<336xf32, #tpu.memory_space<vmem>>[vector<16xi32>], vector<16xf32>, vector<16xi1>
          %broadcast_in_dim3A_189 = vector.broadcast %squeeze3A_174 : i32 to vector<16xi32>
          %broadcast_in_dim3A_190 = vector.broadcast %squeeze3A_166 : f32 to vector<16xf32>
          %eq3A_191 = arith.constant 0 : i32
          %eq3A_192 = vector.broadcast %eq3A_191 : i32 to vector<16xi32>
          %eq3A_193 = arith.cmpi eq, %iota3A, %eq3A_192 : vector<16xi32>
          tpu.vector_store_idx %arg21[%broadcast_in_dim3A_189], %broadcast_in_dim3A_190 masked %eq3A_193 {add = true} : memref<336xf32, #tpu.memory_space<vmem>>[vector<16xi32>], vector<16xf32>, vector<16xi1>
          %mul3A_194 = arith.constant 256 : i32
          %mul3A_195 = arith.muli %squeeze3A_168, %mul3A_194 : i32
          %mul3A_196 = arith.constant 256 : i32
          %mul3A_197 = arith.muli %squeeze3A_170, %mul3A_196 : i32
          %mul3A_198 = arith.constant 256 : i32
          %mul3A_199 = arith.muli %squeeze3A_172, %mul3A_198 : i32
          %mul3A_200 = arith.constant 256 : i32
          %mul3A_201 = arith.muli %squeeze3A_174, %mul3A_200 : i32
          %mul3A_202 = arith.constant 4 : i32
          %mul3A_203 = arith.muli %mul3A_202, %scan3A_151 : i32
          %add3A_204 = arith.constant 0 : i32
          %add3A_205 = arith.addi %mul3A_203, %add3A_204 : i32
          %get3A_206 = arith.index_cast %add3A_205 : i32 to index
          %get3A_207 = arith.constant 0 : index
          %get3A_208 = tpu.vector_load %arg19[%get3A_206, %get3A_207] {strides = array<i32>} : memref<16x128xi32, #tpu.memory_space<vmem>>, vector<16xi32>,
          %mul3A_209 = arith.constant 4 : i32
          %mul3A_210 = arith.muli %mul3A_209, %scan3A_151 : i32
          %add3A_211 = arith.constant 1 : i32
          %add3A_212 = arith.addi %mul3A_210, %add3A_211 : i32
          %get3A_213 = arith.index_cast %add3A_212 : i32 to index
          %get3A_214 = arith.constant 0 : index
          %get3A_215 = tpu.vector_load %arg19[%get3A_213, %get3A_214] {strides = array<i32>} : memref<16x128xi32, #tpu.memory_space<vmem>>, vector<16xi32>,
          %mul3A_216 = arith.constant 4 : i32
          %mul3A_217 = arith.muli %mul3A_216, %scan3A_151 : i32
          %add3A_218 = arith.constant 2 : i32
          %add3A_219 = arith.addi %mul3A_217, %add3A_218 : i32
          %get3A_220 = arith.index_cast %add3A_219 : i32 to index
          %get3A_221 = arith.constant 0 : index
          %get3A_222 = tpu.vector_load %arg19[%get3A_220, %get3A_221] {strides = array<i32>} : memref<16x128xi32, #tpu.memory_space<vmem>>, vector<16xi32>,
          %mul3A_223 = arith.constant 4 : i32
          %mul3A_224 = arith.muli %mul3A_223, %scan3A_151 : i32
          %add3A_225 = arith.constant 3 : i32
          %add3A_226 = arith.addi %mul3A_224, %add3A_225 : i32
          %get3A_227 = arith.index_cast %add3A_226 : i32 to index
          %get3A_228 = arith.constant 0 : index
          %get3A_229 = tpu.vector_load %arg19[%get3A_227, %get3A_228] {strides = array<i32>} : memref<16x128xi32, #tpu.memory_space<vmem>>, vector<16xi32>,
          %shift_left3A = arith.constant 16 : i32
          %shift_left3A_230 = vector.broadcast %shift_left3A : i32 to vector<16xi32>
          %shift_left3A_231 = arith.shli %get3A_208, %shift_left3A_230 : vector<16xi32>
          %bitcast3A = vector.bitcast %shift_left3A_231 : vector<16xi32> to vector<16xf32>
          %and3A_232 = arith.constant -65536 : i32
          %and3A_233 = vector.broadcast %and3A_232 : i32 to vector<16xi32>
          %and3A_234 = arith.andi %get3A_208, %and3A_233 : vector<16xi32>
          %bitcast3A_235 = vector.bitcast %and3A_234 : vector<16xi32> to vector<16xf32>
          %mul3A_236 = vector.broadcast %squeeze3A_160 : f32 to vector<16xf32>
          %mul3A_237 = arith.mulf %mul3A_236, %bitcast3A : vector<16xf32>
          %mul3A_238 = vector.broadcast %squeeze3A_160 : f32 to vector<16xf32>
          %mul3A_239 = arith.mulf %mul3A_238, %bitcast3A_235 : vector<16xf32>
          %shift_left3A_240 = arith.constant 16 : i32
          %shift_left3A_241 = vector.broadcast %shift_left3A_240 : i32 to vector<16xi32>
          %shift_left3A_242 = arith.shli %get3A_215, %shift_left3A_241 : vector<16xi32>
          %bitcast3A_243 = vector.bitcast %shift_left3A_242 : vector<16xi32> to vector<16xf32>
          %and3A_244 = arith.constant -65536 : i32
          %and3A_245 = vector.broadcast %and3A_244 : i32 to vector<16xi32>
          %and3A_246 = arith.andi %get3A_215, %and3A_245 : vector<16xi32>
          %bitcast3A_247 = vector.bitcast %and3A_246 : vector<16xi32> to vector<16xf32>
          %mul3A_248 = vector.broadcast %squeeze3A_162 : f32 to vector<16xf32>
          %mul3A_249 = arith.mulf %mul3A_248, %bitcast3A_243 : vector<16xf32>
          %mul3A_250 = vector.broadcast %squeeze3A_162 : f32 to vector<16xf32>
          %mul3A_251 = arith.mulf %mul3A_250, %bitcast3A_247 : vector<16xf32>
          %shift_left3A_252 = arith.constant 16 : i32
          %shift_left3A_253 = vector.broadcast %shift_left3A_252 : i32 to vector<16xi32>
          %shift_left3A_254 = arith.shli %get3A_222, %shift_left3A_253 : vector<16xi32>
          %bitcast3A_255 = vector.bitcast %shift_left3A_254 : vector<16xi32> to vector<16xf32>
          %and3A_256 = arith.constant -65536 : i32
          %and3A_257 = vector.broadcast %and3A_256 : i32 to vector<16xi32>
          %and3A_258 = arith.andi %get3A_222, %and3A_257 : vector<16xi32>
          %bitcast3A_259 = vector.bitcast %and3A_258 : vector<16xi32> to vector<16xf32>
          %mul3A_260 = vector.broadcast %squeeze3A_164 : f32 to vector<16xf32>
          %mul3A_261 = arith.mulf %mul3A_260, %bitcast3A_255 : vector<16xf32>
          %mul3A_262 = vector.broadcast %squeeze3A_164 : f32 to vector<16xf32>
          %mul3A_263 = arith.mulf %mul3A_262, %bitcast3A_259 : vector<16xf32>
          %shift_left3A_264 = arith.constant 16 : i32
          %shift_left3A_265 = vector.broadcast %shift_left3A_264 : i32 to vector<16xi32>
          %shift_left3A_266 = arith.shli %get3A_229, %shift_left3A_265 : vector<16xi32>
          %bitcast3A_267 = vector.bitcast %shift_left3A_266 : vector<16xi32> to vector<16xf32>
          %and3A_268 = arith.constant -65536 : i32
          %and3A_269 = vector.broadcast %and3A_268 : i32 to vector<16xi32>
          %and3A_270 = arith.andi %get3A_229, %and3A_269 : vector<16xi32>
          %bitcast3A_271 = vector.bitcast %and3A_270 : vector<16xi32> to vector<16xf32>
          %mul3A_272 = vector.broadcast %squeeze3A_166 : f32 to vector<16xf32>
          %mul3A_273 = arith.mulf %mul3A_272, %bitcast3A_267 : vector<16xf32>
          %mul3A_274 = vector.broadcast %squeeze3A_166 : f32 to vector<16xf32>
          %mul3A_275 = arith.mulf %mul3A_274, %bitcast3A_271 : vector<16xf32>
          %mul3A_276 = arith.constant 4 : i32
          %mul3A_277 = arith.muli %mul3A_276, %scan3A_151 : i32
          %add3A_278 = arith.constant 0 : i32
          %add3A_279 = arith.addi %mul3A_277, %add3A_278 : i32
          %get3A_280 = arith.index_cast %add3A_279 : i32 to index
          %get3A_281 = arith.constant 16 : index
          %get3A_282 = tpu.vector_load %arg19[%get3A_280, %get3A_281] {strides = array<i32>} : memref<16x128xi32, #tpu.memory_space<vmem>>, vector<16xi32>,
          %mul3A_283 = arith.constant 4 : i32
          %mul3A_284 = arith.muli %mul3A_283, %scan3A_151 : i32
          %add3A_285 = arith.constant 1 : i32
          %add3A_286 = arith.addi %mul3A_284, %add3A_285 : i32
          %get3A_287 = arith.index_cast %add3A_286 : i32 to index
          %get3A_288 = arith.constant 16 : index
          %get3A_289 = tpu.vector_load %arg19[%get3A_287, %get3A_288] {strides = array<i32>} : memref<16x128xi32, #tpu.memory_space<vmem>>, vector<16xi32>,
          %mul3A_290 = arith.constant 4 : i32
          %mul3A_291 = arith.muli %mul3A_290, %scan3A_151 : i32
          %add3A_292 = arith.constant 2 : i32
          %add3A_293 = arith.addi %mul3A_291, %add3A_292 : i32
          %get3A_294 = arith.index_cast %add3A_293 : i32 to index
          %get3A_295 = arith.constant 16 : index
          %get3A_296 = tpu.vector_load %arg19[%get3A_294, %get3A_295] {strides = array<i32>} : memref<16x128xi32, #tpu.memory_space<vmem>>, vector<16xi32>,
          %mul3A_297 = arith.constant 4 : i32
          %mul3A_298 = arith.muli %mul3A_297, %scan3A_151 : i32
          %add3A_299 = arith.constant 3 : i32
          %add3A_300 = arith.addi %mul3A_298, %add3A_299 : i32
          %get3A_301 = arith.index_cast %add3A_300 : i32 to index
          %get3A_302 = arith.constant 16 : index
          %get3A_303 = tpu.vector_load %arg19[%get3A_301, %get3A_302] {strides = array<i32>} : memref<16x128xi32, #tpu.memory_space<vmem>>, vector<16xi32>,
          %add3A_304 = arith.constant 0 : i32
          %add3A_305 = arith.addi %mul3A_195, %add3A_304 : i32
          %swap3A = arith.index_cast %add3A_305 : i32 to index
          %swap3A_306 = tpu.vector_load %arg20[%swap3A] {strides = array<i32>} : memref<80128xf32, #tpu.memory_space<vmem>>, vector<16xf32>,
          tpu.vector_store %arg20[%swap3A], %mul3A_237 {add = true, strides = array<i32>} : memref<80128xf32, #tpu.memory_space<vmem>>, vector<16xf32>,
          %add3A_307 = arith.constant 128 : i32
          %add3A_308 = arith.addi %mul3A_195, %add3A_307 : i32
          %add3A_309 = arith.constant 0 : i32
          %add3A_310 = arith.addi %add3A_308, %add3A_309 : i32
          %swap3A_311 = arith.index_cast %add3A_310 : i32 to index
          %swap3A_312 = tpu.vector_load %arg20[%swap3A_311] {strides = array<i32>} : memref<80128xf32, #tpu.memory_space<vmem>>, vector<16xf32>,
          tpu.vector_store %arg20[%swap3A_311], %mul3A_239 {add = true, strides = array<i32>} : memref<80128xf32, #tpu.memory_space<vmem>>, vector<16xf32>,
          %add3A_313 = arith.constant 0 : i32
          %add3A_314 = arith.addi %mul3A_197, %add3A_313 : i32
          %swap3A_315 = arith.index_cast %add3A_314 : i32 to index
          %swap3A_316 = tpu.vector_load %arg20[%swap3A_315] {strides = array<i32>} : memref<80128xf32, #tpu.memory_space<vmem>>, vector<16xf32>,
          tpu.vector_store %arg20[%swap3A_315], %mul3A_249 {add = true, strides = array<i32>} : memref<80128xf32, #tpu.memory_space<vmem>>, vector<16xf32>,
          %add3A_317 = arith.constant 128 : i32
          %add3A_318 = arith.addi %mul3A_197, %add3A_317 : i32
          %add3A_319 = arith.constant 0 : i32
          %add3A_320 = arith.addi %add3A_318, %add3A_319 : i32
          %swap3A_321 = arith.index_cast %add3A_320 : i32 to index
          %swap3A_322 = tpu.vector_load %arg20[%swap3A_321] {strides = array<i32>} : memref<80128xf32, #tpu.memory_space<vmem>>, vector<16xf32>,
          tpu.vector_store %arg20[%swap3A_321], %mul3A_251 {add = true, strides = array<i32>} : memref<80128xf32, #tpu.memory_space<vmem>>, vector<16xf32>,
          %add3A_323 = arith.constant 0 : i32
          %add3A_324 = arith.addi %mul3A_199, %add3A_323 : i32
          %swap3A_325 = arith.index_cast %add3A_324 : i32 to index
          %swap3A_326 = tpu.vector_load %arg20[%swap3A_325] {strides = array<i32>} : memref<80128xf32, #tpu.memory_space<vmem>>, vector<16xf32>,
          tpu.vector_store %arg20[%swap3A_325], %mul3A_261 {add = true, strides = array<i32>} : memref<80128xf32, #tpu.memory_space<vmem>>, vector<16xf32>,
          %add3A_327 = arith.constant 128 : i32
          %add3A_328 = arith.addi %mul3A_199, %add3A_327 : i32
          %add3A_329 = arith.constant 0 : i32
          %add3A_330 = arith.addi %add3A_328, %add3A_329 : i32
          %swap3A_331 = arith.index_cast %add3A_330 : i32 to index
          %swap3A_332 = tpu.vector_load %arg20[%swap3A_331] {strides = array<i32>} : memref<80128xf32, #tpu.memory_space<vmem>>, vector<16xf32>,
          tpu.vector_store %arg20[%swap3A_331], %mul3A_263 {add = true, strides = array<i32>} : memref<80128xf32, #tpu.memory_space<vmem>>, vector<16xf32>,
          %add3A_333 = arith.constant 0 : i32
          %add3A_334 = arith.addi %mul3A_201, %add3A_333 : i32
          %swap3A_335 = arith.index_cast %add3A_334 : i32 to index
          %swap3A_336 = tpu.vector_load %arg20[%swap3A_335] {strides = array<i32>} : memref<80128xf32, #tpu.memory_space<vmem>>, vector<16xf32>,
          tpu.vector_store %arg20[%swap3A_335], %mul3A_273 {add = true, strides = array<i32>} : memref<80128xf32, #tpu.memory_space<vmem>>, vector<16xf32>,
          %add3A_337 = arith.constant 128 : i32
          %add3A_338 = arith.addi %mul3A_201, %add3A_337 : i32
          %add3A_339 = arith.constant 0 : i32
          %add3A_340 = arith.addi %add3A_338, %add3A_339 : i32
          %swap3A_341 = arith.index_cast %add3A_340 : i32 to index
          %swap3A_342 = tpu.vector_load %arg20[%swap3A_341] {strides = array<i32>} : memref<80128xf32, #tpu.memory_space<vmem>>, vector<16xf32>,
          tpu.vector_store %arg20[%swap3A_341], %mul3A_275 {add = true, strides = array<i32>} : memref<80128xf32, #tpu.memory_space<vmem>>, vector<16xf32>,
          %shift_left3A_343 = arith.constant 16 : i32
          %shift_left3A_344 = vector.broadcast %shift_left3A_343 : i32 to vector<16xi32>
          %shift_left3A_345 = arith.shli %get3A_282, %shift_left3A_344 : vector<16xi32>
          %bitcast3A_346 = vector.bitcast %shift_left3A_345 : vector<16xi32> to vector<16xf32>
          %and3A_347 = arith.constant -65536 : i32
          %and3A_348 = vector.broadcast %and3A_347 : i32 to vector<16xi32>
          %and3A_349 = arith.andi %get3A_282, %and3A_348 : vector<16xi32>
          %bitcast3A_350 = vector.bitcast %and3A_349 : vector<16xi32> to vector<16xf32>
          %mul3A_351 = vector.broadcast %squeeze3A_160 : f32 to vector<16xf32>
          %mul3A_352 = arith.mulf %mul3A_351, %bitcast3A_346 : vector<16xf32>
          %mul3A_353 = vector.broadcast %squeeze3A_160 : f32 to vector<16xf32>
          %mul3A_354 = arith.mulf %mul3A_353, %bitcast3A_350 : vector<16xf32>
          %shift_left3A_355 = arith.constant 16 : i32
          %shift_left3A_356 = vector.broadcast %shift_left3A_355 : i32 to vector<16xi32>
          %shift_left3A_357 = arith.shli %get3A_289, %shift_left3A_356 : vector<16xi32>
          %bitcast3A_358 = vector.bitcast %shift_left3A_357 : vector<16xi32> to vector<16xf32>
          %and3A_359 = arith.constant -65536 : i32
          %and3A_360 = vector.broadcast %and3A_359 : i32 to vector<16xi32>
          %and3A_361 = arith.andi %get3A_289, %and3A_360 : vector<16xi32>
          %bitcast3A_362 = vector.bitcast %and3A_361 : vector<16xi32> to vector<16xf32>
          %mul3A_363 = vector.broadcast %squeeze3A_162 : f32 to vector<16xf32>
          %mul3A_364 = arith.mulf %mul3A_363, %bitcast3A_358 : vector<16xf32>
          %mul3A_365 = vector.broadcast %squeeze3A_162 : f32 to vector<16xf32>
          %mul3A_366 = arith.mulf %mul3A_365, %bitcast3A_362 : vector<16xf32>
          %shift_left3A_367 = arith.constant 16 : i32
          %shift_left3A_368 = vector.broadcast %shift_left3A_367 : i32 to vector<16xi32>
          %shift_left3A_369 = arith.shli %get3A_296, %shift_left3A_368 : vector<16xi32>
          %bitcast3A_370 = vector.bitcast %shift_left3A_369 : vector<16xi32> to vector<16xf32>
          %and3A_371 = arith.constant -65536 : i32
          %and3A_372 = vector.broadcast %and3A_371 : i32 to vector<16xi32>
          %and3A_373 = arith.andi %get3A_296, %and3A_372 : vector<16xi32>
          %bitcast3A_374 = vector.bitcast %and3A_373 : vector<16xi32> to vector<16xf32>
          %mul3A_375 = vector.broadcast %squeeze3A_164 : f32 to vector<16xf32>
          %mul3A_376 = arith.mulf %mul3A_375, %bitcast3A_370 : vector<16xf32>
          %mul3A_377 = vector.broadcast %squeeze3A_164 : f32 to vector<16xf32>
          %mul3A_378 = arith.mulf %mul3A_377, %bitcast3A_374 : vector<16xf32>
          %shift_left3A_379 = arith.constant 16 : i32
          %shift_left3A_380 = vector.broadcast %shift_left3A_379 : i32 to vector<16xi32>
          %shift_left3A_381 = arith.shli %get3A_303, %shift_left3A_380 : vector<16xi32>
          %bitcast3A_382 = vector.bitcast %shift_left3A_381 : vector<16xi32> to vector<16xf32>
          %and3A_383 = arith.constant -65536 : i32
          %and3A_384 = vector.broadcast %and3A_383 : i32 to vector<16xi32>
          %and3A_385 = arith.andi %get3A_303, %and3A_384 : vector<16xi32>
          %bitcast3A_386 = vector.bitcast %and3A_385 : vector<16xi32> to vector<16xf32>
          %mul3A_387 = vector.broadcast %squeeze3A_166 : f32 to vector<16xf32>
          %mul3A_388 = arith.mulf %mul3A_387, %bitcast3A_382 : vector<16xf32>
          %mul3A_389 = vector.broadcast %squeeze3A_166 : f32 to vector<16xf32>
          %mul3A_390 = arith.mulf %mul3A_389, %bitcast3A_386 : vector<16xf32>
          %mul3A_391 = arith.constant 4 : i32
          %mul3A_392 = arith.muli %mul3A_391, %scan3A_151 : i32
          %add3A_393 = arith.constant 0 : i32
          %add3A_394 = arith.addi %mul3A_392, %add3A_393 : i32
          %get3A_395 = arith.index_cast %add3A_394 : i32 to index
          %get3A_396 = arith.constant 32 : index
          %get3A_397 = tpu.vector_load %arg19[%get3A_395, %get3A_396] {strides = array<i32>} : memref<16x128xi32, #tpu.memory_space<vmem>>, vector<16xi32>,
          %mul3A_398 = arith.constant 4 : i32
          %mul3A_399 = arith.muli %mul3A_398, %scan3A_151 : i32
          %add3A_400 = arith.constant 1 : i32
          %add3A_401 = arith.addi %mul3A_399, %add3A_400 : i32
          %get3A_402 = arith.index_cast %add3A_401 : i32 to index
          %get3A_403 = arith.constant 32 : index
          %get3A_404 = tpu.vector_load %arg19[%get3A_402, %get3A_403] {strides = array<i32>} : memref<16x128xi32, #tpu.memory_space<vmem>>, vector<16xi32>,
          %mul3A_405 = arith.constant 4 : i32
          %mul3A_406 = arith.muli %mul3A_405, %scan3A_151 : i32
          %add3A_407 = arith.constant 2 : i32
          %add3A_408 = arith.addi %mul3A_406, %add3A_407 : i32
          %get3A_409 = arith.index_cast %add3A_408 : i32 to index
          %get3A_410 = arith.constant 32 : index
          %get3A_411 = tpu.vector_load %arg19[%get3A_409, %get3A_410] {strides = array<i32>} : memref<16x128xi32, #tpu.memory_space<vmem>>, vector<16xi32>,
          %mul3A_412 = arith.constant 4 : i32
          %mul3A_413 = arith.muli %mul3A_412, %scan3A_151 : i32
          %add3A_414 = arith.constant 3 : i32
          %add3A_415 = arith.addi %mul3A_413, %add3A_414 : i32
          %get3A_416 = arith.index_cast %add3A_415 : i32 to index
          %get3A_417 = arith.constant 32 : index
          %get3A_418 = tpu.vector_load %arg19[%get3A_416, %get3A_417] {strides = array<i32>} : memref<16x128xi32, #tpu.memory_space<vmem>>, vector<16xi32>,
          %add3A_419 = arith.constant 16 : i32
          %add3A_420 = arith.addi %mul3A_195, %add3A_419 : i32
          %swap3A_421 = arith.index_cast %add3A_420 : i32 to index
          %swap3A_422 = tpu.vector_load %arg20[%swap3A_421] {strides = array<i32>} : memref<80128xf32, #tpu.memory_space<vmem>>, vector<16xf32>,
          tpu.vector_store %arg20[%swap3A_421], %mul3A_352 {add = true, strides = array<i32>} : memref<80128xf32, #tpu.memory_space<vmem>>, vector<16xf32>,
          %add3A_423 = arith.constant 128 : i32
          %add3A_424 = arith.addi %mul3A_195, %add3A_423 : i32
          %add3A_425 = arith.constant 16 : i32
          %add3A_426 = arith.addi %add3A_424, %add3A_425 : i32
          %swap3A_427 = arith.index_cast %add3A_426 : i32 to index
          %swap3A_428 = tpu.vector_load %arg20[%swap3A_427] {strides = array<i32>} : memref<80128xf32, #tpu.memory_space<vmem>>, vector<16xf32>,
          tpu.vector_store %arg20[%swap3A_427], %mul3A_354 {add = true, strides = array<i32>} : memref<80128xf32, #tpu.memory_space<vmem>>, vector<16xf32>,
          %add3A_429 = arith.constant 16 : i32
          %add3A_430 = arith.addi %mul3A_197, %add3A_429 : i32
          %swap3A_431 = arith.index_cast %add3A_430 : i32 to index
          %swap3A_432 = tpu.vector_load %arg20[%swap3A_431] {strides = array<i32>} : memref<80128xf32, #tpu.memory_space<vmem>>, vector<16xf32>,
          tpu.vector_store %arg20[%swap3A_431], %mul3A_364 {add = true, strides = array<i32>} : memref<80128xf32, #tpu.memory_space<vmem>>, vector<16xf32>,
          %add3A_433 = arith.constant 128 : i32
          %add3A_434 = arith.addi %mul3A_197, %add3A_433 : i32
          %add3A_435 = arith.constant 16 : i32
          %add3A_436 = arith.addi %add3A_434, %add3A_435 : i32
          %swap3A_437 = arith.index_cast %add3A_436 : i32 to index
          %swap3A_438 = tpu.vector_load %arg20[%swap3A_437] {strides = array<i32>} : memref<80128xf32, #tpu.memory_space<vmem>>, vector<16xf32>,
          tpu.vector_store %arg20[%swap3A_437], %mul3A_366 {add = true, strides = array<i32>} : memref<80128xf32, #tpu.memory_space<vmem>>, vector<16xf32>,
          %add3A_439 = arith.constant 16 : i32
          %add3A_440 = arith.addi %mul3A_199, %add3A_439 : i32
          %swap3A_441 = arith.index_cast %add3A_440 : i32 to index
          %swap3A_442 = tpu.vector_load %arg20[%swap3A_441] {strides = array<i32>} : memref<80128xf32, #tpu.memory_space<vmem>>, vector<16xf32>,
          tpu.vector_store %arg20[%swap3A_441], %mul3A_376 {add = true, strides = array<i32>} : memref<80128xf32, #tpu.memory_space<vmem>>, vector<16xf32>,
          %add3A_443 = arith.constant 128 : i32
          %add3A_444 = arith.addi %mul3A_199, %add3A_443 : i32
          %add3A_445 = arith.constant 16 : i32
          %add3A_446 = arith.addi %add3A_444, %add3A_445 : i32
          %swap3A_447 = arith.index_cast %add3A_446 : i32 to index
          %swap3A_448 = tpu.vector_load %arg20[%swap3A_447] {strides = array<i32>} : memref<80128xf32, #tpu.memory_space<vmem>>, vector<16xf32>,
          tpu.vector_store %arg20[%swap3A_447], %mul3A_378 {add = true, strides = array<i32>} : memref<80128xf32, #tpu.memory_space<vmem>>, vector<16xf32>,
          %add3A_449 = arith.constant 16 : i32
          %add3A_450 = arith.addi %mul3A_201, %add3A_449 : i32
          %swap3A_451 = arith.index_cast %add3A_450 : i32 to index
          %swap3A_452 = tpu.vector_load %arg20[%swap3A_451] {strides = array<i32>} : memref<80128xf32, #tpu.memory_space<vmem>>, vector<16xf32>,
          tpu.vector_store %arg20[%swap3A_451], %mul3A_388 {add = true, strides = array<i32>} : memref<80128xf32, #tpu.memory_space<vmem>>, vector<16xf32>,
          %add3A_453 = arith.constant 128 : i32
          %add3A_454 = arith.addi %mul3A_201, %add3A_453 : i32
          %add3A_455 = arith.constant 16 : i32
          %add3A_456 = arith.addi %add3A_454, %add3A_455 : i32
          %swap3A_457 = arith.index_cast %add3A_456 : i32 to index
          %swap3A_458 = tpu.vector_load %arg20[%swap3A_457] {strides = array<i32>} : memref<80128xf32, #tpu.memory_space<vmem>>, vector<16xf32>,
          tpu.vector_store %arg20[%swap3A_457], %mul3A_390 {add = true, strides = array<i32>} : memref<80128xf32, #tpu.memory_space<vmem>>, vector<16xf32>,
          %shift_left3A_459 = arith.constant 16 : i32
          %shift_left3A_460 = vector.broadcast %shift_left3A_459 : i32 to vector<16xi32>
          %shift_left3A_461 = arith.shli %get3A_397, %shift_left3A_460 : vector<16xi32>
          %bitcast3A_462 = vector.bitcast %shift_left3A_461 : vector<16xi32> to vector<16xf32>
          %and3A_463 = arith.constant -65536 : i32
          %and3A_464 = vector.broadcast %and3A_463 : i32 to vector<16xi32>
          %and3A_465 = arith.andi %get3A_397, %and3A_464 : vector<16xi32>
          %bitcast3A_466 = vector.bitcast %and3A_465 : vector<16xi32> to vector<16xf32>
          %mul3A_467 = vector.broadcast %squeeze3A_160 : f32 to vector<16xf32>
          %mul3A_468 = arith.mulf %mul3A_467, %bitcast3A_462 : vector<16xf32>
          %mul3A_469 = vector.broadcast %squeeze3A_160 : f32 to vector<16xf32>
          %mul3A_470 = arith.mulf %mul3A_469, %bitcast3A_466 : vector<16xf32>
          %shift_left3A_471 = arith.constant 16 : i32
          %shift_left3A_472 = vector.broadcast %shift_left3A_471 : i32 to vector<16xi32>
          %shift_left3A_473 = arith.shli %get3A_404, %shift_left3A_472 : vector<16xi32>
          %bitcast3A_474 = vector.bitcast %shift_left3A_473 : vector<16xi32> to vector<16xf32>
          %and3A_475 = arith.constant -65536 : i32
          %and3A_476 = vector.broadcast %and3A_475 : i32 to vector<16xi32>
          %and3A_477 = arith.andi %get3A_404, %and3A_476 : vector<16xi32>
          %bitcast3A_478 = vector.bitcast %and3A_477 : vector<16xi32> to vector<16xf32>
          %mul3A_479 = vector.broadcast %squeeze3A_162 : f32 to vector<16xf32>
          %mul3A_480 = arith.mulf %mul3A_479, %bitcast3A_474 : vector<16xf32>
          %mul3A_481 = vector.broadcast %squeeze3A_162 : f32 to vector<16xf32>
          %mul3A_482 = arith.mulf %mul3A_481, %bitcast3A_478 : vector<16xf32>
          %shift_left3A_483 = arith.constant 16 : i32
          %shift_left3A_484 = vector.broadcast %shift_left3A_483 : i32 to vector<16xi32>
          %shift_left3A_485 = arith.shli %get3A_411, %shift_left3A_484 : vector<16xi32>
          %bitcast3A_486 = vector.bitcast %shift_left3A_485 : vector<16xi32> to vector<16xf32>
          %and3A_487 = arith.constant -65536 : i32
          %and3A_488 = vector.broadcast %and3A_487 : i32 to vector<16xi32>
          %and3A_489 = arith.andi %get3A_411, %and3A_488 : vector<16xi32>
          %bitcast3A_490 = vector.bitcast %and3A_489 : vector<16xi32> to vector<16xf32>
          %mul3A_491 = vector.broadcast %squeeze3A_164 : f32 to vector<16xf32>
          %mul3A_492 = arith.mulf %mul3A_491, %bitcast3A_486 : vector<16xf32>
          %mul3A_493 = vector.broadcast %squeeze3A_164 : f32 to vector<16xf32>
          %mul3A_494 = arith.mulf %mul3A_493, %bitcast3A_490 : vector<16xf32>
          %shift_left3A_495 = arith.constant 16 : i32
          %shift_left3A_496 = vector.broadcast %shift_left3A_495 : i32 to vector<16xi32>
          %shift_left3A_497 = arith.shli %get3A_418, %shift_left3A_496 : vector<16xi32>
          %bitcast3A_498 = vector.bitcast %shift_left3A_497 : vector<16xi32> to vector<16xf32>
          %and3A_499 = arith.constant -65536 : i32
          %and3A_500 = vector.broadcast %and3A_499 : i32 to vector<16xi32>
          %and3A_501 = arith.andi %get3A_418, %and3A_500 : vector<16xi32>
          %bitcast3A_502 = vector.bitcast %and3A_501 : vector<16xi32> to vector<16xf32>
          %mul3A_503 = vector.broadcast %squeeze3A_166 : f32 to vector<16xf32>
          %mul3A_504 = arith.mulf %mul3A_503, %bitcast3A_498 : vector<16xf32>
          %mul3A_505 = vector.broadcast %squeeze3A_166 : f32 to vector<16xf32>
          %mul3A_506 = arith.mulf %mul3A_505, %bitcast3A_502 : vector<16xf32>
          %mul3A_507 = arith.constant 4 : i32
          %mul3A_508 = arith.muli %mul3A_507, %scan3A_151 : i32
          %add3A_509 = arith.constant 0 : i32
          %add3A_510 = arith.addi %mul3A_508, %add3A_509 : i32
          %get3A_511 = arith.index_cast %add3A_510 : i32 to index
          %get3A_512 = arith.constant 48 : index
          %get3A_513 = tpu.vector_load %arg19[%get3A_511, %get3A_512] {strides = array<i32>} : memref<16x128xi32, #tpu.memory_space<vmem>>, vector<16xi32>,
          %mul3A_514 = arith.constant 4 : i32
          %mul3A_515 = arith.muli %mul3A_514, %scan3A_151 : i32
          %add3A_516 = arith.constant 1 : i32
          %add3A_517 = arith.addi %mul3A_515, %add3A_516 : i32
          %get3A_518 = arith.index_cast %add3A_517 : i32 to index
          %get3A_519 = arith.constant 48 : index
          %get3A_520 = tpu.vector_load %arg19[%get3A_518, %get3A_519] {strides = array<i32>} : memref<16x128xi32, #tpu.memory_space<vmem>>, vector<16xi32>,
          %mul3A_521 = arith.constant 4 : i32
          %mul3A_522 = arith.muli %mul3A_521, %scan3A_151 : i32
          %add3A_523 = arith.constant 2 : i32
          %add3A_524 = arith.addi %mul3A_522, %add3A_523 : i32
          %get3A_525 = arith.index_cast %add3A_524 : i32 to index
          %get3A_526 = arith.constant 48 : index
          %get3A_527 = tpu.vector_load %arg19[%get3A_525, %get3A_526] {strides = array<i32>} : memref<16x128xi32, #tpu.memory_space<vmem>>, vector<16xi32>,
          %mul3A_528 = arith.constant 4 : i32
          %mul3A_529 = arith.muli %mul3A_528, %scan3A_151 : i32
          %add3A_530 = arith.constant 3 : i32
          %add3A_531 = arith.addi %mul3A_529, %add3A_530 : i32
          %get3A_532 = arith.index_cast %add3A_531 : i32 to index
          %get3A_533 = arith.constant 48 : index
          %get3A_534 = tpu.vector_load %arg19[%get3A_532, %get3A_533] {strides = array<i32>} : memref<16x128xi32, #tpu.memory_space<vmem>>, vector<16xi32>,
          %add3A_535 = arith.constant 32 : i32
          %add3A_536 = arith.addi %mul3A_195, %add3A_535 : i32
          %swap3A_537 = arith.index_cast %add3A_536 : i32 to index
          %swap3A_538 = tpu.vector_load %arg20[%swap3A_537] {strides = array<i32>} : memref<80128xf32, #tpu.memory_space<vmem>>, vector<16xf32>,
          tpu.vector_store %arg20[%swap3A_537], %mul3A_468 {add = true, strides = array<i32>} : memref<80128xf32, #tpu.memory_space<vmem>>, vector<16xf32>,
          %add3A_539 = arith.constant 128 : i32
          %add3A_540 = arith.addi %mul3A_195, %add3A_539 : i32
          %add3A_541 = arith.constant 32 : i32
          %add3A_542 = arith.addi %add3A_540, %add3A_541 : i32
          %swap3A_543 = arith.index_cast %add3A_542 : i32 to index
          %swap3A_544 = tpu.vector_load %arg20[%swap3A_543] {strides = array<i32>} : memref<80128xf32, #tpu.memory_space<vmem>>, vector<16xf32>,
          tpu.vector_store %arg20[%swap3A_543], %mul3A_470 {add = true, strides = array<i32>} : memref<80128xf32, #tpu.memory_space<vmem>>, vector<16xf32>,
          %add3A_545 = arith.constant 32 : i32
          %add3A_546 = arith.addi %mul3A_197, %add3A_545 : i32
          %swap3A_547 = arith.index_cast %add3A_546 : i32 to index
          %swap3A_548 = tpu.vector_load %arg20[%swap3A_547] {strides = array<i32>} : memref<80128xf32, #tpu.memory_space<vmem>>, vector<16xf32>,
          tpu.vector_store %arg20[%swap3A_547], %mul3A_480 {add = true, strides = array<i32>} : memref<80128xf32, #tpu.memory_space<vmem>>, vector<16xf32>,
          %add3A_549 = arith.constant 128 : i32
          %add3A_550 = arith.addi %mul3A_197, %add3A_549 : i32
          %add3A_551 = arith.constant 32 : i32
          %add3A_552 = arith.addi %add3A_550, %add3A_551 : i32
          %swap3A_553 = arith.index_cast %add3A_552 : i32 to index
          %swap3A_554 = tpu.vector_load %arg20[%swap3A_553] {strides = array<i32>} : memref<80128xf32, #tpu.memory_space<vmem>>, vector<16xf32>,
          tpu.vector_store %arg20[%swap3A_553], %mul3A_482 {add = true, strides = array<i32>} : memref<80128xf32, #tpu.memory_space<vmem>>, vector<16xf32>,
          %add3A_555 = arith.constant 32 : i32
          %add3A_556 = arith.addi %mul3A_199, %add3A_555 : i32
          %swap3A_557 = arith.index_cast %add3A_556 : i32 to index
          %swap3A_558 = tpu.vector_load %arg20[%swap3A_557] {strides = array<i32>} : memref<80128xf32, #tpu.memory_space<vmem>>, vector<16xf32>,
          tpu.vector_store %arg20[%swap3A_557], %mul3A_492 {add = true, strides = array<i32>} : memref<80128xf32, #tpu.memory_space<vmem>>, vector<16xf32>,
          %add3A_559 = arith.constant 128 : i32
          %add3A_560 = arith.addi %mul3A_199, %add3A_559 : i32
          %add3A_561 = arith.constant 32 : i32
          %add3A_562 = arith.addi %add3A_560, %add3A_561 : i32
          %swap3A_563 = arith.index_cast %add3A_562 : i32 to index
          %swap3A_564 = tpu.vector_load %arg20[%swap3A_563] {strides = array<i32>} : memref<80128xf32, #tpu.memory_space<vmem>>, vector<16xf32>,
          tpu.vector_store %arg20[%swap3A_563], %mul3A_494 {add = true, strides = array<i32>} : memref<80128xf32, #tpu.memory_space<vmem>>, vector<16xf32>,
          %add3A_565 = arith.constant 32 : i32
          %add3A_566 = arith.addi %mul3A_201, %add3A_565 : i32
          %swap3A_567 = arith.index_cast %add3A_566 : i32 to index
          %swap3A_568 = tpu.vector_load %arg20[%swap3A_567] {strides = array<i32>} : memref<80128xf32, #tpu.memory_space<vmem>>, vector<16xf32>,
          tpu.vector_store %arg20[%swap3A_567], %mul3A_504 {add = true, strides = array<i32>} : memref<80128xf32, #tpu.memory_space<vmem>>, vector<16xf32>,
          %add3A_569 = arith.constant 128 : i32
          %add3A_570 = arith.addi %mul3A_201, %add3A_569 : i32
          %add3A_571 = arith.constant 32 : i32
          %add3A_572 = arith.addi %add3A_570, %add3A_571 : i32
          %swap3A_573 = arith.index_cast %add3A_572 : i32 to index
          %swap3A_574 = tpu.vector_load %arg20[%swap3A_573] {strides = array<i32>} : memref<80128xf32, #tpu.memory_space<vmem>>, vector<16xf32>,
          tpu.vector_store %arg20[%swap3A_573], %mul3A_506 {add = true, strides = array<i32>} : memref<80128xf32, #tpu.memory_space<vmem>>, vector<16xf32>,
          %shift_left3A_575 = arith.constant 16 : i32
          %shift_left3A_576 = vector.broadcast %shift_left3A_575 : i32 to vector<16xi32>
          %shift_left3A_577 = arith.shli %get3A_513, %shift_left3A_576 : vector<16xi32>
          %bitcast3A_578 = vector.bitcast %shift_left3A_577 : vector<16xi32> to vector<16xf32>
          %and3A_579 = arith.constant -65536 : i32
          %and3A_580 = vector.broadcast %and3A_579 : i32 to vector<16xi32>
          %and3A_581 = arith.andi %get3A_513, %and3A_580 : vector<16xi32>
          %bitcast3A_582 = vector.bitcast %and3A_581 : vector<16xi32> to vector<16xf32>
          %mul3A_583 = vector.broadcast %squeeze3A_160 : f32 to vector<16xf32>
          %mul3A_584 = arith.mulf %mul3A_583, %bitcast3A_578 : vector<16xf32>
          %mul3A_585 = vector.broadcast %squeeze3A_160 : f32 to vector<16xf32>
          %mul3A_586 = arith.mulf %mul3A_585, %bitcast3A_582 : vector<16xf32>
          %shift_left3A_587 = arith.constant 16 : i32
          %shift_left3A_588 = vector.broadcast %shift_left3A_587 : i32 to vector<16xi32>
          %shift_left3A_589 = arith.shli %get3A_520, %shift_left3A_588 : vector<16xi32>
          %bitcast3A_590 = vector.bitcast %shift_left3A_589 : vector<16xi32> to vector<16xf32>
          %and3A_591 = arith.constant -65536 : i32
          %and3A_592 = vector.broadcast %and3A_591 : i32 to vector<16xi32>
          %and3A_593 = arith.andi %get3A_520, %and3A_592 : vector<16xi32>
          %bitcast3A_594 = vector.bitcast %and3A_593 : vector<16xi32> to vector<16xf32>
          %mul3A_595 = vector.broadcast %squeeze3A_162 : f32 to vector<16xf32>
          %mul3A_596 = arith.mulf %mul3A_595, %bitcast3A_590 : vector<16xf32>
          %mul3A_597 = vector.broadcast %squeeze3A_162 : f32 to vector<16xf32>
          %mul3A_598 = arith.mulf %mul3A_597, %bitcast3A_594 : vector<16xf32>
          %shift_left3A_599 = arith.constant 16 : i32
          %shift_left3A_600 = vector.broadcast %shift_left3A_599 : i32 to vector<16xi32>
          %shift_left3A_601 = arith.shli %get3A_527, %shift_left3A_600 : vector<16xi32>
          %bitcast3A_602 = vector.bitcast %shift_left3A_601 : vector<16xi32> to vector<16xf32>
          %and3A_603 = arith.constant -65536 : i32
          %and3A_604 = vector.broadcast %and3A_603 : i32 to vector<16xi32>
          %and3A_605 = arith.andi %get3A_527, %and3A_604 : vector<16xi32>
          %bitcast3A_606 = vector.bitcast %and3A_605 : vector<16xi32> to vector<16xf32>
          %mul3A_607 = vector.broadcast %squeeze3A_164 : f32 to vector<16xf32>
          %mul3A_608 = arith.mulf %mul3A_607, %bitcast3A_602 : vector<16xf32>
          %mul3A_609 = vector.broadcast %squeeze3A_164 : f32 to vector<16xf32>
          %mul3A_610 = arith.mulf %mul3A_609, %bitcast3A_606 : vector<16xf32>
          %shift_left3A_611 = arith.constant 16 : i32
          %shift_left3A_612 = vector.broadcast %shift_left3A_611 : i32 to vector<16xi32>
          %shift_left3A_613 = arith.shli %get3A_534, %shift_left3A_612 : vector<16xi32>
          %bitcast3A_614 = vector.bitcast %shift_left3A_613 : vector<16xi32> to vector<16xf32>
          %and3A_615 = arith.constant -65536 : i32
          %and3A_616 = vector.broadcast %and3A_615 : i32 to vector<16xi32>
          %and3A_617 = arith.andi %get3A_534, %and3A_616 : vector<16xi32>
          %bitcast3A_618 = vector.bitcast %and3A_617 : vector<16xi32> to vector<16xf32>
          %mul3A_619 = vector.broadcast %squeeze3A_166 : f32 to vector<16xf32>
          %mul3A_620 = arith.mulf %mul3A_619, %bitcast3A_614 : vector<16xf32>
          %mul3A_621 = vector.broadcast %squeeze3A_166 : f32 to vector<16xf32>
          %mul3A_622 = arith.mulf %mul3A_621, %bitcast3A_618 : vector<16xf32>
          %mul3A_623 = arith.constant 4 : i32
          %mul3A_624 = arith.muli %mul3A_623, %scan3A_151 : i32
          %add3A_625 = arith.constant 0 : i32
          %add3A_626 = arith.addi %mul3A_624, %add3A_625 : i32
          %get3A_627 = arith.index_cast %add3A_626 : i32 to index
          %get3A_628 = arith.constant 64 : index
          %get3A_629 = tpu.vector_load %arg19[%get3A_627, %get3A_628] {strides = array<i32>} : memref<16x128xi32, #tpu.memory_space<vmem>>, vector<16xi32>,
          %mul3A_630 = arith.constant 4 : i32
          %mul3A_631 = arith.muli %mul3A_630, %scan3A_151 : i32
          %add3A_632 = arith.constant 1 : i32
          %add3A_633 = arith.addi %mul3A_631, %add3A_632 : i32
          %get3A_634 = arith.index_cast %add3A_633 : i32 to index
          %get3A_635 = arith.constant 64 : index
          %get3A_636 = tpu.vector_load %arg19[%get3A_634, %get3A_635] {strides = array<i32>} : memref<16x128xi32, #tpu.memory_space<vmem>>, vector<16xi32>,
          %mul3A_637 = arith.constant 4 : i32
          %mul3A_638 = arith.muli %mul3A_637, %scan3A_151 : i32
          %add3A_639 = arith.constant 2 : i32
          %add3A_640 = arith.addi %mul3A_638, %add3A_639 : i32
          %get3A_641 = arith.index_cast %add3A_640 : i32 to index
          %get3A_642 = arith.constant 64 : index
          %get3A_643 = tpu.vector_load %arg19[%get3A_641, %get3A_642] {strides = array<i32>} : memref<16x128xi32, #tpu.memory_space<vmem>>, vector<16xi32>,
          %mul3A_644 = arith.constant 4 : i32
          %mul3A_645 = arith.muli %mul3A_644, %scan3A_151 : i32
          %add3A_646 = arith.constant 3 : i32
          %add3A_647 = arith.addi %mul3A_645, %add3A_646 : i32
          %get3A_648 = arith.index_cast %add3A_647 : i32 to index
          %get3A_649 = arith.constant 64 : index
          %get3A_650 = tpu.vector_load %arg19[%get3A_648, %get3A_649] {strides = array<i32>} : memref<16x128xi32, #tpu.memory_space<vmem>>, vector<16xi32>,
          %add3A_651 = arith.constant 48 : i32
          %add3A_652 = arith.addi %mul3A_195, %add3A_651 : i32
          %swap3A_653 = arith.index_cast %add3A_652 : i32 to index
          %swap3A_654 = tpu.vector_load %arg20[%swap3A_653] {strides = array<i32>} : memref<80128xf32, #tpu.memory_space<vmem>>, vector<16xf32>,
          tpu.vector_store %arg20[%swap3A_653], %mul3A_584 {add = true, strides = array<i32>} : memref<80128xf32, #tpu.memory_space<vmem>>, vector<16xf32>,
          %add3A_655 = arith.constant 128 : i32
          %add3A_656 = arith.addi %mul3A_195, %add3A_655 : i32
          %add3A_657 = arith.constant 48 : i32
          %add3A_658 = arith.addi %add3A_656, %add3A_657 : i32
          %swap3A_659 = arith.index_cast %add3A_658 : i32 to index
          %swap3A_660 = tpu.vector_load %arg20[%swap3A_659] {strides = array<i32>} : memref<80128xf32, #tpu.memory_space<vmem>>, vector<16xf32>,
          tpu.vector_store %arg20[%swap3A_659], %mul3A_586 {add = true, strides = array<i32>} : memref<80128xf32, #tpu.memory_space<vmem>>, vector<16xf32>,
          %add3A_661 = arith.constant 48 : i32
          %add3A_662 = arith.addi %mul3A_197, %add3A_661 : i32
          %swap3A_663 = arith.index_cast %add3A_662 : i32 to index
          %swap3A_664 = tpu.vector_load %arg20[%swap3A_663] {strides = array<i32>} : memref<80128xf32, #tpu.memory_space<vmem>>, vector<16xf32>,
          tpu.vector_store %arg20[%swap3A_663], %mul3A_596 {add = true, strides = array<i32>} : memref<80128xf32, #tpu.memory_space<vmem>>, vector<16xf32>,
          %add3A_665 = arith.constant 128 : i32
          %add3A_666 = arith.addi %mul3A_197, %add3A_665 : i32
          %add3A_667 = arith.constant 48 : i32
          %add3A_668 = arith.addi %add3A_666, %add3A_667 : i32
          %swap3A_669 = arith.index_cast %add3A_668 : i32 to index
          %swap3A_670 = tpu.vector_load %arg20[%swap3A_669] {strides = array<i32>} : memref<80128xf32, #tpu.memory_space<vmem>>, vector<16xf32>,
          tpu.vector_store %arg20[%swap3A_669], %mul3A_598 {add = true, strides = array<i32>} : memref<80128xf32, #tpu.memory_space<vmem>>, vector<16xf32>,
          %add3A_671 = arith.constant 48 : i32
          %add3A_672 = arith.addi %mul3A_199, %add3A_671 : i32
          %swap3A_673 = arith.index_cast %add3A_672 : i32 to index
          %swap3A_674 = tpu.vector_load %arg20[%swap3A_673] {strides = array<i32>} : memref<80128xf32, #tpu.memory_space<vmem>>, vector<16xf32>,
          tpu.vector_store %arg20[%swap3A_673], %mul3A_608 {add = true, strides = array<i32>} : memref<80128xf32, #tpu.memory_space<vmem>>, vector<16xf32>,
          %add3A_675 = arith.constant 128 : i32
          %add3A_676 = arith.addi %mul3A_199, %add3A_675 : i32
          %add3A_677 = arith.constant 48 : i32
          %add3A_678 = arith.addi %add3A_676, %add3A_677 : i32
          %swap3A_679 = arith.index_cast %add3A_678 : i32 to index
          %swap3A_680 = tpu.vector_load %arg20[%swap3A_679] {strides = array<i32>} : memref<80128xf32, #tpu.memory_space<vmem>>, vector<16xf32>,
          tpu.vector_store %arg20[%swap3A_679], %mul3A_610 {add = true, strides = array<i32>} : memref<80128xf32, #tpu.memory_space<vmem>>, vector<16xf32>,
          %add3A_681 = arith.constant 48 : i32
          %add3A_682 = arith.addi %mul3A_201, %add3A_681 : i32
          %swap3A_683 = arith.index_cast %add3A_682 : i32 to index
          %swap3A_684 = tpu.vector_load %arg20[%swap3A_683] {strides = array<i32>} : memref<80128xf32, #tpu.memory_space<vmem>>, vector<16xf32>,
          tpu.vector_store %arg20[%swap3A_683], %mul3A_620 {add = true, strides = array<i32>} : memref<80128xf32, #tpu.memory_space<vmem>>, vector<16xf32>,
          %add3A_685 = arith.constant 128 : i32
          %add3A_686 = arith.addi %mul3A_201, %add3A_685 : i32
          %add3A_687 = arith.constant 48 : i32
          %add3A_688 = arith.addi %add3A_686, %add3A_687 : i32
          %swap3A_689 = arith.index_cast %add3A_688 : i32 to index
          %swap3A_690 = tpu.vector_load %arg20[%swap3A_689] {strides = array<i32>} : memref<80128xf32, #tpu.memory_space<vmem>>, vector<16xf32>,
          tpu.vector_store %arg20[%swap3A_689], %mul3A_622 {add = true, strides = array<i32>} : memref<80128xf32, #tpu.memory_space<vmem>>, vector<16xf32>,
          %shift_left3A_691 = arith.constant 16 : i32
          %shift_left3A_692 = vector.broadcast %shift_left3A_691 : i32 to vector<16xi32>
          %shift_left3A_693 = arith.shli %get3A_629, %shift_left3A_692 : vector<16xi32>
          %bitcast3A_694 = vector.bitcast %shift_left3A_693 : vector<16xi32> to vector<16xf32>
          %and3A_695 = arith.constant -65536 : i32
          %and3A_696 = vector.broadcast %and3A_695 : i32 to vector<16xi32>
          %and3A_697 = arith.andi %get3A_629, %and3A_696 : vector<16xi32>
          %bitcast3A_698 = vector.bitcast %and3A_697 : vector<16xi32> to vector<16xf32>
          %mul3A_699 = vector.broadcast %squeeze3A_160 : f32 to vector<16xf32>
          %mul3A_700 = arith.mulf %mul3A_699, %bitcast3A_694 : vector<16xf32>
          %mul3A_701 = vector.broadcast %squeeze3A_160 : f32 to vector<16xf32>
          %mul3A_702 = arith.mulf %mul3A_701, %bitcast3A_698 : vector<16xf32>
          %shift_left3A_703 = arith.constant 16 : i32
          %shift_left3A_704 = vector.broadcast %shift_left3A_703 : i32 to vector<16xi32>
          %shift_left3A_705 = arith.shli %get3A_636, %shift_left3A_704 : vector<16xi32>
          %bitcast3A_706 = vector.bitcast %shift_left3A_705 : vector<16xi32> to vector<16xf32>
          %and3A_707 = arith.constant -65536 : i32
          %and3A_708 = vector.broadcast %and3A_707 : i32 to vector<16xi32>
          %and3A_709 = arith.andi %get3A_636, %and3A_708 : vector<16xi32>
          %bitcast3A_710 = vector.bitcast %and3A_709 : vector<16xi32> to vector<16xf32>
          %mul3A_711 = vector.broadcast %squeeze3A_162 : f32 to vector<16xf32>
          %mul3A_712 = arith.mulf %mul3A_711, %bitcast3A_706 : vector<16xf32>
          %mul3A_713 = vector.broadcast %squeeze3A_162 : f32 to vector<16xf32>
          %mul3A_714 = arith.mulf %mul3A_713, %bitcast3A_710 : vector<16xf32>
          %shift_left3A_715 = arith.constant 16 : i32
          %shift_left3A_716 = vector.broadcast %shift_left3A_715 : i32 to vector<16xi32>
          %shift_left3A_717 = arith.shli %get3A_643, %shift_left3A_716 : vector<16xi32>
          %bitcast3A_718 = vector.bitcast %shift_left3A_717 : vector<16xi32> to vector<16xf32>
          %and3A_719 = arith.constant -65536 : i32
          %and3A_720 = vector.broadcast %and3A_719 : i32 to vector<16xi32>
          %and3A_721 = arith.andi %get3A_643, %and3A_720 : vector<16xi32>
          %bitcast3A_722 = vector.bitcast %and3A_721 : vector<16xi32> to vector<16xf32>
          %mul3A_723 = vector.broadcast %squeeze3A_164 : f32 to vector<16xf32>
          %mul3A_724 = arith.mulf %mul3A_723, %bitcast3A_718 : vector<16xf32>
          %mul3A_725 = vector.broadcast %squeeze3A_164 : f32 to vector<16xf32>
          %mul3A_726 = arith.mulf %mul3A_725, %bitcast3A_722 : vector<16xf32>
          %shift_left3A_727 = arith.constant 16 : i32
          %shift_left3A_728 = vector.broadcast %shift_left3A_727 : i32 to vector<16xi32>
          %shift_left3A_729 = arith.shli %get3A_650, %shift_left3A_728 : vector<16xi32>
          %bitcast3A_730 = vector.bitcast %shift_left3A_729 : vector<16xi32> to vector<16xf32>
          %and3A_731 = arith.constant -65536 : i32
          %and3A_732 = vector.broadcast %and3A_731 : i32 to vector<16xi32>
          %and3A_733 = arith.andi %get3A_650, %and3A_732 : vector<16xi32>
          %bitcast3A_734 = vector.bitcast %and3A_733 : vector<16xi32> to vector<16xf32>
          %mul3A_735 = vector.broadcast %squeeze3A_166 : f32 to vector<16xf32>
          %mul3A_736 = arith.mulf %mul3A_735, %bitcast3A_730 : vector<16xf32>
          %mul3A_737 = vector.broadcast %squeeze3A_166 : f32 to vector<16xf32>
          %mul3A_738 = arith.mulf %mul3A_737, %bitcast3A_734 : vector<16xf32>
          %mul3A_739 = arith.constant 4 : i32
          %mul3A_740 = arith.muli %mul3A_739, %scan3A_151 : i32
          %add3A_741 = arith.constant 0 : i32
          %add3A_742 = arith.addi %mul3A_740, %add3A_741 : i32
          %get3A_743 = arith.index_cast %add3A_742 : i32 to index
          %get3A_744 = arith.constant 80 : index
          %get3A_745 = tpu.vector_load %arg19[%get3A_743, %get3A_744] {strides = array<i32>} : memref<16x128xi32, #tpu.memory_space<vmem>>, vector<16xi32>,
          %mul3A_746 = arith.constant 4 : i32
          %mul3A_747 = arith.muli %mul3A_746, %scan3A_151 : i32
          %add3A_748 = arith.constant 1 : i32
          %add3A_749 = arith.addi %mul3A_747, %add3A_748 : i32
          %get3A_750 = arith.index_cast %add3A_749 : i32 to index
          %get3A_751 = arith.constant 80 : index
          %get3A_752 = tpu.vector_load %arg19[%get3A_750, %get3A_751] {strides = array<i32>} : memref<16x128xi32, #tpu.memory_space<vmem>>, vector<16xi32>,
          %mul3A_753 = arith.constant 4 : i32
          %mul3A_754 = arith.muli %mul3A_753, %scan3A_151 : i32
          %add3A_755 = arith.constant 2 : i32
          %add3A_756 = arith.addi %mul3A_754, %add3A_755 : i32
          %get3A_757 = arith.index_cast %add3A_756 : i32 to index
          %get3A_758 = arith.constant 80 : index
          %get3A_759 = tpu.vector_load %arg19[%get3A_757, %get3A_758] {strides = array<i32>} : memref<16x128xi32, #tpu.memory_space<vmem>>, vector<16xi32>,
          %mul3A_760 = arith.constant 4 : i32
          %mul3A_761 = arith.muli %mul3A_760, %scan3A_151 : i32
          %add3A_762 = arith.constant 3 : i32
          %add3A_763 = arith.addi %mul3A_761, %add3A_762 : i32
          %get3A_764 = arith.index_cast %add3A_763 : i32 to index
          %get3A_765 = arith.constant 80 : index
          %get3A_766 = tpu.vector_load %arg19[%get3A_764, %get3A_765] {strides = array<i32>} : memref<16x128xi32, #tpu.memory_space<vmem>>, vector<16xi32>,
          %add3A_767 = arith.constant 64 : i32
          %add3A_768 = arith.addi %mul3A_195, %add3A_767 : i32
          %swap3A_769 = arith.index_cast %add3A_768 : i32 to index
          %swap3A_770 = tpu.vector_load %arg20[%swap3A_769] {strides = array<i32>} : memref<80128xf32, #tpu.memory_space<vmem>>, vector<16xf32>,
          tpu.vector_store %arg20[%swap3A_769], %mul3A_700 {add = true, strides = array<i32>} : memref<80128xf32, #tpu.memory_space<vmem>>, vector<16xf32>,
          %add3A_771 = arith.constant 128 : i32
          %add3A_772 = arith.addi %mul3A_195, %add3A_771 : i32
          %add3A_773 = arith.constant 64 : i32
          %add3A_774 = arith.addi %add3A_772, %add3A_773 : i32
          %swap3A_775 = arith.index_cast %add3A_774 : i32 to index
          %swap3A_776 = tpu.vector_load %arg20[%swap3A_775] {strides = array<i32>} : memref<80128xf32, #tpu.memory_space<vmem>>, vector<16xf32>,
          tpu.vector_store %arg20[%swap3A_775], %mul3A_702 {add = true, strides = array<i32>} : memref<80128xf32, #tpu.memory_space<vmem>>, vector<16xf32>,
          %add3A_777 = arith.constant 64 : i32
          %add3A_778 = arith.addi %mul3A_197, %add3A_777 : i32
          %swap3A_779 = arith.index_cast %add3A_778 : i32 to index
          %swap3A_780 = tpu.vector_load %arg20[%swap3A_779] {strides = array<i32>} : memref<80128xf32, #tpu.memory_space<vmem>>, vector<16xf32>,
          tpu.vector_store %arg20[%swap3A_779], %mul3A_712 {add = true, strides = array<i32>} : memref<80128xf32, #tpu.memory_space<vmem>>, vector<16xf32>,
          %add3A_781 = arith.constant 128 : i32
          %add3A_782 = arith.addi %mul3A_197, %add3A_781 : i32
          %add3A_783 = arith.constant 64 : i32
          %add3A_784 = arith.addi %add3A_782, %add3A_783 : i32
          %swap3A_785 = arith.index_cast %add3A_784 : i32 to index
          %swap3A_786 = tpu.vector_load %arg20[%swap3A_785] {strides = array<i32>} : memref<80128xf32, #tpu.memory_space<vmem>>, vector<16xf32>,
          tpu.vector_store %arg20[%swap3A_785], %mul3A_714 {add = true, strides = array<i32>} : memref<80128xf32, #tpu.memory_space<vmem>>, vector<16xf32>,
          %add3A_787 = arith.constant 64 : i32
          %add3A_788 = arith.addi %mul3A_199, %add3A_787 : i32
          %swap3A_789 = arith.index_cast %add3A_788 : i32 to index
          %swap3A_790 = tpu.vector_load %arg20[%swap3A_789] {strides = array<i32>} : memref<80128xf32, #tpu.memory_space<vmem>>, vector<16xf32>,
          tpu.vector_store %arg20[%swap3A_789], %mul3A_724 {add = true, strides = array<i32>} : memref<80128xf32, #tpu.memory_space<vmem>>, vector<16xf32>,
          %add3A_791 = arith.constant 128 : i32
          %add3A_792 = arith.addi %mul3A_199, %add3A_791 : i32
          %add3A_793 = arith.constant 64 : i32
          %add3A_794 = arith.addi %add3A_792, %add3A_793 : i32
          %swap3A_795 = arith.index_cast %add3A_794 : i32 to index
          %swap3A_796 = tpu.vector_load %arg20[%swap3A_795] {strides = array<i32>} : memref<80128xf32, #tpu.memory_space<vmem>>, vector<16xf32>,
          tpu.vector_store %arg20[%swap3A_795], %mul3A_726 {add = true, strides = array<i32>} : memref<80128xf32, #tpu.memory_space<vmem>>, vector<16xf32>,
          %add3A_797 = arith.constant 64 : i32
          %add3A_798 = arith.addi %mul3A_201, %add3A_797 : i32
          %swap3A_799 = arith.index_cast %add3A_798 : i32 to index
          %swap3A_800 = tpu.vector_load %arg20[%swap3A_799] {strides = array<i32>} : memref<80128xf32, #tpu.memory_space<vmem>>, vector<16xf32>,
          tpu.vector_store %arg20[%swap3A_799], %mul3A_736 {add = true, strides = array<i32>} : memref<80128xf32, #tpu.memory_space<vmem>>, vector<16xf32>,
          %add3A_801 = arith.constant 128 : i32
          %add3A_802 = arith.addi %mul3A_201, %add3A_801 : i32
          %add3A_803 = arith.constant 64 : i32
          %add3A_804 = arith.addi %add3A_802, %add3A_803 : i32
          %swap3A_805 = arith.index_cast %add3A_804 : i32 to index
          %swap3A_806 = tpu.vector_load %arg20[%swap3A_805] {strides = array<i32>} : memref<80128xf32, #tpu.memory_space<vmem>>, vector<16xf32>,
          tpu.vector_store %arg20[%swap3A_805], %mul3A_738 {add = true, strides = array<i32>} : memref<80128xf32, #tpu.memory_space<vmem>>, vector<16xf32>,
          %shift_left3A_807 = arith.constant 16 : i32
          %shift_left3A_808 = vector.broadcast %shift_left3A_807 : i32 to vector<16xi32>
          %shift_left3A_809 = arith.shli %get3A_745, %shift_left3A_808 : vector<16xi32>
          %bitcast3A_810 = vector.bitcast %shift_left3A_809 : vector<16xi32> to vector<16xf32>
          %and3A_811 = arith.constant -65536 : i32
          %and3A_812 = vector.broadcast %and3A_811 : i32 to vector<16xi32>
          %and3A_813 = arith.andi %get3A_745, %and3A_812 : vector<16xi32>
          %bitcast3A_814 = vector.bitcast %and3A_813 : vector<16xi32> to vector<16xf32>
          %mul3A_815 = vector.broadcast %squeeze3A_160 : f32 to vector<16xf32>
          %mul3A_816 = arith.mulf %mul3A_815, %bitcast3A_810 : vector<16xf32>
          %mul3A_817 = vector.broadcast %squeeze3A_160 : f32 to vector<16xf32>
          %mul3A_818 = arith.mulf %mul3A_817, %bitcast3A_814 : vector<16xf32>
          %shift_left3A_819 = arith.constant 16 : i32
          %shift_left3A_820 = vector.broadcast %shift_left3A_819 : i32 to vector<16xi32>
          %shift_left3A_821 = arith.shli %get3A_752, %shift_left3A_820 : vector<16xi32>
          %bitcast3A_822 = vector.bitcast %shift_left3A_821 : vector<16xi32> to vector<16xf32>
          %and3A_823 = arith.constant -65536 : i32
          %and3A_824 = vector.broadcast %and3A_823 : i32 to vector<16xi32>
          %and3A_825 = arith.andi %get3A_752, %and3A_824 : vector<16xi32>
          %bitcast3A_826 = vector.bitcast %and3A_825 : vector<16xi32> to vector<16xf32>
          %mul3A_827 = vector.broadcast %squeeze3A_162 : f32 to vector<16xf32>
          %mul3A_828 = arith.mulf %mul3A_827, %bitcast3A_822 : vector<16xf32>
          %mul3A_829 = vector.broadcast %squeeze3A_162 : f32 to vector<16xf32>
          %mul3A_830 = arith.mulf %mul3A_829, %bitcast3A_826 : vector<16xf32>
          %shift_left3A_831 = arith.constant 16 : i32
          %shift_left3A_832 = vector.broadcast %shift_left3A_831 : i32 to vector<16xi32>
          %shift_left3A_833 = arith.shli %get3A_759, %shift_left3A_832 : vector<16xi32>
          %bitcast3A_834 = vector.bitcast %shift_left3A_833 : vector<16xi32> to vector<16xf32>
          %and3A_835 = arith.constant -65536 : i32
          %and3A_836 = vector.broadcast %and3A_835 : i32 to vector<16xi32>
          %and3A_837 = arith.andi %get3A_759, %and3A_836 : vector<16xi32>
          %bitcast3A_838 = vector.bitcast %and3A_837 : vector<16xi32> to vector<16xf32>
          %mul3A_839 = vector.broadcast %squeeze3A_164 : f32 to vector<16xf32>
          %mul3A_840 = arith.mulf %mul3A_839, %bitcast3A_834 : vector<16xf32>
          %mul3A_841 = vector.broadcast %squeeze3A_164 : f32 to vector<16xf32>
          %mul3A_842 = arith.mulf %mul3A_841, %bitcast3A_838 : vector<16xf32>
          %shift_left3A_843 = arith.constant 16 : i32
          %shift_left3A_844 = vector.broadcast %shift_left3A_843 : i32 to vector<16xi32>
          %shift_left3A_845 = arith.shli %get3A_766, %shift_left3A_844 : vector<16xi32>
          %bitcast3A_846 = vector.bitcast %shift_left3A_845 : vector<16xi32> to vector<16xf32>
          %and3A_847 = arith.constant -65536 : i32
          %and3A_848 = vector.broadcast %and3A_847 : i32 to vector<16xi32>
          %and3A_849 = arith.andi %get3A_766, %and3A_848 : vector<16xi32>
          %bitcast3A_850 = vector.bitcast %and3A_849 : vector<16xi32> to vector<16xf32>
          %mul3A_851 = vector.broadcast %squeeze3A_166 : f32 to vector<16xf32>
          %mul3A_852 = arith.mulf %mul3A_851, %bitcast3A_846 : vector<16xf32>
          %mul3A_853 = vector.broadcast %squeeze3A_166 : f32 to vector<16xf32>
          %mul3A_854 = arith.mulf %mul3A_853, %bitcast3A_850 : vector<16xf32>
          %mul3A_855 = arith.constant 4 : i32
          %mul3A_856 = arith.muli %mul3A_855, %scan3A_151 : i32
          %add3A_857 = arith.constant 0 : i32
          %add3A_858 = arith.addi %mul3A_856, %add3A_857 : i32
          %get3A_859 = arith.index_cast %add3A_858 : i32 to index
          %get3A_860 = arith.constant 96 : index
          %get3A_861 = tpu.vector_load %arg19[%get3A_859, %get3A_860] {strides = array<i32>} : memref<16x128xi32, #tpu.memory_space<vmem>>, vector<16xi32>,
          %mul3A_862 = arith.constant 4 : i32
          %mul3A_863 = arith.muli %mul3A_862, %scan3A_151 : i32
          %add3A_864 = arith.constant 1 : i32
          %add3A_865 = arith.addi %mul3A_863, %add3A_864 : i32
          %get3A_866 = arith.index_cast %add3A_865 : i32 to index
          %get3A_867 = arith.constant 96 : index
          %get3A_868 = tpu.vector_load %arg19[%get3A_866, %get3A_867] {strides = array<i32>} : memref<16x128xi32, #tpu.memory_space<vmem>>, vector<16xi32>,
          %mul3A_869 = arith.constant 4 : i32
          %mul3A_870 = arith.muli %mul3A_869, %scan3A_151 : i32
          %add3A_871 = arith.constant 2 : i32
          %add3A_872 = arith.addi %mul3A_870, %add3A_871 : i32
          %get3A_873 = arith.index_cast %add3A_872 : i32 to index
          %get3A_874 = arith.constant 96 : index
          %get3A_875 = tpu.vector_load %arg19[%get3A_873, %get3A_874] {strides = array<i32>} : memref<16x128xi32, #tpu.memory_space<vmem>>, vector<16xi32>,
          %mul3A_876 = arith.constant 4 : i32
          %mul3A_877 = arith.muli %mul3A_876, %scan3A_151 : i32
          %add3A_878 = arith.constant 3 : i32
          %add3A_879 = arith.addi %mul3A_877, %add3A_878 : i32
          %get3A_880 = arith.index_cast %add3A_879 : i32 to index
          %get3A_881 = arith.constant 96 : index
          %get3A_882 = tpu.vector_load %arg19[%get3A_880, %get3A_881] {strides = array<i32>} : memref<16x128xi32, #tpu.memory_space<vmem>>, vector<16xi32>,
          %add3A_883 = arith.constant 80 : i32
          %add3A_884 = arith.addi %mul3A_195, %add3A_883 : i32
          %swap3A_885 = arith.index_cast %add3A_884 : i32 to index
          %swap3A_886 = tpu.vector_load %arg20[%swap3A_885] {strides = array<i32>} : memref<80128xf32, #tpu.memory_space<vmem>>, vector<16xf32>,
          tpu.vector_store %arg20[%swap3A_885], %mul3A_816 {add = true, strides = array<i32>} : memref<80128xf32, #tpu.memory_space<vmem>>, vector<16xf32>,
          %add3A_887 = arith.constant 128 : i32
          %add3A_888 = arith.addi %mul3A_195, %add3A_887 : i32
          %add3A_889 = arith.constant 80 : i32
          %add3A_890 = arith.addi %add3A_888, %add3A_889 : i32
          %swap3A_891 = arith.index_cast %add3A_890 : i32 to index
          %swap3A_892 = tpu.vector_load %arg20[%swap3A_891] {strides = array<i32>} : memref<80128xf32, #tpu.memory_space<vmem>>, vector<16xf32>,
          tpu.vector_store %arg20[%swap3A_891], %mul3A_818 {add = true, strides = array<i32>} : memref<80128xf32, #tpu.memory_space<vmem>>, vector<16xf32>,
          %add3A_893 = arith.constant 80 : i32
          %add3A_894 = arith.addi %mul3A_197, %add3A_893 : i32
          %swap3A_895 = arith.index_cast %add3A_894 : i32 to index
          %swap3A_896 = tpu.vector_load %arg20[%swap3A_895] {strides = array<i32>} : memref<80128xf32, #tpu.memory_space<vmem>>, vector<16xf32>,
          tpu.vector_store %arg20[%swap3A_895], %mul3A_828 {add = true, strides = array<i32>} : memref<80128xf32, #tpu.memory_space<vmem>>, vector<16xf32>,
          %add3A_897 = arith.constant 128 : i32
          %add3A_898 = arith.addi %mul3A_197, %add3A_897 : i32
          %add3A_899 = arith.constant 80 : i32
          %add3A_900 = arith.addi %add3A_898, %add3A_899 : i32
          %swap3A_901 = arith.index_cast %add3A_900 : i32 to index
          %swap3A_902 = tpu.vector_load %arg20[%swap3A_901] {strides = array<i32>} : memref<80128xf32, #tpu.memory_space<vmem>>, vector<16xf32>,
          tpu.vector_store %arg20[%swap3A_901], %mul3A_830 {add = true, strides = array<i32>} : memref<80128xf32, #tpu.memory_space<vmem>>, vector<16xf32>,
          %add3A_903 = arith.constant 80 : i32
          %add3A_904 = arith.addi %mul3A_199, %add3A_903 : i32
          %swap3A_905 = arith.index_cast %add3A_904 : i32 to index
          %swap3A_906 = tpu.vector_load %arg20[%swap3A_905] {strides = array<i32>} : memref<80128xf32, #tpu.memory_space<vmem>>, vector<16xf32>,
          tpu.vector_store %arg20[%swap3A_905], %mul3A_840 {add = true, strides = array<i32>} : memref<80128xf32, #tpu.memory_space<vmem>>, vector<16xf32>,
          %add3A_907 = arith.constant 128 : i32
          %add3A_908 = arith.addi %mul3A_199, %add3A_907 : i32
          %add3A_909 = arith.constant 80 : i32
          %add3A_910 = arith.addi %add3A_908, %add3A_909 : i32
          %swap3A_911 = arith.index_cast %add3A_910 : i32 to index
          %swap3A_912 = tpu.vector_load %arg20[%swap3A_911] {strides = array<i32>} : memref<80128xf32, #tpu.memory_space<vmem>>, vector<16xf32>,
          tpu.vector_store %arg20[%swap3A_911], %mul3A_842 {add = true, strides = array<i32>} : memref<80128xf32, #tpu.memory_space<vmem>>, vector<16xf32>,
          %add3A_913 = arith.constant 80 : i32
          %add3A_914 = arith.addi %mul3A_201, %add3A_913 : i32
          %swap3A_915 = arith.index_cast %add3A_914 : i32 to index
          %swap3A_916 = tpu.vector_load %arg20[%swap3A_915] {strides = array<i32>} : memref<80128xf32, #tpu.memory_space<vmem>>, vector<16xf32>,
          tpu.vector_store %arg20[%swap3A_915], %mul3A_852 {add = true, strides = array<i32>} : memref<80128xf32, #tpu.memory_space<vmem>>, vector<16xf32>,
          %add3A_917 = arith.constant 128 : i32
          %add3A_918 = arith.addi %mul3A_201, %add3A_917 : i32
          %add3A_919 = arith.constant 80 : i32
          %add3A_920 = arith.addi %add3A_918, %add3A_919 : i32
          %swap3A_921 = arith.index_cast %add3A_920 : i32 to index
          %swap3A_922 = tpu.vector_load %arg20[%swap3A_921] {strides = array<i32>} : memref<80128xf32, #tpu.memory_space<vmem>>, vector<16xf32>,
          tpu.vector_store %arg20[%swap3A_921], %mul3A_854 {add = true, strides = array<i32>} : memref<80128xf32, #tpu.memory_space<vmem>>, vector<16xf32>,
          %shift_left3A_923 = arith.constant 16 : i32
          %shift_left3A_924 = vector.broadcast %shift_left3A_923 : i32 to vector<16xi32>
          %shift_left3A_925 = arith.shli %get3A_861, %shift_left3A_924 : vector<16xi32>
          %bitcast3A_926 = vector.bitcast %shift_left3A_925 : vector<16xi32> to vector<16xf32>
          %and3A_927 = arith.constant -65536 : i32
          %and3A_928 = vector.broadcast %and3A_927 : i32 to vector<16xi32>
          %and3A_929 = arith.andi %get3A_861, %and3A_928 : vector<16xi32>
          %bitcast3A_930 = vector.bitcast %and3A_929 : vector<16xi32> to vector<16xf32>
          %mul3A_931 = vector.broadcast %squeeze3A_160 : f32 to vector<16xf32>
          %mul3A_932 = arith.mulf %mul3A_931, %bitcast3A_926 : vector<16xf32>
          %mul3A_933 = vector.broadcast %squeeze3A_160 : f32 to vector<16xf32>
          %mul3A_934 = arith.mulf %mul3A_933, %bitcast3A_930 : vector<16xf32>
          %shift_left3A_935 = arith.constant 16 : i32
          %shift_left3A_936 = vector.broadcast %shift_left3A_935 : i32 to vector<16xi32>
          %shift_left3A_937 = arith.shli %get3A_868, %shift_left3A_936 : vector<16xi32>
          %bitcast3A_938 = vector.bitcast %shift_left3A_937 : vector<16xi32> to vector<16xf32>
          %and3A_939 = arith.constant -65536 : i32
          %and3A_940 = vector.broadcast %and3A_939 : i32 to vector<16xi32>
          %and3A_941 = arith.andi %get3A_868, %and3A_940 : vector<16xi32>
          %bitcast3A_942 = vector.bitcast %and3A_941 : vector<16xi32> to vector<16xf32>
          %mul3A_943 = vector.broadcast %squeeze3A_162 : f32 to vector<16xf32>
          %mul3A_944 = arith.mulf %mul3A_943, %bitcast3A_938 : vector<16xf32>
          %mul3A_945 = vector.broadcast %squeeze3A_162 : f32 to vector<16xf32>
          %mul3A_946 = arith.mulf %mul3A_945, %bitcast3A_942 : vector<16xf32>
          %shift_left3A_947 = arith.constant 16 : i32
          %shift_left3A_948 = vector.broadcast %shift_left3A_947 : i32 to vector<16xi32>
          %shift_left3A_949 = arith.shli %get3A_875, %shift_left3A_948 : vector<16xi32>
          %bitcast3A_950 = vector.bitcast %shift_left3A_949 : vector<16xi32> to vector<16xf32>
          %and3A_951 = arith.constant -65536 : i32
          %and3A_952 = vector.broadcast %and3A_951 : i32 to vector<16xi32>
          %and3A_953 = arith.andi %get3A_875, %and3A_952 : vector<16xi32>
          %bitcast3A_954 = vector.bitcast %and3A_953 : vector<16xi32> to vector<16xf32>
          %mul3A_955 = vector.broadcast %squeeze3A_164 : f32 to vector<16xf32>
          %mul3A_956 = arith.mulf %mul3A_955, %bitcast3A_950 : vector<16xf32>
          %mul3A_957 = vector.broadcast %squeeze3A_164 : f32 to vector<16xf32>
          %mul3A_958 = arith.mulf %mul3A_957, %bitcast3A_954 : vector<16xf32>
          %shift_left3A_959 = arith.constant 16 : i32
          %shift_left3A_960 = vector.broadcast %shift_left3A_959 : i32 to vector<16xi32>
          %shift_left3A_961 = arith.shli %get3A_882, %shift_left3A_960 : vector<16xi32>
          %bitcast3A_962 = vector.bitcast %shift_left3A_961 : vector<16xi32> to vector<16xf32>
          %and3A_963 = arith.constant -65536 : i32
          %and3A_964 = vector.broadcast %and3A_963 : i32 to vector<16xi32>
          %and3A_965 = arith.andi %get3A_882, %and3A_964 : vector<16xi32>
          %bitcast3A_966 = vector.bitcast %and3A_965 : vector<16xi32> to vector<16xf32>
          %mul3A_967 = vector.broadcast %squeeze3A_166 : f32 to vector<16xf32>
          %mul3A_968 = arith.mulf %mul3A_967, %bitcast3A_962 : vector<16xf32>
          %mul3A_969 = vector.broadcast %squeeze3A_166 : f32 to vector<16xf32>
          %mul3A_970 = arith.mulf %mul3A_969, %bitcast3A_966 : vector<16xf32>
          %mul3A_971 = arith.constant 4 : i32
          %mul3A_972 = arith.muli %mul3A_971, %scan3A_151 : i32
          %add3A_973 = arith.constant 0 : i32
          %add3A_974 = arith.addi %mul3A_972, %add3A_973 : i32
          %get3A_975 = arith.index_cast %add3A_974 : i32 to index
          %get3A_976 = arith.constant 112 : index
          %get3A_977 = tpu.vector_load %arg19[%get3A_975, %get3A_976] {strides = array<i32>} : memref<16x128xi32, #tpu.memory_space<vmem>>, vector<16xi32>,
          %mul3A_978 = arith.constant 4 : i32
          %mul3A_979 = arith.muli %mul3A_978, %scan3A_151 : i32
          %add3A_980 = arith.constant 1 : i32
          %add3A_981 = arith.addi %mul3A_979, %add3A_980 : i32
          %get3A_982 = arith.index_cast %add3A_981 : i32 to index
          %get3A_983 = arith.constant 112 : index
          %get3A_984 = tpu.vector_load %arg19[%get3A_982, %get3A_983] {strides = array<i32>} : memref<16x128xi32, #tpu.memory_space<vmem>>, vector<16xi32>,
          %mul3A_985 = arith.constant 4 : i32
          %mul3A_986 = arith.muli %mul3A_985, %scan3A_151 : i32
          %add3A_987 = arith.constant 2 : i32
          %add3A_988 = arith.addi %mul3A_986, %add3A_987 : i32
          %get3A_989 = arith.index_cast %add3A_988 : i32 to index
          %get3A_990 = arith.constant 112 : index
          %get3A_991 = tpu.vector_load %arg19[%get3A_989, %get3A_990] {strides = array<i32>} : memref<16x128xi32, #tpu.memory_space<vmem>>, vector<16xi32>,
          %mul3A_992 = arith.constant 4 : i32
          %mul3A_993 = arith.muli %mul3A_992, %scan3A_151 : i32
          %add3A_994 = arith.constant 3 : i32
          %add3A_995 = arith.addi %mul3A_993, %add3A_994 : i32
          %get3A_996 = arith.index_cast %add3A_995 : i32 to index
          %get3A_997 = arith.constant 112 : index
          %get3A_998 = tpu.vector_load %arg19[%get3A_996, %get3A_997] {strides = array<i32>} : memref<16x128xi32, #tpu.memory_space<vmem>>, vector<16xi32>,
          %add3A_999 = arith.constant 96 : i32
          %add3A_1000 = arith.addi %mul3A_195, %add3A_999 : i32
          %swap3A_1001 = arith.index_cast %add3A_1000 : i32 to index
          %swap3A_1002 = tpu.vector_load %arg20[%swap3A_1001] {strides = array<i32>} : memref<80128xf32, #tpu.memory_space<vmem>>, vector<16xf32>,
          tpu.vector_store %arg20[%swap3A_1001], %mul3A_932 {add = true, strides = array<i32>} : memref<80128xf32, #tpu.memory_space<vmem>>, vector<16xf32>,
          %add3A_1003 = arith.constant 128 : i32
          %add3A_1004 = arith.addi %mul3A_195, %add3A_1003 : i32
          %add3A_1005 = arith.constant 96 : i32
          %add3A_1006 = arith.addi %add3A_1004, %add3A_1005 : i32
          %swap3A_1007 = arith.index_cast %add3A_1006 : i32 to index
          %swap3A_1008 = tpu.vector_load %arg20[%swap3A_1007] {strides = array<i32>} : memref<80128xf32, #tpu.memory_space<vmem>>, vector<16xf32>,
          tpu.vector_store %arg20[%swap3A_1007], %mul3A_934 {add = true, strides = array<i32>} : memref<80128xf32, #tpu.memory_space<vmem>>, vector<16xf32>,
          %add3A_1009 = arith.constant 96 : i32
          %add3A_1010 = arith.addi %mul3A_197, %add3A_1009 : i32
          %swap3A_1011 = arith.index_cast %add3A_1010 : i32 to index
          %swap3A_1012 = tpu.vector_load %arg20[%swap3A_1011] {strides = array<i32>} : memref<80128xf32, #tpu.memory_space<vmem>>, vector<16xf32>,
          tpu.vector_store %arg20[%swap3A_1011], %mul3A_944 {add = true, strides = array<i32>} : memref<80128xf32, #tpu.memory_space<vmem>>, vector<16xf32>,
          %add3A_1013 = arith.constant 128 : i32
          %add3A_1014 = arith.addi %mul3A_197, %add3A_1013 : i32
          %add3A_1015 = arith.constant 96 : i32
          %add3A_1016 = arith.addi %add3A_1014, %add3A_1015 : i32
          %swap3A_1017 = arith.index_cast %add3A_1016 : i32 to index
          %swap3A_1018 = tpu.vector_load %arg20[%swap3A_1017] {strides = array<i32>} : memref<80128xf32, #tpu.memory_space<vmem>>, vector<16xf32>,
          tpu.vector_store %arg20[%swap3A_1017], %mul3A_946 {add = true, strides = array<i32>} : memref<80128xf32, #tpu.memory_space<vmem>>, vector<16xf32>,
          %add3A_1019 = arith.constant 96 : i32
          %add3A_1020 = arith.addi %mul3A_199, %add3A_1019 : i32
          %swap3A_1021 = arith.index_cast %add3A_1020 : i32 to index
          %swap3A_1022 = tpu.vector_load %arg20[%swap3A_1021] {strides = array<i32>} : memref<80128xf32, #tpu.memory_space<vmem>>, vector<16xf32>,
          tpu.vector_store %arg20[%swap3A_1021], %mul3A_956 {add = true, strides = array<i32>} : memref<80128xf32, #tpu.memory_space<vmem>>, vector<16xf32>,
          %add3A_1023 = arith.constant 128 : i32
          %add3A_1024 = arith.addi %mul3A_199, %add3A_1023 : i32
          %add3A_1025 = arith.constant 96 : i32
          %add3A_1026 = arith.addi %add3A_1024, %add3A_1025 : i32
          %swap3A_1027 = arith.index_cast %add3A_1026 : i32 to index
          %swap3A_1028 = tpu.vector_load %arg20[%swap3A_1027] {strides = array<i32>} : memref<80128xf32, #tpu.memory_space<vmem>>, vector<16xf32>,
          tpu.vector_store %arg20[%swap3A_1027], %mul3A_958 {add = true, strides = array<i32>} : memref<80128xf32, #tpu.memory_space<vmem>>, vector<16xf32>,
          %add3A_1029 = arith.constant 96 : i32
          %add3A_1030 = arith.addi %mul3A_201, %add3A_1029 : i32
          %swap3A_1031 = arith.index_cast %add3A_1030 : i32 to index
          %swap3A_1032 = tpu.vector_load %arg20[%swap3A_1031] {strides = array<i32>} : memref<80128xf32, #tpu.memory_space<vmem>>, vector<16xf32>,
          tpu.vector_store %arg20[%swap3A_1031], %mul3A_968 {add = true, strides = array<i32>} : memref<80128xf32, #tpu.memory_space<vmem>>, vector<16xf32>,
          %add3A_1033 = arith.constant 128 : i32
          %add3A_1034 = arith.addi %mul3A_201, %add3A_1033 : i32
          %add3A_1035 = arith.constant 96 : i32
          %add3A_1036 = arith.addi %add3A_1034, %add3A_1035 : i32
          %swap3A_1037 = arith.index_cast %add3A_1036 : i32 to index
          %swap3A_1038 = tpu.vector_load %arg20[%swap3A_1037] {strides = array<i32>} : memref<80128xf32, #tpu.memory_space<vmem>>, vector<16xf32>,
          tpu.vector_store %arg20[%swap3A_1037], %mul3A_970 {add = true, strides = array<i32>} : memref<80128xf32, #tpu.memory_space<vmem>>, vector<16xf32>,
          %shift_left3A_1039 = arith.constant 16 : i32
          %shift_left3A_1040 = vector.broadcast %shift_left3A_1039 : i32 to vector<16xi32>
          %shift_left3A_1041 = arith.shli %get3A_977, %shift_left3A_1040 : vector<16xi32>
          %bitcast3A_1042 = vector.bitcast %shift_left3A_1041 : vector<16xi32> to vector<16xf32>
          %and3A_1043 = arith.constant -65536 : i32
          %and3A_1044 = vector.broadcast %and3A_1043 : i32 to vector<16xi32>
          %and3A_1045 = arith.andi %get3A_977, %and3A_1044 : vector<16xi32>
          %bitcast3A_1046 = vector.bitcast %and3A_1045 : vector<16xi32> to vector<16xf32>
          %mul3A_1047 = vector.broadcast %squeeze3A_160 : f32 to vector<16xf32>
          %mul3A_1048 = arith.mulf %mul3A_1047, %bitcast3A_1042 : vector<16xf32>
          %mul3A_1049 = vector.broadcast %squeeze3A_160 : f32 to vector<16xf32>
          %mul3A_1050 = arith.mulf %mul3A_1049, %bitcast3A_1046 : vector<16xf32>
          %shift_left3A_1051 = arith.constant 16 : i32
          %shift_left3A_1052 = vector.broadcast %shift_left3A_1051 : i32 to vector<16xi32>
          %shift_left3A_1053 = arith.shli %get3A_984, %shift_left3A_1052 : vector<16xi32>
          %bitcast3A_1054 = vector.bitcast %shift_left3A_1053 : vector<16xi32> to vector<16xf32>
          %and3A_1055 = arith.constant -65536 : i32
          %and3A_1056 = vector.broadcast %and3A_1055 : i32 to vector<16xi32>
          %and3A_1057 = arith.andi %get3A_984, %and3A_1056 : vector<16xi32>
          %bitcast3A_1058 = vector.bitcast %and3A_1057 : vector<16xi32> to vector<16xf32>
          %mul3A_1059 = vector.broadcast %squeeze3A_162 : f32 to vector<16xf32>
          %mul3A_1060 = arith.mulf %mul3A_1059, %bitcast3A_1054 : vector<16xf32>
          %mul3A_1061 = vector.broadcast %squeeze3A_162 : f32 to vector<16xf32>
          %mul3A_1062 = arith.mulf %mul3A_1061, %bitcast3A_1058 : vector<16xf32>
          %shift_left3A_1063 = arith.constant 16 : i32
          %shift_left3A_1064 = vector.broadcast %shift_left3A_1063 : i32 to vector<16xi32>
          %shift_left3A_1065 = arith.shli %get3A_991, %shift_left3A_1064 : vector<16xi32>
          %bitcast3A_1066 = vector.bitcast %shift_left3A_1065 : vector<16xi32> to vector<16xf32>
          %and3A_1067 = arith.constant -65536 : i32
          %and3A_1068 = vector.broadcast %and3A_1067 : i32 to vector<16xi32>
          %and3A_1069 = arith.andi %get3A_991, %and3A_1068 : vector<16xi32>
          %bitcast3A_1070 = vector.bitcast %and3A_1069 : vector<16xi32> to vector<16xf32>
          %mul3A_1071 = vector.broadcast %squeeze3A_164 : f32 to vector<16xf32>
          %mul3A_1072 = arith.mulf %mul3A_1071, %bitcast3A_1066 : vector<16xf32>
          %mul3A_1073 = vector.broadcast %squeeze3A_164 : f32 to vector<16xf32>
          %mul3A_1074 = arith.mulf %mul3A_1073, %bitcast3A_1070 : vector<16xf32>
          %shift_left3A_1075 = arith.constant 16 : i32
          %shift_left3A_1076 = vector.broadcast %shift_left3A_1075 : i32 to vector<16xi32>
          %shift_left3A_1077 = arith.shli %get3A_998, %shift_left3A_1076 : vector<16xi32>
          %bitcast3A_1078 = vector.bitcast %shift_left3A_1077 : vector<16xi32> to vector<16xf32>
          %and3A_1079 = arith.constant -65536 : i32
          %and3A_1080 = vector.broadcast %and3A_1079 : i32 to vector<16xi32>
          %and3A_1081 = arith.andi %get3A_998, %and3A_1080 : vector<16xi32>
          %bitcast3A_1082 = vector.bitcast %and3A_1081 : vector<16xi32> to vector<16xf32>
          %mul3A_1083 = vector.broadcast %squeeze3A_166 : f32 to vector<16xf32>
          %mul3A_1084 = arith.mulf %mul3A_1083, %bitcast3A_1078 : vector<16xf32>
          %mul3A_1085 = vector.broadcast %squeeze3A_166 : f32 to vector<16xf32>
          %mul3A_1086 = arith.mulf %mul3A_1085, %bitcast3A_1082 : vector<16xf32>
          %add3A_1087 = arith.constant 112 : i32
          %add3A_1088 = arith.addi %mul3A_195, %add3A_1087 : i32
          %swap3A_1089 = arith.index_cast %add3A_1088 : i32 to index
          %swap3A_1090 = tpu.vector_load %arg20[%swap3A_1089] {strides = array<i32>} : memref<80128xf32, #tpu.memory_space<vmem>>, vector<16xf32>,
          tpu.vector_store %arg20[%swap3A_1089], %mul3A_1048 {add = true, strides = array<i32>} : memref<80128xf32, #tpu.memory_space<vmem>>, vector<16xf32>,
          %add3A_1091 = arith.constant 128 : i32
          %add3A_1092 = arith.addi %mul3A_195, %add3A_1091 : i32
          %add3A_1093 = arith.constant 112 : i32
          %add3A_1094 = arith.addi %add3A_1092, %add3A_1093 : i32
          %swap3A_1095 = arith.index_cast %add3A_1094 : i32 to index
          %swap3A_1096 = tpu.vector_load %arg20[%swap3A_1095] {strides = array<i32>} : memref<80128xf32, #tpu.memory_space<vmem>>, vector<16xf32>,
          tpu.vector_store %arg20[%swap3A_1095], %mul3A_1050 {add = true, strides = array<i32>} : memref<80128xf32, #tpu.memory_space<vmem>>, vector<16xf32>,
          %add3A_1097 = arith.constant 112 : i32
          %add3A_1098 = arith.addi %mul3A_197, %add3A_1097 : i32
          %swap3A_1099 = arith.index_cast %add3A_1098 : i32 to index
          %swap3A_1100 = tpu.vector_load %arg20[%swap3A_1099] {strides = array<i32>} : memref<80128xf32, #tpu.memory_space<vmem>>, vector<16xf32>,
          tpu.vector_store %arg20[%swap3A_1099], %mul3A_1060 {add = true, strides = array<i32>} : memref<80128xf32, #tpu.memory_space<vmem>>, vector<16xf32>,
          %add3A_1101 = arith.constant 128 : i32
          %add3A_1102 = arith.addi %mul3A_197, %add3A_1101 : i32
          %add3A_1103 = arith.constant 112 : i32
          %add3A_1104 = arith.addi %add3A_1102, %add3A_1103 : i32
          %swap3A_1105 = arith.index_cast %add3A_1104 : i32 to index
          %swap3A_1106 = tpu.vector_load %arg20[%swap3A_1105] {strides = array<i32>} : memref<80128xf32, #tpu.memory_space<vmem>>, vector<16xf32>,
          tpu.vector_store %arg20[%swap3A_1105], %mul3A_1062 {add = true, strides = array<i32>} : memref<80128xf32, #tpu.memory_space<vmem>>, vector<16xf32>,
          %add3A_1107 = arith.constant 112 : i32
          %add3A_1108 = arith.addi %mul3A_199, %add3A_1107 : i32
          %swap3A_1109 = arith.index_cast %add3A_1108 : i32 to index
          %swap3A_1110 = tpu.vector_load %arg20[%swap3A_1109] {strides = array<i32>} : memref<80128xf32, #tpu.memory_space<vmem>>, vector<16xf32>,
          tpu.vector_store %arg20[%swap3A_1109], %mul3A_1072 {add = true, strides = array<i32>} : memref<80128xf32, #tpu.memory_space<vmem>>, vector<16xf32>,
          %add3A_1111 = arith.constant 128 : i32
          %add3A_1112 = arith.addi %mul3A_199, %add3A_1111 : i32
          %add3A_1113 = arith.constant 112 : i32
          %add3A_1114 = arith.addi %add3A_1112, %add3A_1113 : i32
          %swap3A_1115 = arith.index_cast %add3A_1114 : i32 to index
          %swap3A_1116 = tpu.vector_load %arg20[%swap3A_1115] {strides = array<i32>} : memref<80128xf32, #tpu.memory_space<vmem>>, vector<16xf32>,
          tpu.vector_store %arg20[%swap3A_1115], %mul3A_1074 {add = true, strides = array<i32>} : memref<80128xf32, #tpu.memory_space<vmem>>, vector<16xf32>,
          %add3A_1117 = arith.constant 112 : i32
          %add3A_1118 = arith.addi %mul3A_201, %add3A_1117 : i32
          %swap3A_1119 = arith.index_cast %add3A_1118 : i32 to index
          %swap3A_1120 = tpu.vector_load %arg20[%swap3A_1119] {strides = array<i32>} : memref<80128xf32, #tpu.memory_space<vmem>>, vector<16xf32>,
          tpu.vector_store %arg20[%swap3A_1119], %mul3A_1084 {add = true, strides = array<i32>} : memref<80128xf32, #tpu.memory_space<vmem>>, vector<16xf32>,
          %add3A_1121 = arith.constant 128 : i32
          %add3A_1122 = arith.addi %mul3A_201, %add3A_1121 : i32
          %add3A_1123 = arith.constant 112 : i32
          %add3A_1124 = arith.addi %add3A_1122, %add3A_1123 : i32
          %swap3A_1125 = arith.index_cast %add3A_1124 : i32 to index
          %swap3A_1126 = tpu.vector_load %arg20[%swap3A_1125] {strides = array<i32>} : memref<80128xf32, #tpu.memory_space<vmem>>, vector<16xf32>,
          tpu.vector_store %arg20[%swap3A_1125], %mul3A_1086 {add = true, strides = array<i32>} : memref<80128xf32, #tpu.memory_space<vmem>>, vector<16xf32>,
        }
        %scan3A_150 = arith.constant 4 : i32
      }
    }
    %scan3A_33 = arith.constant 80 : i32
    %scan3A_34 = arith.constant 0 : i32
    %scan3A_35 = arith.constant 0 : i32
    %scan3A_36 = arith.constant 313 : i32
    %scan3A_37 = arith.addi %scan3A_35, %scan3A_36 : i32
    %scan3A_38 = arith.constant 1 : i32
    scf.for %scan3A_42 = %scan3A_35 to %scan3A_37 step %scan3A_38  : i32 {
      %get3A_43 = arith.index_cast %scan3A_42 : i32 to index
      %get3A_44 = tpu.vector_load %arg21[%get3A_43] {strides = array<i32>} : memref<336xf32, #tpu.memory_space<vmem>>, vector<16xf32>,
      %add3A_45 = arith.constant 1.000000e-16 : f32
      %add3A_46 = vector.broadcast %add3A_45 : f32 to vector<16xf32>
      %add3A_47 = arith.addf %get3A_44, %add3A_46 : vector<16xf32>
      %div3A = arith.constant 1.000000e+00 : f32
      %div3A_48 = vector.broadcast %div3A : f32 to vector<16xf32>
      %div3A_49 = arith.divf %div3A_48, %add3A_47 : vector<16xf32>
      %slice3A_50 = vector.extract_strided_slice %div3A_49 {offsets = [0], sizes = [1], strides = [1]} : vector<16xf32> to vector<1xf32>
      %squeeze3A_51 = vector.extract %slice3A_50[0] : f32 from vector<1xf32>
      %broadcast_in_dim3A_52 = vector.broadcast %squeeze3A_51 : f32 to vector<16xf32>
      %mul3A_53 = arith.constant 256 : i32
      %mul3A_54 = arith.muli %scan3A_42, %mul3A_53 : i32
      %add3A_55 = arith.constant 0 : i32
      %add3A_56 = arith.addi %mul3A_54, %add3A_55 : i32
      %get3A_57 = arith.index_cast %add3A_56 : i32 to index
      %get3A_58 = tpu.vector_load %arg20[%get3A_57] {strides = array<i32>} : memref<80128xf32, #tpu.memory_space<vmem>>, vector<16xf32>,
      %mul3A_59 = arith.mulf %get3A_58, %broadcast_in_dim3A_52 : vector<16xf32>
      %get3A_60 = arith.constant 0 : index
      %get3A_61 = tpu.vector_load %arg12[%get3A_60] {strides = array<i32>} : memref<256xf32, #tpu.memory_space<vmem>>, vector<16xf32>,
      %add3A_62 = arith.addf %mul3A_59, %get3A_61 : vector<16xf32>
      %add3A_63 = arith.constant 0 : i32
      %add3A_64 = arith.addi %mul3A_54, %add3A_63 : i32
      %swap3A = arith.index_cast %add3A_64 : i32 to index
      %swap3A_65 = tpu.vector_load %arg20[%swap3A] {strides = array<i32>} : memref<80128xf32, #tpu.memory_space<vmem>>, vector<16xf32>,
      tpu.vector_store %arg20[%swap3A], %add3A_62 {strides = array<i32>} : memref<80128xf32, #tpu.memory_space<vmem>>, vector<16xf32>,
      %add3A_66 = arith.constant 16 : i32
      %add3A_67 = arith.addi %mul3A_54, %add3A_66 : i32
      %get3A_68 = arith.index_cast %add3A_67 : i32 to index
      %get3A_69 = tpu.vector_load %arg20[%get3A_68] {strides = array<i32>} : memref<80128xf32, #tpu.memory_space<vmem>>, vector<16xf32>,
      %mul3A_70 = arith.mulf %get3A_69, %broadcast_in_dim3A_52 : vector<16xf32>
      %get3A_71 = arith.constant 16 : index
      %get3A_72 = tpu.vector_load %arg12[%get3A_71] {strides = array<i32>} : memref<256xf32, #tpu.memory_space<vmem>>, vector<16xf32>,
      %add3A_73 = arith.addf %mul3A_70, %get3A_72 : vector<16xf32>
      %add3A_74 = arith.constant 16 : i32
      %add3A_75 = arith.addi %mul3A_54, %add3A_74 : i32
      %swap3A_76 = arith.index_cast %add3A_75 : i32 to index
      %swap3A_77 = tpu.vector_load %arg20[%swap3A_76] {strides = array<i32>} : memref<80128xf32, #tpu.memory_space<vmem>>, vector<16xf32>,
      tpu.vector_store %arg20[%swap3A_76], %add3A_73 {strides = array<i32>} : memref<80128xf32, #tpu.memory_space<vmem>>, vector<16xf32>,
      %add3A_78 = arith.constant 32 : i32
      %add3A_79 = arith.addi %mul3A_54, %add3A_78 : i32
      %get3A_80 = arith.index_cast %add3A_79 : i32 to index
      %get3A_81 = tpu.vector_load %arg20[%get3A_80] {strides = array<i32>} : memref<80128xf32, #tpu.memory_space<vmem>>, vector<16xf32>,
      %mul3A_82 = arith.mulf %get3A_81, %broadcast_in_dim3A_52 : vector<16xf32>
      %get3A_83 = arith.constant 32 : index
      %get3A_84 = tpu.vector_load %arg12[%get3A_83] {strides = array<i32>} : memref<256xf32, #tpu.memory_space<vmem>>, vector<16xf32>,
      %add3A_85 = arith.addf %mul3A_82, %get3A_84 : vector<16xf32>
      %add3A_86 = arith.constant 32 : i32
      %add3A_87 = arith.addi %mul3A_54, %add3A_86 : i32
      %swap3A_88 = arith.index_cast %add3A_87 : i32 to index
      %swap3A_89 = tpu.vector_load %arg20[%swap3A_88] {strides = array<i32>} : memref<80128xf32, #tpu.memory_space<vmem>>, vector<16xf32>,
      tpu.vector_store %arg20[%swap3A_88], %add3A_85 {strides = array<i32>} : memref<80128xf32, #tpu.memory_space<vmem>>, vector<16xf32>,
      %add3A_90 = arith.constant 48 : i32
      %add3A_91 = arith.addi %mul3A_54, %add3A_90 : i32
      %get3A_92 = arith.index_cast %add3A_91 : i32 to index
      %get3A_93 = tpu.vector_load %arg20[%get3A_92] {strides = array<i32>} : memref<80128xf32, #tpu.memory_space<vmem>>, vector<16xf32>,
      %mul3A_94 = arith.mulf %get3A_93, %broadcast_in_dim3A_52 : vector<16xf32>
      %get3A_95 = arith.constant 48 : index
      %get3A_96 = tpu.vector_load %arg12[%get3A_95] {strides = array<i32>} : memref<256xf32, #tpu.memory_space<vmem>>, vector<16xf32>,
      %add3A_97 = arith.addf %mul3A_94, %get3A_96 : vector<16xf32>
      %add3A_98 = arith.constant 48 : i32
      %add3A_99 = arith.addi %mul3A_54, %add3A_98 : i32
      %swap3A_100 = arith.index_cast %add3A_99 : i32 to index
      %swap3A_101 = tpu.vector_load %arg20[%swap3A_100] {strides = array<i32>} : memref<80128xf32, #tpu.memory_space<vmem>>, vector<16xf32>,
      tpu.vector_store %arg20[%swap3A_100], %add3A_97 {strides = array<i32>} : memref<80128xf32, #tpu.memory_space<vmem>>, vector<16xf32>,
      %add3A_102 = arith.constant 64 : i32
      %add3A_103 = arith.addi %mul3A_54, %add3A_102 : i32
      %get3A_104 = arith.index_cast %add3A_103 : i32 to index
      %get3A_105 = tpu.vector_load %arg20[%get3A_104] {strides = array<i32>} : memref<80128xf32, #tpu.memory_space<vmem>>, vector<16xf32>,
      %mul3A_106 = arith.mulf %get3A_105, %broadcast_in_dim3A_52 : vector<16xf32>
      %get3A_107 = arith.constant 64 : index
      %get3A_108 = tpu.vector_load %arg12[%get3A_107] {strides = array<i32>} : memref<256xf32, #tpu.memory_space<vmem>>, vector<16xf32>,
      %add3A_109 = arith.addf %mul3A_106, %get3A_108 : vector<16xf32>
      %add3A_110 = arith.constant 64 : i32
      %add3A_111 = arith.addi %mul3A_54, %add3A_110 : i32
      %swap3A_112 = arith.index_cast %add3A_111 : i32 to index
      %swap3A_113 = tpu.vector_load %arg20[%swap3A_112] {strides = array<i32>} : memref<80128xf32, #tpu.memory_space<vmem>>, vector<16xf32>,
      tpu.vector_store %arg20[%swap3A_112], %add3A_109 {strides = array<i32>} : memref<80128xf32, #tpu.memory_space<vmem>>, vector<16xf32>,
      %add3A_114 = arith.constant 80 : i32
      %add3A_115 = arith.addi %mul3A_54, %add3A_114 : i32
      %get3A_116 = arith.index_cast %add3A_115 : i32 to index
      %get3A_117 = tpu.vector_load %arg20[%get3A_116] {strides = array<i32>} : memref<80128xf32, #tpu.memory_space<vmem>>, vector<16xf32>,
      %mul3A_118 = arith.mulf %get3A_117, %broadcast_in_dim3A_52 : vector<16xf32>
      %get3A_119 = arith.constant 80 : index
      %get3A_120 = tpu.vector_load %arg12[%get3A_119] {strides = array<i32>} : memref<256xf32, #tpu.memory_space<vmem>>, vector<16xf32>,
      %add3A_121 = arith.addf %mul3A_118, %get3A_120 : vector<16xf32>
      %add3A_122 = arith.constant 80 : i32
      %add3A_123 = arith.addi %mul3A_54, %add3A_122 : i32
      %swap3A_124 = arith.index_cast %add3A_123 : i32 to index
      %swap3A_125 = tpu.vector_load %arg20[%swap3A_124] {strides = array<i32>} : memref<80128xf32, #tpu.memory_space<vmem>>, vector<16xf32>,
      tpu.vector_store %arg20[%swap3A_124], %add3A_121 {strides = array<i32>} : memref<80128xf32, #tpu.memory_space<vmem>>, vector<16xf32>,
      %add3A_126 = arith.constant 96 : i32
      %add3A_127 = arith.addi %mul3A_54, %add3A_126 : i32
      %get3A_128 = arith.index_cast %add3A_127 : i32 to index
      %get3A_129 = tpu.vector_load %arg20[%get3A_128] {strides = array<i32>} : memref<80128xf32, #tpu.memory_space<vmem>>, vector<16xf32>,
      %mul3A_130 = arith.mulf %get3A_129, %broadcast_in_dim3A_52 : vector<16xf32>
      %get3A_131 = arith.constant 96 : index
      %get3A_132 = tpu.vector_load %arg12[%get3A_131] {strides = array<i32>} : memref<256xf32, #tpu.memory_space<vmem>>, vector<16xf32>,
      %add3A_133 = arith.addf %mul3A_130, %get3A_132 : vector<16xf32>
      %add3A_134 = arith.constant 96 : i32
      %add3A_135 = arith.addi %mul3A_54, %add3A_134 : i32
      %swap3A_136 = arith.index_cast %add3A_135 : i32 to index
      %swap3A_137 = tpu.vector_load %arg20[%swap3A_136] {strides = array<i32>} : memref<80128xf32, #tpu.memory_space<vmem>>, vector<16xf32>,
      tpu.vector_store %arg20[%swap3A_136], %add3A_133 {strides = array<i32>} : memref<80128xf32, #tpu.memory_space<vmem>>, vector<16xf32>,
      %add3A_138 = arith.constant 112 : i32
      %add3A_139 = arith.addi %mul3A_54, %add3A_138 : i32
      %get3A_140 = arith.index_cast %add3A_139 : i32 to index
      %get3A_141 = tpu.vector_load %arg20[%get3A_140] {strides = array<i32>} : memref<80128xf32, #tpu.memory_space<vmem>>, vector<16xf32>,
      %mul3A_142 = arith.mulf %get3A_141, %broadcast_in_dim3A_52 : vector<16xf32>
      %get3A_143 = arith.constant 112 : index
      %get3A_144 = tpu.vector_load %arg12[%get3A_143] {strides = array<i32>} : memref<256xf32, #tpu.memory_space<vmem>>, vector<16xf32>,
      %add3A_145 = arith.addf %mul3A_142, %get3A_144 : vector<16xf32>
      %add3A_146 = arith.constant 112 : i32
      %add3A_147 = arith.addi %mul3A_54, %add3A_146 : i32
      %swap3A_148 = arith.index_cast %add3A_147 : i32 to index
      %swap3A_149 = tpu.vector_load %arg20[%swap3A_148] {strides = array<i32>} : memref<80128xf32, #tpu.memory_space<vmem>>, vector<16xf32>,
      tpu.vector_store %arg20[%swap3A_148], %add3A_145 {strides = array<i32>} : memref<80128xf32, #tpu.memory_space<vmem>>, vector<16xf32>,
      %add3A_150 = arith.constant 128 : i32
      %add3A_151 = arith.addi %mul3A_54, %add3A_150 : i32
      %get3A_152 = arith.index_cast %add3A_151 : i32 to index
      %get3A_153 = tpu.vector_load %arg20[%get3A_152] {strides = array<i32>} : memref<80128xf32, #tpu.memory_space<vmem>>, vector<16xf32>,
      %mul3A_154 = arith.mulf %get3A_153, %broadcast_in_dim3A_52 : vector<16xf32>
      %get3A_155 = arith.constant 128 : index
      %get3A_156 = tpu.vector_load %arg12[%get3A_155] {strides = array<i32>} : memref<256xf32, #tpu.memory_space<vmem>>, vector<16xf32>,
      %add3A_157 = arith.addf %mul3A_154, %get3A_156 : vector<16xf32>
      %add3A_158 = arith.constant 128 : i32
      %add3A_159 = arith.addi %mul3A_54, %add3A_158 : i32
      %swap3A_160 = arith.index_cast %add3A_159 : i32 to index
      %swap3A_161 = tpu.vector_load %arg20[%swap3A_160] {strides = array<i32>} : memref<80128xf32, #tpu.memory_space<vmem>>, vector<16xf32>,
      tpu.vector_store %arg20[%swap3A_160], %add3A_157 {strides = array<i32>} : memref<80128xf32, #tpu.memory_space<vmem>>, vector<16xf32>,
      %add3A_162 = arith.constant 144 : i32
      %add3A_163 = arith.addi %mul3A_54, %add3A_162 : i32
      %get3A_164 = arith.index_cast %add3A_163 : i32 to index
      %get3A_165 = tpu.vector_load %arg20[%get3A_164] {strides = array<i32>} : memref<80128xf32, #tpu.memory_space<vmem>>, vector<16xf32>,
      %mul3A_166 = arith.mulf %get3A_165, %broadcast_in_dim3A_52 : vector<16xf32>
      %get3A_167 = arith.constant 144 : index
      %get3A_168 = tpu.vector_load %arg12[%get3A_167] {strides = array<i32>} : memref<256xf32, #tpu.memory_space<vmem>>, vector<16xf32>,
      %add3A_169 = arith.addf %mul3A_166, %get3A_168 : vector<16xf32>
      %add3A_170 = arith.constant 144 : i32
      %add3A_171 = arith.addi %mul3A_54, %add3A_170 : i32
      %swap3A_172 = arith.index_cast %add3A_171 : i32 to index
      %swap3A_173 = tpu.vector_load %arg20[%swap3A_172] {strides = array<i32>} : memref<80128xf32, #tpu.memory_space<vmem>>, vector<16xf32>,
      tpu.vector_store %arg20[%swap3A_172], %add3A_169 {strides = array<i32>} : memref<80128xf32, #tpu.memory_space<vmem>>, vector<16xf32>,
      %add3A_174 = arith.constant 160 : i32
      %add3A_175 = arith.addi %mul3A_54, %add3A_174 : i32
      %get3A_176 = arith.index_cast %add3A_175 : i32 to index
      %get3A_177 = tpu.vector_load %arg20[%get3A_176] {strides = array<i32>} : memref<80128xf32, #tpu.memory_space<vmem>>, vector<16xf32>,
      %mul3A_178 = arith.mulf %get3A_177, %broadcast_in_dim3A_52 : vector<16xf32>
      %get3A_179 = arith.constant 160 : index
      %get3A_180 = tpu.vector_load %arg12[%get3A_179] {strides = array<i32>} : memref<256xf32, #tpu.memory_space<vmem>>, vector<16xf32>,
      %add3A_181 = arith.addf %mul3A_178, %get3A_180 : vector<16xf32>
      %add3A_182 = arith.constant 160 : i32
      %add3A_183 = arith.addi %mul3A_54, %add3A_182 : i32
      %swap3A_184 = arith.index_cast %add3A_183 : i32 to index
      %swap3A_185 = tpu.vector_load %arg20[%swap3A_184] {strides = array<i32>} : memref<80128xf32, #tpu.memory_space<vmem>>, vector<16xf32>,
      tpu.vector_store %arg20[%swap3A_184], %add3A_181 {strides = array<i32>} : memref<80128xf32, #tpu.memory_space<vmem>>, vector<16xf32>,
      %add3A_186 = arith.constant 176 : i32
      %add3A_187 = arith.addi %mul3A_54, %add3A_186 : i32
      %get3A_188 = arith.index_cast %add3A_187 : i32 to index
      %get3A_189 = tpu.vector_load %arg20[%get3A_188] {strides = array<i32>} : memref<80128xf32, #tpu.memory_space<vmem>>, vector<16xf32>,
      %mul3A_190 = arith.mulf %get3A_189, %broadcast_in_dim3A_52 : vector<16xf32>
      %get3A_191 = arith.constant 176 : index
      %get3A_192 = tpu.vector_load %arg12[%get3A_191] {strides = array<i32>} : memref<256xf32, #tpu.memory_space<vmem>>, vector<16xf32>,
      %add3A_193 = arith.addf %mul3A_190, %get3A_192 : vector<16xf32>
      %add3A_194 = arith.constant 176 : i32
      %add3A_195 = arith.addi %mul3A_54, %add3A_194 : i32
      %swap3A_196 = arith.index_cast %add3A_195 : i32 to index
      %swap3A_197 = tpu.vector_load %arg20[%swap3A_196] {strides = array<i32>} : memref<80128xf32, #tpu.memory_space<vmem>>, vector<16xf32>,
      tpu.vector_store %arg20[%swap3A_196], %add3A_193 {strides = array<i32>} : memref<80128xf32, #tpu.memory_space<vmem>>, vector<16xf32>,
      %add3A_198 = arith.constant 192 : i32
      %add3A_199 = arith.addi %mul3A_54, %add3A_198 : i32
      %get3A_200 = arith.index_cast %add3A_199 : i32 to index
      %get3A_201 = tpu.vector_load %arg20[%get3A_200] {strides = array<i32>} : memref<80128xf32, #tpu.memory_space<vmem>>, vector<16xf32>,
      %mul3A_202 = arith.mulf %get3A_201, %broadcast_in_dim3A_52 : vector<16xf32>
      %get3A_203 = arith.constant 192 : index
      %get3A_204 = tpu.vector_load %arg12[%get3A_203] {strides = array<i32>} : memref<256xf32, #tpu.memory_space<vmem>>, vector<16xf32>,
      %add3A_205 = arith.addf %mul3A_202, %get3A_204 : vector<16xf32>
      %add3A_206 = arith.constant 192 : i32
      %add3A_207 = arith.addi %mul3A_54, %add3A_206 : i32
      %swap3A_208 = arith.index_cast %add3A_207 : i32 to index
      %swap3A_209 = tpu.vector_load %arg20[%swap3A_208] {strides = array<i32>} : memref<80128xf32, #tpu.memory_space<vmem>>, vector<16xf32>,
      tpu.vector_store %arg20[%swap3A_208], %add3A_205 {strides = array<i32>} : memref<80128xf32, #tpu.memory_space<vmem>>, vector<16xf32>,
      %add3A_210 = arith.constant 208 : i32
      %add3A_211 = arith.addi %mul3A_54, %add3A_210 : i32
      %get3A_212 = arith.index_cast %add3A_211 : i32 to index
      %get3A_213 = tpu.vector_load %arg20[%get3A_212] {strides = array<i32>} : memref<80128xf32, #tpu.memory_space<vmem>>, vector<16xf32>,
      %mul3A_214 = arith.mulf %get3A_213, %broadcast_in_dim3A_52 : vector<16xf32>
      %get3A_215 = arith.constant 208 : index
      %get3A_216 = tpu.vector_load %arg12[%get3A_215] {strides = array<i32>} : memref<256xf32, #tpu.memory_space<vmem>>, vector<16xf32>,
      %add3A_217 = arith.addf %mul3A_214, %get3A_216 : vector<16xf32>
      %add3A_218 = arith.constant 208 : i32
      %add3A_219 = arith.addi %mul3A_54, %add3A_218 : i32
      %swap3A_220 = arith.index_cast %add3A_219 : i32 to index
      %swap3A_221 = tpu.vector_load %arg20[%swap3A_220] {strides = array<i32>} : memref<80128xf32, #tpu.memory_space<vmem>>, vector<16xf32>,
      tpu.vector_store %arg20[%swap3A_220], %add3A_217 {strides = array<i32>} : memref<80128xf32, #tpu.memory_space<vmem>>, vector<16xf32>,
      %add3A_222 = arith.constant 224 : i32
      %add3A_223 = arith.addi %mul3A_54, %add3A_222 : i32
      %get3A_224 = arith.index_cast %add3A_223 : i32 to index
      %get3A_225 = tpu.vector_load %arg20[%get3A_224] {strides = array<i32>} : memref<80128xf32, #tpu.memory_space<vmem>>, vector<16xf32>,
      %mul3A_226 = arith.mulf %get3A_225, %broadcast_in_dim3A_52 : vector<16xf32>
      %get3A_227 = arith.constant 224 : index
      %get3A_228 = tpu.vector_load %arg12[%get3A_227] {strides = array<i32>} : memref<256xf32, #tpu.memory_space<vmem>>, vector<16xf32>,
      %add3A_229 = arith.addf %mul3A_226, %get3A_228 : vector<16xf32>
      %add3A_230 = arith.constant 224 : i32
      %add3A_231 = arith.addi %mul3A_54, %add3A_230 : i32
      %swap3A_232 = arith.index_cast %add3A_231 : i32 to index
      %swap3A_233 = tpu.vector_load %arg20[%swap3A_232] {strides = array<i32>} : memref<80128xf32, #tpu.memory_space<vmem>>, vector<16xf32>,
      tpu.vector_store %arg20[%swap3A_232], %add3A_229 {strides = array<i32>} : memref<80128xf32, #tpu.memory_space<vmem>>, vector<16xf32>,
      %add3A_234 = arith.constant 240 : i32
      %add3A_235 = arith.addi %mul3A_54, %add3A_234 : i32
      %get3A_236 = arith.index_cast %add3A_235 : i32 to index
      %get3A_237 = tpu.vector_load %arg20[%get3A_236] {strides = array<i32>} : memref<80128xf32, #tpu.memory_space<vmem>>, vector<16xf32>,
      %mul3A_238 = arith.mulf %get3A_237, %broadcast_in_dim3A_52 : vector<16xf32>
      %get3A_239 = arith.constant 240 : index
      %get3A_240 = tpu.vector_load %arg12[%get3A_239] {strides = array<i32>} : memref<256xf32, #tpu.memory_space<vmem>>, vector<16xf32>,
      %add3A_241 = arith.addf %mul3A_238, %get3A_240 : vector<16xf32>
      %add3A_242 = arith.constant 240 : i32
      %add3A_243 = arith.addi %mul3A_54, %add3A_242 : i32
      %swap3A_244 = arith.index_cast %add3A_243 : i32 to index
      %swap3A_245 = tpu.vector_load %arg20[%swap3A_244] {strides = array<i32>} : memref<80128xf32, #tpu.memory_space<vmem>>, vector<16xf32>,
      tpu.vector_store %arg20[%swap3A_244], %add3A_241 {strides = array<i32>} : memref<80128xf32, #tpu.memory_space<vmem>>, vector<16xf32>,
    }
    %scan3A_39 = arith.constant 313 : i32
    %mul3A_40 = arith.constant 256 : i32
    %mul3A_41 = arith.muli %mul3A_2, %mul3A_40 : i32
    "tpu.region"() ({
      %run_scoped3A = tpu.sem_alloc : memref<!tpu.dma_semaphore, #tpu.memory_space<semaphore_mem>>
      %dma_start3A = tpu.memref_slice %arg9[%mul3A_41] : memref<2564096xf32, #tpu.memory_space<hbm>> -> memref<80128xf32, #tpu.memory_space<hbm>>
      %dma_start3A_42 = tpu.memref_slice %arg9[%mul3A_41] : memref<2564096xf32, #tpu.memory_space<hbm>> -> memref<80128xf32, #tpu.memory_space<hbm>>
      tpu.enqueue_dma source(%arg20 : memref<80128xf32, #tpu.memory_space<vmem>>) target(%dma_start3A_42 : memref<80128xf32, #tpu.memory_space<hbm>>) target_semaphore(%run_scoped3A : memref<!tpu.dma_semaphore, #tpu.memory_space<semaphore_mem>>)
      %dma_wait3A = tpu.memref_slice %arg9[%mul3A_41] : memref<2564096xf32, #tpu.memory_space<hbm>> -> memref<80128xf32, #tpu.memory_space<hbm>>
      %dma_wait3A_43 = tpu.memref_slice %arg9[%mul3A_41] : memref<2564096xf32, #tpu.memory_space<hbm>> -> memref<80128xf32, #tpu.memory_space<hbm>>
      tpu.wait_dma2 semaphore(%run_scoped3A : memref<!tpu.dma_semaphore, #tpu.memory_space<semaphore_mem>>) src(%arg20 : memref<80128xf32, #tpu.memory_space<vmem>>) dst(%dma_wait3A_43 : memref<80128xf32, #tpu.memory_space<hbm>>)
      tpu.yield
    }) : () -> ()
    return
  }
}

module attributes {stable_mosaic.version = 14 : i64} {
  func.func @_project_kernel(%arg0: i32, %arg1: memref<1000x256xf32, #tpu.memory_space<vmem>>, %arg2: memref<256x256xf32, #tpu.memory_space<vmem>>, %arg3: memref<256x128xf32, #tpu.memory_space<vmem>>, %arg4: memref<1000x256xbf16, #tpu.memory_space<vmem>>, %arg5: memref<1000x128xf32, #tpu.memory_space<vmem>>, %arg6: memref<8x128xf32, #tpu.memory_space<vmem>>) attributes {dimension_semantics = [#tpu.dimension_semantics<arbitrary>], iteration_bounds = array<i64: 10>, scalar_prefetch = 0 : i64, scratch_operands = 0 : i64, tpu.core_type = #tpu.core_type<tc>, window_params = [{transform_indices = @transform_0, window_bounds = array<i64: 1000, 256>}, {pipeline_mode = #tpu.pipeline_mode<synchronous>, transform_indices = @transform_1, window_bounds = array<i64: 256, 256>}, {pipeline_mode = #tpu.pipeline_mode<synchronous>, transform_indices = @transform_2, window_bounds = array<i64: 256, 128>}, {transform_indices = @transform_3, window_bounds = array<i64: 1000, 256>}, {transform_indices = @transform_4, window_bounds = array<i64: 1000, 128>}, {pipeline_mode = #tpu.pipeline_mode<synchronous>, transform_indices = @transform_5, window_bounds = array<i64: 8, 128>}]} {
    %get3A = arith.constant 0 : index
    %get3A_0 = arith.constant 0 : index
    %get3A_1 = vector.load %arg1[%get3A, %get3A_0] : memref<1000x256xf32, #tpu.memory_space<vmem>>, vector<1000x256xf32>
    %get3A_2 = arith.constant 0 : index
    %get3A_3 = arith.constant 0 : index
    %get3A_4 = vector.load %arg2[%get3A_2, %get3A_3] : memref<256x256xf32, #tpu.memory_space<vmem>>, vector<256x256xf32>
    %dot_general3A = arith.constant dense<0.000000e+00> : vector<1000x256xf32>
    %dot_general3A_5 = tpu.matmul %get3A_1, %get3A_4, %dot_general3A {dimension_numbers = #tpu.dot_dimension_numbers<[1], [0], [0], [1], [0, 0, 1, 1], [], []>, transpose_lhs_hint = false} : vector<1000x256xf32>, vector<256x256xf32>, vector<1000x256xf32> -> vector<1000x256xf32>
    %convert_element_type3A = arith.truncf %dot_general3A_5 : vector<1000x256xf32> to vector<1000x256xbf16>
    %swap3A = arith.constant 0 : index
    %swap3A_6 = arith.constant 0 : index
    %swap3A_7 = vector.load %arg4[%swap3A, %swap3A_6] : memref<1000x256xbf16, #tpu.memory_space<vmem>>, vector<1000x256xbf16>
    tpu.vector_store %arg4[%swap3A, %swap3A_6], %convert_element_type3A {strides = array<i32>} : memref<1000x256xbf16, #tpu.memory_space<vmem>>, vector<1000x256xbf16>,
    %get3A_8 = arith.constant 0 : index
    %get3A_9 = arith.constant 0 : index
    %get3A_10 = vector.load %arg3[%get3A_8, %get3A_9] : memref<256x128xf32, #tpu.memory_space<vmem>>, vector<256x128xf32>
    %dot_general3A_11 = arith.constant dense<0.000000e+00> : vector<1000x128xf32>
    %dot_general3A_12 = tpu.matmul %dot_general3A_5, %get3A_10, %dot_general3A_11 {dimension_numbers = #tpu.dot_dimension_numbers<[1], [0], [0], [1], [0, 0, 1, 1], [], []>, transpose_lhs_hint = false} : vector<1000x256xf32>, vector<256x128xf32>, vector<1000x128xf32> -> vector<1000x128xf32>
    %swap3A_13 = arith.constant 0 : index
    %swap3A_14 = arith.constant 0 : index
    %swap3A_15 = vector.load %arg5[%swap3A_13, %swap3A_14] : memref<1000x128xf32, #tpu.memory_space<vmem>>, vector<1000x128xf32>
    tpu.vector_store %arg5[%swap3A_13, %swap3A_14], %dot_general3A_12 {strides = array<i32>} : memref<1000x128xf32, #tpu.memory_space<vmem>>, vector<1000x128xf32>,
    %eq3A = arith.constant 0 : i32
    %eq3A_16 = arith.cmpi eq, %arg0, %eq3A : i32
    %convert_element_type3A_17 = arith.extui %eq3A_16 : i1 to i32
    %cond3A = arith.constant 0 : i32
    %cond3A_18 = arith.cmpi ne, %convert_element_type3A_17, %cond3A : i32
    scf.if %cond3A_18 {
      %broadcast_in_dim3A_28 = arith.constant -3.000000e+38 : f32
      %broadcast_in_dim3A_29 = vector.broadcast %broadcast_in_dim3A_28 : f32 to vector<8x128xf32>
      %swap3A_30 = arith.constant 0 : index
      %swap3A_31 = arith.constant 0 : index
      %swap3A_32 = vector.load %arg6[%swap3A_30, %swap3A_31] : memref<8x128xf32, #tpu.memory_space<vmem>>, vector<8x128xf32>
      tpu.vector_store %arg6[%swap3A_30, %swap3A_31], %broadcast_in_dim3A_29 {strides = array<i32>} : memref<8x128xf32, #tpu.memory_space<vmem>>, vector<8x128xf32>,
    } else {
    }
    %reduce_max3A = arith.constant dense<0xFF800000> : vector<128xf32>
    %reduce_max3A_19 = vector.multi_reduction <maximumf>, %dot_general3A_12, %reduce_max3A [0] : vector<1000x128xf32> to vector<128xf32>
    %broadcast_in_dim3A = vector.shape_cast %reduce_max3A_19 : vector<128xf32> to vector<1x128xf32>
    %get3A_20 = arith.constant 0 : index
    %get3A_21 = arith.constant 0 : index
    %get3A_22 = vector.load %arg6[%get3A_20, %get3A_21] : memref<8x128xf32, #tpu.memory_space<vmem>>, vector<8x128xf32>
    %broadcast_in_dim3A_23 = vector.shape_cast %broadcast_in_dim3A : vector<1x128xf32> to vector<1x128xf32>
    %broadcast_in_dim3A_24 = vector.broadcast %broadcast_in_dim3A_23 : vector<1x128xf32> to vector<8x128xf32>
    %max3A = arith.maximumf %get3A_22, %broadcast_in_dim3A_24 : vector<8x128xf32>
    %swap3A_25 = arith.constant 0 : index
    %swap3A_26 = arith.constant 0 : index
    %swap3A_27 = vector.load %arg6[%swap3A_25, %swap3A_26] : memref<8x128xf32, #tpu.memory_space<vmem>>, vector<8x128xf32>
    tpu.vector_store %arg6[%swap3A_25, %swap3A_26], %max3A {strides = array<i32>} : memref<8x128xf32, #tpu.memory_space<vmem>>, vector<8x128xf32>,
    return
  }
  func.func @transform_0(%arg0: i32) -> (i32, i32) {
    %c0_i32 = arith.constant 0 : i32
    %c0_i32_0 = arith.constant 0 : i32
    return %arg0, %c0_i32 : i32, i32
  }
  func.func @transform_1(%arg0: i32) -> (i32, i32) {
    %c0_i32 = arith.constant 0 : i32
    %c0_i32_0 = arith.constant 0 : i32
    %c0_i32_1 = arith.constant 0 : i32
    return %c0_i32, %c0_i32_0 : i32, i32
  }
  func.func @transform_2(%arg0: i32) -> (i32, i32) {
    %c0_i32 = arith.constant 0 : i32
    %c0_i32_0 = arith.constant 0 : i32
    %c0_i32_1 = arith.constant 0 : i32
    return %c0_i32, %c0_i32_0 : i32, i32
  }
  func.func @transform_3(%arg0: i32) -> (i32, i32) {
    %c0_i32 = arith.constant 0 : i32
    %c0_i32_0 = arith.constant 0 : i32
    return %arg0, %c0_i32 : i32, i32
  }
  func.func @transform_4(%arg0: i32) -> (i32, i32) {
    %c0_i32 = arith.constant 0 : i32
    %c0_i32_0 = arith.constant 0 : i32
    return %arg0, %c0_i32 : i32, i32
  }
  func.func @transform_5(%arg0: i32) -> (i32, i32) {
    %c0_i32 = arith.constant 0 : i32
    %c0_i32_0 = arith.constant 0 : i32
    %c0_i32_1 = arith.constant 0 : i32
    return %c0_i32, %c0_i32_0 : i32, i32
  }
}

</mosaic_0001>

<sc_bundles>
// kernel: kernel.4.cloned.1.call-start
scs
__scs_entry_jumppad:
0x0: {  	(pc) =	sbr.rel $0x88, $3  }
0x1: {  	(tag) =	ssettag $0x0;
	lr =	simm.s32 $0x1  }
0x2: {  	[smem:$0x3F9B] =	sst lr;
	_ =	strace $0xD0000000  }
0x3: {  	_ = 	snop  }
0x4: {  	_ = 	snop  }
0x5: {  	_ = 	snop  }
0x6: {  	_ = 	snop  }
0x7: {  	_ = 	snop  }
__scs_overlays_trampoline_lowered:
0x8: {  	[smem:$0x3FAA] =	sst s0  }
0x9: {  	[smem:$0x3FAB] =	sst s1  }
0xa: {  	[smem:$0x3FAC] =	sst s2  }
0xb: {  	[smem:$0x3FAD] =	sst s3  }
0xc: {  	[smem:$0x3FAE] =	sst s4  }
0xd: {  	[smem:$0x3FAF] =	sst s5  }
0xe: {  	[smem:$0x3FB0] =	sst s6  }
0xf: {  	[smem:$0x3FB1] =	sst s7  }
0x10: {  	[smem:$0x3FB2] =	sst s8  }
0x11: {  	[smem:$0x3FB3] =	sst s9;
	s0 =	simm.s32 @!p0 $0x0  }
0x12: {  	s1 =	sld [smem:$0x3F99];
	s0 =	simm.s32 @p0 $0x1  }
0x13: {  	[smem:$0x3FB4] =	sst s0;
	s0 =	simm.s32 @!p1 $0x0  }
0x14: {  	s2 =	sld [smem:$0x3F98];
	s0 =	simm.s32 @p1 $0x1  }
0x15: {  	[smem:$0x3FB5] =	sst s0;
	s0 =	simm.s32 @!p2 $0x0  }
0x16: {  	s3 =	sld [smem:$0x3FDB];
	s0 =	simm.s32 @p2 $0x1  }
0x17: {  	s4 =	simm.s32 $0x1BF5;
	[smem:$0x3FB7] =	sst s0  }
0x18: {  	s0 =	sld [smem:$0x3F9A];
	_ =	swait.ge [sflag:s4], $0x0  }
0x19: {  	s7 =	sld [smem:$0x3F9B]  }
0x1a: {  	s8 =	sadd.s32 $0xFFFFE003, lr  }
0x1b: {  	s9 =	sadd.s32 $0xFFFFFEF7, lr;
	s5 =	simm.s32 $0xFFFFFFFF;
	p2 =	slt.u32 s8, $0xFFFFF086  }
0x1c: {  	p1 =	slt.u32 s9, $0xF7A;
	s5 =	simm.s32 @!p2 $0x0  }
0x1d: {  	s5 =	simm.s32 @p1 $0x1;
	p0 =	seq.s32 s7, s2  }
0x1e: {  	s7 =	smul.u32 @!p0 $0xF7A, s2;
	p2 =	seq.s32 @!p0 s5, $0x0  }
0x1f: {  	s9 =	smul.u32 $0xF7A, s1;
	s8 =	simm.s32 @!p0 $0x1BF5;
	p2 =	por !p2, p0  }
0x20: {  	[sflag:s8] =	ssyncset.s32 @!p0 $0xFFFFF086;
	s6 =	sadd.s32 @!p0 s3, s7;
	s7 =	simm.s32 @!p0 $0x108  }
0x21: {  	s3 =	sadd.s32 s3, s9;
	s6 =	sadd.s32 @!p0 $0x88, s6;
	s7 =	simm.s32 @p2 $0x1082  }
0x22: {  	[simem:s7], [sflag:s8] =	dma.local @!p0 [hbm:s6], $0xF7A  }
0x23: {  	s9 =	sor.u32 $0xD0000000, s2;
	s6 =	simm.s32 $0x108;
	_ =	swait.ge @!p0 [sflag:s8], $0x0  }
0x24: {  	s3 =	sadd.s32 $0x88, s3;
	s6 =	simm.s32 @!p1 $0x1082;
	[sflag:s4] =	ssyncset.s32 $0xFFFFF086  }
0x25: {  	[simem:s6], [sflag:s4] =	dma.local [hbm:s3], $0xF7A  }
0x26: {  	[smem:$0x3F9B] =	sst s1;
	(tag) =	ssettag s2;
	_ =	strace s9  }
0x27: {  	s1 =	sld [smem:$0x3FAB]  }
0x28: {  	s2 =	sld [smem:$0x3FAC]  }
0x29: {  	s4 =	sld [smem:$0x3FAE]  }
0x2a: {  	p0 =	seq.s32 s5, $0x0;
	s5 =	sld [smem:$0x3FAF]  }
0x2b: {  	s6 =	sld [smem:$0x3FB0]  }
0x2c: {  	s7 =	sld [smem:$0x3FB1]  }
0x2d: {  	s3 =	simm.s32 $0x108;
	s8 =	sld [smem:$0x3FB2]  }
0x2e: {  	s3 =	simm.s32 @!p0 $0x1082;
	s9 =	sld [smem:$0x3FB3]  }
0x2f: {  	lr =	sadd.s32 s0, s3;
	s0 =	sld [smem:$0x3FAA]  }
0x30: {  	s3 =	sld [smem:$0x3FAD]  }
0x31: {  	[smem:$0x3FB6] =	sst s10  }
0x32: {  	s10 =	sld [smem:$0x3FB4];
	_ =	sdelay $0x3  }
0x33: {  	p0 =	seq.s32 s10, $0x1;
	s10 =	sld [smem:$0x3FB6];
	_ =	sdelay $0x3  }
0x34: {  	[smem:$0x3FB6] =	sst s10  }
0x35: {  	s10 =	sld [smem:$0x3FB5];
	_ =	sdelay $0x3  }
0x36: {  	p1 =	seq.s32 s10, $0x1;
	s10 =	sld [smem:$0x3FB6];
	_ =	sdelay $0x3  }
0x37: {  	[smem:$0x3FB6] =	sst s10  }
0x38: {  	s10 =	sld [smem:$0x3FB7]  }
0x39: {  	_ = 	snop;
	(pc) =	sbr.ind lr, $3  }
0x3a: {  	_ = 	snop  }
0x3b: {  	_ = 	snop  }
0x3c: {  	p2 =	seq.s32 s10, $0x1;
	s10 =	sld [smem:$0x3FB6]  }
0x3d: {  	_ =	shalt  }
0x3e: {  	_ =	shalt  }
0x3f: {  	_ =	shalt  }
0x40: {  	_ =	shalt  }
0x41: {  	_ =	shalt  }
0x42: {  	_ =	shalt  }
0x43: {  	_ =	shalt  }
0x44: {  	_ =	shalt  }
0x45: {  	_ =	shalt  }
0x46: {  	_ =	shalt  }
0x47: {  	_ =	shalt  }
0x48: {  	_ =	shalt  }
0x49: {  	_ =	shalt  }
0x4a: {  	_ =	shalt  }
0x4b: {  	_ =	shalt  }
0x4c: {  	_ =	shalt  }
0x4d: {  	_ =	shalt  }
0x4e: {  	_ =	shalt  }
0x4f: {  	_ =	shalt  }
0x50: {  	_ =	shalt  }
0x51: {  	_ =	shalt  }
0x52: {  	_ =	shalt  }
0x53: {  	_ =	shalt  }
0x54: {  	_ =	shalt  }
0x55: {  	_ =	shalt  }
0x56: {  	_ =	shalt  }
0x57: {  	_ =	shalt  }
0x58: {  	_ =	shalt  }
0x59: {  	_ =	shalt  }
0x5a: {  	_ =	shalt  }
0x5b: {  	_ =	shalt  }
0x5c: {  	_ =	shalt  }
0x5d: {  	_ =	shalt  }
0x5e: {  	_ =	shalt  }
0x5f: {  	_ =	shalt  }
0x60: {  	_ =	shalt  }
0x61: {  	_ =	shalt  }
0x62: {  	_ =	shalt  }
0x63: {  	_ =	shalt  }
0x64: {  	_ =	shalt  }
0x65: {  	_ =	shalt  }
0x66: {  	_ =	shalt  }
0x67: {  	_ =	shalt  }
0x68: {  	_ =	shalt  }
0x69: {  	_ =	shalt  }
0x6a: {  	_ =	shalt  }
0x6b: {  	_ =	shalt  }
0x6c: {  	_ =	shalt  }
0x6d: {  	_ =	shalt  }
0x6e: {  	_ =	shalt  }
0x6f: {  	_ =	shalt  }
0x70: {  	_ =	shalt  }
0x71: {  	_ =	shalt  }
0x72: {  	_ =	shalt  }
0x73: {  	_ =	shalt  }
0x74: {  	_ =	shalt  }
0x75: {  	_ =	shalt  }
0x76: {  	_ =	shalt  }
0x77: {  	_ =	shalt  }
0x78: {  	_ =	shalt  }
0x79: {  	_ =	shalt  }
0x7a: {  	_ =	shalt  }
0x7b: {  	_ =	shalt  }
0x7c: {  	_ =	shalt  }
0x7d: {  	_ =	shalt  }
0x7e: {  	_ =	shalt  }
0x7f: {  	_ =	shalt  }
0x80: {  	_ =	shalt  }
0x81: {  	_ =	shalt  }
0x82: {  	_ =	shalt  }
0x83: {  	_ =	shalt  }
0x84: {  	_ =	shalt  }
0x85: {  	_ =	shalt  }
0x86: {  	_ =	shalt  }
0x87: {  	_ =	shalt  }
.Lfunc_end0:
.L_simem_size_0:
called_computation_lowered:
.L_overlay_start_0:
0x88: {  	s2 =	sld [smem:$0x3FD9]  }
0x89: {  	s3 =	sld [smem:$0x3FFE];
	_ =	sdelay $0x1  }
0x8a: {  	s1 =	srdreg.scid  }
0x8b: {  	s0 =	sand.u32 $0x1, s1  }
0x8c: {  	s17 =	sshll.u32 s0, $0xA;
	s2 =	sadd.s32 s3, s2  }
0x8d: {  	s2 =	sadd.s32 s2, s17  }
0x8e: {  	[smem:$0x3FC2] =	sst s2  }
0x8f: {  	_ = 	snop  }
0x90: {  	s2 =	sld [smem:$0x3FD0];
	(tm) =	ssettm $0x1  }
0x91: {  	s18 =	sld [smem:$0x3FFB];
	_ =	sdelay $0x3  }
0x92: {  	_ =	strace s18  }
0x93: {  	s3 =	sld [smem:$0x3FFC];
	_ =	sdelay $0x3  }
0x94: {  	_ =	strace s3  }
0x95: {  	s3 =	sld [smem:$0x3FFD];
	_ =	sdelay $0x3  }
0x96: {  	_ =	strace s3  }
0x97: {  	_ =	strace $0x8FFFFFFF  }
0x98: {  	s19 =	sld [smem:$0x3FDB];
	_ =	sdelay $0x1  }
0x99: {  	s4 =	simm.s32 $_scs_section_size  }
0x9a: {  	s5 =	simm.s32 $_size__tile_overlayer_lowered;
	s6 =	simm.s32 $_tile_overlayer_lowered  }
0x9b: {  	s22 =	simm.s32 $0x1BFF;
	s21 =	sshll.u32 s6, $0x1;
	s3 =	sadd.s32 s4, s19  }
0x9c: {  	s7 =	simm.s32 $0x0;
	s20 =	sshll.u32 s5, $0x1;
	s5 =	sadd.s32 s21, s3  }
0x9d: {  	[timem:s7], [sflag:s22] =	dma.local [hbm:s5], s20  }
0x9e: {  	_ =	swait.ge [sflag:s22], s20  }
0x9f: {  	s4 =	ssub.s32 $0x0, s20;
	[sflag:s22] =	ssyncset.done $0x0  }
0xa0: {  	[sflag:s22] =	ssyncadd.s32 s4;
	_ =	sdelay $0x1  }
0xa1: {  	s23 =	simm.s32 $0x1B8B  }
0xa2: {  	_ =	swait.ge [sflag:s23], $0x1  }
0xa3: {  	[sflag:s23] =	ssyncset.done $0x0  }
0xa4: {  	s25 =	simm.s32 $0x1B8E;
	s24 =	sld [smem:$0x3FFE];
	[sflag:s23] =	ssyncadd.s32 $0xFFFFFFFF  }
0xa5: {  	s26 =	simm.s32 $execute0_lowered;
	[smem:$0x3FD2] =	sst s25  }
0xa6: {  	s5 =	sshll.u32 s26, $0x1;
	_ =	strace $0x80000046;
	[dreg:$0x1] =	wrdreg $0xFFFFFFFF  }
0xa7: {  	s28 =	simm.s32 $_size_execute0_lowered;
	s3 =	sadd.s32 s3, s5;
	[dreg:$0x0] =	wrdreg $0x0  }
0xa8: {  	s5 =	sshll.u32 s28, $0x1;
	[dreg:$0x2] =	wrdreg s3  }
0xa9: {  	[dreg:$0x3] =	wrdreg s5  }
0xaa: {  	[dreg:$0x4] =	wrdreg $0xC0  }
0xab: {  	_ =	task [dreg:s7], $0x5FFFF  }
0xac: {  	[dreg:$0x1] =	wrdreg $0xFFFFFFFF  }
0xad: {  	[dreg:$0x0] =	wrdreg $0x60  }
0xae: {  	[dreg:$0x2] =	wrdreg s2  }
0xaf: {  	[dreg:$0x3] =	wrdreg s24  }
0xb0: {  	[dreg:$0x4] =	wrdreg $0x9  }
0xb1: {  	_ =	task.clear_ibuf [dreg:s7], $0x5FFFF;
	_ =	strace $0x90000046  }
0xb2: {  	s29 =	simm.s32 $0x9;
	_ =	strace $0x80000048  }
0xb3: {  	_ =	swait.ge [sflag:s29], $0x1  }
0xb4: {  	[sflag:s29] =	ssyncadd.s32 $0xFFFFFFFF  }
0xb5: {  	_ =	strace $0x90000048  }
0xb6: {  	_ =	sfence  }
0xb7: {  	s30 =	sld [smem:$0x0];
	_ =	sdelay $0x2  }
0xb8: {  	s31 =	sshll.u32 s1, $0xD;
	s1 =	sshrl.u32 s1, $0x2  }
0xb9: {  	s3 =	sand.u32 $0x4000, s31;
	s1 =	sadd.s32 s1, s30  }
0xba: {  	s0 =	sor.u32 s3, s0;
	s1 =	sshll.u32 s1, $0x11  }
0xbb: {  	s0 =	sor.u32 s1, s0  }
0xbc: {  	s0 =	sadd.s32 $0x8F2B, s0  }
0xbd: {  	[sflag:s0] =	ssyncadd.remote.s32 $0x1  }
0xbe: {  	_ =	sfence.sel $0xFFFF  }
0xbf: {  	[dreg:$0x0] =	wrdreg $0xFFFFFFFF;
	(pc) =	sbr.abs _section_cstart, $3  }
0xc0: {  	[dreg:$0x1] =	wrdreg $0xFFFFFFFF  }
0xc1: {  	_ =	task.clear_ibuf [dreg:s7], $0x2FFFF;
	_ =	strace $0x9FFFFFFF  }
0xc2: {  	(tm) =	ssettm $0x7FFFFFFF  }
0xc3: {  	_ =	shalt  }
tec
execute0_lowered:
.L_overlay_start_1:
0x0: {  	(tag) =	ssettag $0x1  }
0x1: {  	s1 =	rddreg [dreg:$0x0]  }
0x2: {  	s0 =	rddreg [dreg:$0x1]  }
0x3: {  	s3 =	simm.s32 $0x0;
	s2 =	srdreg.scid;
	s4 =	stileid.u32  }
0x4: {  	s12 =	simm.s32 $0x4;
	s13 =	simm.s32 $0x2780;
	s16 =	simm.s32 $0x10  }
0x5: {  	s17 =	simm.s32 $0xA080;
	s18 =	simm.s32 $0x3;
	s19 =	simm.s32 $0x1E180  }
0x6: {  	s20 =	simm.s32 $0x5080;
	s21 =	simm.s32 $0x6080;
	s22 =	simm.s32 $0x1  }
0x7: {  	s23 =	simm.s32 $0x2;
	s25 =	simm.s32 $0x0;
	s26 =	simm.s32 $0x0  }
0x8: {  	[smem:$0x7FF] =	sst s3;
	s2 =	sand.u32 $0x1, s2;
	s4 =	sshll.u32 s4, $0x1  }
0x9: {  	s5 =	sadd.s32 $0x400, s0;
	s29 =	sadd.s32 $0xA00, s0;
	s6 =	sadd.s32 $0xAE00, s0  }
0xa: {  	s7 =	sadd.s32 $0x1000, s0;
	s8 =	sadd.s32 $0x14C00, s0;
	s4 =	sor.u32 s2, s4  }
0xb: {  	s9 =	sadd.s32 $0x200, s0;
	s2 =	ssub.s32 $0x2, s2;
	s30 =	smul.u32 $0x2720, s4  }
0xc: {  	_ =	strace $0x80000047;
	s31 =	sshrl.u32 s2, $0x1;
	s4 =	smul.u32 $0x139, s4  }
0xd: {  	[dreg:$0x3] =	wrdreg s5;
	s2 =	ssub.s32 s2, s31;
	s0 =	sadd.s32 s30, s0  }
0xe: {  	v1 =	vimm.f32 $0.0e+00;
	v2 =	vlaneseq.u32;
	[dreg:$0x4] =	wrdreg s29;
	s11 =	smax.u32 s2, $0x1;
	v0 =	vmov s4;
	s10 =	sadd.s32 $0x14E00, s0  }
.LBB2_1:
0xf: {  	s0 =	rddreg [dreg:$0x3]  }
0x10: {  	[tilespmem:s3], [sflag:$0x4] =	stream.linear.gather [hbm4b:s0+s3], $0x2780, $0x38;
	[tilespmem:$0x1E300] =	vst v63  }
0x11: {  	_ =	swait.ge [sflag:s12], $0x2780  }
0x12: {  	[sflag:s12] =	ssyncset.done $0x0  }
0x13: {  	s29 =	rddreg [dreg:$0x4];
	[sflag:s12] =	ssyncadd.s32 $0xFFFFD880  }
0x14: {  	[tilespmem:s13], [sflag:$0x4] =	stream.linear.gather [hbm4b:s29+s3], $0x2780, $0x38;
	[tilespmem:$0x1E300] =	vst v63  }
0x15: {  	_ =	swait.ge [sflag:s12], $0x2780  }
0x16: {  	[sflag:s12] =	ssyncset.done $0x0  }
0x17: {  	s30 =	simm.s32 $0x4F00;
	[sflag:s12] =	ssyncadd.s32 $0xFFFFD880  }
0x18: {  	[tilespmem:s30], [sflag:$0x4] =	stream.linear.gather [hbm4b:s8+s3], $0x100, $0x38;
	[tilespmem:$0x1E300] =	vst v63  }
0x19: {  	_ =	swait.ge [sflag:s12], $0x100  }
0x1a: {  	[sflag:s12] =	ssyncset.done $0x0  }
0x1b: {  	s31 =	simm.s32 $0x5000;
	[sflag:s12] =	ssyncadd.s32 $0xFFFFFF00  }
0x1c: {  	[tilespmem:s31], [sflag:$0x4] =	stream.linear.gather [hbm4b:s9+s3], $0x80, $0x38;
	[tilespmem:$0x1E300] =	vst v63  }
0x1d: {  	_ =	swait.ge [sflag:s12], $0x80  }
0x1e: {  	[sflag:s12] =	ssyncset.done $0x0  }
0x1f: {  	[sflag:s12] =	ssyncadd.s32 $0xFFFFFF80  }
0x20: {  	s2 =	simm.s32 $0x0;
	s0 =	simm.s32 $0x40;
	v3 =	vld [tilespmem:$0x5000]  }
.LBB2_2:
0x21: {  	p0 =	sne.s32 s0, $0x4E3C0;
	[tilespmem:s2+$0xA880] =	vst v1;
	s2 =	smov.u32 s0;
	s0 =	sadd.s32 $0x40, s0  }
.Ltmp0:
0x22: {  	(pc) =	sbr.rel @p0 .LBB2_2-.Ltmp0, $2  }
0x23: {  	_ =	sdelay $0x2  }
0x24: {  	s2 =	sshra.s32 s2, $0x2  }
0x25: {  	[tilespmem:s2+$0xA880] =	vst v1  }
0x26: {  	[tilespmem:$0x1E180] =	vst v1  }
0x27: {  	[tilespmem:$0x1E190] =	vst v1  }
0x28: {  	[tilespmem:$0x1E1A0] =	vst v1  }
0x29: {  	[tilespmem:$0x1E1B0] =	vst v1  }
0x2a: {  	[tilespmem:$0x1E1C0] =	vst v1  }
0x2b: {  	[tilespmem:$0x1E1D0] =	vst v1  }
0x2c: {  	[tilespmem:$0x1E1E0] =	vst v1  }
0x2d: {  	[tilespmem:$0x1E1F0] =	vst v1  }
0x2e: {  	[tilespmem:$0x1E200] =	vst v1  }
0x2f: {  	[tilespmem:$0x1E210] =	vst v1  }
0x30: {  	[tilespmem:$0x1E220] =	vst v1  }
0x31: {  	s28 =	simm.s32 $0x0;
	[tilespmem:$0x1E230] =	vst v1  }
0x32: {  	[tilespmem:$0x1E240] =	vst v1;
	v4 =	vor.u32 s28, v2  }
0x33: {  	[tilespmem:$0x1E250] =	vst v1;
	v5 =	vadd.s32 v0, v4  }
0x34: {  	[tilespmem:$0x1E260] =	vst v1;
	vm0 =	vlt.u32 v4, $0x139;
	vm1 =	vlt.u32 v5, $0x2710  }
0x35: {  	[tilespmem:$0x1E270] =	vst v1;
	vm2 =	vmand vm0, vm1  }
0x36: {  	[tilespmem:$0x1E280] =	vst v1;
	v5 =	vnsel vm2, $0x0, v5  }
0x37: {  	[tilespmem:$0x1E290] =	vst v1  }
0x38: {  	[tilespmem:$0x1E2A0] =	vst v1  }
0x39: {  	[tilespmem:$0x1E2B0] =	vst v1  }
0x3a: {  	[tilespmem:$0x1E2C0] =	vst v1  }
0x3b: {  	v6 =	vld.idx.msk [tilespmem:v5+s28+$0x0], $0xffff  }
0x3c: {  	v7 =	vld.idx.msk [tilespmem:v5+s13+$0x0], $0xffff;
	_ =	sdelay $0x4  }
0x3d: {  	v6 =	vadd.f32 v7, v6;
	_ =	sdelay $0x1  }
0x3e: {  	v7 =	vmul.f32 $2.000000030e-01, v6  }
0x3f: {  	v3 =	vbroadcast v3, $0x0;
	vm1 =	vge.f32 v6, $0.0e+00  }
0x40: {  	v6 =	vsel vm1, v6, v7  }
0x41: {  	v6 =	vsub.f32 v6, v3;
	_ =	sdelay $0x1  }
0x42: {  	v6 =	vmul.f32 $1.442695020e+00, v6;
	_ =	sdelay $0x1  }
0x43: {  	(erf) = vpow2.f32 v6;
	_ =	sdelay $0x2  }
0x44: {  	s0 =	simm.s32 $0x10  }
0x45: {  	v6 =	vor.u32 s0, v2  }
0x46: {  	v7 =	vadd.s32 v0, v6  }
0x47: {  	vm3 =	vlt.u32 v6, $0x139;
	vm1 =	vlt.u32 v7, $0x2710  }
0x48: {  	s0 =	simm.s32 $0x7080;
	vm1 =	vmand vm3, vm1  }
0x49: {  	s29 =	simm.s32 $0x8080;
	s30 =	simm.s32 $0x9080;
	s14 =	simm.s32 $0x20;
	v4 =	vnsel vm0, $0x0, v4;
	[tilespmem:s0+$0x0] =	vst v5;
	v5 =	vnsel vm1, $0x0, v7  }
0x4a: {  	s2 =	simm.s32 $0x9090;
	s4 =	simm.s32 $0x8080;
	s5 =	simm.s32 $0x9080;
	vm0 =	vmmov vm2;
	[tilespmem:s29+$0x0] =	vst v4;
	v4 =	vnsel vm3, $0x0, v6;
	v6 =	vpop (erf)  }
.LBB2_4:
0x4b: {  	s0 =	sadd.s32 $0x10, s0  }
0x4c: {  	v6 =	vnsel vm0, $0x0, v6;
	s4 =	sadd.s32 $0x10, s4;
	vm0 =	vmmov vm1;
	s15 =	smov.u32 s14;
	s24 =	sadd.s32 $0x10, s14  }
0x4d: {  	p0 =	sne.s32 s14, $0x130;
	[tilespmem:s5+$0x0] =	vst v6;
	s5 =	smov.u32 s2  }
0x4e: {  	v6 =	vld.idx.msk [tilespmem:v5+s28+$0x0], $0xffff  }
0x4f: {  	v7 =	vld.idx.msk [tilespmem:v5+s13+$0x0], $0xffff  }
0x50: {  	[tilespmem:s0+$0x0] =	vst v5  }
0x51: {  	[tilespmem:s4+$0x0] =	vst v4;
	_ =	sdelay $0x3  }
0x52: {  	v4 =	vadd.f32 v7, v6;
	_ =	sdelay $0x1  }
0x53: {  	vm1 =	vge.f32 v4, $0.0e+00;
	v5 =	vmul.f32 $2.000000030e-01, v4;
	_ =	sdelay $0x1  }
0x54: {  	v4 =	vsel vm1, v4, v5  }
0x55: {  	v4 =	vsub.f32 v4, v3;
	_ =	sdelay $0x1  }
0x56: {  	v4 =	vmul.f32 $1.442695020e+00, v4;
	_ =	sdelay $0x1  }
0x57: {  	(erf) = vpow2.f32 v4;
	_ =	sdelay $0x2  }
0x58: {  	v4 =	vor.u32 s15, v2  }
0x59: {  	v5 =	vadd.s32 v0, v4  }
.Ltmp1:
0x5a: {  	vm2 =	vlt.u32 v4, $0x139;
	vm1 =	vlt.u32 v5, $0x2710;
	(pc) =	sbr.rel @p0 .LBB2_4-.Ltmp1, $3  }
0x5b: {  	v4 =	vnsel vm2, $0x0, v4;
	vm1 =	vmand vm2, vm1  }
0x5c: {  	v5 =	vnsel vm1, $0x0, v5;
	_ =	sdelay $0x1  }
0x5d: {  	s2 =	sadd.s32 $0x10, s2;
	s14 =	smov.u32 s24;
	v6 =	vpop (erf)  }
0x5e: {  	_ =	sdelay $0x1  }
0x5f: {  	v6 =	vnsel vm0, $0x0, v6  }
0x60: {  	[tilespmem:s5+$0x0] =	vst v6  }
0x61: {  	v6 =	vld.idx.msk [tilespmem:v5+s28+$0x0], $0xffff  }
0x62: {  	v7 =	vld.idx.msk [tilespmem:v5+s13+$0x0], $0xffff;
	_ =	sdelay $0x4  }
0x63: {  	v6 =	vadd.f32 v7, v6;
	_ =	sdelay $0x1  }
0x64: {  	v7 =	vmul.f32 $2.000000030e-01, v6  }
0x65: {  	vm14 =	vge.f32 v6, $0.0e+00  }
0x66: {  	v6 =	vsel vm14, v6, v7  }
0x67: {  	v6 =	vsub.f32 v6, v3;
	_ =	sdelay $0x1  }
0x68: {  	v6 =	vmul.f32 $1.442695020e+00, v6;
	_ =	sdelay $0x1  }
0x69: {  	(erf) = vpow2.f32 v6;
	_ =	sdelay $0x7  }
0x6a: {  	s0 =	sadd.s32 $0x10, s0  }
0x6b: {  	s4 =	sadd.s32 $0x10, s4;
	vm15 =	vmmov vm1;
	[tilespmem:s0+$0x0] =	vst v5;
	v5 =	vpop (erf)  }
0x6c: {  	[tilespmem:s4+$0x0] =	vst v4;
	v4 =	vnsel vm15, $0x0, v5  }
0x6d: {  	[tilespmem:s2+$0x0] =	vst v4  }
.LBB2_6:
0x6e: {  	s0 =	sshll.u32 s28, $0x4  }
0x6f: {  	v4 =	vmov s29;
	s0 =	sadd.s32 $0x7080, s0  }
0x70: {  	[tilespmem:s17], [sflag:$0x3] =	stream.indirect.gather [hbm4b:s1+s16], $0x80, s0, s16, $0xb8;
	[tilespmem:$0x1E300] =	vst v63  }
0x71: {  	_ =	swait.ge [sflag:s18], $0x800  }
0x72: {  	[sflag:s18] =	ssyncset.done $0x0  }
0x73: {  	v5 =	vmov s30;
	s31 =	simm.s32 $0x0;
	[sflag:s18] =	ssyncadd.s32 $0xFFFFF800  }
0x74: {  	v6 =	vld.idx.msk [tilespmem:v4+s31+$0x0 ss:$0x1], $0xffff;
	_ =	sdelay $0x3  }
0x75: {  	v10 =	vld.idx.msk [tilespmem:v5+s31+$0x0 ss:$0x1], $0xffff  }
0x76: {  	v7 =	vbroadcast v6, $0x0;
	v8 =	vshll.u32 v6, $0xA  }
0x77: {  	v11 =	vbroadcast v6, $0x1;
	v12 =	vshra.s32 v8, $0x2  }
0x78: {  	v13 =	vbroadcast v6, $0x2;
	(v2sf) =	vpush v12, $0x0  }
0x79: {  	v14 =	vbroadcast v6, $0x3  }
0x7a: {  	v9 =	vbroadcast v10, $0x0;
	(v2sf) =	vpush v12, $0x1  }
0x7b: {  	v8 =	vbroadcast v10, $0x1  }
0x7c: {  	(v2sf) =	vpush v12, $0x2;
	[tilespmem:v7+s19+$0x0] =	vst.idx.add.f32.msk $0x1, v9;
	v7 =	vbroadcast v10, $0x2  }
0x7d: {  	v6 =	vbroadcast v10, $0x3;
	[tilespmem:v11+s19+$0x0] =	vst.idx.add.f32.msk $0x1, v8  }
0x7e: {  	(v2sf) =	vpush v12, $0x3;
	[tilespmem:v13+s19+$0x0] =	vst.idx.add.f32.msk $0x1, v7  }
0x7f: {  	s0 =	simm.s32 $0xA180;
	[tilespmem:v14+s19+$0x0] =	vst.idx.add.f32.msk $0x1, v6  }
0x80: {  	v38 =	vld [tilespmem:s0+$0xFFFFFF00]  }
0x81: {  	v11 =	vld [tilespmem:s0+$0x90]  }
0x82: {  	v39 =	vld [tilespmem:s0+$0xFFFFFF80]  }
0x83: {  	v13 =	vld [tilespmem:s0+$0x10]  }
0x84: {  	v14 =	vld [tilespmem:s0+$0x0]  }
0x85: {  	v16 =	vld [tilespmem:s0+$0xFFFFFF90];
	v15 =	vshll.u32 v38, $0x10  }
0x86: {  	v17 =	vld [tilespmem:s0+$0x80];
	v10 =	vand.u32 $0xFFFF0000, v38;
	v15 =	vmul.f32 v15, v9  }
0x87: {  	v19 =	vld [tilespmem:s0+$0xFFFFFF10];
	v18 =	vshll.u32 v39, $0x10;
	v10 =	vmul.f32 v10, v9;
	s4 =	spop (v2sf)  }
0x88: {  	v12 =	vand.u32 $0xFFFF0000, v39;
	v18 =	vmul.f32 v18, v8;
	[tilespmem:s4+$0xA880] =	vst.add.f32.msk $0xffff, v15  }
0x89: {  	v40 =	vshll.u32 v14, $0x10;
	v12 =	vmul.f32 v12, v8;
	[tilespmem:s4+$0xA900] =	vst.add.f32.msk $0xffff, v10;
	s5 =	spop (v2sf)  }
0x8a: {  	v41 =	vand.u32 $0xFFFF0000, v14;
	v42 =	vmul.f32 v40, v7;
	[tilespmem:s5+$0xA880] =	vst.add.f32.msk $0xffff, v18  }
0x8b: {  	v43 =	vshll.u32 v17, $0x10;
	v10 =	vmul.f32 v41, v7;
	[tilespmem:s5+$0xA900] =	vst.add.f32.msk $0xffff, v12;
	s14 =	spop (v2sf)  }
0x8c: {  	v44 =	vand.u32 $0xFFFF0000, v17;
	v15 =	vmul.f32 v43, v6;
	[tilespmem:s14+$0xA880] =	vst.add.f32.msk $0xffff, v42  }
0x8d: {  	v12 =	vmul.f32 v44, v6;
	[tilespmem:s14+$0xA900] =	vst.add.f32.msk $0xffff, v10;
	s2 =	spop (v2sf)  }
0x8e: {  	[tilespmem:s2+$0xA880] =	vst.add.f32.msk $0xffff, v15  }
0x8f: {  	[tilespmem:s2+$0xA900] =	vst.add.f32.msk $0xffff, v12  }
0x90: {  	v10 =	vld [tilespmem:s0+$0x20]  }
0x91: {  	v45 =	vshll.u32 v19, $0x10;
	v14 =	vld [tilespmem:s0+$0xFFFFFFA0]  }
0x92: {  	v46 =	vand.u32 $0xFFFF0000, v19;
	v12 =	vmul.f32 v45, v9;
	v47 =	vld [tilespmem:s0+$0xFFFFFF20]  }
0x93: {  	v48 =	vshll.u32 v16, $0x10;
	v15 =	vmul.f32 v46, v9;
	v49 =	vld [tilespmem:s0+$0xA0]  }
0x94: {  	v16 =	vand.u32 $0xFFFF0000, v16;
	v18 =	vmul.f32 v48, v8;
	[tilespmem:s4+$0xA890] =	vst.add.f32.msk $0xffff, v12  }
0x95: {  	v50 =	vshll.u32 v13, $0x10;
	v16 =	vmul.f32 v16, v8;
	[tilespmem:s4+$0xA910] =	vst.add.f32.msk $0xffff, v15  }
0x96: {  	v13 =	vand.u32 $0xFFFF0000, v13;
	v12 =	vmul.f32 v50, v7;
	[tilespmem:s5+$0xA890] =	vst.add.f32.msk $0xffff, v18  }
0x97: {  	v51 =	vshll.u32 v11, $0x10;
	v13 =	vmul.f32 v13, v7;
	[tilespmem:s5+$0xA910] =	vst.add.f32.msk $0xffff, v16  }
0x98: {  	v11 =	vand.u32 $0xFFFF0000, v11;
	v15 =	vmul.f32 v51, v6;
	[tilespmem:s14+$0xA890] =	vst.add.f32.msk $0xffff, v12  }
0x99: {  	v11 =	vmul.f32 v11, v6;
	[tilespmem:s14+$0xA910] =	vst.add.f32.msk $0xffff, v13  }
0x9a: {  	[tilespmem:s2+$0xA890] =	vst.add.f32.msk $0xffff, v15  }
0x9b: {  	[tilespmem:s2+$0xA910] =	vst.add.f32.msk $0xffff, v11  }
0x9c: {  	v11 =	vld [tilespmem:s0+$0xB0]  }
0x9d: {  	v52 =	vshll.u32 v47, $0x10;
	v13 =	vld [tilespmem:s0+$0xFFFFFFB0]  }
0x9e: {  	v53 =	vand.u32 $0xFFFF0000, v47;
	v16 =	vld [tilespmem:s0+$0xFFFFFF30];
	v12 =	vmul.f32 v52, v9  }
0x9f: {  	v54 =	vand.u32 $0xFFFF0000, v14;
	v18 =	vld [tilespmem:s0+$0x30];
	v15 =	vmul.f32 v53, v9  }
0xa0: {  	v14 =	vshll.u32 v14, $0x10;
	v17 =	vmul.f32 v54, v8;
	[tilespmem:s4+$0xA8A0] =	vst.add.f32.msk $0xffff, v12  }
0xa1: {  	v55 =	vshll.u32 v10, $0x10;
	v14 =	vmul.f32 v14, v8;
	[tilespmem:s4+$0xA920] =	vst.add.f32.msk $0xffff, v15  }
0xa2: {  	v10 =	vand.u32 $0xFFFF0000, v10;
	v12 =	vmul.f32 v55, v7;
	[tilespmem:s5+$0xA920] =	vst.add.f32.msk $0xffff, v17  }
0xa3: {  	v56 =	vshll.u32 v49, $0x10;
	v10 =	vmul.f32 v10, v7;
	[tilespmem:s5+$0xA8A0] =	vst.add.f32.msk $0xffff, v14  }
0xa4: {  	v57 =	vand.u32 $0xFFFF0000, v49;
	v15 =	vmul.f32 v56, v6;
	[tilespmem:s14+$0xA8A0] =	vst.add.f32.msk $0xffff, v12  }
0xa5: {  	v58 =	vmul.f32 v57, v6;
	[tilespmem:s14+$0xA920] =	vst.add.f32.msk $0xffff, v10  }
0xa6: {  	[tilespmem:s2+$0xA8A0] =	vst.add.f32.msk $0xffff, v15  }
0xa7: {  	[tilespmem:s2+$0xA920] =	vst.add.f32.msk $0xffff, v58  }
0xa8: {  	v10 =	vld [tilespmem:s0+$0x40]  }
0xa9: {  	v59 =	vshll.u32 v16, $0x10;
	v60 =	vld [tilespmem:s0+$0xFFFFFFC0]  }
0xaa: {  	v61 =	vand.u32 $0xFFFF0000, v16;
	v12 =	vmul.f32 v59, v9;
	v62 =	vld [tilespmem:s0+$0xFFFFFF40]  }
0xab: {  	v63 =	vshll.u32 v13, $0x10;
	v15 =	vmul.f32 v61, v9;
	v21 =	vld [tilespmem:s0+$0xC0]  }
0xac: {  	v13 =	vand.u32 $0xFFFF0000, v13;
	v17 =	vmul.f32 v63, v8;
	[tilespmem:s4+$0xA8B0] =	vst.add.f32.msk $0xffff, v12  }
0xad: {  	v23 =	vshll.u32 v18, $0x10;
	v22 =	vmul.f32 v13, v8;
	[tilespmem:s4+$0xA930] =	vst.add.f32.msk $0xffff, v15  }
0xae: {  	v24 =	vand.u32 $0xFFFF0000, v18;
	v13 =	vmul.f32 v23, v7;
	[tilespmem:s5+$0xA8B0] =	vst.add.f32.msk $0xffff, v17  }
0xaf: {  	v25 =	vshll.u32 v11, $0x10;
	v15 =	vmul.f32 v24, v7;
	[tilespmem:s5+$0xA930] =	vst.add.f32.msk $0xffff, v22  }
0xb0: {  	v11 =	vand.u32 $0xFFFF0000, v11;
	v26 =	vmul.f32 v25, v6;
	[tilespmem:s14+$0xA8B0] =	vst.add.f32.msk $0xffff, v13  }
0xb1: {  	v11 =	vmul.f32 v11, v6;
	[tilespmem:s14+$0xA930] =	vst.add.f32.msk $0xffff, v15  }
0xb2: {  	[tilespmem:s2+$0xA8B0] =	vst.add.f32.msk $0xffff, v26  }
0xb3: {  	[tilespmem:s2+$0xA930] =	vst.add.f32.msk $0xffff, v11  }
0xb4: {  	v11 =	vld [tilespmem:s0+$0xD0]  }
0xb5: {  	v27 =	vshll.u32 v62, $0x10;
	v13 =	vld [tilespmem:s0+$0xFFFFFFD0]  }
0xb6: {  	v28 =	vand.u32 $0xFFFF0000, v62;
	v29 =	vld [tilespmem:s0+$0xFFFFFF50];
	v12 =	vmul.f32 v27, v9  }
0xb7: {  	v30 =	vshll.u32 v60, $0x10;
	v31 =	vld [tilespmem:s0+$0x50];
	v15 =	vmul.f32 v28, v9  }
0xb8: {  	v14 =	vand.u32 $0xFFFF0000, v60;
	v17 =	vmul.f32 v30, v8;
	[tilespmem:s4+$0xA8C0] =	vst.add.f32.msk $0xffff, v12  }
0xb9: {  	v32 =	vshll.u32 v10, $0x10;
	v14 =	vmul.f32 v14, v8;
	[tilespmem:s4+$0xA940] =	vst.add.f32.msk $0xffff, v15  }
0xba: {  	v10 =	vand.u32 $0xFFFF0000, v10;
	v12 =	vmul.f32 v32, v7;
	[tilespmem:s5+$0xA8C0] =	vst.add.f32.msk $0xffff, v17  }
0xbb: {  	v33 =	vshll.u32 v21, $0x10;
	v10 =	vmul.f32 v10, v7;
	[tilespmem:s5+$0xA940] =	vst.add.f32.msk $0xffff, v14  }
0xbc: {  	v34 =	vand.u32 $0xFFFF0000, v21;
	v15 =	vmul.f32 v33, v6;
	[tilespmem:s14+$0xA8C0] =	vst.add.f32.msk $0xffff, v12  }
0xbd: {  	v35 =	vmul.f32 v34, v6;
	[tilespmem:s14+$0xA940] =	vst.add.f32.msk $0xffff, v10  }
0xbe: {  	[tilespmem:s2+$0xA8C0] =	vst.add.f32.msk $0xffff, v15  }
0xbf: {  	[tilespmem:s2+$0xA940] =	vst.add.f32.msk $0xffff, v35  }
0xc0: {  	v10 =	vld [tilespmem:s0+$0x60]  }
0xc1: {  	v36 =	vshll.u32 v29, $0x10;
	v37 =	vld [tilespmem:s0+$0xFFFFFFE0]  }
0xc2: {  	v38 =	vand.u32 $0xFFFF0000, v29;
	v12 =	vmul.f32 v36, v9;
	v39 =	vld [tilespmem:s0+$0xFFFFFF60]  }
0xc3: {  	v40 =	vshll.u32 v13, $0x10;
	v15 =	vmul.f32 v38, v9;
	v41 =	vld [tilespmem:s0+$0xE0]  }
0xc4: {  	v13 =	vand.u32 $0xFFFF0000, v13;
	v17 =	vmul.f32 v40, v8;
	[tilespmem:s4+$0xA8D0] =	vst.add.f32.msk $0xffff, v12  }
0xc5: {  	v42 =	vshll.u32 v31, $0x10;
	v13 =	vmul.f32 v13, v8;
	[tilespmem:s4+$0xA950] =	vst.add.f32.msk $0xffff, v15  }
0xc6: {  	v43 =	vand.u32 $0xFFFF0000, v31;
	v12 =	vmul.f32 v42, v7;
	[tilespmem:s5+$0xA8D0] =	vst.add.f32.msk $0xffff, v17  }
0xc7: {  	v44 =	vshll.u32 v11, $0x10;
	v15 =	vmul.f32 v43, v7;
	[tilespmem:s5+$0xA950] =	vst.add.f32.msk $0xffff, v13  }
0xc8: {  	v11 =	vand.u32 $0xFFFF0000, v11;
	v45 =	vmul.f32 v44, v6;
	[tilespmem:s14+$0xA8D0] =	vst.add.f32.msk $0xffff, v12  }
0xc9: {  	v11 =	vmul.f32 v11, v6;
	[tilespmem:s14+$0xA950] =	vst.add.f32.msk $0xffff, v15  }
0xca: {  	[tilespmem:s2+$0xA8D0] =	vst.add.f32.msk $0xffff, v45  }
0xcb: {  	[tilespmem:s2+$0xA950] =	vst.add.f32.msk $0xffff, v11  }
0xcc: {  	v11 =	vld [tilespmem:s0+$0xFFFFFF70]  }
0xcd: {  	v46 =	vshll.u32 v39, $0x10;
	v13 =	vld [tilespmem:s0+$0xFFFFFFF0]  }
0xce: {  	v47 =	vand.u32 $0xFFFF0000, v39;
	v48 =	vld [tilespmem:s0+$0x70];
	v12 =	vmul.f32 v46, v9  }
0xcf: {  	v49 =	vshll.u32 v37, $0x10;
	v50 =	vld [tilespmem:s0+$0xF0];
	v15 =	vmul.f32 v47, v9  }
0xd0: {  	v14 =	vand.u32 $0xFFFF0000, v37;
	v17 =	vmul.f32 v49, v8;
	[tilespmem:s4+$0xA8E0] =	vst.add.f32.msk $0xffff, v12  }
0xd1: {  	v51 =	vshll.u32 v10, $0x10;
	v14 =	vmul.f32 v14, v8;
	[tilespmem:s4+$0xA960] =	vst.add.f32.msk $0xffff, v15  }
0xd2: {  	v10 =	vand.u32 $0xFFFF0000, v10;
	v12 =	vmul.f32 v51, v7;
	[tilespmem:s5+$0xA8E0] =	vst.add.f32.msk $0xffff, v17  }
0xd3: {  	v52 =	vshll.u32 v41, $0x10;
	v10 =	vmul.f32 v10, v7;
	[tilespmem:s5+$0xA960] =	vst.add.f32.msk $0xffff, v14  }
0xd4: {  	v53 =	vand.u32 $0xFFFF0000, v41;
	v15 =	vmul.f32 v52, v6;
	[tilespmem:s14+$0xA8E0] =	vst.add.f32.msk $0xffff, v12  }
0xd5: {  	v54 =	vmul.f32 v53, v6;
	v55 =	vshll.u32 v11, $0x10;
	[tilespmem:s14+$0xA960] =	vst.add.f32.msk $0xffff, v10  }
0xd6: {  	v56 =	vand.u32 $0xFFFF0000, v11;
	v57 =	vmul.f32 v55, v9;
	[tilespmem:s2+$0xA8E0] =	vst.add.f32.msk $0xffff, v15  }
0xd7: {  	v58 =	vshll.u32 v13, $0x10;
	v9 =	vmul.f32 v56, v9;
	[tilespmem:s2+$0xA960] =	vst.add.f32.msk $0xffff, v54  }
0xd8: {  	v59 =	vand.u32 $0xFFFF0000, v13;
	v10 =	vmul.f32 v58, v8;
	[tilespmem:s4+$0xA8F0] =	vst.add.f32.msk $0xffff, v57  }
0xd9: {  	v60 =	vshll.u32 v48, $0x10;
	v8 =	vmul.f32 v59, v8;
	[tilespmem:s4+$0xA970] =	vst.add.f32.msk $0xffff, v9  }
0xda: {  	v61 =	vand.u32 $0xFFFF0000, v48;
	v11 =	vmul.f32 v60, v7;
	[tilespmem:s5+$0xA8F0] =	vst.add.f32.msk $0xffff, v10  }
0xdb: {  	v62 =	vshll.u32 v50, $0x10;
	v7 =	vmul.f32 v61, v7;
	[tilespmem:s5+$0xA970] =	vst.add.f32.msk $0xffff, v8  }
0xdc: {  	v8 =	vmul.f32 v62, v6;
	[tilespmem:s14+$0xA8F0] =	vst.add.f32.msk $0xffff, v11  }
0xdd: {  	v63 =	vand.u32 $0xFFFF0000, v50;
	[tilespmem:s14+$0xA970] =	vst.add.f32.msk $0xffff, v7  }
0xde: {  	s4 =	simm.s32 $0x10;
	v6 =	vmul.f32 v63, v6;
	[tilespmem:s2+$0xA8F0] =	vst.add.f32.msk $0xffff, v8  }
.LBB2_7:
0xdf: {  	s5 =	sshra.s32 s4, $0x2  }
0xe0: {  	[tilespmem:s2+$0xA970] =	vst.add.f32.msk $0xffff, v6;
	s0 =	sadd.s32 $0x200, s0;
	s2 =	smov.u32 s4;
	s14 =	sadd.s32 $0x10, s4  }
0xe1: {  	p0 =	sne.s32 s4, $0x30;
	v6 =	vld.idx.msk [tilespmem:v4+s5+$0x0 ss:$0x1], $0xffff;
	_ =	sdelay $0x3  }
0xe2: {  	v10 =	vld.idx.msk [tilespmem:v5+s5+$0x0 ss:$0x1], $0xffff;
	_ =	sdelay $0x1  }
0xe3: {  	v7 =	vbroadcast v6, $0x0;
	v8 =	vshll.u32 v6, $0xA  }
0xe4: {  	v11 =	vbroadcast v6, $0x1;
	v12 =	vshra.s32 v8, $0x2  }
0xe5: {  	v13 =	vbroadcast v6, $0x2;
	(v2sf) =	vpush v12, $0x0  }
0xe6: {  	v14 =	vbroadcast v6, $0x3  }
0xe7: {  	v9 =	vbroadcast v10, $0x0;
	(v2sf) =	vpush v12, $0x1  }
0xe8: {  	v8 =	vbroadcast v10, $0x1  }
0xe9: {  	[tilespmem:v7+s19+$0x0] =	vst.idx.add.f32.msk $0x1, v9;
	v7 =	vbroadcast v10, $0x2;
	(v2sf) =	vpush v12, $0x2  }
0xea: {  	v6 =	vbroadcast v10, $0x3;
	[tilespmem:v11+s19+$0x0] =	vst.idx.add.f32.msk $0x1, v8  }
0xeb: {  	[tilespmem:v13+s19+$0x0] =	vst.idx.add.f32.msk $0x1, v7;
	(v2sf) =	vpush v12, $0x3  }
0xec: {  	[tilespmem:v14+s19+$0x0] =	vst.idx.add.f32.msk $0x1, v6  }
0xed: {  	v10 =	vld [tilespmem:s0+$0xFFFFFF00]  }
0xee: {  	v11 =	vld [tilespmem:s0+$0x90]  }
0xef: {  	v12 =	vld [tilespmem:s0+$0xFFFFFF80]  }
0xf0: {  	v13 =	vld [tilespmem:s0+$0x10]  }
0xf1: {  	v14 =	vld [tilespmem:s0+$0x0]  }
0xf2: {  	v15 =	vshll.u32 v10, $0x10;
	v10 =	vand.u32 $0xFFFF0000, v10;
	v16 =	vld [tilespmem:s0+$0xFFFFFF90]  }
0xf3: {  	v17 =	vld [tilespmem:s0+$0x80];
	v15 =	vmul.f32 v15, v9;
	v18 =	vshll.u32 v11, $0x10;
	v11 =	vand.u32 $0xFFFF0000, v11  }
0xf4: {  	v10 =	vmul.f32 v10, v9;
	v19 =	vshll.u32 v12, $0x10;
	v12 =	vand.u32 $0xFFFF0000, v12;
	v20 =	vld [tilespmem:s0+$0xFFFFFF10];
	s15 =	spop (v2sf)  }
0xf5: {  	v19 =	vmul.f32 v19, v8;
	[tilespmem:s15+$0xA880] =	vst.add.f32.msk $0xffff, v15;
	v15 =	vshll.u32 v13, $0x10;
	v13 =	vand.u32 $0xFFFF0000, v13  }
0xf6: {  	v12 =	vmul.f32 v12, v8;
	v21 =	vshll.u32 v14, $0x10;
	[tilespmem:s15+$0xA900] =	vst.add.f32.msk $0xffff, v10;
	v10 =	vmul.f32 v15, v7;
	s24 =	spop (v2sf)  }
0xf7: {  	v14 =	vand.u32 $0xFFFF0000, v14;
	v15 =	vmul.f32 v21, v7;
	[tilespmem:s24+$0xA880] =	vst.add.f32.msk $0xffff, v19;
	v19 =	vshll.u32 v16, $0x10  }
0xf8: {  	v14 =	vmul.f32 v14, v7;
	v21 =	vshll.u32 v17, $0x10;
	[tilespmem:s24+$0xA900] =	vst.add.f32.msk $0xffff, v12;
	v12 =	vmul.f32 v19, v8;
	s4 =	spop (v2sf)  }
0xf9: {  	v17 =	vand.u32 $0xFFFF0000, v17;
	v19 =	vmul.f32 v21, v6;
	[tilespmem:s4+$0xA880] =	vst.add.f32.msk $0xffff, v15;
	v15 =	vshll.u32 v20, $0x10  }
0xfa: {  	v17 =	vmul.f32 v17, v6;
	[tilespmem:s4+$0xA900] =	vst.add.f32.msk $0xffff, v14;
	v14 =	vand.u32 $0xFFFF0000, v20;
	v15 =	vmul.f32 v15, v9;
	s2 =	spop (v2sf)  }
0xfb: {  	v13 =	vmul.f32 v13, v7;
	v16 =	vand.u32 $0xFFFF0000, v16;
	[tilespmem:s2+$0xA880] =	vst.add.f32.msk $0xffff, v19;
	v14 =	vmul.f32 v14, v9  }
0xfc: {  	v16 =	vmul.f32 v16, v8;
	[tilespmem:s2+$0xA900] =	vst.add.f32.msk $0xffff, v17;
	v17 =	vmul.f32 v18, v6  }
0xfd: {  	v11 =	vmul.f32 v11, v6;
	v18 =	vld [tilespmem:s0+$0x20]  }
0xfe: {  	v19 =	vld [tilespmem:s0+$0xFFFFFFA0]  }
0xff: {  	v20 =	vld [tilespmem:s0+$0xFFFFFF20]  }
0x100: {  	v21 =	vld [tilespmem:s0+$0xA0]  }
0x101: {  	[tilespmem:s15+$0xA890] =	vst.add.f32.msk $0xffff, v15  }
0x102: {  	[tilespmem:s15+$0xA910] =	vst.add.f32.msk $0xffff, v14;
	v14 =	vshll.u32 v18, $0x10;
	v15 =	vand.u32 $0xFFFF0000, v18  }
0x103: {  	[tilespmem:s24+$0xA890] =	vst.add.f32.msk $0xffff, v12;
	v12 =	vshll.u32 v19, $0x10;
	v18 =	vand.u32 $0xFFFF0000, v19;
	v14 =	vmul.f32 v14, v7  }
0x104: {  	[tilespmem:s24+$0xA910] =	vst.add.f32.msk $0xffff, v16;
	v16 =	vshll.u32 v20, $0x10;
	v19 =	vand.u32 $0xFFFF0000, v20;
	v12 =	vmul.f32 v12, v8  }
0x105: {  	[tilespmem:s4+$0xA890] =	vst.add.f32.msk $0xffff, v10;
	v10 =	vmul.f32 v16, v9;
	v16 =	vmul.f32 v19, v9;
	v19 =	vshll.u32 v21, $0x10  }
0x106: {  	[tilespmem:s4+$0xA910] =	vst.add.f32.msk $0xffff, v13;
	v13 =	vmul.f32 v18, v8;
	v18 =	vand.u32 $0xFFFF0000, v21;
	v19 =	vmul.f32 v19, v6  }
0x107: {  	v15 =	vmul.f32 v15, v7;
	[tilespmem:s2+$0xA890] =	vst.add.f32.msk $0xffff, v17;
	v17 =	vmul.f32 v18, v6  }
0x108: {  	[tilespmem:s2+$0xA910] =	vst.add.f32.msk $0xffff, v11  }
0x109: {  	v11 =	vld [tilespmem:s0+$0xB0]  }
0x10a: {  	v18 =	vld [tilespmem:s0+$0xFFFFFFB0]  }
0x10b: {  	v20 =	vld [tilespmem:s0+$0xFFFFFF30]  }
0x10c: {  	v21 =	vld [tilespmem:s0+$0x30]  }
0x10d: {  	[tilespmem:s15+$0xA8A0] =	vst.add.f32.msk $0xffff, v10  }
0x10e: {  	[tilespmem:s15+$0xA920] =	vst.add.f32.msk $0xffff, v16;
	v10 =	vshll.u32 v11, $0x10;
	v11 =	vand.u32 $0xFFFF0000, v11  }
0x10f: {  	[tilespmem:s24+$0xA920] =	vst.add.f32.msk $0xffff, v13;
	v13 =	vshll.u32 v18, $0x10;
	v16 =	vand.u32 $0xFFFF0000, v18;
	v10 =	vmul.f32 v10, v6  }
0x110: {  	[tilespmem:s24+$0xA8A0] =	vst.add.f32.msk $0xffff, v12;
	v12 =	vshll.u32 v20, $0x10;
	v18 =	vand.u32 $0xFFFF0000, v20;
	v13 =	vmul.f32 v13, v8  }
0x111: {  	[tilespmem:s4+$0xA8A0] =	vst.add.f32.msk $0xffff, v14;
	v12 =	vmul.f32 v12, v9;
	v14 =	vmul.f32 v18, v9  }
0x112: {  	v11 =	vmul.f32 v11, v6;
	[tilespmem:s4+$0xA920] =	vst.add.f32.msk $0xffff, v15;
	v15 =	vmul.f32 v16, v8;
	v16 =	vand.u32 $0xFFFF0000, v21  }
0x113: {  	v18 =	vshll.u32 v21, $0x10;
	[tilespmem:s2+$0xA8A0] =	vst.add.f32.msk $0xffff, v19;
	v16 =	vmul.f32 v16, v7  }
0x114: {  	[tilespmem:s2+$0xA920] =	vst.add.f32.msk $0xffff, v17;
	v17 =	vmul.f32 v18, v7  }
0x115: {  	v18 =	vld [tilespmem:s0+$0x40]  }
0x116: {  	v19 =	vld [tilespmem:s0+$0xFFFFFFC0]  }
0x117: {  	v20 =	vld [tilespmem:s0+$0xFFFFFF40]  }
0x118: {  	v21 =	vld [tilespmem:s0+$0xC0]  }
0x119: {  	[tilespmem:s15+$0xA8B0] =	vst.add.f32.msk $0xffff, v12  }
0x11a: {  	[tilespmem:s15+$0xA930] =	vst.add.f32.msk $0xffff, v14;
	v12 =	vshll.u32 v18, $0x10;
	v14 =	vand.u32 $0xFFFF0000, v18  }
0x11b: {  	[tilespmem:s24+$0xA8B0] =	vst.add.f32.msk $0xffff, v13;
	v13 =	vshll.u32 v19, $0x10;
	v18 =	vand.u32 $0xFFFF0000, v19;
	v12 =	vmul.f32 v12, v7  }
0x11c: {  	[tilespmem:s24+$0xA930] =	vst.add.f32.msk $0xffff, v15;
	v15 =	vshll.u32 v20, $0x10;
	v19 =	vand.u32 $0xFFFF0000, v20;
	v13 =	vmul.f32 v13, v8  }
0x11d: {  	[tilespmem:s4+$0xA8B0] =	vst.add.f32.msk $0xffff, v17;
	v15 =	vmul.f32 v15, v9;
	v17 =	vmul.f32 v19, v9;
	v19 =	vshll.u32 v21, $0x10  }
0x11e: {  	[tilespmem:s4+$0xA930] =	vst.add.f32.msk $0xffff, v16;
	v16 =	vmul.f32 v18, v8;
	v18 =	vand.u32 $0xFFFF0000, v21;
	v19 =	vmul.f32 v19, v6  }
0x11f: {  	[tilespmem:s2+$0xA8B0] =	vst.add.f32.msk $0xffff, v10;
	v10 =	vmul.f32 v14, v7;
	v14 =	vmul.f32 v18, v6  }
0x120: {  	[tilespmem:s2+$0xA930] =	vst.add.f32.msk $0xffff, v11  }
0x121: {  	v11 =	vld [tilespmem:s0+$0xD0]  }
0x122: {  	v18 =	vld [tilespmem:s0+$0xFFFFFFD0]  }
0x123: {  	v20 =	vld [tilespmem:s0+$0xFFFFFF50]  }
0x124: {  	v21 =	vld [tilespmem:s0+$0x50]  }
0x125: {  	[tilespmem:s15+$0xA8C0] =	vst.add.f32.msk $0xffff, v15  }
0x126: {  	[tilespmem:s15+$0xA940] =	vst.add.f32.msk $0xffff, v17;
	v15 =	vshll.u32 v11, $0x10;
	v11 =	vand.u32 $0xFFFF0000, v11  }
0x127: {  	[tilespmem:s24+$0xA8C0] =	vst.add.f32.msk $0xffff, v13;
	v13 =	vshll.u32 v18, $0x10;
	v17 =	vand.u32 $0xFFFF0000, v18;
	v15 =	vmul.f32 v15, v6  }
0x128: {  	[tilespmem:s24+$0xA940] =	vst.add.f32.msk $0xffff, v16;
	v16 =	vshll.u32 v20, $0x10;
	v18 =	vand.u32 $0xFFFF0000, v20;
	v13 =	vmul.f32 v13, v8  }
0x129: {  	[tilespmem:s4+$0xA8C0] =	vst.add.f32.msk $0xffff, v12;
	v12 =	vmul.f32 v16, v9;
	v16 =	vmul.f32 v18, v9;
	v18 =	vshll.u32 v21, $0x10  }
0x12a: {  	[tilespmem:s4+$0xA940] =	vst.add.f32.msk $0xffff, v10;
	v10 =	vmul.f32 v17, v8;
	v17 =	vand.u32 $0xFFFF0000, v21;
	v18 =	vmul.f32 v18, v7  }
0x12b: {  	v11 =	vmul.f32 v11, v6;
	[tilespmem:s2+$0xA8C0] =	vst.add.f32.msk $0xffff, v19;
	v17 =	vmul.f32 v17, v7  }
0x12c: {  	[tilespmem:s2+$0xA940] =	vst.add.f32.msk $0xffff, v14  }
0x12d: {  	v14 =	vld [tilespmem:s0+$0x60]  }
0x12e: {  	v19 =	vld [tilespmem:s0+$0xFFFFFFE0]  }
0x12f: {  	v20 =	vld [tilespmem:s0+$0xFFFFFF60]  }
0x130: {  	v21 =	vld [tilespmem:s0+$0xE0]  }
0x131: {  	[tilespmem:s15+$0xA8D0] =	vst.add.f32.msk $0xffff, v12  }
0x132: {  	[tilespmem:s15+$0xA950] =	vst.add.f32.msk $0xffff, v16;
	v12 =	vshll.u32 v14, $0x10;
	v14 =	vand.u32 $0xFFFF0000, v14  }
0x133: {  	[tilespmem:s24+$0xA8D0] =	vst.add.f32.msk $0xffff, v13;
	v13 =	vshll.u32 v19, $0x10;
	v16 =	vand.u32 $0xFFFF0000, v19;
	v12 =	vmul.f32 v12, v7  }
0x134: {  	[tilespmem:s24+$0xA950] =	vst.add.f32.msk $0xffff, v10;
	v10 =	vshll.u32 v20, $0x10;
	v19 =	vand.u32 $0xFFFF0000, v20;
	v16 =	vmul.f32 v16, v8  }
0x135: {  	[tilespmem:s4+$0xA8D0] =	vst.add.f32.msk $0xffff, v18;
	v10 =	vmul.f32 v10, v9;
	v18 =	vmul.f32 v19, v9;
	v19 =	vshll.u32 v21, $0x10  }
0x136: {  	v13 =	vmul.f32 v13, v8;
	[tilespmem:s4+$0xA950] =	vst.add.f32.msk $0xffff, v17;
	v17 =	vand.u32 $0xFFFF0000, v21;
	v19 =	vmul.f32 v19, v6  }
0x137: {  	v14 =	vmul.f32 v14, v7;
	[tilespmem:s2+$0xA8D0] =	vst.add.f32.msk $0xffff, v15;
	v15 =	vmul.f32 v17, v6  }
0x138: {  	[tilespmem:s2+$0xA950] =	vst.add.f32.msk $0xffff, v11  }
0x139: {  	v11 =	vld [tilespmem:s0+$0xFFFFFF70]  }
0x13a: {  	v17 =	vld [tilespmem:s0+$0xFFFFFFF0]  }
0x13b: {  	v20 =	vld [tilespmem:s0+$0x70]  }
0x13c: {  	v21 =	vld [tilespmem:s0+$0xF0]  }
0x13d: {  	[tilespmem:s15+$0xA8E0] =	vst.add.f32.msk $0xffff, v10  }
0x13e: {  	[tilespmem:s15+$0xA960] =	vst.add.f32.msk $0xffff, v18;
	v10 =	vshll.u32 v11, $0x10;
	v11 =	vand.u32 $0xFFFF0000, v11  }
0x13f: {  	[tilespmem:s24+$0xA8E0] =	vst.add.f32.msk $0xffff, v13;
	v10 =	vmul.f32 v10, v9;
	v9 =	vmul.f32 v11, v9;
	v11 =	vshll.u32 v17, $0x10  }
0x140: {  	v13 =	vand.u32 $0xFFFF0000, v17;
	[tilespmem:s24+$0xA960] =	vst.add.f32.msk $0xffff, v16;
	v11 =	vmul.f32 v11, v8;
	v16 =	vshll.u32 v20, $0x10  }
0x141: {  	v8 =	vmul.f32 v13, v8;
	[tilespmem:s4+$0xA8E0] =	vst.add.f32.msk $0xffff, v12;
	v12 =	vand.u32 $0xFFFF0000, v20;
	v13 =	vmul.f32 v16, v7  }
0x142: {  	[tilespmem:s4+$0xA960] =	vst.add.f32.msk $0xffff, v14;
	v7 =	vmul.f32 v12, v7;
	v12 =	vshll.u32 v21, $0x10;
	v14 =	vand.u32 $0xFFFF0000, v21  }
0x143: {  	[tilespmem:s2+$0xA8E0] =	vst.add.f32.msk $0xffff, v19;
	v12 =	vmul.f32 v12, v6;
	v6 =	vmul.f32 v14, v6  }
0x144: {  	[tilespmem:s2+$0xA960] =	vst.add.f32.msk $0xffff, v15  }
0x145: {  	[tilespmem:s15+$0xA8F0] =	vst.add.f32.msk $0xffff, v10  }
0x146: {  	[tilespmem:s15+$0xA970] =	vst.add.f32.msk $0xffff, v9  }
.Ltmp2:
0x147: {  	[tilespmem:s24+$0xA8F0] =	vst.add.f32.msk $0xffff, v11;
	(pc) =	sbr.rel @p0 .LBB2_7-.Ltmp2, $4  }
0x148: {  	[tilespmem:s24+$0xA970] =	vst.add.f32.msk $0xffff, v8  }
0x149: {  	[tilespmem:s4+$0xA8F0] =	vst.add.f32.msk $0xffff, v13  }
0x14a: {  	[tilespmem:s4+$0xA970] =	vst.add.f32.msk $0xffff, v7  }
0x14b: {  	s4 =	smov.u32 s14;
	[tilespmem:s2+$0xA8F0] =	vst.add.f32.msk $0xffff, v12  }
0x14c: {  	s28 =	sadd.s32 $0x1, s28  }
0x14d: {  	p0 =	sne.s32 s28, $0x14  }
.Ltmp3:
0x14e: {  	_ = 	snop;
	(pc) =	sbr.rel @p0 .LBB2_6-.Ltmp3, $2  }
0x14f: {  	_ =	sdelay $0x2  }
0x150: {  	[tilespmem:s2+$0xA970] =	vst.add.f32.msk $0xffff, v6;
	s30 =	sadd.s32 $0x10, s30;
	s29 =	sadd.s32 $0x10, s29  }
.Ltmp4:
0x151: {  	(pc) =	sbr.rel .LBB2_10-.Ltmp4, $2  }
0x152: {  	_ =	sdelay $0x2  }
0x153: {  	s28 =	simm.s32 $0x0  }
.LBB2_19:
0x154: {  	s28 =	sadd.s32 $0x1, s28  }
0x155: {  	p0 =	sne.s32 s28, $0x50  }
.Ltmp5:
0x156: {  	_ = 	snop;
	(pc) =	sbr.rel @!p0 .LBB2_20-.Ltmp5, $1  }
0x157: {  	_ =	sdelay $0x3  }
.LBB2_10:
0x158: {  	s0 =	smul.u32 $0x1F4, s28;
	_ =	sdelay $0x1  }
0x159: {  	s2 =	sadd.s32 s6, s0  }
0x15a: {  	[tilespmem:s20], [sflag:$0x1] =	stream.linear.gather [hbm4b:s2+s26], $0xFA0, $0x38;
	[tilespmem:$0x1E300] =	vst v63  }
0x15b: {  	s0 =	sadd.s32 s7, s0  }
0x15c: {  	[tilespmem:s21], [sflag:$0x2] =	stream.linear.gather [hbm4b:s0+s26], $0xFA0, $0x38;
	[tilespmem:$0x1E300] =	vst v63  }
0x15d: {  	_ =	swait.ge [sflag:s22], $0xFA0  }
0x15e: {  	[sflag:s22] =	ssyncset.done $0x0  }
0x15f: {  	[sflag:s22] =	ssyncadd.s32 $0xFFFFF060  }
0x160: {  	_ =	swait.ge [sflag:s23], $0xFA0  }
0x161: {  	[sflag:s23] =	ssyncset.done $0x0  }
0x162: {  	s29 =	simm.s32 $0x6090;
	[sflag:s23] =	ssyncadd.s32 $0xFFFFF060  }
0x163: {  	v4 =	vld [tilespmem:s29+$0xFFFFFFF0]  }
0x164: {  	s30 =	simm.s32 $0x5090  }
0x165: {  	v5 =	vld [tilespmem:s30+$0xFFFFFFF0];
	_ =	sdelay $0x2  }
0x166: {  	v4 =	vsub.s32 v4, v0  }
0x167: {  	vm0 =	vlt.u32 v4, $0x139  }
0x168: {  	[tilespmem:s26+$0x7080] =	vst.msk vm0, v5;
	v5 =	vmpcnt.ones.xlane vm0  }
0x169: {  	[tilespmem:s26+$0x8080] =	vst.msk vm0, v4  }
0x16a: {  	v4 =	vld [tilespmem:s29+$0x0];
	(v2sf) =	vpush v5, $0x0;
	_ =	sdelay $0x4  }
0x16b: {  	v4 =	vsub.s32 v4, v0  }
0x16c: {  	vm15 =	vlt.u32 v4, $0x139  }
0x16d: {  	v5 =	vmpcnt.ones.xlane vm15;
	_ =	sdelay $0x1  }
0x16e: {  	(v2sf) =	vpush v5, $0x0;
	_ =	sdelay $0x2  }
0x16f: {  	v5 =	vld [tilespmem:s30+$0x0];
	_ =	sdelay $0x2  }
0x170: {  	s31 =	spop (v2sf)  }
0x171: {  	s5 =	sadd.s32 $0x0, s31  }
0x172: {  	[tilespmem:s5+$0x7080] =	vst.msk vm15, v5  }
0x173: {  	s2 =	simm.s32 $0x60B0;
	[tilespmem:s5+$0x8080] =	vst.msk vm15, v4  }
0x174: {  	v5 =	vld [tilespmem:s2+$0xFFFFFFF0]  }
0x175: {  	s0 =	simm.s32 $0x50B0  }
0x176: {  	v4 =	vld [tilespmem:s0+$0xFFFFFFF0];
	_ =	sdelay $0x2  }
0x177: {  	s4 =	simm.s32 $0x2;
	v5 =	vsub.s32 v5, v0;
	s14 =	spop (v2sf)  }
.LBB2_11:
0x178: {  	s4 =	sadd.s32 $0x2, s4;
	vm0 =	vlt.u32 v5, $0x139;
	s5 =	sadd.s32 s5, s14  }
0x179: {  	p0 =	slt.u32 s4, $0xF8;
	[tilespmem:s5+$0x7080] =	vst.msk vm0, v4;
	v4 =	vmpcnt.ones.xlane vm0  }
0x17a: {  	[tilespmem:s5+$0x8080] =	vst.msk vm0, v5  }
0x17b: {  	v5 =	vld [tilespmem:s2+$0x0];
	(v2sf) =	vpush v4, $0x0;
	_ =	sdelay $0x4  }
0x17c: {  	v4 =	vsub.s32 v5, v0  }
0x17d: {  	vm0 =	vlt.u32 v4, $0x139  }
0x17e: {  	v5 =	vmpcnt.ones.xlane vm0;
	_ =	sdelay $0x1  }
0x17f: {  	(v2sf) =	vpush v5, $0x0;
	_ =	sdelay $0x2  }
0x180: {  	v5 =	vld [tilespmem:s0+$0x0];
	_ =	sdelay $0x2  }
0x181: {  	s14 =	spop (v2sf)  }
0x182: {  	s5 =	sadd.s32 s5, s14  }
0x183: {  	[tilespmem:s5+$0x7080] =	vst.msk vm0, v5  }
0x184: {  	s2 =	sadd.s32 $0x20, s2;
	[tilespmem:s5+$0x8080] =	vst.msk vm0, v4  }
0x185: {  	v5 =	vld [tilespmem:s2+$0xFFFFFFF0]  }
.Ltmp6:
0x186: {  	s0 =	sadd.s32 $0x20, s0;
	(pc) =	sbr.rel @p0 .LBB2_11-.Ltmp6, $2  }
0x187: {  	v4 =	vld [tilespmem:s0+$0xFFFFFFF0];
	_ =	sdelay $0x2  }
0x188: {  	v5 =	vsub.s32 v5, v0;
	s14 =	spop (v2sf)  }
0x189: {  	vm0 =	vlt.u32 v5, $0x139;
	s4 =	sadd.s32 s5, s14  }
0x18a: {  	[tilespmem:s4+$0x7080] =	vst.msk vm0, v4  }
0x18b: {  	[tilespmem:s4+$0x8080] =	vst.msk vm0, v5  }
0x18c: {  	v4 =	vld [tilespmem:s2+$0x0];
	_ =	sdelay $0x4  }
0x18d: {  	v4 =	vsub.s32 v4, v0  }
0x18e: {  	v5 =	vmpcnt.ones.xlane vm0;
	vm15 =	vlt.u32 v4, $0x139  }
0x18f: {  	v6 =	vmpcnt.ones.xlane vm15  }
0x190: {  	(v2sf) =	vpush v5, $0x0  }
0x191: {  	(v2sf) =	vpush v6, $0x0;
	_ =	sdelay $0xd  }
0x192: {  	s14 =	spop (v2sf)  }
0x193: {  	s2 =	sadd.s32 s4, s14;
	s15 =	spop (v2sf)  }
0x194: {  	s4 =	sadd.s32 s2, s15  }
0x195: {  	s24 =	sadd.s32 $0xF, s4  }
0x196: {  	s30 =	sand.u32 $0xF, s24  }
0x197: {  	s31 =	sshra.s32 s24, $0x1F;
	p1 =	slt.s32 s24, $0x1;
	p0 =	sne.s32 s30, $0x0  }
0x198: {  	v5 =	vld [tilespmem:s0+$0x0];
	s0 =	sshrl.u32 s31, $0x1C;
	p0 =	por !p1, !p0  }
0x199: {  	s5 =	simm.s32 $0x1;
	s0 =	sadd.s32 s0, s24;
	p0 =	por !p0, !p0  }
0x19a: {  	s0 =	sshra.s32 s0, $0x4;
	s5 =	simm.s32 @!p0 $0x0  }
0x19b: {  	s29 =	ssub.s32 s0, s5  }
0x19c: {  	p0 =	slt.s32 s29, $0x1  }
.Ltmp7:
0x19d: {  	_ = 	snop;
	(pc) =	sbr.rel @p0 .LBB2_19-.Ltmp7, $3  }
0x19e: {  	_ =	sdelay $0x1  }
0x19f: {  	[tilespmem:s2+$0x7080] =	vst.msk vm15, v5  }
0x1a0: {  	[tilespmem:s2+$0x8080] =	vst.msk vm15, v4  }
0x1a1: {  	s30 =	simm.s32 $0x8080  }
0x1a2: {  	s2 =	simm.s32 $0x7080;
	v5 =	vld [tilespmem:s30+$0x0]  }
0x1a3: {  	v6 =	vld [tilespmem:s2+$0x0];
	_ =	sdelay $0x1  }
0x1a4: {  	s31 =	simm.s32 $0x0  }
0x1a5: {  	v4 =	vmov s4;
	v7 =	vor.u32 s31, v2  }
0x1a6: {  	vm0 =	vlt.s32 v7, v4  }
0x1a7: {  	v5 =	vnsel vm0, $0x0, v5;
	v6 =	vnsel vm0, $0x0, v6  }
0x1a8: {  	v7 =	vadd.s32 v0, v5;
	_ =	sdelay $0x3  }
0x1a9: {  	v8 =	vld.idx.msk [tilespmem:v6+s31+$0x0], $0xffff  }
0x1aa: {  	v7 =	vld.idx.msk [tilespmem:v7+s13+$0x0], $0xffff;
	_ =	sdelay $0x4  }
0x1ab: {  	v7 =	vadd.f32 v7, v8;
	_ =	sdelay $0x1  }
0x1ac: {  	v8 =	vmul.f32 $2.000000030e-01, v7  }
0x1ad: {  	vm1 =	vge.f32 v7, $0.0e+00  }
0x1ae: {  	v7 =	vsel vm1, v7, v8  }
0x1af: {  	v7 =	vsub.f32 v7, v3;
	_ =	sdelay $0x1  }
0x1b0: {  	v7 =	vmul.f32 $1.442695020e+00, v7;
	_ =	sdelay $0x1  }
0x1b1: {  	(erf) = vpow2.f32 v7;
	_ =	sdelay $0x3  }
0x1b2: {  	p0 =	sne.s32 s29, $0x1  }
.Ltmp8:
0x1b3: {  	_ = 	snop;
	(pc) =	sbr.rel @!p0 .LBB2_15-.Ltmp8, $3  }
0x1b4: {  	_ =	sdelay $0x1  }
0x1b5: {  	s0 =	simm.s32 $0x9080;
	s4 =	sadd.s32 $0xFFFFFFFF, s29;
	s5 =	simm.s32 $0x10;
	[tilespmem:s2+$0x0] =	vst v6  }
0x1b6: {  	s14 =	simm.s32 $0x8080;
	s24 =	simm.s32 $0x9080;
	s15 =	simm.s32 $0x9080;
	[tilespmem:s30+$0x0] =	vst v5;
	v5 =	vpop (erf)  }
.LBB2_14:
0x1b7: {  	v5 =	vnsel vm0, $0x0, v5;
	s2 =	sadd.s32 $0x10, s2;
	s14 =	sadd.s32 $0x10, s14;
	s24 =	sadd.s32 $0x10, s24  }
0x1b8: {  	p0 =	sne.s32 s4, $0x1;
	s4 =	sadd.s32 $0xFFFFFFFF, s4;
	[tilespmem:s15+$0x0] =	vst v5;
	s15 =	smov.u32 s24  }
0x1b9: {  	v5 =	vld [tilespmem:s14+$0x0]  }
0x1ba: {  	v6 =	vld [tilespmem:s2+$0x0];
	_ =	sdelay $0x1  }
0x1bb: {  	v7 =	vor.u32 s5, v2  }
0x1bc: {  	vm0 =	vlt.s32 v7, v4  }
0x1bd: {  	v5 =	vnsel vm0, $0x0, v5  }
0x1be: {  	v6 =	vnsel vm0, $0x0, v6;
	v7 =	vadd.s32 v0, v5;
	_ =	sdelay $0x4  }
0x1bf: {  	v7 =	vld.idx.msk [tilespmem:v7+s13+$0x0], $0xffff  }
0x1c0: {  	v8 =	vld.idx.msk [tilespmem:v6+s31+$0x0], $0xffff  }
0x1c1: {  	[tilespmem:s2+$0x0] =	vst v6  }
0x1c2: {  	[tilespmem:s14+$0x0] =	vst v5;
	_ =	sdelay $0x3  }
0x1c3: {  	v5 =	vadd.f32 v7, v8;
	_ =	sdelay $0x1  }
0x1c4: {  	vm1 =	vge.f32 v5, $0.0e+00;
	v6 =	vmul.f32 $2.000000030e-01, v5;
	_ =	sdelay $0x1  }
0x1c5: {  	v5 =	vsel vm1, v5, v6  }
0x1c6: {  	v5 =	vsub.f32 v5, v3;
	_ =	sdelay $0x1  }
0x1c7: {  	v5 =	vmul.f32 $1.442695020e+00, v5;
	_ =	sdelay $0x1  }
0x1c8: {  	(erf) = vpow2.f32 v5;
	_ =	sdelay $0x4  }
.Ltmp9:
0x1c9: {  	(pc) =	sbr.rel @p0 .LBB2_14-.Ltmp9, $2  }
0x1ca: {  	_ =	sdelay $0x2  }
0x1cb: {  	s5 =	sadd.s32 $0x10, s5;
	v5 =	vpop (erf)  }
.LBB2_15:
0x1cc: {  	v4 =	vnsel vm0, $0x0, v5  }
0x1cd: {  	[tilespmem:s15+$0x0] =	vst v4  }
.LBB2_16:
0x1ce: {  	s2 =	sshll.u32 s31, $0x4  }
0x1cf: {  	v4 =	vmov s30;
	s2 =	sadd.s32 $0x7080, s2  }
0x1d0: {  	[tilespmem:s17], [sflag:$0x3] =	stream.indirect.gather [hbm4b:s1+s16], $0x80, s2, s16, $0xb8;
	[tilespmem:$0x1E300] =	vst v63  }
0x1d1: {  	_ =	swait.ge [sflag:s18], $0x800  }
0x1d2: {  	[sflag:s18] =	ssyncset.done $0x0  }
0x1d3: {  	v5 =	vmov s0;
	s24 =	simm.s32 $0x0;
	[sflag:s18] =	ssyncadd.s32 $0xFFFFF800  }
0x1d4: {  	v6 =	vld.idx.msk [tilespmem:v4+s24+$0x0 ss:$0x1], $0xffff;
	_ =	sdelay $0x3  }
0x1d5: {  	v10 =	vld.idx.msk [tilespmem:v5+s24+$0x0 ss:$0x1], $0xffff  }
0x1d6: {  	v7 =	vbroadcast v6, $0x0;
	v8 =	vshll.u32 v6, $0xA  }
0x1d7: {  	v11 =	vbroadcast v6, $0x1;
	v12 =	vshra.s32 v8, $0x2  }
0x1d8: {  	v13 =	vbroadcast v6, $0x2;
	(v2sf) =	vpush v12, $0x0  }
0x1d9: {  	v14 =	vbroadcast v6, $0x3  }
0x1da: {  	v9 =	vbroadcast v10, $0x0;
	(v2sf) =	vpush v12, $0x1  }
0x1db: {  	v8 =	vbroadcast v10, $0x1  }
0x1dc: {  	(v2sf) =	vpush v12, $0x2;
	[tilespmem:v7+s19+$0x0] =	vst.idx.add.f32.msk $0x1, v9;
	v7 =	vbroadcast v10, $0x2  }
0x1dd: {  	v6 =	vbroadcast v10, $0x3;
	[tilespmem:v11+s19+$0x0] =	vst.idx.add.f32.msk $0x1, v8  }
0x1de: {  	(v2sf) =	vpush v12, $0x3;
	[tilespmem:v13+s19+$0x0] =	vst.idx.add.f32.msk $0x1, v7  }
0x1df: {  	s2 =	simm.s32 $0xA180;
	[tilespmem:v14+s19+$0x0] =	vst.idx.add.f32.msk $0x1, v6  }
0x1e0: {  	v38 =	vld [tilespmem:s2+$0xFFFFFF00]  }
0x1e1: {  	v11 =	vld [tilespmem:s2+$0x90]  }
0x1e2: {  	v39 =	vld [tilespmem:s2+$0xFFFFFF80]  }
0x1e3: {  	v13 =	vld [tilespmem:s2+$0x10]  }
0x1e4: {  	v14 =	vld [tilespmem:s2+$0x0]  }
0x1e5: {  	v16 =	vld [tilespmem:s2+$0xFFFFFF90];
	v15 =	vshll.u32 v38, $0x10  }
0x1e6: {  	v17 =	vld [tilespmem:s2+$0x80];
	v10 =	vand.u32 $0xFFFF0000, v38;
	v15 =	vmul.f32 v15, v9  }
0x1e7: {  	v19 =	vld [tilespmem:s2+$0xFFFFFF10];
	v18 =	vshll.u32 v39, $0x10;
	v10 =	vmul.f32 v10, v9;
	s4 =	spop (v2sf)  }
0x1e8: {  	v12 =	vand.u32 $0xFFFF0000, v39;
	v18 =	vmul.f32 v18, v8;
	[tilespmem:s4+$0xA880] =	vst.add.f32.msk $0xffff, v15  }
0x1e9: {  	v40 =	vshll.u32 v14, $0x10;
	v12 =	vmul.f32 v12, v8;
	[tilespmem:s4+$0xA900] =	vst.add.f32.msk $0xffff, v10;
	s5 =	spop (v2sf)  }
0x1ea: {  	v41 =	vand.u32 $0xFFFF0000, v14;
	v42 =	vmul.f32 v40, v7;
	[tilespmem:s5+$0xA880] =	vst.add.f32.msk $0xffff, v18  }
0x1eb: {  	v43 =	vshll.u32 v17, $0x10;
	v10 =	vmul.f32 v41, v7;
	[tilespmem:s5+$0xA900] =	vst.add.f32.msk $0xffff, v12;
	s15 =	spop (v2sf)  }
0x1ec: {  	v44 =	vand.u32 $0xFFFF0000, v17;
	v15 =	vmul.f32 v43, v6;
	[tilespmem:s15+$0xA880] =	vst.add.f32.msk $0xffff, v42  }
0x1ed: {  	v12 =	vmul.f32 v44, v6;
	[tilespmem:s15+$0xA900] =	vst.add.f32.msk $0xffff, v10;
	s14 =	spop (v2sf)  }
0x1ee: {  	[tilespmem:s14+$0xA880] =	vst.add.f32.msk $0xffff, v15  }
0x1ef: {  	[tilespmem:s14+$0xA900] =	vst.add.f32.msk $0xffff, v12  }
0x1f0: {  	v10 =	vld [tilespmem:s2+$0x20]  }
0x1f1: {  	v45 =	vshll.u32 v19, $0x10;
	v14 =	vld [tilespmem:s2+$0xFFFFFFA0]  }
0x1f2: {  	v46 =	vand.u32 $0xFFFF0000, v19;
	v12 =	vmul.f32 v45, v9;
	v47 =	vld [tilespmem:s2+$0xFFFFFF20]  }
0x1f3: {  	v48 =	vshll.u32 v16, $0x10;
	v15 =	vmul.f32 v46, v9;
	v49 =	vld [tilespmem:s2+$0xA0]  }
0x1f4: {  	v16 =	vand.u32 $0xFFFF0000, v16;
	v18 =	vmul.f32 v48, v8;
	[tilespmem:s4+$0xA890] =	vst.add.f32.msk $0xffff, v12  }
0x1f5: {  	v50 =	vshll.u32 v13, $0x10;
	v16 =	vmul.f32 v16, v8;
	[tilespmem:s4+$0xA910] =	vst.add.f32.msk $0xffff, v15  }
0x1f6: {  	v13 =	vand.u32 $0xFFFF0000, v13;
	v12 =	vmul.f32 v50, v7;
	[tilespmem:s5+$0xA890] =	vst.add.f32.msk $0xffff, v18  }
0x1f7: {  	v51 =	vshll.u32 v11, $0x10;
	v13 =	vmul.f32 v13, v7;
	[tilespmem:s5+$0xA910] =	vst.add.f32.msk $0xffff, v16  }
0x1f8: {  	v11 =	vand.u32 $0xFFFF0000, v11;
	v15 =	vmul.f32 v51, v6;
	[tilespmem:s15+$0xA890] =	vst.add.f32.msk $0xffff, v12  }
0x1f9: {  	v11 =	vmul.f32 v11, v6;
	[tilespmem:s15+$0xA910] =	vst.add.f32.msk $0xffff, v13  }
0x1fa: {  	[tilespmem:s14+$0xA890] =	vst.add.f32.msk $0xffff, v15  }
0x1fb: {  	[tilespmem:s14+$0xA910] =	vst.add.f32.msk $0xffff, v11  }
0x1fc: {  	v11 =	vld [tilespmem:s2+$0xB0]  }
0x1fd: {  	v52 =	vshll.u32 v47, $0x10;
	v13 =	vld [tilespmem:s2+$0xFFFFFFB0]  }
0x1fe: {  	v53 =	vand.u32 $0xFFFF0000, v47;
	v16 =	vld [tilespmem:s2+$0xFFFFFF30];
	v12 =	vmul.f32 v52, v9  }
0x1ff: {  	v54 =	vand.u32 $0xFFFF0000, v14;
	v18 =	vld [tilespmem:s2+$0x30];
	v15 =	vmul.f32 v53, v9  }
0x200: {  	v14 =	vshll.u32 v14, $0x10;
	v17 =	vmul.f32 v54, v8;
	[tilespmem:s4+$0xA8A0] =	vst.add.f32.msk $0xffff, v12  }
0x201: {  	v55 =	vshll.u32 v10, $0x10;
	v14 =	vmul.f32 v14, v8;
	[tilespmem:s4+$0xA920] =	vst.add.f32.msk $0xffff, v15  }
0x202: {  	v10 =	vand.u32 $0xFFFF0000, v10;
	v12 =	vmul.f32 v55, v7;
	[tilespmem:s5+$0xA920] =	vst.add.f32.msk $0xffff, v17  }
0x203: {  	v56 =	vshll.u32 v49, $0x10;
	v10 =	vmul.f32 v10, v7;
	[tilespmem:s5+$0xA8A0] =	vst.add.f32.msk $0xffff, v14  }
0x204: {  	v57 =	vand.u32 $0xFFFF0000, v49;
	v15 =	vmul.f32 v56, v6;
	[tilespmem:s15+$0xA8A0] =	vst.add.f32.msk $0xffff, v12  }
0x205: {  	v58 =	vmul.f32 v57, v6;
	[tilespmem:s15+$0xA920] =	vst.add.f32.msk $0xffff, v10  }
0x206: {  	[tilespmem:s14+$0xA8A0] =	vst.add.f32.msk $0xffff, v15  }
0x207: {  	[tilespmem:s14+$0xA920] =	vst.add.f32.msk $0xffff, v58  }
0x208: {  	v10 =	vld [tilespmem:s2+$0x40]  }
0x209: {  	v59 =	vshll.u32 v16, $0x10;
	v60 =	vld [tilespmem:s2+$0xFFFFFFC0]  }
0x20a: {  	v61 =	vand.u32 $0xFFFF0000, v16;
	v12 =	vmul.f32 v59, v9;
	v62 =	vld [tilespmem:s2+$0xFFFFFF40]  }
0x20b: {  	v63 =	vshll.u32 v13, $0x10;
	v15 =	vmul.f32 v61, v9;
	v21 =	vld [tilespmem:s2+$0xC0]  }
0x20c: {  	v13 =	vand.u32 $0xFFFF0000, v13;
	v17 =	vmul.f32 v63, v8;
	[tilespmem:s4+$0xA8B0] =	vst.add.f32.msk $0xffff, v12  }
0x20d: {  	v23 =	vshll.u32 v18, $0x10;
	v22 =	vmul.f32 v13, v8;
	[tilespmem:s4+$0xA930] =	vst.add.f32.msk $0xffff, v15  }
0x20e: {  	v24 =	vand.u32 $0xFFFF0000, v18;
	v13 =	vmul.f32 v23, v7;
	[tilespmem:s5+$0xA8B0] =	vst.add.f32.msk $0xffff, v17  }
0x20f: {  	v25 =	vshll.u32 v11, $0x10;
	v15 =	vmul.f32 v24, v7;
	[tilespmem:s5+$0xA930] =	vst.add.f32.msk $0xffff, v22  }
0x210: {  	v11 =	vand.u32 $0xFFFF0000, v11;
	v26 =	vmul.f32 v25, v6;
	[tilespmem:s15+$0xA8B0] =	vst.add.f32.msk $0xffff, v13  }
0x211: {  	v11 =	vmul.f32 v11, v6;
	[tilespmem:s15+$0xA930] =	vst.add.f32.msk $0xffff, v15  }
0x212: {  	[tilespmem:s14+$0xA8B0] =	vst.add.f32.msk $0xffff, v26  }
0x213: {  	[tilespmem:s14+$0xA930] =	vst.add.f32.msk $0xffff, v11  }
0x214: {  	v11 =	vld [tilespmem:s2+$0xD0]  }
0x215: {  	v27 =	vshll.u32 v62, $0x10;
	v13 =	vld [tilespmem:s2+$0xFFFFFFD0]  }
0x216: {  	v28 =	vand.u32 $0xFFFF0000, v62;
	v29 =	vld [tilespmem:s2+$0xFFFFFF50];
	v12 =	vmul.f32 v27, v9  }
0x217: {  	v30 =	vshll.u32 v60, $0x10;
	v31 =	vld [tilespmem:s2+$0x50];
	v15 =	vmul.f32 v28, v9  }
0x218: {  	v14 =	vand.u32 $0xFFFF0000, v60;
	v17 =	vmul.f32 v30, v8;
	[tilespmem:s4+$0xA8C0] =	vst.add.f32.msk $0xffff, v12  }
0x219: {  	v32 =	vshll.u32 v10, $0x10;
	v14 =	vmul.f32 v14, v8;
	[tilespmem:s4+$0xA940] =	vst.add.f32.msk $0xffff, v15  }
0x21a: {  	v10 =	vand.u32 $0xFFFF0000, v10;
	v12 =	vmul.f32 v32, v7;
	[tilespmem:s5+$0xA8C0] =	vst.add.f32.msk $0xffff, v17  }
0x21b: {  	v33 =	vshll.u32 v21, $0x10;
	v10 =	vmul.f32 v10, v7;
	[tilespmem:s5+$0xA940] =	vst.add.f32.msk $0xffff, v14  }
0x21c: {  	v34 =	vand.u32 $0xFFFF0000, v21;
	v15 =	vmul.f32 v33, v6;
	[tilespmem:s15+$0xA8C0] =	vst.add.f32.msk $0xffff, v12  }
0x21d: {  	v35 =	vmul.f32 v34, v6;
	[tilespmem:s15+$0xA940] =	vst.add.f32.msk $0xffff, v10  }
0x21e: {  	[tilespmem:s14+$0xA8C0] =	vst.add.f32.msk $0xffff, v15  }
0x21f: {  	[tilespmem:s14+$0xA940] =	vst.add.f32.msk $0xffff, v35  }
0x220: {  	v10 =	vld [tilespmem:s2+$0x60]  }
0x221: {  	v36 =	vshll.u32 v29, $0x10;
	v37 =	vld [tilespmem:s2+$0xFFFFFFE0]  }
0x222: {  	v38 =	vand.u32 $0xFFFF0000, v29;
	v12 =	vmul.f32 v36, v9;
	v39 =	vld [tilespmem:s2+$0xFFFFFF60]  }
0x223: {  	v40 =	vshll.u32 v13, $0x10;
	v15 =	vmul.f32 v38, v9;
	v41 =	vld [tilespmem:s2+$0xE0]  }
0x224: {  	v13 =	vand.u32 $0xFFFF0000, v13;
	v17 =	vmul.f32 v40, v8;
	[tilespmem:s4+$0xA8D0] =	vst.add.f32.msk $0xffff, v12  }
0x225: {  	v42 =	vshll.u32 v31, $0x10;
	v13 =	vmul.f32 v13, v8;
	[tilespmem:s4+$0xA950] =	vst.add.f32.msk $0xffff, v15  }
0x226: {  	v43 =	vand.u32 $0xFFFF0000, v31;
	v12 =	vmul.f32 v42, v7;
	[tilespmem:s5+$0xA8D0] =	vst.add.f32.msk $0xffff, v17  }
0x227: {  	v44 =	vshll.u32 v11, $0x10;
	v15 =	vmul.f32 v43, v7;
	[tilespmem:s5+$0xA950] =	vst.add.f32.msk $0xffff, v13  }
0x228: {  	v11 =	vand.u32 $0xFFFF0000, v11;
	v45 =	vmul.f32 v44, v6;
	[tilespmem:s15+$0xA8D0] =	vst.add.f32.msk $0xffff, v12  }
0x229: {  	v11 =	vmul.f32 v11, v6;
	[tilespmem:s15+$0xA950] =	vst.add.f32.msk $0xffff, v15  }
0x22a: {  	[tilespmem:s14+$0xA8D0] =	vst.add.f32.msk $0xffff, v45  }
0x22b: {  	[tilespmem:s14+$0xA950] =	vst.add.f32.msk $0xffff, v11  }
0x22c: {  	v11 =	vld [tilespmem:s2+$0xFFFFFF70]  }
0x22d: {  	v46 =	vshll.u32 v39, $0x10;
	v13 =	vld [tilespmem:s2+$0xFFFFFFF0]  }
0x22e: {  	v47 =	vand.u32 $0xFFFF0000, v39;
	v48 =	vld [tilespmem:s2+$0x70];
	v12 =	vmul.f32 v46, v9  }
0x22f: {  	v49 =	vshll.u32 v37, $0x10;
	v50 =	vld [tilespmem:s2+$0xF0];
	v15 =	vmul.f32 v47, v9  }
0x230: {  	v14 =	vand.u32 $0xFFFF0000, v37;
	v17 =	vmul.f32 v49, v8;
	[tilespmem:s4+$0xA8E0] =	vst.add.f32.msk $0xffff, v12  }
0x231: {  	v51 =	vshll.u32 v10, $0x10;
	v14 =	vmul.f32 v14, v8;
	[tilespmem:s4+$0xA960] =	vst.add.f32.msk $0xffff, v15  }
0x232: {  	v10 =	vand.u32 $0xFFFF0000, v10;
	v12 =	vmul.f32 v51, v7;
	[tilespmem:s5+$0xA8E0] =	vst.add.f32.msk $0xffff, v17  }
0x233: {  	v52 =	vshll.u32 v41, $0x10;
	v10 =	vmul.f32 v10, v7;
	[tilespmem:s5+$0xA960] =	vst.add.f32.msk $0xffff, v14  }
0x234: {  	v53 =	vand.u32 $0xFFFF0000, v41;
	v15 =	vmul.f32 v52, v6;
	[tilespmem:s15+$0xA8E0] =	vst.add.f32.msk $0xffff, v12  }
0x235: {  	v54 =	vmul.f32 v53, v6;
	v55 =	vshll.u32 v11, $0x10;
	[tilespmem:s15+$0xA960] =	vst.add.f32.msk $0xffff, v10  }
0x236: {  	v56 =	vand.u32 $0xFFFF0000, v11;
	v57 =	vmul.f32 v55, v9;
	[tilespmem:s14+$0xA8E0] =	vst.add.f32.msk $0xffff, v15  }
0x237: {  	v58 =	vshll.u32 v13, $0x10;
	v9 =	vmul.f32 v56, v9;
	[tilespmem:s14+$0xA960] =	vst.add.f32.msk $0xffff, v54  }
0x238: {  	v59 =	vand.u32 $0xFFFF0000, v13;
	v10 =	vmul.f32 v58, v8;
	[tilespmem:s4+$0xA8F0] =	vst.add.f32.msk $0xffff, v57  }
0x239: {  	v60 =	vshll.u32 v48, $0x10;
	v8 =	vmul.f32 v59, v8;
	[tilespmem:s4+$0xA970] =	vst.add.f32.msk $0xffff, v9  }
0x23a: {  	v61 =	vand.u32 $0xFFFF0000, v48;
	v11 =	vmul.f32 v60, v7;
	[tilespmem:s5+$0xA8F0] =	vst.add.f32.msk $0xffff, v10  }
0x23b: {  	v62 =	vshll.u32 v50, $0x10;
	v7 =	vmul.f32 v61, v7;
	[tilespmem:s5+$0xA970] =	vst.add.f32.msk $0xffff, v8  }
0x23c: {  	v8 =	vmul.f32 v62, v6;
	[tilespmem:s15+$0xA8F0] =	vst.add.f32.msk $0xffff, v11  }
0x23d: {  	v63 =	vand.u32 $0xFFFF0000, v50;
	[tilespmem:s15+$0xA970] =	vst.add.f32.msk $0xffff, v7  }
0x23e: {  	s4 =	simm.s32 $0x10;
	v6 =	vmul.f32 v63, v6;
	[tilespmem:s14+$0xA8F0] =	vst.add.f32.msk $0xffff, v8  }
.LBB2_17:
0x23f: {  	s5 =	sshra.s32 s4, $0x2  }
0x240: {  	[tilespmem:s14+$0xA970] =	vst.add.f32.msk $0xffff, v6;
	s2 =	sadd.s32 $0x200, s2;
	s14 =	smov.u32 s4;
	s15 =	sadd.s32 $0x10, s4  }
0x241: {  	p0 =	sne.s32 s4, $0x30;
	v6 =	vld.idx.msk [tilespmem:v4+s5+$0x0 ss:$0x1], $0xffff;
	_ =	sdelay $0x3  }
0x242: {  	v10 =	vld.idx.msk [tilespmem:v5+s5+$0x0 ss:$0x1], $0xffff;
	_ =	sdelay $0x1  }
0x243: {  	v7 =	vbroadcast v6, $0x0;
	v8 =	vshll.u32 v6, $0xA  }
0x244: {  	v11 =	vbroadcast v6, $0x1;
	v12 =	vshra.s32 v8, $0x2  }
0x245: {  	v13 =	vbroadcast v6, $0x2;
	(v2sf) =	vpush v12, $0x0  }
0x246: {  	v14 =	vbroadcast v6, $0x3  }
0x247: {  	v9 =	vbroadcast v10, $0x0;
	(v2sf) =	vpush v12, $0x1  }
0x248: {  	v8 =	vbroadcast v10, $0x1  }
0x249: {  	[tilespmem:v7+s19+$0x0] =	vst.idx.add.f32.msk $0x1, v9;
	v7 =	vbroadcast v10, $0x2;
	(v2sf) =	vpush v12, $0x2  }
0x24a: {  	v6 =	vbroadcast v10, $0x3;
	[tilespmem:v11+s19+$0x0] =	vst.idx.add.f32.msk $0x1, v8  }
0x24b: {  	[tilespmem:v13+s19+$0x0] =	vst.idx.add.f32.msk $0x1, v7;
	(v2sf) =	vpush v12, $0x3  }
0x24c: {  	[tilespmem:v14+s19+$0x0] =	vst.idx.add.f32.msk $0x1, v6  }
0x24d: {  	v10 =	vld [tilespmem:s2+$0xFFFFFF00]  }
0x24e: {  	v11 =	vld [tilespmem:s2+$0x90]  }
0x24f: {  	v12 =	vld [tilespmem:s2+$0xFFFFFF80]  }
0x250: {  	v13 =	vld [tilespmem:s2+$0x10]  }
0x251: {  	v14 =	vld [tilespmem:s2+$0x0]  }
0x252: {  	v15 =	vshll.u32 v10, $0x10;
	v10 =	vand.u32 $0xFFFF0000, v10;
	v16 =	vld [tilespmem:s2+$0xFFFFFF90]  }
0x253: {  	v17 =	vld [tilespmem:s2+$0x80];
	v15 =	vmul.f32 v15, v9;
	v18 =	vshll.u32 v11, $0x10;
	v11 =	vand.u32 $0xFFFF0000, v11  }
0x254: {  	v10 =	vmul.f32 v10, v9;
	v19 =	vshll.u32 v12, $0x10;
	v12 =	vand.u32 $0xFFFF0000, v12;
	v20 =	vld [tilespmem:s2+$0xFFFFFF10];
	s24 =	spop (v2sf)  }
0x255: {  	v19 =	vmul.f32 v19, v8;
	[tilespmem:s24+$0xA880] =	vst.add.f32.msk $0xffff, v15;
	v15 =	vshll.u32 v13, $0x10;
	v13 =	vand.u32 $0xFFFF0000, v13  }
0x256: {  	v12 =	vmul.f32 v12, v8;
	v21 =	vshll.u32 v14, $0x10;
	[tilespmem:s24+$0xA900] =	vst.add.f32.msk $0xffff, v10;
	v10 =	vmul.f32 v15, v7;
	s4 =	spop (v2sf)  }
0x257: {  	v14 =	vand.u32 $0xFFFF0000, v14;
	v15 =	vmul.f32 v21, v7;
	[tilespmem:s4+$0xA880] =	vst.add.f32.msk $0xffff, v19;
	v19 =	vshll.u32 v16, $0x10  }
0x258: {  	v14 =	vmul.f32 v14, v7;
	v21 =	vshll.u32 v17, $0x10;
	[tilespmem:s4+$0xA900] =	vst.add.f32.msk $0xffff, v12;
	v12 =	vmul.f32 v19, v8;
	s5 =	spop (v2sf)  }
0x259: {  	v17 =	vand.u32 $0xFFFF0000, v17;
	v19 =	vmul.f32 v21, v6;
	[tilespmem:s5+$0xA880] =	vst.add.f32.msk $0xffff, v15;
	v15 =	vshll.u32 v20, $0x10  }
0x25a: {  	v17 =	vmul.f32 v17, v6;
	[tilespmem:s5+$0xA900] =	vst.add.f32.msk $0xffff, v14;
	v14 =	vand.u32 $0xFFFF0000, v20;
	v15 =	vmul.f32 v15, v9;
	s14 =	spop (v2sf)  }
0x25b: {  	v13 =	vmul.f32 v13, v7;
	v16 =	vand.u32 $0xFFFF0000, v16;
	[tilespmem:s14+$0xA880] =	vst.add.f32.msk $0xffff, v19;
	v14 =	vmul.f32 v14, v9  }
0x25c: {  	v16 =	vmul.f32 v16, v8;
	[tilespmem:s14+$0xA900] =	vst.add.f32.msk $0xffff, v17;
	v17 =	vmul.f32 v18, v6  }
0x25d: {  	v11 =	vmul.f32 v11, v6;
	v18 =	vld [tilespmem:s2+$0x20]  }
0x25e: {  	v19 =	vld [tilespmem:s2+$0xFFFFFFA0]  }
0x25f: {  	v20 =	vld [tilespmem:s2+$0xFFFFFF20]  }
0x260: {  	v21 =	vld [tilespmem:s2+$0xA0]  }
0x261: {  	[tilespmem:s24+$0xA890] =	vst.add.f32.msk $0xffff, v15  }
0x262: {  	[tilespmem:s24+$0xA910] =	vst.add.f32.msk $0xffff, v14;
	v14 =	vshll.u32 v18, $0x10;
	v15 =	vand.u32 $0xFFFF0000, v18  }
0x263: {  	[tilespmem:s4+$0xA890] =	vst.add.f32.msk $0xffff, v12;
	v12 =	vshll.u32 v19, $0x10;
	v18 =	vand.u32 $0xFFFF0000, v19;
	v14 =	vmul.f32 v14, v7  }
0x264: {  	[tilespmem:s4+$0xA910] =	vst.add.f32.msk $0xffff, v16;
	v16 =	vshll.u32 v20, $0x10;
	v19 =	vand.u32 $0xFFFF0000, v20;
	v12 =	vmul.f32 v12, v8  }
0x265: {  	[tilespmem:s5+$0xA890] =	vst.add.f32.msk $0xffff, v10;
	v10 =	vmul.f32 v16, v9;
	v16 =	vmul.f32 v19, v9;
	v19 =	vshll.u32 v21, $0x10  }
0x266: {  	[tilespmem:s5+$0xA910] =	vst.add.f32.msk $0xffff, v13;
	v13 =	vmul.f32 v18, v8;
	v18 =	vand.u32 $0xFFFF0000, v21;
	v19 =	vmul.f32 v19, v6  }
0x267: {  	v15 =	vmul.f32 v15, v7;
	[tilespmem:s14+$0xA890] =	vst.add.f32.msk $0xffff, v17;
	v17 =	vmul.f32 v18, v6  }
0x268: {  	[tilespmem:s14+$0xA910] =	vst.add.f32.msk $0xffff, v11  }
0x269: {  	v11 =	vld [tilespmem:s2+$0xB0]  }
0x26a: {  	v18 =	vld [tilespmem:s2+$0xFFFFFFB0]  }
0x26b: {  	v20 =	vld [tilespmem:s2+$0xFFFFFF30]  }
0x26c: {  	v21 =	vld [tilespmem:s2+$0x30]  }
0x26d: {  	[tilespmem:s24+$0xA8A0] =	vst.add.f32.msk $0xffff, v10  }
0x26e: {  	[tilespmem:s24+$0xA920] =	vst.add.f32.msk $0xffff, v16;
	v10 =	vshll.u32 v11, $0x10;
	v11 =	vand.u32 $0xFFFF0000, v11  }
0x26f: {  	[tilespmem:s4+$0xA920] =	vst.add.f32.msk $0xffff, v13;
	v13 =	vshll.u32 v18, $0x10;
	v16 =	vand.u32 $0xFFFF0000, v18;
	v10 =	vmul.f32 v10, v6  }
0x270: {  	[tilespmem:s4+$0xA8A0] =	vst.add.f32.msk $0xffff, v12;
	v12 =	vshll.u32 v20, $0x10;
	v18 =	vand.u32 $0xFFFF0000, v20;
	v13 =	vmul.f32 v13, v8  }
0x271: {  	[tilespmem:s5+$0xA8A0] =	vst.add.f32.msk $0xffff, v14;
	v12 =	vmul.f32 v12, v9;
	v14 =	vmul.f32 v18, v9  }
0x272: {  	v11 =	vmul.f32 v11, v6;
	[tilespmem:s5+$0xA920] =	vst.add.f32.msk $0xffff, v15;
	v15 =	vmul.f32 v16, v8;
	v16 =	vand.u32 $0xFFFF0000, v21  }
0x273: {  	v18 =	vshll.u32 v21, $0x10;
	[tilespmem:s14+$0xA8A0] =	vst.add.f32.msk $0xffff, v19;
	v16 =	vmul.f32 v16, v7  }
0x274: {  	[tilespmem:s14+$0xA920] =	vst.add.f32.msk $0xffff, v17;
	v17 =	vmul.f32 v18, v7  }
0x275: {  	v18 =	vld [tilespmem:s2+$0x40]  }
0x276: {  	v19 =	vld [tilespmem:s2+$0xFFFFFFC0]  }
0x277: {  	v20 =	vld [tilespmem:s2+$0xFFFFFF40]  }
0x278: {  	v21 =	vld [tilespmem:s2+$0xC0]  }
0x279: {  	[tilespmem:s24+$0xA8B0] =	vst.add.f32.msk $0xffff, v12  }
0x27a: {  	[tilespmem:s24+$0xA930] =	vst.add.f32.msk $0xffff, v14;
	v12 =	vshll.u32 v18, $0x10;
	v14 =	vand.u32 $0xFFFF0000, v18  }
0x27b: {  	[tilespmem:s4+$0xA8B0] =	vst.add.f32.msk $0xffff, v13;
	v13 =	vshll.u32 v19, $0x10;
	v18 =	vand.u32 $0xFFFF0000, v19;
	v12 =	vmul.f32 v12, v7  }
0x27c: {  	[tilespmem:s4+$0xA930] =	vst.add.f32.msk $0xffff, v15;
	v15 =	vshll.u32 v20, $0x10;
	v19 =	vand.u32 $0xFFFF0000, v20;
	v13 =	vmul.f32 v13, v8  }
0x27d: {  	[tilespmem:s5+$0xA8B0] =	vst.add.f32.msk $0xffff, v17;
	v15 =	vmul.f32 v15, v9;
	v17 =	vmul.f32 v19, v9;
	v19 =	vshll.u32 v21, $0x10  }
0x27e: {  	[tilespmem:s5+$0xA930] =	vst.add.f32.msk $0xffff, v16;
	v16 =	vmul.f32 v18, v8;
	v18 =	vand.u32 $0xFFFF0000, v21;
	v19 =	vmul.f32 v19, v6  }
0x27f: {  	[tilespmem:s14+$0xA8B0] =	vst.add.f32.msk $0xffff, v10;
	v10 =	vmul.f32 v14, v7;
	v14 =	vmul.f32 v18, v6  }
0x280: {  	[tilespmem:s14+$0xA930] =	vst.add.f32.msk $0xffff, v11  }
0x281: {  	v11 =	vld [tilespmem:s2+$0xD0]  }
0x282: {  	v18 =	vld [tilespmem:s2+$0xFFFFFFD0]  }
0x283: {  	v20 =	vld [tilespmem:s2+$0xFFFFFF50]  }
0x284: {  	v21 =	vld [tilespmem:s2+$0x50]  }
0x285: {  	[tilespmem:s24+$0xA8C0] =	vst.add.f32.msk $0xffff, v15  }
0x286: {  	[tilespmem:s24+$0xA940] =	vst.add.f32.msk $0xffff, v17;
	v15 =	vshll.u32 v11, $0x10;
	v11 =	vand.u32 $0xFFFF0000, v11  }
0x287: {  	[tilespmem:s4+$0xA8C0] =	vst.add.f32.msk $0xffff, v13;
	v13 =	vshll.u32 v18, $0x10;
	v17 =	vand.u32 $0xFFFF0000, v18;
	v15 =	vmul.f32 v15, v6  }
0x288: {  	[tilespmem:s4+$0xA940] =	vst.add.f32.msk $0xffff, v16;
	v16 =	vshll.u32 v20, $0x10;
	v18 =	vand.u32 $0xFFFF0000, v20;
	v13 =	vmul.f32 v13, v8  }
0x289: {  	[tilespmem:s5+$0xA8C0] =	vst.add.f32.msk $0xffff, v12;
	v12 =	vmul.f32 v16, v9;
	v16 =	vmul.f32 v18, v9;
	v18 =	vshll.u32 v21, $0x10  }
0x28a: {  	[tilespmem:s5+$0xA940] =	vst.add.f32.msk $0xffff, v10;
	v10 =	vmul.f32 v17, v8;
	v17 =	vand.u32 $0xFFFF0000, v21;
	v18 =	vmul.f32 v18, v7  }
0x28b: {  	v11 =	vmul.f32 v11, v6;
	[tilespmem:s14+$0xA8C0] =	vst.add.f32.msk $0xffff, v19;
	v17 =	vmul.f32 v17, v7  }
0x28c: {  	[tilespmem:s14+$0xA940] =	vst.add.f32.msk $0xffff, v14  }
0x28d: {  	v14 =	vld [tilespmem:s2+$0x60]  }
0x28e: {  	v19 =	vld [tilespmem:s2+$0xFFFFFFE0]  }
0x28f: {  	v20 =	vld [tilespmem:s2+$0xFFFFFF60]  }
0x290: {  	v21 =	vld [tilespmem:s2+$0xE0]  }
0x291: {  	[tilespmem:s24+$0xA8D0] =	vst.add.f32.msk $0xffff, v12  }
0x292: {  	[tilespmem:s24+$0xA950] =	vst.add.f32.msk $0xffff, v16;
	v12 =	vshll.u32 v14, $0x10;
	v14 =	vand.u32 $0xFFFF0000, v14  }
0x293: {  	[tilespmem:s4+$0xA8D0] =	vst.add.f32.msk $0xffff, v13;
	v13 =	vshll.u32 v19, $0x10;
	v16 =	vand.u32 $0xFFFF0000, v19;
	v12 =	vmul.f32 v12, v7  }
0x294: {  	[tilespmem:s4+$0xA950] =	vst.add.f32.msk $0xffff, v10;
	v10 =	vshll.u32 v20, $0x10;
	v19 =	vand.u32 $0xFFFF0000, v20;
	v16 =	vmul.f32 v16, v8  }
0x295: {  	[tilespmem:s5+$0xA8D0] =	vst.add.f32.msk $0xffff, v18;
	v10 =	vmul.f32 v10, v9;
	v18 =	vmul.f32 v19, v9;
	v19 =	vshll.u32 v21, $0x10  }
0x296: {  	v13 =	vmul.f32 v13, v8;
	[tilespmem:s5+$0xA950] =	vst.add.f32.msk $0xffff, v17;
	v17 =	vand.u32 $0xFFFF0000, v21;
	v19 =	vmul.f32 v19, v6  }
0x297: {  	v14 =	vmul.f32 v14, v7;
	[tilespmem:s14+$0xA8D0] =	vst.add.f32.msk $0xffff, v15;
	v15 =	vmul.f32 v17, v6  }
0x298: {  	[tilespmem:s14+$0xA950] =	vst.add.f32.msk $0xffff, v11  }
0x299: {  	v11 =	vld [tilespmem:s2+$0xFFFFFF70]  }
0x29a: {  	v17 =	vld [tilespmem:s2+$0xFFFFFFF0]  }
0x29b: {  	v20 =	vld [tilespmem:s2+$0x70]  }
0x29c: {  	v21 =	vld [tilespmem:s2+$0xF0]  }
0x29d: {  	[tilespmem:s24+$0xA8E0] =	vst.add.f32.msk $0xffff, v10  }
0x29e: {  	[tilespmem:s24+$0xA960] =	vst.add.f32.msk $0xffff, v18;
	v10 =	vshll.u32 v11, $0x10;
	v11 =	vand.u32 $0xFFFF0000, v11  }
0x29f: {  	[tilespmem:s4+$0xA8E0] =	vst.add.f32.msk $0xffff, v13;
	v10 =	vmul.f32 v10, v9;
	v9 =	vmul.f32 v11, v9;
	v11 =	vshll.u32 v17, $0x10  }
0x2a0: {  	v13 =	vand.u32 $0xFFFF0000, v17;
	[tilespmem:s4+$0xA960] =	vst.add.f32.msk $0xffff, v16;
	v11 =	vmul.f32 v11, v8;
	v16 =	vshll.u32 v20, $0x10  }
0x2a1: {  	v8 =	vmul.f32 v13, v8;
	[tilespmem:s5+$0xA8E0] =	vst.add.f32.msk $0xffff, v12;
	v12 =	vand.u32 $0xFFFF0000, v20;
	v13 =	vmul.f32 v16, v7  }
0x2a2: {  	[tilespmem:s5+$0xA960] =	vst.add.f32.msk $0xffff, v14;
	v7 =	vmul.f32 v12, v7;
	v12 =	vshll.u32 v21, $0x10;
	v14 =	vand.u32 $0xFFFF0000, v21  }
0x2a3: {  	[tilespmem:s14+$0xA8E0] =	vst.add.f32.msk $0xffff, v19;
	v12 =	vmul.f32 v12, v6;
	v6 =	vmul.f32 v14, v6  }
0x2a4: {  	[tilespmem:s14+$0xA960] =	vst.add.f32.msk $0xffff, v15  }
0x2a5: {  	[tilespmem:s24+$0xA8F0] =	vst.add.f32.msk $0xffff, v10  }
0x2a6: {  	[tilespmem:s24+$0xA970] =	vst.add.f32.msk $0xffff, v9  }
.Ltmp10:
0x2a7: {  	[tilespmem:s4+$0xA8F0] =	vst.add.f32.msk $0xffff, v11;
	(pc) =	sbr.rel @p0 .LBB2_17-.Ltmp10, $4  }
0x2a8: {  	[tilespmem:s4+$0xA970] =	vst.add.f32.msk $0xffff, v8  }
0x2a9: {  	[tilespmem:s5+$0xA8F0] =	vst.add.f32.msk $0xffff, v13  }
0x2aa: {  	[tilespmem:s5+$0xA970] =	vst.add.f32.msk $0xffff, v7  }
0x2ab: {  	s4 =	smov.u32 s15;
	[tilespmem:s14+$0xA8F0] =	vst.add.f32.msk $0xffff, v12  }
0x2ac: {  	s31 =	sadd.s32 $0x1, s31  }
0x2ad: {  	p0 =	sne.s32 s31, s29  }
.Ltmp11:
0x2ae: {  	_ = 	snop;
	(pc) =	sbr.rel @p0 .LBB2_16-.Ltmp11, $4  }
.Ltmp12:
0x2af: {  	_ = 	snop;
	(pc) =	sbr.rel @!p0 .LBB2_19-.Ltmp12, $4  }
0x2b0: {  	_ = 	snop  }
0x2b1: {  	_ = 	snop  }
0x2b2: {  	[tilespmem:s14+$0xA970] =	vst.add.f32.msk $0xffff, v6;
	s0 =	sadd.s32 $0x10, s0;
	s30 =	sadd.s32 $0x10, s30  }
0x2b3: {  	_ = 	snop  }
.LBB2_20:
0x2b4: {  	s0 =	simm.s32 $0x0  }
0x2b5: {  	v3 =	vld [tilespmem:s0+$0x1E180];
	_ =	sdelay $0x4  }
0x2b6: {  	v3 =	vadd.f32 $1.000000020e-16, v3;
	_ =	sdelay $0x1  }
0x2b7: {  	(erf) = vrcp.f32 v3;
	_ =	sdelay $0x5  }
0x2b8: {  	s0 =	simm.s32 $0xA900  }
0x2b9: {  	v3 =	vld [tilespmem:s0+$0xFFFFFF80];
	_ =	sdelay $0x1  }
0x2ba: {  	v4 =	vld [tilespmem:$0x4F00];
	v5 =	vpop (erf)  }
0x2bb: {  	v5 =	vbroadcast v5, $0x0;
	_ =	sdelay $0x1  }
0x2bc: {  	v3 =	vmul.f32 v5, v3;
	_ =	sdelay $0x1  }
0x2bd: {  	v3 =	vadd.f32 v3, v4  }
0x2be: {  	v4 =	vld [tilespmem:s0+$0xFFFFFF90]  }
0x2bf: {  	[tilespmem:s0+$0xFFFFFF80] =	vst v3  }
0x2c0: {  	v3 =	vld [tilespmem:$0x4F10];
	_ =	sdelay $0x2  }
0x2c1: {  	v4 =	vmul.f32 v4, v5;
	_ =	sdelay $0x1  }
0x2c2: {  	v3 =	vadd.f32 v3, v4  }
0x2c3: {  	v4 =	vld [tilespmem:s0+$0xFFFFFFA0]  }
0x2c4: {  	[tilespmem:s0+$0xFFFFFF90] =	vst v3  }
0x2c5: {  	v3 =	vld [tilespmem:$0x4F20];
	_ =	sdelay $0x2  }
0x2c6: {  	v4 =	vmul.f32 v4, v5;
	_ =	sdelay $0x1  }
0x2c7: {  	v3 =	vadd.f32 v3, v4  }
0x2c8: {  	v4 =	vld [tilespmem:s0+$0xFFFFFFB0]  }
0x2c9: {  	[tilespmem:s0+$0xFFFFFFA0] =	vst v3  }
0x2ca: {  	v3 =	vld [tilespmem:$0x4F30];
	_ =	sdelay $0x2  }
0x2cb: {  	v4 =	vmul.f32 v4, v5;
	_ =	sdelay $0x1  }
0x2cc: {  	v3 =	vadd.f32 v3, v4  }
0x2cd: {  	v4 =	vld [tilespmem:s0+$0xFFFFFFC0]  }
0x2ce: {  	[tilespmem:s0+$0xFFFFFFB0] =	vst v3  }
0x2cf: {  	v3 =	vld [tilespmem:$0x4F40];
	_ =	sdelay $0x2  }
0x2d0: {  	v4 =	vmul.f32 v4, v5;
	_ =	sdelay $0x1  }
0x2d1: {  	v3 =	vadd.f32 v3, v4  }
0x2d2: {  	v4 =	vld [tilespmem:s0+$0xFFFFFFD0]  }
0x2d3: {  	[tilespmem:s0+$0xFFFFFFC0] =	vst v3  }
0x2d4: {  	v3 =	vld [tilespmem:$0x4F50];
	_ =	sdelay $0x2  }
0x2d5: {  	v4 =	vmul.f32 v4, v5;
	_ =	sdelay $0x1  }
0x2d6: {  	v3 =	vadd.f32 v3, v4  }
0x2d7: {  	v4 =	vld [tilespmem:s0+$0xFFFFFFE0]  }
0x2d8: {  	[tilespmem:s0+$0xFFFFFFD0] =	vst v3  }
0x2d9: {  	v3 =	vld [tilespmem:$0x4F60];
	_ =	sdelay $0x2  }
0x2da: {  	v4 =	vmul.f32 v4, v5;
	_ =	sdelay $0x1  }
0x2db: {  	v3 =	vadd.f32 v3, v4  }
0x2dc: {  	v4 =	vld [tilespmem:s0+$0xFFFFFFF0]  }
0x2dd: {  	[tilespmem:s0+$0xFFFFFFE0] =	vst v3  }
0x2de: {  	v3 =	vld [tilespmem:$0x4F70];
	_ =	sdelay $0x2  }
0x2df: {  	v4 =	vmul.f32 v4, v5;
	_ =	sdelay $0x1  }
0x2e0: {  	v3 =	vadd.f32 v3, v4  }
0x2e1: {  	v4 =	vld [tilespmem:s0+$0x0]  }
0x2e2: {  	[tilespmem:s0+$0xFFFFFFF0] =	vst v3  }
0x2e3: {  	v3 =	vld [tilespmem:$0x4F80];
	_ =	sdelay $0x2  }
0x2e4: {  	v4 =	vmul.f32 v4, v5;
	_ =	sdelay $0x1  }
0x2e5: {  	v3 =	vadd.f32 v3, v4  }
0x2e6: {  	v4 =	vld [tilespmem:s0+$0x10]  }
0x2e7: {  	[tilespmem:s0+$0x0] =	vst v3  }
0x2e8: {  	v3 =	vld [tilespmem:$0x4F90];
	_ =	sdelay $0x2  }
0x2e9: {  	v4 =	vmul.f32 v4, v5;
	_ =	sdelay $0x1  }
0x2ea: {  	v3 =	vadd.f32 v3, v4  }
0x2eb: {  	v4 =	vld [tilespmem:s0+$0x20]  }
0x2ec: {  	[tilespmem:s0+$0x10] =	vst v3  }
0x2ed: {  	v3 =	vld [tilespmem:$0x4FA0];
	_ =	sdelay $0x2  }
0x2ee: {  	v4 =	vmul.f32 v4, v5;
	_ =	sdelay $0x1  }
0x2ef: {  	v3 =	vadd.f32 v3, v4  }
0x2f0: {  	v4 =	vld [tilespmem:s0+$0x30]  }
0x2f1: {  	[tilespmem:s0+$0x20] =	vst v3  }
0x2f2: {  	v3 =	vld [tilespmem:$0x4FB0];
	_ =	sdelay $0x2  }
0x2f3: {  	v4 =	vmul.f32 v4, v5;
	_ =	sdelay $0x1  }
0x2f4: {  	v3 =	vadd.f32 v3, v4  }
0x2f5: {  	v4 =	vld [tilespmem:s0+$0x40]  }
0x2f6: {  	[tilespmem:s0+$0x30] =	vst v3  }
0x2f7: {  	v3 =	vld [tilespmem:$0x4FC0];
	_ =	sdelay $0x2  }
0x2f8: {  	v4 =	vmul.f32 v4, v5;
	_ =	sdelay $0x1  }
0x2f9: {  	v3 =	vadd.f32 v3, v4  }
0x2fa: {  	v4 =	vld [tilespmem:s0+$0x50]  }
0x2fb: {  	[tilespmem:s0+$0x40] =	vst v3  }
0x2fc: {  	v3 =	vld [tilespmem:$0x4FD0];
	_ =	sdelay $0x2  }
0x2fd: {  	v4 =	vmul.f32 v4, v5;
	_ =	sdelay $0x1  }
0x2fe: {  	v3 =	vadd.f32 v3, v4  }
0x2ff: {  	v4 =	vld [tilespmem:s0+$0x60]  }
0x300: {  	[tilespmem:s0+$0x50] =	vst v3  }
0x301: {  	v3 =	vld [tilespmem:$0x4FE0];
	_ =	sdelay $0x2  }
0x302: {  	v4 =	vmul.f32 v4, v5;
	_ =	sdelay $0x1  }
0x303: {  	v3 =	vadd.f32 v3, v4  }
0x304: {  	v4 =	vld [tilespmem:s0+$0x70]  }
0x305: {  	[tilespmem:s0+$0x60] =	vst v3  }
0x306: {  	v3 =	vld [tilespmem:$0x4FF0];
	_ =	sdelay $0x2  }
0x307: {  	v4 =	vmul.f32 v4, v5;
	_ =	sdelay $0x1  }
0x308: {  	s2 =	simm.s32 $0x4;
	s5 =	simm.s32 $0x8;
	v3 =	vadd.f32 v3, v4  }
.LBB2_21:
0x309: {  	s14 =	sshra.s32 s2, $0x2  }
0x30a: {  	s2 =	smov.u32 s5;
	s4 =	sadd.s32 $0x4, s5;
	[tilespmem:s0+$0x70] =	vst v3;
	s0 =	sadd.s32 $0x100, s0  }
0x30b: {  	p0 =	sne.s32 s5, $0x4E0;
	v3 =	vld [tilespmem:s14+$0x1E180];
	_ =	sdelay $0x4  }
0x30c: {  	v3 =	vadd.f32 $1.000000020e-16, v3;
	_ =	sdelay $0x1  }
0x30d: {  	(erf) = vrcp.f32 v3;
	_ =	sdelay $0x6  }
0x30e: {  	v4 =	vld [tilespmem:s0+$0xFFFFFF80];
	_ =	sdelay $0x1  }
0x30f: {  	v5 =	vld [tilespmem:$0x4F00];
	v3 =	vpop (erf)  }
0x310: {  	v3 =	vbroadcast v3, $0x0;
	_ =	sdelay $0x1  }
0x311: {  	v4 =	vmul.f32 v3, v4;
	_ =	sdelay $0x1  }
0x312: {  	v4 =	vadd.f32 v4, v5  }
0x313: {  	v5 =	vld [tilespmem:s0+$0xFFFFFF90]  }
0x314: {  	[tilespmem:s0+$0xFFFFFF80] =	vst v4  }
0x315: {  	v4 =	vld [tilespmem:$0x4F10];
	_ =	sdelay $0x2  }
0x316: {  	v5 =	vmul.f32 v5, v3;
	_ =	sdelay $0x1  }
0x317: {  	v4 =	vadd.f32 v4, v5  }
0x318: {  	v5 =	vld [tilespmem:s0+$0xFFFFFFA0]  }
0x319: {  	[tilespmem:s0+$0xFFFFFF90] =	vst v4  }
0x31a: {  	v4 =	vld [tilespmem:$0x4F20];
	_ =	sdelay $0x2  }
0x31b: {  	v5 =	vmul.f32 v5, v3;
	_ =	sdelay $0x1  }
0x31c: {  	v4 =	vadd.f32 v4, v5  }
0x31d: {  	v5 =	vld [tilespmem:s0+$0xFFFFFFB0]  }
0x31e: {  	[tilespmem:s0+$0xFFFFFFA0] =	vst v4  }
0x31f: {  	v4 =	vld [tilespmem:$0x4F30];
	_ =	sdelay $0x2  }
0x320: {  	v5 =	vmul.f32 v5, v3;
	_ =	sdelay $0x1  }
0x321: {  	v4 =	vadd.f32 v4, v5  }
0x322: {  	v5 =	vld [tilespmem:s0+$0xFFFFFFC0]  }
0x323: {  	[tilespmem:s0+$0xFFFFFFB0] =	vst v4  }
0x324: {  	v4 =	vld [tilespmem:$0x4F40];
	_ =	sdelay $0x2  }
0x325: {  	v5 =	vmul.f32 v5, v3;
	_ =	sdelay $0x1  }
0x326: {  	v4 =	vadd.f32 v4, v5  }
0x327: {  	v5 =	vld [tilespmem:s0+$0xFFFFFFD0]  }
0x328: {  	[tilespmem:s0+$0xFFFFFFC0] =	vst v4  }
0x329: {  	v4 =	vld [tilespmem:$0x4F50];
	_ =	sdelay $0x2  }
0x32a: {  	v5 =	vmul.f32 v5, v3;
	_ =	sdelay $0x1  }
0x32b: {  	v4 =	vadd.f32 v4, v5  }
0x32c: {  	v5 =	vld [tilespmem:s0+$0xFFFFFFE0]  }
0x32d: {  	[tilespmem:s0+$0xFFFFFFD0] =	vst v4  }
0x32e: {  	v4 =	vld [tilespmem:$0x4F60];
	_ =	sdelay $0x2  }
0x32f: {  	v5 =	vmul.f32 v5, v3;
	_ =	sdelay $0x1  }
0x330: {  	v4 =	vadd.f32 v4, v5  }
0x331: {  	v5 =	vld [tilespmem:s0+$0xFFFFFFF0]  }
0x332: {  	[tilespmem:s0+$0xFFFFFFE0] =	vst v4  }
0x333: {  	v4 =	vld [tilespmem:$0x4F70];
	_ =	sdelay $0x2  }
0x334: {  	v5 =	vmul.f32 v5, v3;
	_ =	sdelay $0x1  }
0x335: {  	v4 =	vadd.f32 v4, v5  }
0x336: {  	v5 =	vld [tilespmem:s0+$0x0]  }
0x337: {  	[tilespmem:s0+$0xFFFFFFF0] =	vst v4  }
0x338: {  	v4 =	vld [tilespmem:$0x4F80];
	_ =	sdelay $0x2  }
0x339: {  	v5 =	vmul.f32 v5, v3;
	_ =	sdelay $0x1  }
0x33a: {  	v4 =	vadd.f32 v4, v5  }
0x33b: {  	v5 =	vld [tilespmem:s0+$0x10]  }
0x33c: {  	[tilespmem:s0+$0x0] =	vst v4  }
0x33d: {  	v4 =	vld [tilespmem:$0x4F90];
	_ =	sdelay $0x2  }
0x33e: {  	v5 =	vmul.f32 v5, v3;
	_ =	sdelay $0x1  }
0x33f: {  	v4 =	vadd.f32 v4, v5  }
0x340: {  	v5 =	vld [tilespmem:s0+$0x20]  }
0x341: {  	[tilespmem:s0+$0x10] =	vst v4  }
0x342: {  	v4 =	vld [tilespmem:$0x4FA0];
	_ =	sdelay $0x2  }
0x343: {  	v5 =	vmul.f32 v5, v3;
	_ =	sdelay $0x1  }
0x344: {  	v4 =	vadd.f32 v4, v5  }
0x345: {  	v5 =	vld [tilespmem:s0+$0x30]  }
0x346: {  	[tilespmem:s0+$0x20] =	vst v4  }
0x347: {  	v4 =	vld [tilespmem:$0x4FB0];
	_ =	sdelay $0x2  }
0x348: {  	v5 =	vmul.f32 v5, v3;
	_ =	sdelay $0x1  }
0x349: {  	v4 =	vadd.f32 v4, v5  }
0x34a: {  	v5 =	vld [tilespmem:s0+$0x40]  }
0x34b: {  	[tilespmem:s0+$0x30] =	vst v4  }
0x34c: {  	v4 =	vld [tilespmem:$0x4FC0];
	_ =	sdelay $0x2  }
0x34d: {  	v5 =	vmul.f32 v5, v3;
	_ =	sdelay $0x1  }
0x34e: {  	v4 =	vadd.f32 v4, v5  }
0x34f: {  	v5 =	vld [tilespmem:s0+$0x50]  }
0x350: {  	[tilespmem:s0+$0x40] =	vst v4  }
0x351: {  	v4 =	vld [tilespmem:$0x4FD0];
	_ =	sdelay $0x2  }
0x352: {  	v5 =	vmul.f32 v5, v3;
	_ =	sdelay $0x1  }
0x353: {  	v4 =	vadd.f32 v4, v5  }
0x354: {  	v5 =	vld [tilespmem:s0+$0x60]  }
0x355: {  	[tilespmem:s0+$0x50] =	vst v4  }
0x356: {  	v4 =	vld [tilespmem:$0x4FE0];
	_ =	sdelay $0x2  }
0x357: {  	v5 =	vmul.f32 v5, v3;
	_ =	sdelay $0x1  }
0x358: {  	v4 =	vadd.f32 v4, v5  }
0x359: {  	v5 =	vld [tilespmem:s0+$0x70]  }
0x35a: {  	[tilespmem:s0+$0x60] =	vst v4  }
0x35b: {  	v4 =	vld [tilespmem:$0x4FF0]  }
.Ltmp13:
0x35c: {  	(pc) =	sbr.rel @p0 .LBB2_21-.Ltmp13, $3  }
0x35d: {  	_ = 	snop  }
0x35e: {  	v3 =	vmul.f32 v5, v3;
	_ =	sdelay $0x1  }
0x35f: {  	s5 =	smov.u32 s4;
	v3 =	vadd.f32 v4, v3  }
0x360: {  	_ = 	snop  }
0x361: {  	s2 =	sshra.s32 s2, $0x2;
	[tilespmem:s0+$0x70] =	vst v3  }
0x362: {  	v3 =	vld [tilespmem:s2+$0x1E180];
	_ =	sdelay $0x4  }
0x363: {  	v3 =	vadd.f32 $1.000000020e-16, v3;
	_ =	sdelay $0x1  }
0x364: {  	(erf) = vrcp.f32 v3;
	_ =	sdelay $0x5  }
0x365: {  	s30 =	sadd.s32 $0x100, s0  }
0x366: {  	v3 =	vld [tilespmem:s30+$0xFFFFFF80];
	_ =	sdelay $0x1  }
0x367: {  	v4 =	vld [tilespmem:$0x4F00];
	v5 =	vpop (erf)  }
0x368: {  	v5 =	vbroadcast v5, $0x0;
	_ =	sdelay $0x1  }
0x369: {  	v3 =	vmul.f32 v5, v3;
	_ =	sdelay $0x1  }
0x36a: {  	v3 =	vadd.f32 v3, v4  }
0x36b: {  	v49 =	vld [tilespmem:s30+$0xFFFFFF90]  }
0x36c: {  	[tilespmem:s30+$0xFFFFFF80] =	vst v3  }
0x36d: {  	v3 =	vld [tilespmem:$0x4F10];
	_ =	sdelay $0x2  }
0x36e: {  	v4 =	vmul.f32 v49, v5;
	_ =	sdelay $0x1  }
0x36f: {  	v3 =	vadd.f32 v3, v4  }
0x370: {  	v50 =	vld [tilespmem:s30+$0xFFFFFFA0]  }
0x371: {  	[tilespmem:s30+$0xFFFFFF90] =	vst v3  }
0x372: {  	v3 =	vld [tilespmem:$0x4F20];
	_ =	sdelay $0x2  }
0x373: {  	v4 =	vmul.f32 v50, v5;
	_ =	sdelay $0x1  }
0x374: {  	v3 =	vadd.f32 v3, v4  }
0x375: {  	v51 =	vld [tilespmem:s30+$0xFFFFFFB0]  }
0x376: {  	[tilespmem:s30+$0xFFFFFFA0] =	vst v3  }
0x377: {  	v3 =	vld [tilespmem:$0x4F30];
	_ =	sdelay $0x2  }
0x378: {  	v4 =	vmul.f32 v51, v5;
	_ =	sdelay $0x1  }
0x379: {  	v3 =	vadd.f32 v3, v4  }
0x37a: {  	v52 =	vld [tilespmem:s30+$0xFFFFFFC0]  }
0x37b: {  	[tilespmem:s30+$0xFFFFFFB0] =	vst v3  }
0x37c: {  	v3 =	vld [tilespmem:$0x4F40];
	_ =	sdelay $0x2  }
0x37d: {  	v4 =	vmul.f32 v52, v5;
	_ =	sdelay $0x1  }
0x37e: {  	v3 =	vadd.f32 v3, v4  }
0x37f: {  	v53 =	vld [tilespmem:s30+$0xFFFFFFD0]  }
0x380: {  	[tilespmem:s30+$0xFFFFFFC0] =	vst v3  }
0x381: {  	v3 =	vld [tilespmem:$0x4F50];
	_ =	sdelay $0x2  }
0x382: {  	v4 =	vmul.f32 v53, v5;
	_ =	sdelay $0x1  }
0x383: {  	v3 =	vadd.f32 v3, v4  }
0x384: {  	v54 =	vld [tilespmem:s30+$0xFFFFFFE0]  }
0x385: {  	[tilespmem:s30+$0xFFFFFFD0] =	vst v3  }
0x386: {  	v3 =	vld [tilespmem:$0x4F60];
	_ =	sdelay $0x2  }
0x387: {  	v4 =	vmul.f32 v54, v5;
	_ =	sdelay $0x1  }
0x388: {  	v3 =	vadd.f32 v3, v4  }
0x389: {  	v55 =	vld [tilespmem:s30+$0xFFFFFFF0]  }
0x38a: {  	[tilespmem:s30+$0xFFFFFFE0] =	vst v3  }
0x38b: {  	v3 =	vld [tilespmem:$0x4F70];
	_ =	sdelay $0x2  }
0x38c: {  	v4 =	vmul.f32 v55, v5;
	_ =	sdelay $0x1  }
0x38d: {  	v3 =	vadd.f32 v3, v4  }
0x38e: {  	v56 =	vld [tilespmem:s30+$0x0]  }
0x38f: {  	[tilespmem:s30+$0xFFFFFFF0] =	vst v3  }
0x390: {  	v3 =	vld [tilespmem:$0x4F80];
	_ =	sdelay $0x2  }
0x391: {  	v4 =	vmul.f32 v56, v5;
	_ =	sdelay $0x1  }
0x392: {  	v3 =	vadd.f32 v3, v4  }
0x393: {  	v57 =	vld [tilespmem:s30+$0x10]  }
0x394: {  	[tilespmem:s30+$0x0] =	vst v3  }
0x395: {  	v3 =	vld [tilespmem:$0x4F90];
	_ =	sdelay $0x2  }
0x396: {  	v4 =	vmul.f32 v57, v5;
	_ =	sdelay $0x1  }
0x397: {  	v3 =	vadd.f32 v3, v4  }
0x398: {  	v58 =	vld [tilespmem:s30+$0x20]  }
0x399: {  	[tilespmem:s30+$0x10] =	vst v3  }
0x39a: {  	v3 =	vld [tilespmem:$0x4FA0];
	_ =	sdelay $0x2  }
0x39b: {  	v4 =	vmul.f32 v58, v5;
	_ =	sdelay $0x1  }
0x39c: {  	v3 =	vadd.f32 v3, v4  }
0x39d: {  	v59 =	vld [tilespmem:s30+$0x30]  }
0x39e: {  	[tilespmem:s30+$0x20] =	vst v3  }
0x39f: {  	v3 =	vld [tilespmem:$0x4FB0];
	_ =	sdelay $0x2  }
0x3a0: {  	v4 =	vmul.f32 v59, v5;
	_ =	sdelay $0x1  }
0x3a1: {  	v3 =	vadd.f32 v3, v4  }
0x3a2: {  	v60 =	vld [tilespmem:s30+$0x40]  }
0x3a3: {  	[tilespmem:s30+$0x30] =	vst v3  }
0x3a4: {  	v3 =	vld [tilespmem:$0x4FC0];
	_ =	sdelay $0x2  }
0x3a5: {  	v4 =	vmul.f32 v60, v5;
	_ =	sdelay $0x1  }
0x3a6: {  	v3 =	vadd.f32 v3, v4  }
0x3a7: {  	v61 =	vld [tilespmem:s30+$0x50]  }
0x3a8: {  	[tilespmem:s30+$0x40] =	vst v3  }
0x3a9: {  	v3 =	vld [tilespmem:$0x4FD0];
	_ =	sdelay $0x2  }
0x3aa: {  	v4 =	vmul.f32 v61, v5;
	_ =	sdelay $0x1  }
0x3ab: {  	v3 =	vadd.f32 v3, v4  }
0x3ac: {  	v62 =	vld [tilespmem:s30+$0x60]  }
0x3ad: {  	[tilespmem:s30+$0x50] =	vst v3  }
0x3ae: {  	v3 =	vld [tilespmem:$0x4FE0];
	_ =	sdelay $0x2  }
0x3af: {  	v4 =	vmul.f32 v62, v5;
	_ =	sdelay $0x1  }
0x3b0: {  	v3 =	vadd.f32 v3, v4  }
0x3b1: {  	v63 =	vld [tilespmem:s30+$0x70]  }
0x3b2: {  	[tilespmem:s30+$0x60] =	vst v3  }
0x3b3: {  	v3 =	vld [tilespmem:$0x4FF0];
	_ =	sdelay $0x2  }
0x3b4: {  	v4 =	vmul.f32 v63, v5;
	_ =	sdelay $0x1  }
0x3b5: {  	s25 =	sadd.s32 $0x1, s25;
	v3 =	vadd.f32 v3, v4  }
0x3b6: {  	p0 =	sne.s32 s25, s11  }
.Ltmp14:
0x3b7: {  	s31 =	simm.s32 $0xA880;
	[tilespmem:s30+$0x70] =	vst v3;
	(pc) =	sbr.rel @p0 .LBB2_1-.Ltmp14, $4  }
0x3b8: {  	[hbm4b:s10+s3] =	stream.linear.scatter [tilespmem:s31], [sflag:$0x4], $0x13900, $0x38;
	[tilespmem:$0x1E300] =	vst v63  }
0x3b9: {  	_ =	swait.ge [sflag:s12], $0x13900  }
0x3ba: {  	[sflag:s12] =	ssyncset.done $0x0  }
0x3bb: {  	[sflag:s12] =	ssyncadd.s32 $0xFFFEC700  }
0x3bc: {  	_ =	sfence.sel $0x180000  }
0x3bd: {  	[bflag:$0x0] =	sbarrier.arrive $0xFFFF  }
0x3be: {  	_ =	strace $0x90000047  }
0x3bf: {  	s0 =	stileid.u32;
	[bflag:$0x2] =	sbarrier.arrive $0xFFFF  }
0x3c0: {  	p0 =	sne.s32 s0, $0x0;
	s0 =	rddreg [dreg:$0x2]  }
0x3c1: {  	s0 =	sadd.s32 @!p0 $0x100000, s0  }
0x3c2: {  	[sflag:s0] =	ssyncadd.tile.s32 @!p0 $0x1;
	_ =	shalt  }
.Lfunc_end2:
_tile_overlayer_lowered:
.L_overlay_start_2:
0x3c3: {  	(tag) =	ssettag $0x2  }
0x3c4: {  	s0 =	rddreg [dreg:$0x0];
	s2 =	stileid.u32  }
0x3c5: {  	s1 =	rddreg [dreg:$0x1];
	p0 =	sne.s32 s2, $0x0  }
0x3c6: {  	s3 =	rddreg [dreg:$0x2];
	[bflag:$0x3] =	sbarrier.arrive $0xFFFF;
	s2 =	simm.s32 @!p0 $0x1C04  }
0x3c7: {  	[timem:s3], [sflag:s2] =	dma.local @!p0 [hbm:s0], s1  }
0x3c8: {  	s0 =	simm.s32 @!p0 $0x4  }
0x3c9: {  	_ =	swait.ge @!p0 [sflag:s0], s1  }
0x3ca: {  	s1 =	ssub.s32 @!p0 $0x0, s1;
	[sflag:s0] =	ssyncset.done @!p0 $0x0  }
0x3cb: {  	[sflag:s0] =	ssyncadd.s32 @!p0 s1  }
0x3cc: {  	[bflag:$0x3] =	sbarrier.arrive $0xFFFF  }
0x3cd: {  	_ =	shalt  }

</sc_bundles>
